<compile_context>
chip_gen: v7x
topology: tpu7x:2x2x1
jax: 0.10.2.dev20260603
libtpu: 0.0.44.dev20260713+nightly
codegen_flags: <defaults>
</compile_context>

<pallas_src>
import functools

import jax
import jax.numpy as jnp
from jax.experimental import pallas as pl
from jax.experimental.pallas import tpu as pltpu
from jax.experimental.pallas import tpu_sc as plsc

_D = 128



def _proj_body(x_ref, w_ref, o0_ref, o1_ref, o2_ref, o3_ref):
    d = x_ref.shape[1]
    prod = jnp.dot(x_ref[...], w_ref[...], preferred_element_type=jnp.float32)
    o0_ref[...] = prod[:, :d]
    o1_ref[...] = prod[:, d:2 * d]
    o2_ref[...] = prod[:, 2 * d:3 * d]
    o3_ref[...] = prod[:, 3 * d:]


def _project_tables(nodes, w_cat):
    n, d = nodes.shape
    bn = 2000
    row = lambda i: (i, 0)
    out_t = jax.ShapeDtypeStruct((n, d), jnp.float32)
    return pl.pallas_call(
        _proj_body,
        grid=(n // bn,),
        in_specs=[
            pl.BlockSpec((bn, d), row),
            pl.BlockSpec((d, w_cat.shape[1]), lambda i: (0, 0)),
        ],
        out_specs=[pl.BlockSpec((bn, d), row)] * 4,
        out_shape=[out_t] * 4,
    )(nodes, w_cat)


def _edge_body(ga_ref, gb_ref, e_ref, w1c_ref, b1_ref, w2_ref, b2_ref,
               g_ref, be_ref, ne_ref, newe_ref):
    e = e_ref[...]
    gsum = ga_ref[...] + gb_ref[...]
    h = gsum + jnp.dot(
        e, w1c_ref[...], preferred_element_type=jnp.float32) + b1_ref[...]
    x1 = jnp.maximum(h, 0.0)
    x2 = jnp.dot(x1, w2_ref[...],
                 preferred_element_type=jnp.float32) + b2_ref[...]
    mu = jnp.mean(x2, axis=-1, keepdims=True)
    xc = x2 - mu
    var = jnp.mean(xc * xc, axis=-1, keepdims=True)
    ne = xc * jax.lax.rsqrt(var + 1e-3) * g_ref[...] + be_ref[...]
    ne_ref[...] = ne
    newe_ref[...] = ne + e


def _edge_mlp(ga, gb, e, w1c, b1, w2, b2, g, be, blk_off=0, n_blk=None):
    num_e, d = e.shape
    be_blk = 2000
    if n_blk is None:
        n_blk = num_e // be_blk
    row = lambda i: (i + blk_off, 0)
    full = lambda i: (0, 0)
    ne, newe = pl.pallas_call(
        _edge_body,
        grid=(n_blk,),
        in_specs=[
            pl.BlockSpec((be_blk, d), row),
            pl.BlockSpec((be_blk, d), row),
            pl.BlockSpec((be_blk, d), row),
            pl.BlockSpec((d, d), full),
            pl.BlockSpec((1, d), full),
            pl.BlockSpec((d, d), full),
            pl.BlockSpec((1, d), full),
            pl.BlockSpec((1, d), full),
            pl.BlockSpec((1, d), full),
        ],
        out_specs=[
            pl.BlockSpec((be_blk, d), lambda i: (i, 0)),
            pl.BlockSpec((be_blk, d), lambda i: (i, 0)),
        ],
        out_shape=[
            jax.ShapeDtypeStruct((n_blk * be_blk, d), jnp.float32),
            jax.ShapeDtypeStruct((n_blk * be_blk, d), jnp.float32),
        ],
    )(ga, gb, e, w1c, b1, w2, b2, g, be)
    return ne, newe


def _node_body(x_ref, a0_ref, a1_ref, wa_ref, wb_ref, wc_ref, b1_ref,
               w2_ref, b2_ref, g_ref, be_ref, o_ref):
    x = x_ref[...]
    agg0 = a0_ref[0] + a0_ref[1]
    agg1 = a1_ref[0] + a1_ref[1]
    h = (jnp.dot(x, wa_ref[...], preferred_element_type=jnp.float32)
         + jnp.dot(agg0, wb_ref[...], preferred_element_type=jnp.float32)
         + jnp.dot(agg1, wc_ref[...], preferred_element_type=jnp.float32)
         + b1_ref[...])
    x1 = jnp.maximum(h, 0.0)
    x2 = jnp.dot(x1, w2_ref[...],
                 preferred_element_type=jnp.float32) + b2_ref[...]
    mu = jnp.mean(x2, axis=-1, keepdims=True)
    xc = x2 - mu
    var = jnp.mean(xc * xc, axis=-1, keepdims=True)
    nn = xc * jax.lax.rsqrt(var + 1e-3) * g_ref[...] + be_ref[...]
    o_ref[...] = nn + x


def _node_mlp(nodes, agg0p, agg1p, wa, wb, wc, b1, w2, b2, g, be):
    n, d = nodes.shape
    bn = 2000
    row = lambda i: (i, 0)
    prow = lambda i: (0, i, 0)
    full = lambda i: (0, 0)
    return pl.pallas_call(
        _node_body,
        grid=(n // bn,),
        in_specs=[
            pl.BlockSpec((bn, d), row),
            pl.BlockSpec((2, bn, d), prow),
            pl.BlockSpec((2, bn, d), prow),
            pl.BlockSpec((d, d), full),
            pl.BlockSpec((d, d), full),
            pl.BlockSpec((d, d), full),
            pl.BlockSpec((1, d), full),
            pl.BlockSpec((d, d), full),
            pl.BlockSpec((1, d), full),
            pl.BlockSpec((1, d), full),
            pl.BlockSpec((1, d), full),
        ],
        out_specs=pl.BlockSpec((bn, d), row),
        out_shape=jax.ShapeDtypeStruct((n, d), jnp.float32),
    )(nodes, agg0p, agg1p, wa, wb, wc, b1, w2, b2, g, be)



def _sc_vector_warmup(table):
    d = table.shape[1]
    idx = jnp.zeros((1, 1, 8), jnp.int32)
    mesh = plsc.VectorSubcoreMesh(core_axis_name="core",
                                  subcore_axis_name="subcore")

    @functools.partial(
        pl.kernel, out_type=jax.ShapeDtypeStruct((8, d), table.dtype),
        mesh=mesh,
        scratch_types=[pltpu.VMEM((1, 8), jnp.int32),
                       pltpu.VMEM((8, d), jnp.float32),
                       pltpu.SemaphoreType.DMA])
    def k(t_hbm, i_hbm, o_hbm, idx_v, rows_v, sem):
        cid = jax.lax.axis_index("core")
        sid = jax.lax.axis_index("subcore")

        @pl.when((cid == 0) & (sid == 0))
        def _():
            pltpu.sync_copy(i_hbm.at[0], idx_v)
            pltpu.async_copy(t_hbm.at[idx_v.at[0]], rows_v, sem).wait()
            pltpu.sync_copy(rows_v, o_hbm)

    return k(table, idx)


_GATHER_W = 160


def _sc_gather_pair(table_a, table_b, senders, receivers):
    num_e = senders.shape[0]
    d = table_a.shape[1]
    n_win = num_e // _GATHER_W
    idx_s = senders.reshape(n_win, 1, _GATHER_W)
    idx_r = receivers.reshape(n_win, 1, _GATHER_W)
    mesh = plsc.VectorSubcoreMesh(core_axis_name="core",
                                  subcore_axis_name="subcore")
    out_t = jax.ShapeDtypeStruct((num_e, d), table_a.dtype)

    @functools.partial(
        pl.kernel, out_type=[out_t, out_t], mesh=mesh,
        scratch_types=[pltpu.SemaphoreType.DMA, pltpu.SemaphoreType.DMA])
    def k(a_hbm, b_hbm, is_hbm, ir_hbm, oa_hbm, ob_hbm, sem_a, sem_b):
        def body(is_v, ir_v, oa_v, ob_v):
            da = pltpu.async_copy(a_hbm.at[is_v.at[0, 0]], oa_v, sem_a)
            db = pltpu.async_copy(b_hbm.at[ir_v.at[0, 0]], ob_v, sem_b)
            da.wait()
            db.wait()

        pltpu.emit_pipeline(
            body,
            grid=(n_win,),
            in_specs=[
                pl.BlockSpec((1, 1, _GATHER_W), lambda i: (i, 0, 0)),
                pl.BlockSpec((1, 1, _GATHER_W), lambda i: (i, 0, 0)),
            ],
            out_specs=[
                pl.BlockSpec((_GATHER_W, d), lambda i: (i, 0)),
                pl.BlockSpec((_GATHER_W, d), lambda i: (i, 0)),
            ],
            core_axis_name=("core", "subcore"),
            dimension_semantics=(pltpu.PARALLEL,),
        )(is_hbm, ir_hbm, oa_hbm, ob_hbm)

    return k(table_a, table_b, idx_s, idx_r)


_SCAT_W = 160


def _sc_segment_sum(ne, receivers, zeros_nd):
    num_e, d = ne.shape
    n = zeros_nd.shape[0]
    n_chunk = num_e // _SCAT_W
    idx3 = receivers.reshape(n_chunk, 1, _SCAT_W)
    mesh = plsc.VectorSubcoreMesh(core_axis_name="core",
                                  subcore_axis_name="subcore")

    @functools.partial(
        pl.kernel,
        out_type=jax.ShapeDtypeStruct((2, n, d), jnp.float32),
        mesh=mesh,
        scratch_types=[pltpu.VMEM_SHARED((n, d), jnp.float32)],
    )
    def k(ne_hbm, idx_hbm, z_hbm, out_hbm, acc_sh):
        cid = jax.lax.axis_index("core")
        sid = jax.lax.axis_index("subcore")

        @pl.when(sid == 0)
        def _():
            pltpu.sync_copy(z_hbm, acc_sh)

        plsc.subcore_barrier()

        def body(idx_v, rows_v):
            pltpu.sync_copy(rows_v, acc_sh.at[idx_v.at[0, 0]], add=True)

        pltpu.emit_pipeline(
            body,
            grid=(n_chunk,),
            in_specs=[
                pl.BlockSpec((1, 1, _SCAT_W), lambda i: (i, 0, 0)),
                pl.BlockSpec((_SCAT_W, d), lambda i: (i, 0)),
            ],
            out_specs=[],
            core_axis_name=("core", "subcore"),
            dimension_semantics=(pltpu.PARALLEL,),
        )(idx_hbm, ne_hbm)

        plsc.subcore_barrier()

        @pl.when(sid == 0)
        def _():
            pltpu.sync_copy(acc_sh, out_hbm.at[cid])

    return k(ne, idx3, zeros_nd)




def kernel(node_features, edge_feat_0, edge_feat_1, senders_0, receivers_0,
           senders_1, receivers_1, e0_W1, e0_b1, e0_W2, e0_b2, e0_g, e0_be,
           e1_W1, e1_b1, e1_W2, e1_b2, e1_g, e1_be, n_W1, n_b1, n_W2, n_b2,
           n_g, n_be):
    d = _D
    n = node_features.shape[0]


    w_cat = jnp.concatenate(
        [e0_W1[:d], e0_W1[d:2 * d], e1_W1[:d], e1_W1[d:2 * d]], axis=1)
    pa0, pb0, pa1, pb1 = _project_tables(node_features, w_cat)

    r2 = lambda v: v.reshape(1, d)

    ga0, gb0 = _sc_gather_pair(pa0, pb0, senders_0, receivers_0)
    ga1, gb1 = _sc_gather_pair(pa1, pb1, senders_1, receivers_1)

    ne0, new_e0 = _edge_mlp(ga0, gb0, edge_feat_0, e0_W1[2 * d:], r2(e0_b1),
                            e0_W2, r2(e0_b2), r2(e0_g), r2(e0_be))
    ne1, new_e1 = _edge_mlp(ga1, gb1, edge_feat_1, e1_W1[2 * d:], r2(e1_b1),
                            e1_W2, r2(e1_b2), r2(e1_g), r2(e1_be))

    zeros_nd = jnp.zeros((n, d), jnp.float32)
    agg0p = _sc_segment_sum(ne0, receivers_0, zeros_nd)
    agg1p = _sc_segment_sum(ne1, receivers_1, zeros_nd)

    new_nodes = _node_mlp(node_features, agg0p, agg1p, n_W1[:d],
                          n_W1[d:2 * d], n_W1[2 * d:], r2(n_b1), n_W2,
                          r2(n_b2), r2(n_g), r2(n_be))
    return (new_nodes, new_e0, new_e1)

# --- scband reference (transcript-rebuilt; emitter-appended) ---
"""Pipeline reference for scband-graph-net-block-21380347199952 (READ-ONLY COPY).

The authoritative reference and input builder live on the scoring server;
editing this copy changes nothing except your own understanding.
"""

import jax, jax.numpy as jnp
import numpy as np

N = 10000
E = 320000
D = 128

def _mlp(x, W1, b1, W2, b2, g, be):
    # MLP([D]*2) in the keras code = Dense(D, relu) -> Dense(D, None) -> LayerNorm
    x = jnp.maximum(jnp.dot(x, W1) + b1, 0.0)
    x = jnp.dot(x, W2) + b2
    mu = jnp.mean(x, axis=-1, keepdims=True)
    var = jnp.var(x, axis=-1, keepdims=True)
    return (x - mu) / jnp.sqrt(var + 1e-3) * g + be

def _mk_mlp(key, din):
    k1, k2 = jax.random.split(key)
    W1 = jax.random.normal(k1, (din, D), dtype=jnp.float32) * (2.0 / (din + D)) ** 0.5
    W2 = jax.random.normal(k2, (D, D), dtype=jnp.float32) * (2.0 / (D + D)) ** 0.5
    return [W1, jnp.zeros((D,), jnp.float32), W2, jnp.zeros((D,), jnp.float32), jnp.ones((D,), jnp.float32), jnp.zeros((D,), jnp.float32)]

def setup_inputs(seed: int = 0):
    key = jax.random.key(seed)
    ks = jax.random.split(key, 12)
    inp = {}
    inp['node_features'] = jax.random.normal(ks[0], (N, D), dtype=jnp.float32)
    inp['edge_feat_0'] = jax.random.normal(ks[1], (E, D), dtype=jnp.float32)
    inp['edge_feat_1'] = jax.random.normal(ks[2], (E, D), dtype=jnp.float32)
    inp['senders_0'] = jax.random.randint(ks[3], (E,), 0, N, dtype=jnp.int32)
    inp['receivers_0'] = jax.random.randint(ks[4], (E,), 0, N, dtype=jnp.int32)
    inp['senders_1'] = jax.random.randint(ks[5], (E,), 0, N, dtype=jnp.int32)
    inp['receivers_1'] = jax.random.randint(ks[6], (E,), 0, N, dtype=jnp.int32)
    for name, k in [('e0', ks[7]), ('e1', ks[8]), ('n', ks[9])]:
        p = _mk_mlp(k, 3 * D)
        for sfx, v in zip(['W1', 'b1', 'W2', 'b2', 'g', 'be'], p):
            inp[name + '_' + sfx] = v
    return inp

def reference(node_features, edge_feat_0, edge_feat_1, senders_0, receivers_0, senders_1, receivers_1, e0_W1, e0_b1, e0_W2, e0_b2, e0_g, e0_be, e1_W1, e1_b1, e1_W2, e1_b2, e1_g, e1_be, n_W1, n_b1, n_W2, n_b2, n_g, n_be):
    # edge updates (one MLP per edge type)
    s0 = jnp.take(node_features, senders_0, axis=0)
    r0 = jnp.take(node_features, receivers_0, axis=0)
    ne0 = _mlp(jnp.concatenate([s0, r0, edge_feat_0], axis=-1), e0_W1, e0_b1, e0_W2, e0_b2, e0_g, e0_be)
    s1 = jnp.take(node_features, senders_1, axis=0)
    r1 = jnp.take(node_features, receivers_1, axis=0)
    ne1 = _mlp(jnp.concatenate([s1, r1, edge_feat_1], axis=-1), e1_W1, e1_b1, e1_W2, e1_b2, e1_g, e1_be)
    # node update: unsorted_segment_sum over receivers
    agg0 = jax.ops.segment_sum(ne0, receivers_0, num_segments=N)
    agg1 = jax.ops.segment_sum(ne1, receivers_1, num_segments=N)
    nn = _mlp(jnp.concatenate([node_features, agg0, agg1], axis=-1), n_W1, n_b1, n_W2, n_b2, n_g, n_be)
    # residuals
    new_nodes = nn + node_features
    new_e0 = ne0 + edge_feat_0
    new_e1 = ne1 + edge_feat_1
    return (new_nodes, new_e0, new_e1)

if __name__ == "__main__":
    import jax
    _d = setup_inputs()
    print(jax.jit(kernel)(*tuple(_d.values())))

</pallas_src>

<mosaic_0001>
#map = affine_map<(d0, d1) -> (0, 0)>
#map1 = affine_map<(d0, d1) -> (0, 0, 0)>
module attributes {stable_mosaic.version = 14 : i64} {
  func.func @k(%arg0: i32, %arg1: i32, %arg2: memref<320000x128xf32, #tpu.memory_space<hbm>>, %arg3: memref<2000x1x160xi32, #tpu.memory_space<hbm>>, %arg4: memref<10000x128xf32, #tpu.memory_space<hbm>>, %arg5: memref<2x10000x128xf32, #tpu.memory_space<hbm>>, %arg6: memref<10000x128xf32, #tpu.memory_space<vmem_shared>>) attributes {dimension_semantics = [#tpu.dimension_semantics<core_parallel>, #tpu.dimension_semantics<subcore_parallel>], iteration_bounds = array<i64: 2, 16>, scalar_prefetch = 0 : i64, scratch_operands = 1 : i64, tpu.core_type = #tpu.core_type<sc_vector_subcore>, window_params = [{transform_indices = #map}, {transform_indices = #map1}, {transform_indices = #map}, {transform_indices = #map1}]} {
    %eq3A = arith.constant 0 : i32
    %eq3A_0 = arith.cmpi eq, %arg1, %eq3A : i32
    %convert_element_type3A = arith.extui %eq3A_0 : i1 to i32
    %cond3A = arith.constant 0 : i32
    %cond3A_1 = arith.cmpi ne, %convert_element_type3A, %cond3A : i32
    scf.if %cond3A_1 {
      "tpu.region"() ({
        %run_scoped3A = tpu.sem_alloc : memref<!tpu.dma_semaphore, #tpu.memory_space<semaphore_mem>>
        tpu.enqueue_dma source(%arg4 : memref<10000x128xf32, #tpu.memory_space<hbm>>) target(%arg6 : memref<10000x128xf32, #tpu.memory_space<vmem_shared>>) target_semaphore(%run_scoped3A : memref<!tpu.dma_semaphore, #tpu.memory_space<semaphore_mem>>)
        tpu.wait_dma2 semaphore(%run_scoped3A : memref<!tpu.dma_semaphore, #tpu.memory_space<semaphore_mem>>) src(%arg4 : memref<10000x128xf32, #tpu.memory_space<hbm>>) dst(%arg6 : memref<10000x128xf32, #tpu.memory_space<vmem_shared>>)
        tpu.yield
      }) : () -> ()
    } else {
    }
    %barrier3A = arith.constant 0 : index
    tpu.barrier barrier_id(%barrier3A)
    %mul3A = arith.constant 1 : i32
    %mul3A_2 = arith.muli %arg1, %mul3A : i32
    %add3A = arith.constant 0 : i32
    %add3A_3 = arith.addi %add3A, %mul3A_2 : i32
    %mul3A_4 = arith.constant 16 : i32
    %mul3A_5 = arith.muli %arg0, %mul3A_4 : i32
    %add3A_6 = arith.addi %add3A_3, %mul3A_5 : i32
    %lt3A = arith.constant 16 : i32
    %lt3A_7 = arith.cmpi slt, %add3A_6, %lt3A : i32
    %jit3A = arith.constant 63 : i32
    %jit3A_8 = arith.constant 62 : i32
    %select_n3A = arith.select %lt3A_7, %jit3A, %jit3A_8 : i32
    %lt3A_9 = arith.constant 16 : i32
    %lt3A_10 = arith.cmpi slt, %add3A_6, %lt3A_9 : i32
    %mul3A_11 = arith.muli %add3A_6, %select_n3A : i32
    %mul3A_12 = arith.constant 62 : i32
    %mul3A_13 = arith.muli %add3A_6, %mul3A_12 : i32
    %add3A_14 = arith.constant 16 : i32
    %add3A_15 = arith.addi %mul3A_13, %add3A_14 : i32
    %select_n3A_16 = arith.select %lt3A_10, %mul3A_11, %add3A_15 : i32
    %mul3A_17 = arith.constant 1 : i32
    %mul3A_18 = arith.muli %mul3A_17, %select_n3A : i32
    "tpu.region"() ({
      %run_scoped3A = memref.alloca() : memref<2x1x1x160xi32, #tpu.memory_space<vmem>>
      %run_scoped3A_25 = tpu.sem_alloc : memref<2x!tpu.dma_semaphore, #tpu.memory_space<semaphore_mem>>
      %run_scoped3A_26 = memref.alloca() : memref<2x160x128xf32, #tpu.memory_space<vmem>>
      %run_scoped3A_27 = tpu.sem_alloc : memref<2x!tpu.dma_semaphore, #tpu.memory_space<semaphore_mem>>
      %gt3A = arith.constant 0 : i32
      %gt3A_28 = arith.cmpi sgt, %mul3A_18, %gt3A : i32
      %convert_element_type3A_29 = arith.extui %gt3A_28 : i1 to i32
      %cond3A_30 = arith.constant 0 : i32
      %cond3A_31 = arith.cmpi ne, %convert_element_type3A_29, %cond3A_30 : i32
      scf.if %cond3A_31 {
        %mul3A_32 = arith.constant 1 : i32
        %mul3A_33 = arith.muli %mul3A_32, %select_n3A : i32
        %sub3A = arith.constant 1 : i32
        %sub3A_34 = arith.subi %mul3A_33, %sub3A : i32
        %eq3A_35 = arith.constant 0 : i32
        %eq3A_36 = arith.cmpi eq, %sub3A_34, %eq3A_35 : i32
        %add3A_37 = arith.constant 0 : i32
        %add3A_38 = arith.addi %add3A_37, %select_n3A_16 : i32
        %select_n3A_39 = arith.constant true
        %select_n3A_40 = arith.constant 0 : i32
        %select_n3A_41 = arith.constant -1 : i32
        %select_n3A_42 = arith.select %select_n3A_39, %select_n3A_41, %select_n3A_40 : i32
        %eq3A_43 = arith.constant -1 : i32
        %eq3A_44 = arith.cmpi eq, %select_n3A_42, %eq3A_43 : i32
        %sub3A_45 = arith.constant 1 : i32
        %sub3A_46 = arith.subi %select_n3A, %sub3A_45 : i32
        %select_n3A_47 = arith.select %eq3A_44, %sub3A_46, %select_n3A_42 : i32
        %add3A_48 = arith.addi %select_n3A_47, %select_n3A_16 : i32
        %select_n3A_49 = arith.constant true
        %select_n3A_50 = arith.constant 0 : i32
        %select_n3A_51 = arith.constant 1 : i32
        %select_n3A_52 = arith.select %select_n3A_49, %select_n3A_51, %select_n3A_50 : i32
        %eq3A_53 = arith.cmpi eq, %select_n3A_52, %select_n3A : i32
        %select_n3A_54 = arith.constant 0 : i32
        %select_n3A_55 = arith.select %eq3A_53, %select_n3A_54, %select_n3A_52 : i32
        %add3A_56 = arith.addi %select_n3A_55, %select_n3A_16 : i32
        %add3A_57 = arith.constant 1 : i32
        %add3A_58 = arith.addi %select_n3A_55, %add3A_57 : i32
        %select_n3A_59 = arith.constant true
        %select_n3A_60 = arith.select %select_n3A_59, %add3A_58, %select_n3A_55 : i32
        %eq3A_61 = arith.cmpi eq, %select_n3A_60, %select_n3A : i32
        %select_n3A_62 = arith.constant 0 : i32
        %select_n3A_63 = arith.select %eq3A_61, %select_n3A_62, %select_n3A_60 : i32
        %add3A_64 = arith.addi %select_n3A_63, %select_n3A_16 : i32
        "tpu.trace_start"() <{level = 10 : i32, message = "ep_initialize_0"}> : () -> ()
        %rem3A = arith.constant 0 : i32
        %rem3A_65 = arith.constant 2 : i32
        %rem3A_66 = arith.remui %rem3A, %rem3A_65 : i32
        %mul3A_67 = arith.constant 1 : i32
        %mul3A_68 = arith.muli %mul3A_67, %add3A_38 : i32
        %dma_start3A = arith.constant 0 : i32
        %dma_start3A_69 = arith.constant 0 : i32
        %dma_start3A_70 = arith.constant 0 : i32
        %dma_start3A_71 = tpu.memref_slice %run_scoped3A[%rem3A_66, %dma_start3A, %dma_start3A_69, %dma_start3A_70] : memref<2x1x1x160xi32, #tpu.memory_space<vmem>> -> memref<1x1x1x160xi32, #tpu.memory_space<vmem>>
        %dma_start3A_72 = tpu.memref_squeeze %dma_start3A_71 : memref<1x1x1x160xi32, #tpu.memory_space<vmem>> -> memref<1x1x160xi32, #tpu.memory_space<vmem>>
        %dma_start3A_73 = arith.constant 0 : i32
        %dma_start3A_74 = arith.constant 0 : i32
        %dma_start3A_75 = tpu.memref_slice %arg3[%mul3A_68, %dma_start3A_73, %dma_start3A_74] : memref<2000x1x160xi32, #tpu.memory_space<hbm>> -> memref<1x1x160xi32, #tpu.memory_space<hbm>>
        %dma_start3A_76 = tpu.memref_slice %run_scoped3A_25[%rem3A_66] : memref<2x!tpu.dma_semaphore, #tpu.memory_space<semaphore_mem>> -> memref<1x!tpu.dma_semaphore, #tpu.memory_space<semaphore_mem>>
        %dma_start3A_77 = tpu.memref_squeeze %dma_start3A_76 : memref<1x!tpu.dma_semaphore, #tpu.memory_space<semaphore_mem>> -> memref<!tpu.dma_semaphore, #tpu.memory_space<semaphore_mem>>
        %dma_start3A_78 = arith.constant 0 : i32
        %dma_start3A_79 = arith.constant 0 : i32
        %dma_start3A_80 = arith.constant 0 : i32
        %dma_start3A_81 = tpu.memref_slice %run_scoped3A[%rem3A_66, %dma_start3A_78, %dma_start3A_79, %dma_start3A_80] : memref<2x1x1x160xi32, #tpu.memory_space<vmem>> -> memref<1x1x1x160xi32, #tpu.memory_space<vmem>>
        %dma_start3A_82 = tpu.memref_squeeze %dma_start3A_81 : memref<1x1x1x160xi32, #tpu.memory_space<vmem>> -> memref<1x1x160xi32, #tpu.memory_space<vmem>>
        %dma_start3A_83 = arith.constant 0 : i32
        %dma_start3A_84 = arith.constant 0 : i32
        %dma_start3A_85 = tpu.memref_slice %arg3[%mul3A_68, %dma_start3A_83, %dma_start3A_84] : memref<2000x1x160xi32, #tpu.memory_space<hbm>> -> memref<1x1x160xi32, #tpu.memory_space<hbm>>
        tpu.enqueue_dma source(%dma_start3A_85 : memref<1x1x160xi32, #tpu.memory_space<hbm>>) target(%dma_start3A_82 : memref<1x1x160xi32, #tpu.memory_space<vmem>>) target_semaphore(%dma_start3A_77 : memref<!tpu.dma_semaphore, #tpu.memory_space<semaphore_mem>>)
        %add3A_86 = arith.constant 0 : i32
        %add3A_87 = arith.constant 1 : i32
        %add3A_88 = arith.addi %add3A_86, %add3A_87 : i32
        %select_n3A_89 = arith.constant true
        %select_n3A_90 = arith.constant 0 : i32
        %select_n3A_91 = arith.select %select_n3A_89, %add3A_88, %select_n3A_90 : i32
        %rem3A_92 = arith.constant 0 : i32
        %rem3A_93 = arith.constant 2 : i32
        %rem3A_94 = arith.remui %rem3A_92, %rem3A_93 : i32
        %mul3A_95 = arith.constant 160 : i32
        %mul3A_96 = arith.muli %mul3A_95, %add3A_38 : i32
        %dma_start3A_97 = arith.constant 0 : i32
        %dma_start3A_98 = arith.constant 0 : i32
        %dma_start3A_99 = tpu.memref_slice %run_scoped3A_26[%rem3A_94, %dma_start3A_97, %dma_start3A_98] : memref<2x160x128xf32, #tpu.memory_space<vmem>> -> memref<1x160x128xf32, #tpu.memory_space<vmem>>
        %dma_start3A_100 = tpu.memref_squeeze %dma_start3A_99 : memref<1x160x128xf32, #tpu.memory_space<vmem>> -> memref<160x128xf32, #tpu.memory_space<vmem>>
        %dma_start3A_101 = arith.constant 0 : i32
        %dma_start3A_102 = tpu.memref_slice %arg2[%mul3A_96, %dma_start3A_101] : memref<320000x128xf32, #tpu.memory_space<hbm>> -> memref<160x128xf32, #tpu.memory_space<hbm>>
        %dma_start3A_103 = tpu.memref_slice %run_scoped3A_27[%rem3A_94] : memref<2x!tpu.dma_semaphore, #tpu.memory_space<semaphore_mem>> -> memref<1x!tpu.dma_semaphore, #tpu.memory_space<semaphore_mem>>
        %dma_start3A_104 = tpu.memref_squeeze %dma_start3A_103 : memref<1x!tpu.dma_semaphore, #tpu.memory_space<semaphore_mem>> -> memref<!tpu.dma_semaphore, #tpu.memory_space<semaphore_mem>>
        %dma_start3A_105 = arith.constant 0 : i32
        %dma_start3A_106 = arith.constant 0 : i32
        %dma_start3A_107 = tpu.memref_slice %run_scoped3A_26[%rem3A_94, %dma_start3A_105, %dma_start3A_106] : memref<2x160x128xf32, #tpu.memory_space<vmem>> -> memref<1x160x128xf32, #tpu.memory_space<vmem>>
        %dma_start3A_108 = tpu.memref_squeeze %dma_start3A_107 : memref<1x160x128xf32, #tpu.memory_space<vmem>> -> memref<160x128xf32, #tpu.memory_space<vmem>>
        %dma_start3A_109 = arith.constant 0 : i32
        %dma_start3A_110 = tpu.memref_slice %arg2[%mul3A_96, %dma_start3A_109] : memref<320000x128xf32, #tpu.memory_space<hbm>> -> memref<160x128xf32, #tpu.memory_space<hbm>>
        tpu.enqueue_dma source(%dma_start3A_110 : memref<160x128xf32, #tpu.memory_space<hbm>>) target(%dma_start3A_108 : memref<160x128xf32, #tpu.memory_space<vmem>>) target_semaphore(%dma_start3A_104 : memref<!tpu.dma_semaphore, #tpu.memory_space<semaphore_mem>>)
        %add3A_111 = arith.constant 0 : i32
        %add3A_112 = arith.constant 1 : i32
        %add3A_113 = arith.addi %add3A_111, %add3A_112 : i32
        %select_n3A_114 = arith.constant true
        %select_n3A_115 = arith.constant 0 : i32
        %select_n3A_116 = arith.select %select_n3A_114, %add3A_113, %select_n3A_115 : i32
        %while3A = arith.constant 0 : i32
        %while3A_117 = arith.constant 0 : i32
        %while3A_118 = arith.constant 0 : i32
        %while3A_119 = arith.constant 0 : i32
        "tpu.trace_stop"() : () -> ()
        %while3A_120 = arith.subi %mul3A_18, %while3A : i32
        %while3A_121 = arith.addi %while3A, %while3A_120 : i32
        %while3A_122 = arith.constant 1 : i32
        %while3A_123 = arith.divsi %while3A_120, %while3A_122 : i32
        %while3A_124 = arith.muli %while3A_123, %while3A_122 : i32
        %while3A_125 = arith.addi %while3A, %while3A_124 : i32
        %while3A_126 = arith.constant 1 : i32
        %while3A_127:5 = scf.for %while3A_181 = %while3A to %while3A_125 step %while3A_126 iter_args(%while3A_182 = %select_n3A_91, %while3A_183 = %while3A_117, %while3A_184 = %select_n3A_116, %while3A_185 = %while3A_118, %while3A_186 = %while3A_119) -> (i32, i32, i32, i32, i32)  : i32 {
          %mul3A_187 = arith.constant 1 : i32
          %mul3A_188 = arith.muli %mul3A_187, %select_n3A : i32
          %eq3A_189 = arith.constant 0 : i32
          %eq3A_190 = arith.cmpi eq, %while3A_181, %eq3A_189 : i32
          %sub3A_191 = arith.constant 1 : i32
          %sub3A_192 = arith.subi %mul3A_188, %sub3A_191 : i32
          %eq3A_193 = arith.cmpi eq, %while3A_181, %sub3A_192 : i32
          %add3A_194 = arith.addi %while3A_186, %select_n3A_16 : i32
          %sub3A_195 = arith.constant 1 : i32
          %sub3A_196 = arith.subi %while3A_186, %sub3A_195 : i32
          %select_n3A_197 = arith.constant true
          %select_n3A_198 = arith.select %select_n3A_197, %sub3A_196, %while3A_186 : i32
          %eq3A_199 = arith.constant -1 : i32
          %eq3A_200 = arith.cmpi eq, %select_n3A_198, %eq3A_199 : i32
          %sub3A_201 = arith.constant 1 : i32
          %sub3A_202 = arith.subi %select_n3A, %sub3A_201 : i32
          %select_n3A_203 = arith.select %eq3A_200, %sub3A_202, %select_n3A_198 : i32
          %add3A_204 = arith.addi %select_n3A_203, %select_n3A_16 : i32
          %add3A_205 = arith.constant 1 : i32
          %add3A_206 = arith.addi %while3A_186, %add3A_205 : i32
          %select_n3A_207 = arith.constant true
          %select_n3A_208 = arith.select %select_n3A_207, %add3A_206, %while3A_186 : i32
          %eq3A_209 = arith.cmpi eq, %select_n3A_208, %select_n3A : i32
          %select_n3A_210 = arith.constant 0 : i32
          %select_n3A_211 = arith.select %eq3A_209, %select_n3A_210, %select_n3A_208 : i32
          %add3A_212 = arith.addi %select_n3A_211, %select_n3A_16 : i32
          %add3A_213 = arith.constant 1 : i32
          %add3A_214 = arith.addi %select_n3A_211, %add3A_213 : i32
          %select_n3A_215 = arith.constant true
          %select_n3A_216 = arith.select %select_n3A_215, %add3A_214, %select_n3A_211 : i32
          %eq3A_217 = arith.cmpi eq, %select_n3A_216, %select_n3A : i32
          %select_n3A_218 = arith.constant 0 : i32
          %select_n3A_219 = arith.select %eq3A_217, %select_n3A_218, %select_n3A_216 : i32
          %add3A_220 = arith.addi %select_n3A_219, %select_n3A_16 : i32
          %ne3A = arith.cmpi ne, %add3A_194, %add3A_212 : i32
          %or3A = arith.constant false
          %or3A_221 = arith.ori %or3A, %ne3A : i1
          %or3A_222 = arith.constant false
          %or3A_223 = arith.ori %or3A_221, %or3A_222 : i1
          %or3A_224 = arith.constant false
          %or3A_225 = arith.ori %or3A_223, %or3A_224 : i1
          %sub3A_226 = arith.constant 2 : i32
          %sub3A_227 = arith.subi %mul3A_188, %sub3A_226 : i32
          %add3A_228 = arith.constant 1 : i32
          %add3A_229 = arith.addi %sub3A_227, %add3A_228 : i32
          %ge3A = arith.cmpi sge, %while3A_181, %add3A_229 : i32
          %not3A = arith.constant true
          %not3A_230 = arith.xori %ge3A, %not3A : i1
          %and3A = arith.andi %or3A_225, %not3A_230 : i1
          %convert_element_type3A_231 = arith.extui %and3A : i1 to i32
          %cond3A_232 = arith.constant 0 : i32
          %cond3A_233 = arith.cmpi ne, %convert_element_type3A_231, %cond3A_232 : i32
          scf.if %cond3A_233 {
            "tpu.trace_start"() <{level = 10 : i32, message = "ep_copy_in"}> : () -> ()
            %rem3A_365 = arith.constant 2 : i32
            %rem3A_366 = arith.remui %while3A_182, %rem3A_365 : i32
            %mul3A_367 = arith.constant 1 : i32
            %mul3A_368 = arith.muli %mul3A_367, %add3A_212 : i32
            %dma_start3A_369 = arith.constant 0 : i32
            %dma_start3A_370 = arith.constant 0 : i32
            %dma_start3A_371 = arith.constant 0 : i32
            %dma_start3A_372 = tpu.memref_slice %run_scoped3A[%rem3A_366, %dma_start3A_369, %dma_start3A_370, %dma_start3A_371] : memref<2x1x1x160xi32, #tpu.memory_space<vmem>> -> memref<1x1x1x160xi32, #tpu.memory_space<vmem>>
            %dma_start3A_373 = tpu.memref_squeeze %dma_start3A_372 : memref<1x1x1x160xi32, #tpu.memory_space<vmem>> -> memref<1x1x160xi32, #tpu.memory_space<vmem>>
            %dma_start3A_374 = arith.constant 0 : i32
            %dma_start3A_375 = arith.constant 0 : i32
            %dma_start3A_376 = tpu.memref_slice %arg3[%mul3A_368, %dma_start3A_374, %dma_start3A_375] : memref<2000x1x160xi32, #tpu.memory_space<hbm>> -> memref<1x1x160xi32, #tpu.memory_space<hbm>>
            %dma_start3A_377 = tpu.memref_slice %run_scoped3A_25[%rem3A_366] : memref<2x!tpu.dma_semaphore, #tpu.memory_space<semaphore_mem>> -> memref<1x!tpu.dma_semaphore, #tpu.memory_space<semaphore_mem>>
            %dma_start3A_378 = tpu.memref_squeeze %dma_start3A_377 : memref<1x!tpu.dma_semaphore, #tpu.memory_space<semaphore_mem>> -> memref<!tpu.dma_semaphore, #tpu.memory_space<semaphore_mem>>
            %dma_start3A_379 = arith.constant 0 : i32
            %dma_start3A_380 = arith.constant 0 : i32
            %dma_start3A_381 = arith.constant 0 : i32
            %dma_start3A_382 = tpu.memref_slice %run_scoped3A[%rem3A_366, %dma_start3A_379, %dma_start3A_380, %dma_start3A_381] : memref<2x1x1x160xi32, #tpu.memory_space<vmem>> -> memref<1x1x1x160xi32, #tpu.memory_space<vmem>>
            %dma_start3A_383 = tpu.memref_squeeze %dma_start3A_382 : memref<1x1x1x160xi32, #tpu.memory_space<vmem>> -> memref<1x1x160xi32, #tpu.memory_space<vmem>>
            %dma_start3A_384 = arith.constant 0 : i32
            %dma_start3A_385 = arith.constant 0 : i32
            %dma_start3A_386 = tpu.memref_slice %arg3[%mul3A_368, %dma_start3A_384, %dma_start3A_385] : memref<2000x1x160xi32, #tpu.memory_space<hbm>> -> memref<1x1x160xi32, #tpu.memory_space<hbm>>
            tpu.enqueue_dma source(%dma_start3A_386 : memref<1x1x160xi32, #tpu.memory_space<hbm>>) target(%dma_start3A_383 : memref<1x1x160xi32, #tpu.memory_space<vmem>>) target_semaphore(%dma_start3A_378 : memref<!tpu.dma_semaphore, #tpu.memory_space<semaphore_mem>>)
            "tpu.trace_stop"() : () -> ()
          } else {
          }
          %and3A_234 = arith.constant true
          %and3A_235 = arith.andi %and3A, %and3A_234 : i1
          %add3A_236 = arith.constant 1 : i32
          %add3A_237 = arith.addi %while3A_182, %add3A_236 : i32
          %select_n3A_238 = arith.select %and3A_235, %add3A_237, %while3A_182 : i32
          %ne3A_239 = arith.cmpi ne, %add3A_194, %add3A_212 : i32
          %or3A_240 = arith.constant false
          %or3A_241 = arith.ori %or3A_240, %ne3A_239 : i1
          %or3A_242 = arith.constant false
          %or3A_243 = arith.ori %or3A_241, %or3A_242 : i1
          %sub3A_244 = arith.constant 2 : i32
          %sub3A_245 = arith.subi %mul3A_188, %sub3A_244 : i32
          %add3A_246 = arith.constant 1 : i32
          %add3A_247 = arith.addi %sub3A_245, %add3A_246 : i32
          %ge3A_248 = arith.cmpi sge, %while3A_181, %add3A_247 : i32
          %not3A_249 = arith.constant true
          %not3A_250 = arith.xori %ge3A_248, %not3A_249 : i1
          %and3A_251 = arith.andi %or3A_243, %not3A_250 : i1
          %convert_element_type3A_252 = arith.extui %and3A_251 : i1 to i32
          %cond3A_253 = arith.constant 0 : i32
          %cond3A_254 = arith.cmpi ne, %convert_element_type3A_252, %cond3A_253 : i32
          scf.if %cond3A_254 {
            "tpu.trace_start"() <{level = 10 : i32, message = "ep_copy_in"}> : () -> ()
            %rem3A_365 = arith.constant 2 : i32
            %rem3A_366 = arith.remui %while3A_184, %rem3A_365 : i32
            %mul3A_367 = arith.constant 160 : i32
            %mul3A_368 = arith.muli %mul3A_367, %add3A_212 : i32
            %dma_start3A_369 = arith.constant 0 : i32
            %dma_start3A_370 = arith.constant 0 : i32
            %dma_start3A_371 = tpu.memref_slice %run_scoped3A_26[%rem3A_366, %dma_start3A_369, %dma_start3A_370] : memref<2x160x128xf32, #tpu.memory_space<vmem>> -> memref<1x160x128xf32, #tpu.memory_space<vmem>>
            %dma_start3A_372 = tpu.memref_squeeze %dma_start3A_371 : memref<1x160x128xf32, #tpu.memory_space<vmem>> -> memref<160x128xf32, #tpu.memory_space<vmem>>
            %dma_start3A_373 = arith.constant 0 : i32
            %dma_start3A_374 = tpu.memref_slice %arg2[%mul3A_368, %dma_start3A_373] : memref<320000x128xf32, #tpu.memory_space<hbm>> -> memref<160x128xf32, #tpu.memory_space<hbm>>
            %dma_start3A_375 = tpu.memref_slice %run_scoped3A_27[%rem3A_366] : memref<2x!tpu.dma_semaphore, #tpu.memory_space<semaphore_mem>> -> memref<1x!tpu.dma_semaphore, #tpu.memory_space<semaphore_mem>>
            %dma_start3A_376 = tpu.memref_squeeze %dma_start3A_375 : memref<1x!tpu.dma_semaphore, #tpu.memory_space<semaphore_mem>> -> memref<!tpu.dma_semaphore, #tpu.memory_space<semaphore_mem>>
            %dma_start3A_377 = arith.constant 0 : i32
            %dma_start3A_378 = arith.constant 0 : i32
            %dma_start3A_379 = tpu.memref_slice %run_scoped3A_26[%rem3A_366, %dma_start3A_377, %dma_start3A_378] : memref<2x160x128xf32, #tpu.memory_space<vmem>> -> memref<1x160x128xf32, #tpu.memory_space<vmem>>
            %dma_start3A_380 = tpu.memref_squeeze %dma_start3A_379 : memref<1x160x128xf32, #tpu.memory_space<vmem>> -> memref<160x128xf32, #tpu.memory_space<vmem>>
            %dma_start3A_381 = arith.constant 0 : i32
            %dma_start3A_382 = tpu.memref_slice %arg2[%mul3A_368, %dma_start3A_381] : memref<320000x128xf32, #tpu.memory_space<hbm>> -> memref<160x128xf32, #tpu.memory_space<hbm>>
            tpu.enqueue_dma source(%dma_start3A_382 : memref<160x128xf32, #tpu.memory_space<hbm>>) target(%dma_start3A_380 : memref<160x128xf32, #tpu.memory_space<vmem>>) target_semaphore(%dma_start3A_376 : memref<!tpu.dma_semaphore, #tpu.memory_space<semaphore_mem>>)
            "tpu.trace_stop"() : () -> ()
          } else {
          }
          %and3A_255 = arith.constant true
          %and3A_256 = arith.andi %and3A_251, %and3A_255 : i1
          %add3A_257 = arith.constant 1 : i32
          %add3A_258 = arith.addi %while3A_184, %add3A_257 : i32
          %select_n3A_259 = arith.select %and3A_256, %add3A_258, %while3A_184 : i32
          %ne3A_260 = arith.cmpi ne, %add3A_194, %add3A_204 : i32
          %or3A_261 = arith.constant false
          %or3A_262 = arith.ori %or3A_261, %ne3A_260 : i1
          %or3A_263 = arith.constant false
          %or3A_264 = arith.ori %or3A_262, %or3A_263 : i1
          %or3A_265 = arith.constant false
          %or3A_266 = arith.ori %or3A_264, %or3A_265 : i1
          %or3A_267 = arith.ori %or3A_266, %eq3A_190 : i1
          %convert_element_type3A_268 = arith.extui %or3A_267 : i1 to i32
          %cond3A_269 = arith.constant 0 : i32
          %cond3A_270 = arith.cmpi ne, %convert_element_type3A_268, %cond3A_269 : i32
          scf.if %cond3A_270 {
            "tpu.trace_start"() <{level = 10 : i32, message = "ep_wait_in"}> : () -> ()
            %mul3A_365 = arith.constant 1 : i32
            %mul3A_366 = arith.muli %mul3A_365, %add3A_194 : i32
            %rem3A_367 = arith.constant 2 : i32
            %rem3A_368 = arith.remui %while3A_183, %rem3A_367 : i32
            %dma_wait3A = arith.constant 0 : i32
            %dma_wait3A_369 = arith.constant 0 : i32
            %dma_wait3A_370 = arith.constant 0 : i32
            %dma_wait3A_371 = tpu.memref_slice %run_scoped3A[%rem3A_368, %dma_wait3A, %dma_wait3A_369, %dma_wait3A_370] : memref<2x1x1x160xi32, #tpu.memory_space<vmem>> -> memref<1x1x1x160xi32, #tpu.memory_space<vmem>>
            %dma_wait3A_372 = tpu.memref_squeeze %dma_wait3A_371 : memref<1x1x1x160xi32, #tpu.memory_space<vmem>> -> memref<1x1x160xi32, #tpu.memory_space<vmem>>
            %dma_wait3A_373 = arith.constant 0 : i32
            %dma_wait3A_374 = arith.constant 0 : i32
            %dma_wait3A_375 = tpu.memref_slice %arg3[%mul3A_366, %dma_wait3A_373, %dma_wait3A_374] : memref<2000x1x160xi32, #tpu.memory_space<hbm>> -> memref<1x1x160xi32, #tpu.memory_space<hbm>>
            %dma_wait3A_376 = tpu.memref_slice %run_scoped3A_25[%rem3A_368] : memref<2x!tpu.dma_semaphore, #tpu.memory_space<semaphore_mem>> -> memref<1x!tpu.dma_semaphore, #tpu.memory_space<semaphore_mem>>
            %dma_wait3A_377 = tpu.memref_squeeze %dma_wait3A_376 : memref<1x!tpu.dma_semaphore, #tpu.memory_space<semaphore_mem>> -> memref<!tpu.dma_semaphore, #tpu.memory_space<semaphore_mem>>
            %dma_wait3A_378 = arith.constant 0 : i32
            %dma_wait3A_379 = arith.constant 0 : i32
            %dma_wait3A_380 = arith.constant 0 : i32
            %dma_wait3A_381 = tpu.memref_slice %run_scoped3A[%rem3A_368, %dma_wait3A_378, %dma_wait3A_379, %dma_wait3A_380] : memref<2x1x1x160xi32, #tpu.memory_space<vmem>> -> memref<1x1x1x160xi32, #tpu.memory_space<vmem>>
            %dma_wait3A_382 = tpu.memref_squeeze %dma_wait3A_381 : memref<1x1x1x160xi32, #tpu.memory_space<vmem>> -> memref<1x1x160xi32, #tpu.memory_space<vmem>>
            %dma_wait3A_383 = arith.constant 0 : i32
            %dma_wait3A_384 = arith.constant 0 : i32
            %dma_wait3A_385 = tpu.memref_slice %arg3[%mul3A_366, %dma_wait3A_383, %dma_wait3A_384] : memref<2000x1x160xi32, #tpu.memory_space<hbm>> -> memref<1x1x160xi32, #tpu.memory_space<hbm>>
            tpu.wait_dma2 semaphore(%dma_wait3A_377 : memref<!tpu.dma_semaphore, #tpu.memory_space<semaphore_mem>>) src(%dma_wait3A_385 : memref<1x1x160xi32, #tpu.memory_space<hbm>>) dst(%dma_wait3A_382 : memref<1x1x160xi32, #tpu.memory_space<vmem>>)
            "tpu.trace_stop"() : () -> ()
          } else {
          }
          %ne3A_271 = arith.cmpi ne, %add3A_194, %add3A_204 : i32
          %or3A_272 = arith.constant false
          %or3A_273 = arith.ori %or3A_272, %ne3A_271 : i1
          %or3A_274 = arith.constant false
          %or3A_275 = arith.ori %or3A_273, %or3A_274 : i1
          %or3A_276 = arith.ori %or3A_275, %eq3A_190 : i1
          %convert_element_type3A_277 = arith.extui %or3A_276 : i1 to i32
          %cond3A_278 = arith.constant 0 : i32
          %cond3A_279 = arith.cmpi ne, %convert_element_type3A_277, %cond3A_278 : i32
          scf.if %cond3A_279 {
            "tpu.trace_start"() <{level = 10 : i32, message = "ep_wait_in"}> : () -> ()
            %mul3A_365 = arith.constant 160 : i32
            %mul3A_366 = arith.muli %mul3A_365, %add3A_194 : i32
            %rem3A_367 = arith.constant 2 : i32
            %rem3A_368 = arith.remui %while3A_185, %rem3A_367 : i32
            %dma_wait3A = arith.constant 0 : i32
            %dma_wait3A_369 = arith.constant 0 : i32
            %dma_wait3A_370 = tpu.memref_slice %run_scoped3A_26[%rem3A_368, %dma_wait3A, %dma_wait3A_369] : memref<2x160x128xf32, #tpu.memory_space<vmem>> -> memref<1x160x128xf32, #tpu.memory_space<vmem>>
            %dma_wait3A_371 = tpu.memref_squeeze %dma_wait3A_370 : memref<1x160x128xf32, #tpu.memory_space<vmem>> -> memref<160x128xf32, #tpu.memory_space<vmem>>
            %dma_wait3A_372 = arith.constant 0 : i32
            %dma_wait3A_373 = tpu.memref_slice %arg2[%mul3A_366, %dma_wait3A_372] : memref<320000x128xf32, #tpu.memory_space<hbm>> -> memref<160x128xf32, #tpu.memory_space<hbm>>
            %dma_wait3A_374 = tpu.memref_slice %run_scoped3A_27[%rem3A_368] : memref<2x!tpu.dma_semaphore, #tpu.memory_space<semaphore_mem>> -> memref<1x!tpu.dma_semaphore, #tpu.memory_space<semaphore_mem>>
            %dma_wait3A_375 = tpu.memref_squeeze %dma_wait3A_374 : memref<1x!tpu.dma_semaphore, #tpu.memory_space<semaphore_mem>> -> memref<!tpu.dma_semaphore, #tpu.memory_space<semaphore_mem>>
            %dma_wait3A_376 = arith.constant 0 : i32
            %dma_wait3A_377 = arith.constant 0 : i32
            %dma_wait3A_378 = tpu.memref_slice %run_scoped3A_26[%rem3A_368, %dma_wait3A_376, %dma_wait3A_377] : memref<2x160x128xf32, #tpu.memory_space<vmem>> -> memref<1x160x128xf32, #tpu.memory_space<vmem>>
            %dma_wait3A_379 = tpu.memref_squeeze %dma_wait3A_378 : memref<1x160x128xf32, #tpu.memory_space<vmem>> -> memref<160x128xf32, #tpu.memory_space<vmem>>
            %dma_wait3A_380 = arith.constant 0 : i32
            %dma_wait3A_381 = tpu.memref_slice %arg2[%mul3A_366, %dma_wait3A_380] : memref<320000x128xf32, #tpu.memory_space<hbm>> -> memref<160x128xf32, #tpu.memory_space<hbm>>
            tpu.wait_dma2 semaphore(%dma_wait3A_375 : memref<!tpu.dma_semaphore, #tpu.memory_space<semaphore_mem>>) src(%dma_wait3A_381 : memref<160x128xf32, #tpu.memory_space<hbm>>) dst(%dma_wait3A_379 : memref<160x128xf32, #tpu.memory_space<vmem>>)
            "tpu.trace_stop"() : () -> ()
          } else {
          }
          %rem3A_280 = arith.constant 2 : i32
          %rem3A_281 = arith.remui %while3A_183, %rem3A_280 : i32
          %rem3A_282 = arith.constant 2 : i32
          %rem3A_283 = arith.remui %while3A_185, %rem3A_282 : i32
          %run_scoped3A_284 = arith.constant 0 : i32
          %run_scoped3A_285 = arith.constant 0 : i32
          "tpu.trace_start"() <{level = 10 : i32, message = "ep_run_kernel"}> : () -> ()
          "tpu.region"() ({
            %run_scoped3A_365 = tpu.sem_alloc : memref<!tpu.dma_semaphore, #tpu.memory_space<semaphore_mem>>
            %dma_start3A_366 = arith.constant 0 : i32
            %dma_start3A_367 = arith.constant 0 : i32
            %dma_start3A_368 = tpu.memref_slice %run_scoped3A_26[%rem3A_283, %dma_start3A_366, %dma_start3A_367] : memref<2x160x128xf32, #tpu.memory_space<vmem>> -> memref<1x160x128xf32, #tpu.memory_space<vmem>>
            %dma_start3A_369 = tpu.memref_squeeze %dma_start3A_368 : memref<1x160x128xf32, #tpu.memory_space<vmem>> -> memref<160x128xf32, #tpu.memory_space<vmem>>
            %dma_start3A_370 = arith.constant 0 : i32
            %dma_start3A_371 = arith.constant 0 : i32
            %dma_start3A_372 = arith.constant 0 : i32
            %dma_start3A_373 = tpu.memref_slice %run_scoped3A[%rem3A_281, %dma_start3A_370, %dma_start3A_371, %dma_start3A_372] : memref<2x1x1x160xi32, #tpu.memory_space<vmem>> -> memref<1x1x1x160xi32, #tpu.memory_space<vmem>>
            %dma_start3A_374 = tpu.memref_squeeze %dma_start3A_373 : memref<1x1x1x160xi32, #tpu.memory_space<vmem>> -> memref<1x1x160xi32, #tpu.memory_space<vmem>>
            %dma_start3A_375 = arith.constant 0 : i32
            %dma_start3A_376 = tpu.memref_slice %dma_start3A_374[%run_scoped3A_284, %run_scoped3A_285, %dma_start3A_375] : memref<1x1x160xi32, #tpu.memory_space<vmem>> -> memref<1x1x160xi32, #tpu.memory_space<vmem>>
            %dma_start3A_377 = tpu.memref_squeeze %dma_start3A_376 : memref<1x1x160xi32, #tpu.memory_space<vmem>> -> memref<160xi32, #tpu.memory_space<vmem>>
            %dma_start3A_378 = arith.constant 0 : i32
            %dma_start3A_379 = arith.constant 0 : i32
            %dma_start3A_380 = tpu.memref_slice %arg6[%dma_start3A_378, %dma_start3A_379] : memref<10000x128xf32, #tpu.memory_space<vmem_shared>> -> memref<10000x128xf32, #tpu.memory_space<vmem_shared>>
            tpu.enqueue_indirect_dma source(%dma_start3A_369 : memref<160x128xf32, #tpu.memory_space<vmem>>) target(%dma_start3A_380 : memref<10000x128xf32, #tpu.memory_space<vmem_shared>>) offsets(%dma_start3A_377 : memref<160xi32, #tpu.memory_space<vmem>>) semaphore(%run_scoped3A_365 : memref<!tpu.dma_semaphore, #tpu.memory_space<semaphore_mem>>) {add = true}
            %dma_wait3A = arith.constant 0 : i32
            %dma_wait3A_381 = arith.constant 0 : i32
            %dma_wait3A_382 = tpu.memref_slice %run_scoped3A_26[%rem3A_283, %dma_wait3A, %dma_wait3A_381] : memref<2x160x128xf32, #tpu.memory_space<vmem>> -> memref<1x160x128xf32, #tpu.memory_space<vmem>>
            %dma_wait3A_383 = tpu.memref_squeeze %dma_wait3A_382 : memref<1x160x128xf32, #tpu.memory_space<vmem>> -> memref<160x128xf32, #tpu.memory_space<vmem>>
            %dma_wait3A_384 = arith.constant 0 : i32
            %dma_wait3A_385 = arith.constant 0 : i32
            %dma_wait3A_386 = arith.constant 0 : i32
            %dma_wait3A_387 = tpu.memref_slice %run_scoped3A[%rem3A_281, %dma_wait3A_384, %dma_wait3A_385, %dma_wait3A_386] : memref<2x1x1x160xi32, #tpu.memory_space<vmem>> -> memref<1x1x1x160xi32, #tpu.memory_space<vmem>>
            %dma_wait3A_388 = tpu.memref_squeeze %dma_wait3A_387 : memref<1x1x1x160xi32, #tpu.memory_space<vmem>> -> memref<1x1x160xi32, #tpu.memory_space<vmem>>
            %dma_wait3A_389 = arith.constant 0 : i32
            %dma_wait3A_390 = tpu.memref_slice %dma_wait3A_388[%run_scoped3A_284, %run_scoped3A_285, %dma_wait3A_389] : memref<1x1x160xi32, #tpu.memory_space<vmem>> -> memref<1x1x160xi32, #tpu.memory_space<vmem>>
            %dma_wait3A_391 = tpu.memref_squeeze %dma_wait3A_390 : memref<1x1x160xi32, #tpu.memory_space<vmem>> -> memref<160xi32, #tpu.memory_space<vmem>>
            %dma_wait3A_392 = arith.constant 0 : i32
            %dma_wait3A_393 = arith.constant 0 : i32
            %dma_wait3A_394 = tpu.memref_slice %arg6[%dma_wait3A_392, %dma_wait3A_393] : memref<10000x128xf32, #tpu.memory_space<vmem_shared>> -> memref<10000x128xf32, #tpu.memory_space<vmem_shared>>
            tpu.wait_indirect_dma semaphore(%run_scoped3A_365 : memref<!tpu.dma_semaphore, #tpu.memory_space<semaphore_mem>>) src(%dma_wait3A_383 : memref<160x128xf32, #tpu.memory_space<vmem>>) dst(%dma_wait3A_394 : memref<10000x128xf32, #tpu.memory_space<vmem_shared>>)
            tpu.yield
          }) : () -> ()
          "tpu.trace_stop"() : () -> ()
          %ne3A_286 = arith.cmpi ne, %add3A_194, %add3A_212 : i32
          %or3A_287 = arith.constant false
          %or3A_288 = arith.ori %or3A_287, %ne3A_286 : i1
          %or3A_289 = arith.constant false
          %or3A_290 = arith.ori %or3A_288, %or3A_289 : i1
          %or3A_291 = arith.constant false
          %or3A_292 = arith.ori %or3A_290, %or3A_291 : i1
          %or3A_293 = arith.ori %or3A_292, %eq3A_193 : i1
          %convert_element_type3A_294 = arith.extui %or3A_293 : i1 to i32
          %cond3A_295 = arith.constant 0 : i32
          %cond3A_296 = arith.cmpi ne, %convert_element_type3A_294, %cond3A_295 : i32
          scf.if %cond3A_296 {
          } else {
          }
          %and3A_297 = arith.constant false
          %and3A_298 = arith.andi %or3A_293, %and3A_297 : i1
          %ne3A_299 = arith.cmpi ne, %add3A_194, %add3A_212 : i32
          %or3A_300 = arith.constant false
          %or3A_301 = arith.ori %or3A_300, %ne3A_299 : i1
          %or3A_302 = arith.constant false
          %or3A_303 = arith.ori %or3A_301, %or3A_302 : i1
          %or3A_304 = arith.ori %or3A_303, %eq3A_193 : i1
          %convert_element_type3A_305 = arith.extui %or3A_304 : i1 to i32
          %cond3A_306 = arith.constant 0 : i32
          %cond3A_307 = arith.cmpi ne, %convert_element_type3A_305, %cond3A_306 : i32
          scf.if %cond3A_307 {
          } else {
          }
          %and3A_308 = arith.constant false
          %and3A_309 = arith.andi %or3A_304, %and3A_308 : i1
          %ne3A_310 = arith.cmpi ne, %add3A_194, %add3A_204 : i32
          %or3A_311 = arith.constant false
          %or3A_312 = arith.ori %or3A_311, %ne3A_310 : i1
          %or3A_313 = arith.constant false
          %or3A_314 = arith.ori %or3A_312, %or3A_313 : i1
          %or3A_315 = arith.constant false
          %or3A_316 = arith.ori %or3A_314, %or3A_315 : i1
          %not3A_317 = arith.constant true
          %not3A_318 = arith.xori %eq3A_190, %not3A_317 : i1
          %and3A_319 = arith.andi %or3A_316, %not3A_318 : i1
          %convert_element_type3A_320 = arith.extui %and3A_319 : i1 to i32
          %cond3A_321 = arith.constant 0 : i32
          %cond3A_322 = arith.cmpi ne, %convert_element_type3A_320, %cond3A_321 : i32
          scf.if %cond3A_322 {
          } else {
          }
          %and3A_323 = arith.constant false
          %and3A_324 = arith.andi %and3A_319, %and3A_323 : i1
          %ne3A_325 = arith.cmpi ne, %add3A_194, %add3A_204 : i32
          %or3A_326 = arith.constant false
          %or3A_327 = arith.ori %or3A_326, %ne3A_325 : i1
          %or3A_328 = arith.constant false
          %or3A_329 = arith.ori %or3A_327, %or3A_328 : i1
          %not3A_330 = arith.constant true
          %not3A_331 = arith.xori %eq3A_190, %not3A_330 : i1
          %and3A_332 = arith.andi %or3A_329, %not3A_331 : i1
          %convert_element_type3A_333 = arith.extui %and3A_332 : i1 to i32
          %cond3A_334 = arith.constant 0 : i32
          %cond3A_335 = arith.cmpi ne, %convert_element_type3A_333, %cond3A_334 : i32
          scf.if %cond3A_335 {
          } else {
          }
          %and3A_336 = arith.constant false
          %and3A_337 = arith.andi %and3A_332, %and3A_336 : i1
          %ne3A_338 = arith.cmpi ne, %add3A_194, %add3A_212 : i32
          %or3A_339 = arith.constant false
          %or3A_340 = arith.ori %or3A_339, %ne3A_338 : i1
          %or3A_341 = arith.constant false
          %or3A_342 = arith.ori %or3A_340, %or3A_341 : i1
          %or3A_343 = arith.constant false
          %or3A_344 = arith.ori %or3A_342, %or3A_343 : i1
          %or3A_345 = arith.ori %or3A_344, %eq3A_193 : i1
          %add3A_346 = arith.constant 1 : i32
          %add3A_347 = arith.addi %while3A_183, %add3A_346 : i32
          %select_n3A_348 = arith.select %or3A_345, %add3A_347, %while3A_183 : i32
          %ne3A_349 = arith.cmpi ne, %add3A_194, %add3A_212 : i32
          %or3A_350 = arith.constant false
          %or3A_351 = arith.ori %or3A_350, %ne3A_349 : i1
          %or3A_352 = arith.constant false
          %or3A_353 = arith.ori %or3A_351, %or3A_352 : i1
          %or3A_354 = arith.ori %or3A_353, %eq3A_193 : i1
          %add3A_355 = arith.constant 1 : i32
          %add3A_356 = arith.addi %while3A_185, %add3A_355 : i32
          %select_n3A_357 = arith.select %or3A_354, %add3A_356, %while3A_185 : i32
          %add3A_358 = arith.constant 1 : i32
          %add3A_359 = arith.addi %while3A_186, %add3A_358 : i32
          %select_n3A_360 = arith.constant true
          %select_n3A_361 = arith.select %select_n3A_360, %add3A_359, %while3A_186 : i32
          %eq3A_362 = arith.cmpi eq, %select_n3A_361, %select_n3A : i32
          %select_n3A_363 = arith.constant 0 : i32
          %select_n3A_364 = arith.select %eq3A_362, %select_n3A_363, %select_n3A_361 : i32
          scf.yield %select_n3A_238, %select_n3A_348, %select_n3A_259, %select_n3A_357, %select_n3A_364 : i32, i32, i32, i32, i32
        }
        %while3A_128 = arith.constant 1 : i32
        %while3A_129:5 = scf.for %while3A_181 = %while3A_125 to %while3A_121 step %while3A_128 iter_args(%while3A_182 = %while3A_127#0, %while3A_183 = %while3A_127#1, %while3A_184 = %while3A_127#2, %while3A_185 = %while3A_127#3, %while3A_186 = %while3A_127#4) -> (i32, i32, i32, i32, i32)  : i32 {
          %mul3A_187 = arith.constant 1 : i32
          %mul3A_188 = arith.muli %mul3A_187, %select_n3A : i32
          %eq3A_189 = arith.constant 0 : i32
          %eq3A_190 = arith.cmpi eq, %while3A_181, %eq3A_189 : i32
          %sub3A_191 = arith.constant 1 : i32
          %sub3A_192 = arith.subi %mul3A_188, %sub3A_191 : i32
          %eq3A_193 = arith.cmpi eq, %while3A_181, %sub3A_192 : i32
          %add3A_194 = arith.addi %while3A_186, %select_n3A_16 : i32
          %sub3A_195 = arith.constant 1 : i32
          %sub3A_196 = arith.subi %while3A_186, %sub3A_195 : i32
          %select_n3A_197 = arith.constant true
          %select_n3A_198 = arith.select %select_n3A_197, %sub3A_196, %while3A_186 : i32
          %eq3A_199 = arith.constant -1 : i32
          %eq3A_200 = arith.cmpi eq, %select_n3A_198, %eq3A_199 : i32
          %sub3A_201 = arith.constant 1 : i32
          %sub3A_202 = arith.subi %select_n3A, %sub3A_201 : i32
          %select_n3A_203 = arith.select %eq3A_200, %sub3A_202, %select_n3A_198 : i32
          %add3A_204 = arith.addi %select_n3A_203, %select_n3A_16 : i32
          %add3A_205 = arith.constant 1 : i32
          %add3A_206 = arith.addi %while3A_186, %add3A_205 : i32
          %select_n3A_207 = arith.constant true
          %select_n3A_208 = arith.select %select_n3A_207, %add3A_206, %while3A_186 : i32
          %eq3A_209 = arith.cmpi eq, %select_n3A_208, %select_n3A : i32
          %select_n3A_210 = arith.constant 0 : i32
          %select_n3A_211 = arith.select %eq3A_209, %select_n3A_210, %select_n3A_208 : i32
          %add3A_212 = arith.addi %select_n3A_211, %select_n3A_16 : i32
          %add3A_213 = arith.constant 1 : i32
          %add3A_214 = arith.addi %select_n3A_211, %add3A_213 : i32
          %select_n3A_215 = arith.constant true
          %select_n3A_216 = arith.select %select_n3A_215, %add3A_214, %select_n3A_211 : i32
          %eq3A_217 = arith.cmpi eq, %select_n3A_216, %select_n3A : i32
          %select_n3A_218 = arith.constant 0 : i32
          %select_n3A_219 = arith.select %eq3A_217, %select_n3A_218, %select_n3A_216 : i32
          %add3A_220 = arith.addi %select_n3A_219, %select_n3A_16 : i32
          %ne3A = arith.cmpi ne, %add3A_194, %add3A_212 : i32
          %or3A = arith.constant false
          %or3A_221 = arith.ori %or3A, %ne3A : i1
          %or3A_222 = arith.constant false
          %or3A_223 = arith.ori %or3A_221, %or3A_222 : i1
          %or3A_224 = arith.constant false
          %or3A_225 = arith.ori %or3A_223, %or3A_224 : i1
          %sub3A_226 = arith.constant 2 : i32
          %sub3A_227 = arith.subi %mul3A_188, %sub3A_226 : i32
          %add3A_228 = arith.constant 1 : i32
          %add3A_229 = arith.addi %sub3A_227, %add3A_228 : i32
          %ge3A = arith.cmpi sge, %while3A_181, %add3A_229 : i32
          %not3A = arith.constant true
          %not3A_230 = arith.xori %ge3A, %not3A : i1
          %and3A = arith.andi %or3A_225, %not3A_230 : i1
          %convert_element_type3A_231 = arith.extui %and3A : i1 to i32
          %cond3A_232 = arith.constant 0 : i32
          %cond3A_233 = arith.cmpi ne, %convert_element_type3A_231, %cond3A_232 : i32
          scf.if %cond3A_233 {
            "tpu.trace_start"() <{level = 10 : i32, message = "ep_copy_in"}> : () -> ()
            %rem3A_365 = arith.constant 2 : i32
            %rem3A_366 = arith.remui %while3A_182, %rem3A_365 : i32
            %mul3A_367 = arith.constant 1 : i32
            %mul3A_368 = arith.muli %mul3A_367, %add3A_212 : i32
            %dma_start3A_369 = arith.constant 0 : i32
            %dma_start3A_370 = arith.constant 0 : i32
            %dma_start3A_371 = arith.constant 0 : i32
            %dma_start3A_372 = tpu.memref_slice %run_scoped3A[%rem3A_366, %dma_start3A_369, %dma_start3A_370, %dma_start3A_371] : memref<2x1x1x160xi32, #tpu.memory_space<vmem>> -> memref<1x1x1x160xi32, #tpu.memory_space<vmem>>
            %dma_start3A_373 = tpu.memref_squeeze %dma_start3A_372 : memref<1x1x1x160xi32, #tpu.memory_space<vmem>> -> memref<1x1x160xi32, #tpu.memory_space<vmem>>
            %dma_start3A_374 = arith.constant 0 : i32
            %dma_start3A_375 = arith.constant 0 : i32
            %dma_start3A_376 = tpu.memref_slice %arg3[%mul3A_368, %dma_start3A_374, %dma_start3A_375] : memref<2000x1x160xi32, #tpu.memory_space<hbm>> -> memref<1x1x160xi32, #tpu.memory_space<hbm>>
            %dma_start3A_377 = tpu.memref_slice %run_scoped3A_25[%rem3A_366] : memref<2x!tpu.dma_semaphore, #tpu.memory_space<semaphore_mem>> -> memref<1x!tpu.dma_semaphore, #tpu.memory_space<semaphore_mem>>
            %dma_start3A_378 = tpu.memref_squeeze %dma_start3A_377 : memref<1x!tpu.dma_semaphore, #tpu.memory_space<semaphore_mem>> -> memref<!tpu.dma_semaphore, #tpu.memory_space<semaphore_mem>>
            %dma_start3A_379 = arith.constant 0 : i32
            %dma_start3A_380 = arith.constant 0 : i32
            %dma_start3A_381 = arith.constant 0 : i32
            %dma_start3A_382 = tpu.memref_slice %run_scoped3A[%rem3A_366, %dma_start3A_379, %dma_start3A_380, %dma_start3A_381] : memref<2x1x1x160xi32, #tpu.memory_space<vmem>> -> memref<1x1x1x160xi32, #tpu.memory_space<vmem>>
            %dma_start3A_383 = tpu.memref_squeeze %dma_start3A_382 : memref<1x1x1x160xi32, #tpu.memory_space<vmem>> -> memref<1x1x160xi32, #tpu.memory_space<vmem>>
            %dma_start3A_384 = arith.constant 0 : i32
            %dma_start3A_385 = arith.constant 0 : i32
            %dma_start3A_386 = tpu.memref_slice %arg3[%mul3A_368, %dma_start3A_384, %dma_start3A_385] : memref<2000x1x160xi32, #tpu.memory_space<hbm>> -> memref<1x1x160xi32, #tpu.memory_space<hbm>>
            tpu.enqueue_dma source(%dma_start3A_386 : memref<1x1x160xi32, #tpu.memory_space<hbm>>) target(%dma_start3A_383 : memref<1x1x160xi32, #tpu.memory_space<vmem>>) target_semaphore(%dma_start3A_378 : memref<!tpu.dma_semaphore, #tpu.memory_space<semaphore_mem>>)
            "tpu.trace_stop"() : () -> ()
          } else {
          }
          %and3A_234 = arith.constant true
          %and3A_235 = arith.andi %and3A, %and3A_234 : i1
          %add3A_236 = arith.constant 1 : i32
          %add3A_237 = arith.addi %while3A_182, %add3A_236 : i32
          %select_n3A_238 = arith.select %and3A_235, %add3A_237, %while3A_182 : i32
          %ne3A_239 = arith.cmpi ne, %add3A_194, %add3A_212 : i32
          %or3A_240 = arith.constant false
          %or3A_241 = arith.ori %or3A_240, %ne3A_239 : i1
          %or3A_242 = arith.constant false
          %or3A_243 = arith.ori %or3A_241, %or3A_242 : i1
          %sub3A_244 = arith.constant 2 : i32
          %sub3A_245 = arith.subi %mul3A_188, %sub3A_244 : i32
          %add3A_246 = arith.constant 1 : i32
          %add3A_247 = arith.addi %sub3A_245, %add3A_246 : i32
          %ge3A_248 = arith.cmpi sge, %while3A_181, %add3A_247 : i32
          %not3A_249 = arith.constant true
          %not3A_250 = arith.xori %ge3A_248, %not3A_249 : i1
          %and3A_251 = arith.andi %or3A_243, %not3A_250 : i1
          %convert_element_type3A_252 = arith.extui %and3A_251 : i1 to i32
          %cond3A_253 = arith.constant 0 : i32
          %cond3A_254 = arith.cmpi ne, %convert_element_type3A_252, %cond3A_253 : i32
          scf.if %cond3A_254 {
            "tpu.trace_start"() <{level = 10 : i32, message = "ep_copy_in"}> : () -> ()
            %rem3A_365 = arith.constant 2 : i32
            %rem3A_366 = arith.remui %while3A_184, %rem3A_365 : i32
            %mul3A_367 = arith.constant 160 : i32
            %mul3A_368 = arith.muli %mul3A_367, %add3A_212 : i32
            %dma_start3A_369 = arith.constant 0 : i32
            %dma_start3A_370 = arith.constant 0 : i32
            %dma_start3A_371 = tpu.memref_slice %run_scoped3A_26[%rem3A_366, %dma_start3A_369, %dma_start3A_370] : memref<2x160x128xf32, #tpu.memory_space<vmem>> -> memref<1x160x128xf32, #tpu.memory_space<vmem>>
            %dma_start3A_372 = tpu.memref_squeeze %dma_start3A_371 : memref<1x160x128xf32, #tpu.memory_space<vmem>> -> memref<160x128xf32, #tpu.memory_space<vmem>>
            %dma_start3A_373 = arith.constant 0 : i32
            %dma_start3A_374 = tpu.memref_slice %arg2[%mul3A_368, %dma_start3A_373] : memref<320000x128xf32, #tpu.memory_space<hbm>> -> memref<160x128xf32, #tpu.memory_space<hbm>>
            %dma_start3A_375 = tpu.memref_slice %run_scoped3A_27[%rem3A_366] : memref<2x!tpu.dma_semaphore, #tpu.memory_space<semaphore_mem>> -> memref<1x!tpu.dma_semaphore, #tpu.memory_space<semaphore_mem>>
            %dma_start3A_376 = tpu.memref_squeeze %dma_start3A_375 : memref<1x!tpu.dma_semaphore, #tpu.memory_space<semaphore_mem>> -> memref<!tpu.dma_semaphore, #tpu.memory_space<semaphore_mem>>
            %dma_start3A_377 = arith.constant 0 : i32
            %dma_start3A_378 = arith.constant 0 : i32
            %dma_start3A_379 = tpu.memref_slice %run_scoped3A_26[%rem3A_366, %dma_start3A_377, %dma_start3A_378] : memref<2x160x128xf32, #tpu.memory_space<vmem>> -> memref<1x160x128xf32, #tpu.memory_space<vmem>>
            %dma_start3A_380 = tpu.memref_squeeze %dma_start3A_379 : memref<1x160x128xf32, #tpu.memory_space<vmem>> -> memref<160x128xf32, #tpu.memory_space<vmem>>
            %dma_start3A_381 = arith.constant 0 : i32
            %dma_start3A_382 = tpu.memref_slice %arg2[%mul3A_368, %dma_start3A_381] : memref<320000x128xf32, #tpu.memory_space<hbm>> -> memref<160x128xf32, #tpu.memory_space<hbm>>
            tpu.enqueue_dma source(%dma_start3A_382 : memref<160x128xf32, #tpu.memory_space<hbm>>) target(%dma_start3A_380 : memref<160x128xf32, #tpu.memory_space<vmem>>) target_semaphore(%dma_start3A_376 : memref<!tpu.dma_semaphore, #tpu.memory_space<semaphore_mem>>)
            "tpu.trace_stop"() : () -> ()
          } else {
          }
          %and3A_255 = arith.constant true
          %and3A_256 = arith.andi %and3A_251, %and3A_255 : i1
          %add3A_257 = arith.constant 1 : i32
          %add3A_258 = arith.addi %while3A_184, %add3A_257 : i32
          %select_n3A_259 = arith.select %and3A_256, %add3A_258, %while3A_184 : i32
          %ne3A_260 = arith.cmpi ne, %add3A_194, %add3A_204 : i32
          %or3A_261 = arith.constant false
          %or3A_262 = arith.ori %or3A_261, %ne3A_260 : i1
          %or3A_263 = arith.constant false
          %or3A_264 = arith.ori %or3A_262, %or3A_263 : i1
          %or3A_265 = arith.constant false
          %or3A_266 = arith.ori %or3A_264, %or3A_265 : i1
          %or3A_267 = arith.ori %or3A_266, %eq3A_190 : i1
          %convert_element_type3A_268 = arith.extui %or3A_267 : i1 to i32
          %cond3A_269 = arith.constant 0 : i32
          %cond3A_270 = arith.cmpi ne, %convert_element_type3A_268, %cond3A_269 : i32
          scf.if %cond3A_270 {
            "tpu.trace_start"() <{level = 10 : i32, message = "ep_wait_in"}> : () -> ()
            %mul3A_365 = arith.constant 1 : i32
            %mul3A_366 = arith.muli %mul3A_365, %add3A_194 : i32
            %rem3A_367 = arith.constant 2 : i32
            %rem3A_368 = arith.remui %while3A_183, %rem3A_367 : i32
            %dma_wait3A = arith.constant 0 : i32
            %dma_wait3A_369 = arith.constant 0 : i32
            %dma_wait3A_370 = arith.constant 0 : i32
            %dma_wait3A_371 = tpu.memref_slice %run_scoped3A[%rem3A_368, %dma_wait3A, %dma_wait3A_369, %dma_wait3A_370] : memref<2x1x1x160xi32, #tpu.memory_space<vmem>> -> memref<1x1x1x160xi32, #tpu.memory_space<vmem>>
            %dma_wait3A_372 = tpu.memref_squeeze %dma_wait3A_371 : memref<1x1x1x160xi32, #tpu.memory_space<vmem>> -> memref<1x1x160xi32, #tpu.memory_space<vmem>>
            %dma_wait3A_373 = arith.constant 0 : i32
            %dma_wait3A_374 = arith.constant 0 : i32
            %dma_wait3A_375 = tpu.memref_slice %arg3[%mul3A_366, %dma_wait3A_373, %dma_wait3A_374] : memref<2000x1x160xi32, #tpu.memory_space<hbm>> -> memref<1x1x160xi32, #tpu.memory_space<hbm>>
            %dma_wait3A_376 = tpu.memref_slice %run_scoped3A_25[%rem3A_368] : memref<2x!tpu.dma_semaphore, #tpu.memory_space<semaphore_mem>> -> memref<1x!tpu.dma_semaphore, #tpu.memory_space<semaphore_mem>>
            %dma_wait3A_377 = tpu.memref_squeeze %dma_wait3A_376 : memref<1x!tpu.dma_semaphore, #tpu.memory_space<semaphore_mem>> -> memref<!tpu.dma_semaphore, #tpu.memory_space<semaphore_mem>>
            %dma_wait3A_378 = arith.constant 0 : i32
            %dma_wait3A_379 = arith.constant 0 : i32
            %dma_wait3A_380 = arith.constant 0 : i32
            %dma_wait3A_381 = tpu.memref_slice %run_scoped3A[%rem3A_368, %dma_wait3A_378, %dma_wait3A_379, %dma_wait3A_380] : memref<2x1x1x160xi32, #tpu.memory_space<vmem>> -> memref<1x1x1x160xi32, #tpu.memory_space<vmem>>
            %dma_wait3A_382 = tpu.memref_squeeze %dma_wait3A_381 : memref<1x1x1x160xi32, #tpu.memory_space<vmem>> -> memref<1x1x160xi32, #tpu.memory_space<vmem>>
            %dma_wait3A_383 = arith.constant 0 : i32
            %dma_wait3A_384 = arith.constant 0 : i32
            %dma_wait3A_385 = tpu.memref_slice %arg3[%mul3A_366, %dma_wait3A_383, %dma_wait3A_384] : memref<2000x1x160xi32, #tpu.memory_space<hbm>> -> memref<1x1x160xi32, #tpu.memory_space<hbm>>
            tpu.wait_dma2 semaphore(%dma_wait3A_377 : memref<!tpu.dma_semaphore, #tpu.memory_space<semaphore_mem>>) src(%dma_wait3A_385 : memref<1x1x160xi32, #tpu.memory_space<hbm>>) dst(%dma_wait3A_382 : memref<1x1x160xi32, #tpu.memory_space<vmem>>)
            "tpu.trace_stop"() : () -> ()
          } else {
          }
          %ne3A_271 = arith.cmpi ne, %add3A_194, %add3A_204 : i32
          %or3A_272 = arith.constant false
          %or3A_273 = arith.ori %or3A_272, %ne3A_271 : i1
          %or3A_274 = arith.constant false
          %or3A_275 = arith.ori %or3A_273, %or3A_274 : i1
          %or3A_276 = arith.ori %or3A_275, %eq3A_190 : i1
          %convert_element_type3A_277 = arith.extui %or3A_276 : i1 to i32
          %cond3A_278 = arith.constant 0 : i32
          %cond3A_279 = arith.cmpi ne, %convert_element_type3A_277, %cond3A_278 : i32
          scf.if %cond3A_279 {
            "tpu.trace_start"() <{level = 10 : i32, message = "ep_wait_in"}> : () -> ()
            %mul3A_365 = arith.constant 160 : i32
            %mul3A_366 = arith.muli %mul3A_365, %add3A_194 : i32
            %rem3A_367 = arith.constant 2 : i32
            %rem3A_368 = arith.remui %while3A_185, %rem3A_367 : i32
            %dma_wait3A = arith.constant 0 : i32
            %dma_wait3A_369 = arith.constant 0 : i32
            %dma_wait3A_370 = tpu.memref_slice %run_scoped3A_26[%rem3A_368, %dma_wait3A, %dma_wait3A_369] : memref<2x160x128xf32, #tpu.memory_space<vmem>> -> memref<1x160x128xf32, #tpu.memory_space<vmem>>
            %dma_wait3A_371 = tpu.memref_squeeze %dma_wait3A_370 : memref<1x160x128xf32, #tpu.memory_space<vmem>> -> memref<160x128xf32, #tpu.memory_space<vmem>>
            %dma_wait3A_372 = arith.constant 0 : i32
            %dma_wait3A_373 = tpu.memref_slice %arg2[%mul3A_366, %dma_wait3A_372] : memref<320000x128xf32, #tpu.memory_space<hbm>> -> memref<160x128xf32, #tpu.memory_space<hbm>>
            %dma_wait3A_374 = tpu.memref_slice %run_scoped3A_27[%rem3A_368] : memref<2x!tpu.dma_semaphore, #tpu.memory_space<semaphore_mem>> -> memref<1x!tpu.dma_semaphore, #tpu.memory_space<semaphore_mem>>
            %dma_wait3A_375 = tpu.memref_squeeze %dma_wait3A_374 : memref<1x!tpu.dma_semaphore, #tpu.memory_space<semaphore_mem>> -> memref<!tpu.dma_semaphore, #tpu.memory_space<semaphore_mem>>
            %dma_wait3A_376 = arith.constant 0 : i32
            %dma_wait3A_377 = arith.constant 0 : i32
            %dma_wait3A_378 = tpu.memref_slice %run_scoped3A_26[%rem3A_368, %dma_wait3A_376, %dma_wait3A_377] : memref<2x160x128xf32, #tpu.memory_space<vmem>> -> memref<1x160x128xf32, #tpu.memory_space<vmem>>
            %dma_wait3A_379 = tpu.memref_squeeze %dma_wait3A_378 : memref<1x160x128xf32, #tpu.memory_space<vmem>> -> memref<160x128xf32, #tpu.memory_space<vmem>>
            %dma_wait3A_380 = arith.constant 0 : i32
            %dma_wait3A_381 = tpu.memref_slice %arg2[%mul3A_366, %dma_wait3A_380] : memref<320000x128xf32, #tpu.memory_space<hbm>> -> memref<160x128xf32, #tpu.memory_space<hbm>>
            tpu.wait_dma2 semaphore(%dma_wait3A_375 : memref<!tpu.dma_semaphore, #tpu.memory_space<semaphore_mem>>) src(%dma_wait3A_381 : memref<160x128xf32, #tpu.memory_space<hbm>>) dst(%dma_wait3A_379 : memref<160x128xf32, #tpu.memory_space<vmem>>)
            "tpu.trace_stop"() : () -> ()
          } else {
          }
          %rem3A_280 = arith.constant 2 : i32
          %rem3A_281 = arith.remui %while3A_183, %rem3A_280 : i32
          %rem3A_282 = arith.constant 2 : i32
          %rem3A_283 = arith.remui %while3A_185, %rem3A_282 : i32
          %run_scoped3A_284 = arith.constant 0 : i32
          %run_scoped3A_285 = arith.constant 0 : i32
          "tpu.trace_start"() <{level = 10 : i32, message = "ep_run_kernel"}> : () -> ()
          "tpu.region"() ({
            %run_scoped3A_365 = tpu.sem_alloc : memref<!tpu.dma_semaphore, #tpu.memory_space<semaphore_mem>>
            %dma_start3A_366 = arith.constant 0 : i32
            %dma_start3A_367 = arith.constant 0 : i32
            %dma_start3A_368 = tpu.memref_slice %run_scoped3A_26[%rem3A_283, %dma_start3A_366, %dma_start3A_367] : memref<2x160x128xf32, #tpu.memory_space<vmem>> -> memref<1x160x128xf32, #tpu.memory_space<vmem>>
            %dma_start3A_369 = tpu.memref_squeeze %dma_start3A_368 : memref<1x160x128xf32, #tpu.memory_space<vmem>> -> memref<160x128xf32, #tpu.memory_space<vmem>>
            %dma_start3A_370 = arith.constant 0 : i32
            %dma_start3A_371 = arith.constant 0 : i32
            %dma_start3A_372 = arith.constant 0 : i32
            %dma_start3A_373 = tpu.memref_slice %run_scoped3A[%rem3A_281, %dma_start3A_370, %dma_start3A_371, %dma_start3A_372] : memref<2x1x1x160xi32, #tpu.memory_space<vmem>> -> memref<1x1x1x160xi32, #tpu.memory_space<vmem>>
            %dma_start3A_374 = tpu.memref_squeeze %dma_start3A_373 : memref<1x1x1x160xi32, #tpu.memory_space<vmem>> -> memref<1x1x160xi32, #tpu.memory_space<vmem>>
            %dma_start3A_375 = arith.constant 0 : i32
            %dma_start3A_376 = tpu.memref_slice %dma_start3A_374[%run_scoped3A_284, %run_scoped3A_285, %dma_start3A_375] : memref<1x1x160xi32, #tpu.memory_space<vmem>> -> memref<1x1x160xi32, #tpu.memory_space<vmem>>
            %dma_start3A_377 = tpu.memref_squeeze %dma_start3A_376 : memref<1x1x160xi32, #tpu.memory_space<vmem>> -> memref<160xi32, #tpu.memory_space<vmem>>
            %dma_start3A_378 = arith.constant 0 : i32
            %dma_start3A_379 = arith.constant 0 : i32
            %dma_start3A_380 = tpu.memref_slice %arg6[%dma_start3A_378, %dma_start3A_379] : memref<10000x128xf32, #tpu.memory_space<vmem_shared>> -> memref<10000x128xf32, #tpu.memory_space<vmem_shared>>
            tpu.enqueue_indirect_dma source(%dma_start3A_369 : memref<160x128xf32, #tpu.memory_space<vmem>>) target(%dma_start3A_380 : memref<10000x128xf32, #tpu.memory_space<vmem_shared>>) offsets(%dma_start3A_377 : memref<160xi32, #tpu.memory_space<vmem>>) semaphore(%run_scoped3A_365 : memref<!tpu.dma_semaphore, #tpu.memory_space<semaphore_mem>>) {add = true}
            %dma_wait3A = arith.constant 0 : i32
            %dma_wait3A_381 = arith.constant 0 : i32
            %dma_wait3A_382 = tpu.memref_slice %run_scoped3A_26[%rem3A_283, %dma_wait3A, %dma_wait3A_381] : memref<2x160x128xf32, #tpu.memory_space<vmem>> -> memref<1x160x128xf32, #tpu.memory_space<vmem>>
            %dma_wait3A_383 = tpu.memref_squeeze %dma_wait3A_382 : memref<1x160x128xf32, #tpu.memory_space<vmem>> -> memref<160x128xf32, #tpu.memory_space<vmem>>
            %dma_wait3A_384 = arith.constant 0 : i32
            %dma_wait3A_385 = arith.constant 0 : i32
            %dma_wait3A_386 = arith.constant 0 : i32
            %dma_wait3A_387 = tpu.memref_slice %run_scoped3A[%rem3A_281, %dma_wait3A_384, %dma_wait3A_385, %dma_wait3A_386] : memref<2x1x1x160xi32, #tpu.memory_space<vmem>> -> memref<1x1x1x160xi32, #tpu.memory_space<vmem>>
            %dma_wait3A_388 = tpu.memref_squeeze %dma_wait3A_387 : memref<1x1x1x160xi32, #tpu.memory_space<vmem>> -> memref<1x1x160xi32, #tpu.memory_space<vmem>>
            %dma_wait3A_389 = arith.constant 0 : i32
            %dma_wait3A_390 = tpu.memref_slice %dma_wait3A_388[%run_scoped3A_284, %run_scoped3A_285, %dma_wait3A_389] : memref<1x1x160xi32, #tpu.memory_space<vmem>> -> memref<1x1x160xi32, #tpu.memory_space<vmem>>
            %dma_wait3A_391 = tpu.memref_squeeze %dma_wait3A_390 : memref<1x1x160xi32, #tpu.memory_space<vmem>> -> memref<160xi32, #tpu.memory_space<vmem>>
            %dma_wait3A_392 = arith.constant 0 : i32
            %dma_wait3A_393 = arith.constant 0 : i32
            %dma_wait3A_394 = tpu.memref_slice %arg6[%dma_wait3A_392, %dma_wait3A_393] : memref<10000x128xf32, #tpu.memory_space<vmem_shared>> -> memref<10000x128xf32, #tpu.memory_space<vmem_shared>>
            tpu.wait_indirect_dma semaphore(%run_scoped3A_365 : memref<!tpu.dma_semaphore, #tpu.memory_space<semaphore_mem>>) src(%dma_wait3A_383 : memref<160x128xf32, #tpu.memory_space<vmem>>) dst(%dma_wait3A_394 : memref<10000x128xf32, #tpu.memory_space<vmem_shared>>)
            tpu.yield
          }) : () -> ()
          "tpu.trace_stop"() : () -> ()
          %ne3A_286 = arith.cmpi ne, %add3A_194, %add3A_212 : i32
          %or3A_287 = arith.constant false
          %or3A_288 = arith.ori %or3A_287, %ne3A_286 : i1
          %or3A_289 = arith.constant false
          %or3A_290 = arith.ori %or3A_288, %or3A_289 : i1
          %or3A_291 = arith.constant false
          %or3A_292 = arith.ori %or3A_290, %or3A_291 : i1
          %or3A_293 = arith.ori %or3A_292, %eq3A_193 : i1
          %convert_element_type3A_294 = arith.extui %or3A_293 : i1 to i32
          %cond3A_295 = arith.constant 0 : i32
          %cond3A_296 = arith.cmpi ne, %convert_element_type3A_294, %cond3A_295 : i32
          scf.if %cond3A_296 {
          } else {
          }
          %and3A_297 = arith.constant false
          %and3A_298 = arith.andi %or3A_293, %and3A_297 : i1
          %ne3A_299 = arith.cmpi ne, %add3A_194, %add3A_212 : i32
          %or3A_300 = arith.constant false
          %or3A_301 = arith.ori %or3A_300, %ne3A_299 : i1
          %or3A_302 = arith.constant false
          %or3A_303 = arith.ori %or3A_301, %or3A_302 : i1
          %or3A_304 = arith.ori %or3A_303, %eq3A_193 : i1
          %convert_element_type3A_305 = arith.extui %or3A_304 : i1 to i32
          %cond3A_306 = arith.constant 0 : i32
          %cond3A_307 = arith.cmpi ne, %convert_element_type3A_305, %cond3A_306 : i32
          scf.if %cond3A_307 {
          } else {
          }
          %and3A_308 = arith.constant false
          %and3A_309 = arith.andi %or3A_304, %and3A_308 : i1
          %ne3A_310 = arith.cmpi ne, %add3A_194, %add3A_204 : i32
          %or3A_311 = arith.constant false
          %or3A_312 = arith.ori %or3A_311, %ne3A_310 : i1
          %or3A_313 = arith.constant false
          %or3A_314 = arith.ori %or3A_312, %or3A_313 : i1
          %or3A_315 = arith.constant false
          %or3A_316 = arith.ori %or3A_314, %or3A_315 : i1
          %not3A_317 = arith.constant true
          %not3A_318 = arith.xori %eq3A_190, %not3A_317 : i1
          %and3A_319 = arith.andi %or3A_316, %not3A_318 : i1
          %convert_element_type3A_320 = arith.extui %and3A_319 : i1 to i32
          %cond3A_321 = arith.constant 0 : i32
          %cond3A_322 = arith.cmpi ne, %convert_element_type3A_320, %cond3A_321 : i32
          scf.if %cond3A_322 {
          } else {
          }
          %and3A_323 = arith.constant false
          %and3A_324 = arith.andi %and3A_319, %and3A_323 : i1
          %ne3A_325 = arith.cmpi ne, %add3A_194, %add3A_204 : i32
          %or3A_326 = arith.constant false
          %or3A_327 = arith.ori %or3A_326, %ne3A_325 : i1
          %or3A_328 = arith.constant false
          %or3A_329 = arith.ori %or3A_327, %or3A_328 : i1
          %not3A_330 = arith.constant true
          %not3A_331 = arith.xori %eq3A_190, %not3A_330 : i1
          %and3A_332 = arith.andi %or3A_329, %not3A_331 : i1
          %convert_element_type3A_333 = arith.extui %and3A_332 : i1 to i32
          %cond3A_334 = arith.constant 0 : i32
          %cond3A_335 = arith.cmpi ne, %convert_element_type3A_333, %cond3A_334 : i32
          scf.if %cond3A_335 {
          } else {
          }
          %and3A_336 = arith.constant false
          %and3A_337 = arith.andi %and3A_332, %and3A_336 : i1
          %ne3A_338 = arith.cmpi ne, %add3A_194, %add3A_212 : i32
          %or3A_339 = arith.constant false
          %or3A_340 = arith.ori %or3A_339, %ne3A_338 : i1
          %or3A_341 = arith.constant false
          %or3A_342 = arith.ori %or3A_340, %or3A_341 : i1
          %or3A_343 = arith.constant false
          %or3A_344 = arith.ori %or3A_342, %or3A_343 : i1
          %or3A_345 = arith.ori %or3A_344, %eq3A_193 : i1
          %add3A_346 = arith.constant 1 : i32
          %add3A_347 = arith.addi %while3A_183, %add3A_346 : i32
          %select_n3A_348 = arith.select %or3A_345, %add3A_347, %while3A_183 : i32
          %ne3A_349 = arith.cmpi ne, %add3A_194, %add3A_212 : i32
          %or3A_350 = arith.constant false
          %or3A_351 = arith.ori %or3A_350, %ne3A_349 : i1
          %or3A_352 = arith.constant false
          %or3A_353 = arith.ori %or3A_351, %or3A_352 : i1
          %or3A_354 = arith.ori %or3A_353, %eq3A_193 : i1
          %add3A_355 = arith.constant 1 : i32
          %add3A_356 = arith.addi %while3A_185, %add3A_355 : i32
          %select_n3A_357 = arith.select %or3A_354, %add3A_356, %while3A_185 : i32
          %add3A_358 = arith.constant 1 : i32
          %add3A_359 = arith.addi %while3A_186, %add3A_358 : i32
          %select_n3A_360 = arith.constant true
          %select_n3A_361 = arith.select %select_n3A_360, %add3A_359, %while3A_186 : i32
          %eq3A_362 = arith.cmpi eq, %select_n3A_361, %select_n3A : i32
          %select_n3A_363 = arith.constant 0 : i32
          %select_n3A_364 = arith.select %eq3A_362, %select_n3A_363, %select_n3A_361 : i32
          scf.yield %select_n3A_238, %select_n3A_348, %select_n3A_259, %select_n3A_357, %select_n3A_364 : i32, i32, i32, i32, i32
        }
        %sub3A_130 = arith.constant 1 : i32
        %sub3A_131 = arith.subi %while3A_129#4, %sub3A_130 : i32
        %select_n3A_132 = arith.constant true
        %select_n3A_133 = arith.select %select_n3A_132, %sub3A_131, %while3A_129#4 : i32
        %eq3A_134 = arith.constant -1 : i32
        %eq3A_135 = arith.cmpi eq, %select_n3A_133, %eq3A_134 : i32
        %sub3A_136 = arith.constant 1 : i32
        %sub3A_137 = arith.subi %select_n3A, %sub3A_136 : i32
        %select_n3A_138 = arith.select %eq3A_135, %sub3A_137, %select_n3A_133 : i32
        %sub3A_139 = arith.constant 1 : i32
        %sub3A_140 = arith.subi %mul3A_18, %sub3A_139 : i32
        %mul3A_141 = arith.constant 1 : i32
        %mul3A_142 = arith.muli %mul3A_141, %select_n3A : i32
        %eq3A_143 = arith.constant 0 : i32
        %eq3A_144 = arith.cmpi eq, %sub3A_140, %eq3A_143 : i32
        %sub3A_145 = arith.constant 1 : i32
        %sub3A_146 = arith.subi %mul3A_142, %sub3A_145 : i32
        %eq3A_147 = arith.cmpi eq, %sub3A_140, %sub3A_146 : i32
        %add3A_148 = arith.addi %select_n3A_138, %select_n3A_16 : i32
        %sub3A_149 = arith.constant 1 : i32
        %sub3A_150 = arith.subi %select_n3A_138, %sub3A_149 : i32
        %select_n3A_151 = arith.constant true
        %select_n3A_152 = arith.select %select_n3A_151, %sub3A_150, %select_n3A_138 : i32
        %eq3A_153 = arith.constant -1 : i32
        %eq3A_154 = arith.cmpi eq, %select_n3A_152, %eq3A_153 : i32
        %sub3A_155 = arith.constant 1 : i32
        %sub3A_156 = arith.subi %select_n3A, %sub3A_155 : i32
        %select_n3A_157 = arith.select %eq3A_154, %sub3A_156, %select_n3A_152 : i32
        %add3A_158 = arith.addi %select_n3A_157, %select_n3A_16 : i32
        %add3A_159 = arith.constant 1 : i32
        %add3A_160 = arith.addi %select_n3A_138, %add3A_159 : i32
        %select_n3A_161 = arith.constant true
        %select_n3A_162 = arith.select %select_n3A_161, %add3A_160, %select_n3A_138 : i32
        %eq3A_163 = arith.cmpi eq, %select_n3A_162, %select_n3A : i32
        %select_n3A_164 = arith.constant 0 : i32
        %select_n3A_165 = arith.select %eq3A_163, %select_n3A_164, %select_n3A_162 : i32
        %add3A_166 = arith.addi %select_n3A_165, %select_n3A_16 : i32
        %add3A_167 = arith.constant 1 : i32
        %add3A_168 = arith.addi %select_n3A_165, %add3A_167 : i32
        %select_n3A_169 = arith.constant true
        %select_n3A_170 = arith.select %select_n3A_169, %add3A_168, %select_n3A_165 : i32
        %eq3A_171 = arith.cmpi eq, %select_n3A_170, %select_n3A : i32
        %select_n3A_172 = arith.constant 0 : i32
        %select_n3A_173 = arith.select %eq3A_171, %select_n3A_172, %select_n3A_170 : i32
        %add3A_174 = arith.addi %select_n3A_173, %select_n3A_16 : i32
        %convert_element_type3A_175 = arith.extui %eq3A_147 : i1 to i32
        %cond3A_176 = arith.constant 0 : i32
        %cond3A_177 = arith.cmpi ne, %convert_element_type3A_175, %cond3A_176 : i32
        scf.if %cond3A_177 {
        } else {
        }
        %convert_element_type3A_178 = arith.extui %eq3A_147 : i1 to i32
        %cond3A_179 = arith.constant 0 : i32
        %cond3A_180 = arith.cmpi ne, %convert_element_type3A_178, %cond3A_179 : i32
        scf.if %cond3A_180 {
        } else {
        }
      } else {
      }
      tpu.yield
    }) : () -> ()
    %barrier3A_19 = arith.constant 0 : index
    tpu.barrier barrier_id(%barrier3A_19)
    %eq3A_20 = arith.constant 0 : i32
    %eq3A_21 = arith.cmpi eq, %arg1, %eq3A_20 : i32
    %convert_element_type3A_22 = arith.extui %eq3A_21 : i1 to i32
    %cond3A_23 = arith.constant 0 : i32
    %cond3A_24 = arith.cmpi ne, %convert_element_type3A_22, %cond3A_23 : i32
    scf.if %cond3A_24 {
      "tpu.region"() ({
        %run_scoped3A = tpu.sem_alloc : memref<!tpu.dma_semaphore, #tpu.memory_space<semaphore_mem>>
        %dma_start3A = arith.constant 0 : i32
        %dma_start3A_25 = arith.constant 0 : i32
        %dma_start3A_26 = tpu.memref_slice %arg5[%arg0, %dma_start3A, %dma_start3A_25] : memref<2x10000x128xf32, #tpu.memory_space<hbm>> -> memref<1x10000x128xf32, #tpu.memory_space<hbm>>
        %dma_start3A_27 = tpu.memref_squeeze %dma_start3A_26 : memref<1x10000x128xf32, #tpu.memory_space<hbm>> -> memref<10000x128xf32, #tpu.memory_space<hbm>>
        tpu.enqueue_dma source(%arg6 : memref<10000x128xf32, #tpu.memory_space<vmem_shared>>) target(%dma_start3A_27 : memref<10000x128xf32, #tpu.memory_space<hbm>>) target_semaphore(%run_scoped3A : memref<!tpu.dma_semaphore, #tpu.memory_space<semaphore_mem>>)
        %dma_wait3A = arith.constant 0 : i32
        %dma_wait3A_28 = arith.constant 0 : i32
        %dma_wait3A_29 = tpu.memref_slice %arg5[%arg0, %dma_wait3A, %dma_wait3A_28] : memref<2x10000x128xf32, #tpu.memory_space<hbm>> -> memref<1x10000x128xf32, #tpu.memory_space<hbm>>
        %dma_wait3A_30 = tpu.memref_squeeze %dma_wait3A_29 : memref<1x10000x128xf32, #tpu.memory_space<hbm>> -> memref<10000x128xf32, #tpu.memory_space<hbm>>
        tpu.wait_dma2 semaphore(%run_scoped3A : memref<!tpu.dma_semaphore, #tpu.memory_space<semaphore_mem>>) src(%arg6 : memref<10000x128xf32, #tpu.memory_space<vmem_shared>>) dst(%dma_wait3A_30 : memref<10000x128xf32, #tpu.memory_space<hbm>>)
        tpu.yield
      }) : () -> ()
    } else {
    }
    return
  }
}

#map = affine_map<(d0, d1) -> (0, 0)>
#map1 = affine_map<(d0, d1) -> (0, 0, 0)>
module attributes {stable_mosaic.version = 14 : i64} {
  func.func @k(%arg0: i32, %arg1: i32, %arg2: memref<320000x128xf32, #tpu.memory_space<hbm>>, %arg3: memref<2000x1x160xi32, #tpu.memory_space<hbm>>, %arg4: memref<10000x128xf32, #tpu.memory_space<hbm>>, %arg5: memref<2x10000x128xf32, #tpu.memory_space<hbm>>, %arg6: memref<10000x128xf32, #tpu.memory_space<vmem_shared>>) attributes {dimension_semantics = [#tpu.dimension_semantics<core_parallel>, #tpu.dimension_semantics<subcore_parallel>], iteration_bounds = array<i64: 2, 16>, scalar_prefetch = 0 : i64, scratch_operands = 1 : i64, tpu.core_type = #tpu.core_type<sc_vector_subcore>, window_params = [{transform_indices = #map}, {transform_indices = #map1}, {transform_indices = #map}, {transform_indices = #map1}]} {
    %eq3A = arith.constant 0 : i32
    %eq3A_0 = arith.cmpi eq, %arg1, %eq3A : i32
    %convert_element_type3A = arith.extui %eq3A_0 : i1 to i32
    %cond3A = arith.constant 0 : i32
    %cond3A_1 = arith.cmpi ne, %convert_element_type3A, %cond3A : i32
    scf.if %cond3A_1 {
      "tpu.region"() ({
        %run_scoped3A = tpu.sem_alloc : memref<!tpu.dma_semaphore, #tpu.memory_space<semaphore_mem>>
        tpu.enqueue_dma source(%arg4 : memref<10000x128xf32, #tpu.memory_space<hbm>>) target(%arg6 : memref<10000x128xf32, #tpu.memory_space<vmem_shared>>) target_semaphore(%run_scoped3A : memref<!tpu.dma_semaphore, #tpu.memory_space<semaphore_mem>>)
        tpu.wait_dma2 semaphore(%run_scoped3A : memref<!tpu.dma_semaphore, #tpu.memory_space<semaphore_mem>>) src(%arg4 : memref<10000x128xf32, #tpu.memory_space<hbm>>) dst(%arg6 : memref<10000x128xf32, #tpu.memory_space<vmem_shared>>)
        tpu.yield
      }) : () -> ()
    } else {
    }
    %barrier3A = arith.constant 0 : index
    tpu.barrier barrier_id(%barrier3A)
    %mul3A = arith.constant 1 : i32
    %mul3A_2 = arith.muli %arg1, %mul3A : i32
    %add3A = arith.constant 0 : i32
    %add3A_3 = arith.addi %add3A, %mul3A_2 : i32
    %mul3A_4 = arith.constant 16 : i32
    %mul3A_5 = arith.muli %arg0, %mul3A_4 : i32
    %add3A_6 = arith.addi %add3A_3, %mul3A_5 : i32
    %lt3A = arith.constant 16 : i32
    %lt3A_7 = arith.cmpi slt, %add3A_6, %lt3A : i32
    %jit3A = arith.constant 63 : i32
    %jit3A_8 = arith.constant 62 : i32
    %select_n3A = arith.select %lt3A_7, %jit3A, %jit3A_8 : i32
    %lt3A_9 = arith.constant 16 : i32
    %lt3A_10 = arith.cmpi slt, %add3A_6, %lt3A_9 : i32
    %mul3A_11 = arith.muli %add3A_6, %select_n3A : i32
    %mul3A_12 = arith.constant 62 : i32
    %mul3A_13 = arith.muli %add3A_6, %mul3A_12 : i32
    %add3A_14 = arith.constant 16 : i32
    %add3A_15 = arith.addi %mul3A_13, %add3A_14 : i32
    %select_n3A_16 = arith.select %lt3A_10, %mul3A_11, %add3A_15 : i32
    %mul3A_17 = arith.constant 1 : i32
    %mul3A_18 = arith.muli %mul3A_17, %select_n3A : i32
    "tpu.region"() ({
      %run_scoped3A = memref.alloca() : memref<2x1x1x160xi32, #tpu.memory_space<vmem>>
      %run_scoped3A_25 = tpu.sem_alloc : memref<2x!tpu.dma_semaphore, #tpu.memory_space<semaphore_mem>>
      %run_scoped3A_26 = memref.alloca() : memref<2x160x128xf32, #tpu.memory_space<vmem>>
      %run_scoped3A_27 = tpu.sem_alloc : memref<2x!tpu.dma_semaphore, #tpu.memory_space<semaphore_mem>>
      %gt3A = arith.constant 0 : i32
      %gt3A_28 = arith.cmpi sgt, %mul3A_18, %gt3A : i32
      %convert_element_type3A_29 = arith.extui %gt3A_28 : i1 to i32
      %cond3A_30 = arith.constant 0 : i32
      %cond3A_31 = arith.cmpi ne, %convert_element_type3A_29, %cond3A_30 : i32
      scf.if %cond3A_31 {
        %mul3A_32 = arith.constant 1 : i32
        %mul3A_33 = arith.muli %mul3A_32, %select_n3A : i32
        %sub3A = arith.constant 1 : i32
        %sub3A_34 = arith.subi %mul3A_33, %sub3A : i32
        %eq3A_35 = arith.constant 0 : i32
        %eq3A_36 = arith.cmpi eq, %sub3A_34, %eq3A_35 : i32
        %add3A_37 = arith.constant 0 : i32
        %add3A_38 = arith.addi %add3A_37, %select_n3A_16 : i32
        %select_n3A_39 = arith.constant true
        %select_n3A_40 = arith.constant 0 : i32
        %select_n3A_41 = arith.constant -1 : i32
        %select_n3A_42 = arith.select %select_n3A_39, %select_n3A_41, %select_n3A_40 : i32
        %eq3A_43 = arith.constant -1 : i32
        %eq3A_44 = arith.cmpi eq, %select_n3A_42, %eq3A_43 : i32
        %sub3A_45 = arith.constant 1 : i32
        %sub3A_46 = arith.subi %select_n3A, %sub3A_45 : i32
        %select_n3A_47 = arith.select %eq3A_44, %sub3A_46, %select_n3A_42 : i32
        %add3A_48 = arith.addi %select_n3A_47, %select_n3A_16 : i32
        %select_n3A_49 = arith.constant true
        %select_n3A_50 = arith.constant 0 : i32
        %select_n3A_51 = arith.constant 1 : i32
        %select_n3A_52 = arith.select %select_n3A_49, %select_n3A_51, %select_n3A_50 : i32
        %eq3A_53 = arith.cmpi eq, %select_n3A_52, %select_n3A : i32
        %select_n3A_54 = arith.constant 0 : i32
        %select_n3A_55 = arith.select %eq3A_53, %select_n3A_54, %select_n3A_52 : i32
        %add3A_56 = arith.addi %select_n3A_55, %select_n3A_16 : i32
        %add3A_57 = arith.constant 1 : i32
        %add3A_58 = arith.addi %select_n3A_55, %add3A_57 : i32
        %select_n3A_59 = arith.constant true
        %select_n3A_60 = arith.select %select_n3A_59, %add3A_58, %select_n3A_55 : i32
        %eq3A_61 = arith.cmpi eq, %select_n3A_60, %select_n3A : i32
        %select_n3A_62 = arith.constant 0 : i32
        %select_n3A_63 = arith.select %eq3A_61, %select_n3A_62, %select_n3A_60 : i32
        %add3A_64 = arith.addi %select_n3A_63, %select_n3A_16 : i32
        "tpu.trace_start"() <{level = 10 : i32, message = "ep_initialize_0"}> : () -> ()
        %rem3A = arith.constant 0 : i32
        %rem3A_65 = arith.constant 2 : i32
        %rem3A_66 = arith.remui %rem3A, %rem3A_65 : i32
        %mul3A_67 = arith.constant 1 : i32
        %mul3A_68 = arith.muli %mul3A_67, %add3A_38 : i32
        %dma_start3A = arith.constant 0 : i32
        %dma_start3A_69 = arith.constant 0 : i32
        %dma_start3A_70 = arith.constant 0 : i32
        %dma_start3A_71 = tpu.memref_slice %run_scoped3A[%rem3A_66, %dma_start3A, %dma_start3A_69, %dma_start3A_70] : memref<2x1x1x160xi32, #tpu.memory_space<vmem>> -> memref<1x1x1x160xi32, #tpu.memory_space<vmem>>
        %dma_start3A_72 = tpu.memref_squeeze %dma_start3A_71 : memref<1x1x1x160xi32, #tpu.memory_space<vmem>> -> memref<1x1x160xi32, #tpu.memory_space<vmem>>
        %dma_start3A_73 = arith.constant 0 : i32
        %dma_start3A_74 = arith.constant 0 : i32
        %dma_start3A_75 = tpu.memref_slice %arg3[%mul3A_68, %dma_start3A_73, %dma_start3A_74] : memref<2000x1x160xi32, #tpu.memory_space<hbm>> -> memref<1x1x160xi32, #tpu.memory_space<hbm>>
        %dma_start3A_76 = tpu.memref_slice %run_scoped3A_25[%rem3A_66] : memref<2x!tpu.dma_semaphore, #tpu.memory_space<semaphore_mem>> -> memref<1x!tpu.dma_semaphore, #tpu.memory_space<semaphore_mem>>
        %dma_start3A_77 = tpu.memref_squeeze %dma_start3A_76 : memref<1x!tpu.dma_semaphore, #tpu.memory_space<semaphore_mem>> -> memref<!tpu.dma_semaphore, #tpu.memory_space<semaphore_mem>>
        %dma_start3A_78 = arith.constant 0 : i32
        %dma_start3A_79 = arith.constant 0 : i32
        %dma_start3A_80 = arith.constant 0 : i32
        %dma_start3A_81 = tpu.memref_slice %run_scoped3A[%rem3A_66, %dma_start3A_78, %dma_start3A_79, %dma_start3A_80] : memref<2x1x1x160xi32, #tpu.memory_space<vmem>> -> memref<1x1x1x160xi32, #tpu.memory_space<vmem>>
        %dma_start3A_82 = tpu.memref_squeeze %dma_start3A_81 : memref<1x1x1x160xi32, #tpu.memory_space<vmem>> -> memref<1x1x160xi32, #tpu.memory_space<vmem>>
        %dma_start3A_83 = arith.constant 0 : i32
        %dma_start3A_84 = arith.constant 0 : i32
        %dma_start3A_85 = tpu.memref_slice %arg3[%mul3A_68, %dma_start3A_83, %dma_start3A_84] : memref<2000x1x160xi32, #tpu.memory_space<hbm>> -> memref<1x1x160xi32, #tpu.memory_space<hbm>>
        tpu.enqueue_dma source(%dma_start3A_85 : memref<1x1x160xi32, #tpu.memory_space<hbm>>) target(%dma_start3A_82 : memref<1x1x160xi32, #tpu.memory_space<vmem>>) target_semaphore(%dma_start3A_77 : memref<!tpu.dma_semaphore, #tpu.memory_space<semaphore_mem>>)
        %add3A_86 = arith.constant 0 : i32
        %add3A_87 = arith.constant 1 : i32
        %add3A_88 = arith.addi %add3A_86, %add3A_87 : i32
        %select_n3A_89 = arith.constant true
        %select_n3A_90 = arith.constant 0 : i32
        %select_n3A_91 = arith.select %select_n3A_89, %add3A_88, %select_n3A_90 : i32
        %rem3A_92 = arith.constant 0 : i32
        %rem3A_93 = arith.constant 2 : i32
        %rem3A_94 = arith.remui %rem3A_92, %rem3A_93 : i32
        %mul3A_95 = arith.constant 160 : i32
        %mul3A_96 = arith.muli %mul3A_95, %add3A_38 : i32
        %dma_start3A_97 = arith.constant 0 : i32
        %dma_start3A_98 = arith.constant 0 : i32
        %dma_start3A_99 = tpu.memref_slice %run_scoped3A_26[%rem3A_94, %dma_start3A_97, %dma_start3A_98] : memref<2x160x128xf32, #tpu.memory_space<vmem>> -> memref<1x160x128xf32, #tpu.memory_space<vmem>>
        %dma_start3A_100 = tpu.memref_squeeze %dma_start3A_99 : memref<1x160x128xf32, #tpu.memory_space<vmem>> -> memref<160x128xf32, #tpu.memory_space<vmem>>
        %dma_start3A_101 = arith.constant 0 : i32
        %dma_start3A_102 = tpu.memref_slice %arg2[%mul3A_96, %dma_start3A_101] : memref<320000x128xf32, #tpu.memory_space<hbm>> -> memref<160x128xf32, #tpu.memory_space<hbm>>
        %dma_start3A_103 = tpu.memref_slice %run_scoped3A_27[%rem3A_94] : memref<2x!tpu.dma_semaphore, #tpu.memory_space<semaphore_mem>> -> memref<1x!tpu.dma_semaphore, #tpu.memory_space<semaphore_mem>>
        %dma_start3A_104 = tpu.memref_squeeze %dma_start3A_103 : memref<1x!tpu.dma_semaphore, #tpu.memory_space<semaphore_mem>> -> memref<!tpu.dma_semaphore, #tpu.memory_space<semaphore_mem>>
        %dma_start3A_105 = arith.constant 0 : i32
        %dma_start3A_106 = arith.constant 0 : i32
        %dma_start3A_107 = tpu.memref_slice %run_scoped3A_26[%rem3A_94, %dma_start3A_105, %dma_start3A_106] : memref<2x160x128xf32, #tpu.memory_space<vmem>> -> memref<1x160x128xf32, #tpu.memory_space<vmem>>
        %dma_start3A_108 = tpu.memref_squeeze %dma_start3A_107 : memref<1x160x128xf32, #tpu.memory_space<vmem>> -> memref<160x128xf32, #tpu.memory_space<vmem>>
        %dma_start3A_109 = arith.constant 0 : i32
        %dma_start3A_110 = tpu.memref_slice %arg2[%mul3A_96, %dma_start3A_109] : memref<320000x128xf32, #tpu.memory_space<hbm>> -> memref<160x128xf32, #tpu.memory_space<hbm>>
        tpu.enqueue_dma source(%dma_start3A_110 : memref<160x128xf32, #tpu.memory_space<hbm>>) target(%dma_start3A_108 : memref<160x128xf32, #tpu.memory_space<vmem>>) target_semaphore(%dma_start3A_104 : memref<!tpu.dma_semaphore, #tpu.memory_space<semaphore_mem>>)
        %add3A_111 = arith.constant 0 : i32
        %add3A_112 = arith.constant 1 : i32
        %add3A_113 = arith.addi %add3A_111, %add3A_112 : i32
        %select_n3A_114 = arith.constant true
        %select_n3A_115 = arith.constant 0 : i32
        %select_n3A_116 = arith.select %select_n3A_114, %add3A_113, %select_n3A_115 : i32
        %while3A = arith.constant 0 : i32
        %while3A_117 = arith.constant 0 : i32
        %while3A_118 = arith.constant 0 : i32
        %while3A_119 = arith.constant 0 : i32
        "tpu.trace_stop"() : () -> ()
        %while3A_120 = arith.subi %mul3A_18, %while3A : i32
        %while3A_121 = arith.addi %while3A, %while3A_120 : i32
        %while3A_122 = arith.constant 1 : i32
        %while3A_123 = arith.divsi %while3A_120, %while3A_122 : i32
        %while3A_124 = arith.muli %while3A_123, %while3A_122 : i32
        %while3A_125 = arith.addi %while3A, %while3A_124 : i32
        %while3A_126 = arith.constant 1 : i32
        %while3A_127:5 = scf.for %while3A_181 = %while3A to %while3A_125 step %while3A_126 iter_args(%while3A_182 = %select_n3A_91, %while3A_183 = %while3A_117, %while3A_184 = %select_n3A_116, %while3A_185 = %while3A_118, %while3A_186 = %while3A_119) -> (i32, i32, i32, i32, i32)  : i32 {
          %mul3A_187 = arith.constant 1 : i32
          %mul3A_188 = arith.muli %mul3A_187, %select_n3A : i32
          %eq3A_189 = arith.constant 0 : i32
          %eq3A_190 = arith.cmpi eq, %while3A_181, %eq3A_189 : i32
          %sub3A_191 = arith.constant 1 : i32
          %sub3A_192 = arith.subi %mul3A_188, %sub3A_191 : i32
          %eq3A_193 = arith.cmpi eq, %while3A_181, %sub3A_192 : i32
          %add3A_194 = arith.addi %while3A_186, %select_n3A_16 : i32
          %sub3A_195 = arith.constant 1 : i32
          %sub3A_196 = arith.subi %while3A_186, %sub3A_195 : i32
          %select_n3A_197 = arith.constant true
          %select_n3A_198 = arith.select %select_n3A_197, %sub3A_196, %while3A_186 : i32
          %eq3A_199 = arith.constant -1 : i32
          %eq3A_200 = arith.cmpi eq, %select_n3A_198, %eq3A_199 : i32
          %sub3A_201 = arith.constant 1 : i32
          %sub3A_202 = arith.subi %select_n3A, %sub3A_201 : i32
          %select_n3A_203 = arith.select %eq3A_200, %sub3A_202, %select_n3A_198 : i32
          %add3A_204 = arith.addi %select_n3A_203, %select_n3A_16 : i32
          %add3A_205 = arith.constant 1 : i32
          %add3A_206 = arith.addi %while3A_186, %add3A_205 : i32
          %select_n3A_207 = arith.constant true
          %select_n3A_208 = arith.select %select_n3A_207, %add3A_206, %while3A_186 : i32
          %eq3A_209 = arith.cmpi eq, %select_n3A_208, %select_n3A : i32
          %select_n3A_210 = arith.constant 0 : i32
          %select_n3A_211 = arith.select %eq3A_209, %select_n3A_210, %select_n3A_208 : i32
          %add3A_212 = arith.addi %select_n3A_211, %select_n3A_16 : i32
          %add3A_213 = arith.constant 1 : i32
          %add3A_214 = arith.addi %select_n3A_211, %add3A_213 : i32
          %select_n3A_215 = arith.constant true
          %select_n3A_216 = arith.select %select_n3A_215, %add3A_214, %select_n3A_211 : i32
          %eq3A_217 = arith.cmpi eq, %select_n3A_216, %select_n3A : i32
          %select_n3A_218 = arith.constant 0 : i32
          %select_n3A_219 = arith.select %eq3A_217, %select_n3A_218, %select_n3A_216 : i32
          %add3A_220 = arith.addi %select_n3A_219, %select_n3A_16 : i32
          %ne3A = arith.cmpi ne, %add3A_194, %add3A_212 : i32
          %or3A = arith.constant false
          %or3A_221 = arith.ori %or3A, %ne3A : i1
          %or3A_222 = arith.constant false
          %or3A_223 = arith.ori %or3A_221, %or3A_222 : i1
          %or3A_224 = arith.constant false
          %or3A_225 = arith.ori %or3A_223, %or3A_224 : i1
          %sub3A_226 = arith.constant 2 : i32
          %sub3A_227 = arith.subi %mul3A_188, %sub3A_226 : i32
          %add3A_228 = arith.constant 1 : i32
          %add3A_229 = arith.addi %sub3A_227, %add3A_228 : i32
          %ge3A = arith.cmpi sge, %while3A_181, %add3A_229 : i32
          %not3A = arith.constant true
          %not3A_230 = arith.xori %ge3A, %not3A : i1
          %and3A = arith.andi %or3A_225, %not3A_230 : i1
          %convert_element_type3A_231 = arith.extui %and3A : i1 to i32
          %cond3A_232 = arith.constant 0 : i32
          %cond3A_233 = arith.cmpi ne, %convert_element_type3A_231, %cond3A_232 : i32
          scf.if %cond3A_233 {
            "tpu.trace_start"() <{level = 10 : i32, message = "ep_copy_in"}> : () -> ()
            %rem3A_365 = arith.constant 2 : i32
            %rem3A_366 = arith.remui %while3A_182, %rem3A_365 : i32
            %mul3A_367 = arith.constant 1 : i32
            %mul3A_368 = arith.muli %mul3A_367, %add3A_212 : i32
            %dma_start3A_369 = arith.constant 0 : i32
            %dma_start3A_370 = arith.constant 0 : i32
            %dma_start3A_371 = arith.constant 0 : i32
            %dma_start3A_372 = tpu.memref_slice %run_scoped3A[%rem3A_366, %dma_start3A_369, %dma_start3A_370, %dma_start3A_371] : memref<2x1x1x160xi32, #tpu.memory_space<vmem>> -> memref<1x1x1x160xi32, #tpu.memory_space<vmem>>
            %dma_start3A_373 = tpu.memref_squeeze %dma_start3A_372 : memref<1x1x1x160xi32, #tpu.memory_space<vmem>> -> memref<1x1x160xi32, #tpu.memory_space<vmem>>
            %dma_start3A_374 = arith.constant 0 : i32
            %dma_start3A_375 = arith.constant 0 : i32
            %dma_start3A_376 = tpu.memref_slice %arg3[%mul3A_368, %dma_start3A_374, %dma_start3A_375] : memref<2000x1x160xi32, #tpu.memory_space<hbm>> -> memref<1x1x160xi32, #tpu.memory_space<hbm>>
            %dma_start3A_377 = tpu.memref_slice %run_scoped3A_25[%rem3A_366] : memref<2x!tpu.dma_semaphore, #tpu.memory_space<semaphore_mem>> -> memref<1x!tpu.dma_semaphore, #tpu.memory_space<semaphore_mem>>
            %dma_start3A_378 = tpu.memref_squeeze %dma_start3A_377 : memref<1x!tpu.dma_semaphore, #tpu.memory_space<semaphore_mem>> -> memref<!tpu.dma_semaphore, #tpu.memory_space<semaphore_mem>>
            %dma_start3A_379 = arith.constant 0 : i32
            %dma_start3A_380 = arith.constant 0 : i32
            %dma_start3A_381 = arith.constant 0 : i32
            %dma_start3A_382 = tpu.memref_slice %run_scoped3A[%rem3A_366, %dma_start3A_379, %dma_start3A_380, %dma_start3A_381] : memref<2x1x1x160xi32, #tpu.memory_space<vmem>> -> memref<1x1x1x160xi32, #tpu.memory_space<vmem>>
            %dma_start3A_383 = tpu.memref_squeeze %dma_start3A_382 : memref<1x1x1x160xi32, #tpu.memory_space<vmem>> -> memref<1x1x160xi32, #tpu.memory_space<vmem>>
            %dma_start3A_384 = arith.constant 0 : i32
            %dma_start3A_385 = arith.constant 0 : i32
            %dma_start3A_386 = tpu.memref_slice %arg3[%mul3A_368, %dma_start3A_384, %dma_start3A_385] : memref<2000x1x160xi32, #tpu.memory_space<hbm>> -> memref<1x1x160xi32, #tpu.memory_space<hbm>>
            tpu.enqueue_dma source(%dma_start3A_386 : memref<1x1x160xi32, #tpu.memory_space<hbm>>) target(%dma_start3A_383 : memref<1x1x160xi32, #tpu.memory_space<vmem>>) target_semaphore(%dma_start3A_378 : memref<!tpu.dma_semaphore, #tpu.memory_space<semaphore_mem>>)
            "tpu.trace_stop"() : () -> ()
          } else {
          }
          %and3A_234 = arith.constant true
          %and3A_235 = arith.andi %and3A, %and3A_234 : i1
          %add3A_236 = arith.constant 1 : i32
          %add3A_237 = arith.addi %while3A_182, %add3A_236 : i32
          %select_n3A_238 = arith.select %and3A_235, %add3A_237, %while3A_182 : i32
          %ne3A_239 = arith.cmpi ne, %add3A_194, %add3A_212 : i32
          %or3A_240 = arith.constant false
          %or3A_241 = arith.ori %or3A_240, %ne3A_239 : i1
          %or3A_242 = arith.constant false
          %or3A_243 = arith.ori %or3A_241, %or3A_242 : i1
          %sub3A_244 = arith.constant 2 : i32
          %sub3A_245 = arith.subi %mul3A_188, %sub3A_244 : i32
          %add3A_246 = arith.constant 1 : i32
          %add3A_247 = arith.addi %sub3A_245, %add3A_246 : i32
          %ge3A_248 = arith.cmpi sge, %while3A_181, %add3A_247 : i32
          %not3A_249 = arith.constant true
          %not3A_250 = arith.xori %ge3A_248, %not3A_249 : i1
          %and3A_251 = arith.andi %or3A_243, %not3A_250 : i1
          %convert_element_type3A_252 = arith.extui %and3A_251 : i1 to i32
          %cond3A_253 = arith.constant 0 : i32
          %cond3A_254 = arith.cmpi ne, %convert_element_type3A_252, %cond3A_253 : i32
          scf.if %cond3A_254 {
            "tpu.trace_start"() <{level = 10 : i32, message = "ep_copy_in"}> : () -> ()
            %rem3A_365 = arith.constant 2 : i32
            %rem3A_366 = arith.remui %while3A_184, %rem3A_365 : i32
            %mul3A_367 = arith.constant 160 : i32
            %mul3A_368 = arith.muli %mul3A_367, %add3A_212 : i32
            %dma_start3A_369 = arith.constant 0 : i32
            %dma_start3A_370 = arith.constant 0 : i32
            %dma_start3A_371 = tpu.memref_slice %run_scoped3A_26[%rem3A_366, %dma_start3A_369, %dma_start3A_370] : memref<2x160x128xf32, #tpu.memory_space<vmem>> -> memref<1x160x128xf32, #tpu.memory_space<vmem>>
            %dma_start3A_372 = tpu.memref_squeeze %dma_start3A_371 : memref<1x160x128xf32, #tpu.memory_space<vmem>> -> memref<160x128xf32, #tpu.memory_space<vmem>>
            %dma_start3A_373 = arith.constant 0 : i32
            %dma_start3A_374 = tpu.memref_slice %arg2[%mul3A_368, %dma_start3A_373] : memref<320000x128xf32, #tpu.memory_space<hbm>> -> memref<160x128xf32, #tpu.memory_space<hbm>>
            %dma_start3A_375 = tpu.memref_slice %run_scoped3A_27[%rem3A_366] : memref<2x!tpu.dma_semaphore, #tpu.memory_space<semaphore_mem>> -> memref<1x!tpu.dma_semaphore, #tpu.memory_space<semaphore_mem>>
            %dma_start3A_376 = tpu.memref_squeeze %dma_start3A_375 : memref<1x!tpu.dma_semaphore, #tpu.memory_space<semaphore_mem>> -> memref<!tpu.dma_semaphore, #tpu.memory_space<semaphore_mem>>
            %dma_start3A_377 = arith.constant 0 : i32
            %dma_start3A_378 = arith.constant 0 : i32
            %dma_start3A_379 = tpu.memref_slice %run_scoped3A_26[%rem3A_366, %dma_start3A_377, %dma_start3A_378] : memref<2x160x128xf32, #tpu.memory_space<vmem>> -> memref<1x160x128xf32, #tpu.memory_space<vmem>>
            %dma_start3A_380 = tpu.memref_squeeze %dma_start3A_379 : memref<1x160x128xf32, #tpu.memory_space<vmem>> -> memref<160x128xf32, #tpu.memory_space<vmem>>
            %dma_start3A_381 = arith.constant 0 : i32
            %dma_start3A_382 = tpu.memref_slice %arg2[%mul3A_368, %dma_start3A_381] : memref<320000x128xf32, #tpu.memory_space<hbm>> -> memref<160x128xf32, #tpu.memory_space<hbm>>
            tpu.enqueue_dma source(%dma_start3A_382 : memref<160x128xf32, #tpu.memory_space<hbm>>) target(%dma_start3A_380 : memref<160x128xf32, #tpu.memory_space<vmem>>) target_semaphore(%dma_start3A_376 : memref<!tpu.dma_semaphore, #tpu.memory_space<semaphore_mem>>)
            "tpu.trace_stop"() : () -> ()
          } else {
          }
          %and3A_255 = arith.constant true
          %and3A_256 = arith.andi %and3A_251, %and3A_255 : i1
          %add3A_257 = arith.constant 1 : i32
          %add3A_258 = arith.addi %while3A_184, %add3A_257 : i32
          %select_n3A_259 = arith.select %and3A_256, %add3A_258, %while3A_184 : i32
          %ne3A_260 = arith.cmpi ne, %add3A_194, %add3A_204 : i32
          %or3A_261 = arith.constant false
          %or3A_262 = arith.ori %or3A_261, %ne3A_260 : i1
          %or3A_263 = arith.constant false
          %or3A_264 = arith.ori %or3A_262, %or3A_263 : i1
          %or3A_265 = arith.constant false
          %or3A_266 = arith.ori %or3A_264, %or3A_265 : i1
          %or3A_267 = arith.ori %or3A_266, %eq3A_190 : i1
          %convert_element_type3A_268 = arith.extui %or3A_267 : i1 to i32
          %cond3A_269 = arith.constant 0 : i32
          %cond3A_270 = arith.cmpi ne, %convert_element_type3A_268, %cond3A_269 : i32
          scf.if %cond3A_270 {
            "tpu.trace_start"() <{level = 10 : i32, message = "ep_wait_in"}> : () -> ()
            %mul3A_365 = arith.constant 1 : i32
            %mul3A_366 = arith.muli %mul3A_365, %add3A_194 : i32
            %rem3A_367 = arith.constant 2 : i32
            %rem3A_368 = arith.remui %while3A_183, %rem3A_367 : i32
            %dma_wait3A = arith.constant 0 : i32
            %dma_wait3A_369 = arith.constant 0 : i32
            %dma_wait3A_370 = arith.constant 0 : i32
            %dma_wait3A_371 = tpu.memref_slice %run_scoped3A[%rem3A_368, %dma_wait3A, %dma_wait3A_369, %dma_wait3A_370] : memref<2x1x1x160xi32, #tpu.memory_space<vmem>> -> memref<1x1x1x160xi32, #tpu.memory_space<vmem>>
            %dma_wait3A_372 = tpu.memref_squeeze %dma_wait3A_371 : memref<1x1x1x160xi32, #tpu.memory_space<vmem>> -> memref<1x1x160xi32, #tpu.memory_space<vmem>>
            %dma_wait3A_373 = arith.constant 0 : i32
            %dma_wait3A_374 = arith.constant 0 : i32
            %dma_wait3A_375 = tpu.memref_slice %arg3[%mul3A_366, %dma_wait3A_373, %dma_wait3A_374] : memref<2000x1x160xi32, #tpu.memory_space<hbm>> -> memref<1x1x160xi32, #tpu.memory_space<hbm>>
            %dma_wait3A_376 = tpu.memref_slice %run_scoped3A_25[%rem3A_368] : memref<2x!tpu.dma_semaphore, #tpu.memory_space<semaphore_mem>> -> memref<1x!tpu.dma_semaphore, #tpu.memory_space<semaphore_mem>>
            %dma_wait3A_377 = tpu.memref_squeeze %dma_wait3A_376 : memref<1x!tpu.dma_semaphore, #tpu.memory_space<semaphore_mem>> -> memref<!tpu.dma_semaphore, #tpu.memory_space<semaphore_mem>>
            %dma_wait3A_378 = arith.constant 0 : i32
            %dma_wait3A_379 = arith.constant 0 : i32
            %dma_wait3A_380 = arith.constant 0 : i32
            %dma_wait3A_381 = tpu.memref_slice %run_scoped3A[%rem3A_368, %dma_wait3A_378, %dma_wait3A_379, %dma_wait3A_380] : memref<2x1x1x160xi32, #tpu.memory_space<vmem>> -> memref<1x1x1x160xi32, #tpu.memory_space<vmem>>
            %dma_wait3A_382 = tpu.memref_squeeze %dma_wait3A_381 : memref<1x1x1x160xi32, #tpu.memory_space<vmem>> -> memref<1x1x160xi32, #tpu.memory_space<vmem>>
            %dma_wait3A_383 = arith.constant 0 : i32
            %dma_wait3A_384 = arith.constant 0 : i32
            %dma_wait3A_385 = tpu.memref_slice %arg3[%mul3A_366, %dma_wait3A_383, %dma_wait3A_384] : memref<2000x1x160xi32, #tpu.memory_space<hbm>> -> memref<1x1x160xi32, #tpu.memory_space<hbm>>
            tpu.wait_dma2 semaphore(%dma_wait3A_377 : memref<!tpu.dma_semaphore, #tpu.memory_space<semaphore_mem>>) src(%dma_wait3A_385 : memref<1x1x160xi32, #tpu.memory_space<hbm>>) dst(%dma_wait3A_382 : memref<1x1x160xi32, #tpu.memory_space<vmem>>)
            "tpu.trace_stop"() : () -> ()
          } else {
          }
          %ne3A_271 = arith.cmpi ne, %add3A_194, %add3A_204 : i32
          %or3A_272 = arith.constant false
          %or3A_273 = arith.ori %or3A_272, %ne3A_271 : i1
          %or3A_274 = arith.constant false
          %or3A_275 = arith.ori %or3A_273, %or3A_274 : i1
          %or3A_276 = arith.ori %or3A_275, %eq3A_190 : i1
          %convert_element_type3A_277 = arith.extui %or3A_276 : i1 to i32
          %cond3A_278 = arith.constant 0 : i32
          %cond3A_279 = arith.cmpi ne, %convert_element_type3A_277, %cond3A_278 : i32
          scf.if %cond3A_279 {
            "tpu.trace_start"() <{level = 10 : i32, message = "ep_wait_in"}> : () -> ()
            %mul3A_365 = arith.constant 160 : i32
            %mul3A_366 = arith.muli %mul3A_365, %add3A_194 : i32
            %rem3A_367 = arith.constant 2 : i32
            %rem3A_368 = arith.remui %while3A_185, %rem3A_367 : i32
            %dma_wait3A = arith.constant 0 : i32
            %dma_wait3A_369 = arith.constant 0 : i32
            %dma_wait3A_370 = tpu.memref_slice %run_scoped3A_26[%rem3A_368, %dma_wait3A, %dma_wait3A_369] : memref<2x160x128xf32, #tpu.memory_space<vmem>> -> memref<1x160x128xf32, #tpu.memory_space<vmem>>
            %dma_wait3A_371 = tpu.memref_squeeze %dma_wait3A_370 : memref<1x160x128xf32, #tpu.memory_space<vmem>> -> memref<160x128xf32, #tpu.memory_space<vmem>>
            %dma_wait3A_372 = arith.constant 0 : i32
            %dma_wait3A_373 = tpu.memref_slice %arg2[%mul3A_366, %dma_wait3A_372] : memref<320000x128xf32, #tpu.memory_space<hbm>> -> memref<160x128xf32, #tpu.memory_space<hbm>>
            %dma_wait3A_374 = tpu.memref_slice %run_scoped3A_27[%rem3A_368] : memref<2x!tpu.dma_semaphore, #tpu.memory_space<semaphore_mem>> -> memref<1x!tpu.dma_semaphore, #tpu.memory_space<semaphore_mem>>
            %dma_wait3A_375 = tpu.memref_squeeze %dma_wait3A_374 : memref<1x!tpu.dma_semaphore, #tpu.memory_space<semaphore_mem>> -> memref<!tpu.dma_semaphore, #tpu.memory_space<semaphore_mem>>
            %dma_wait3A_376 = arith.constant 0 : i32
            %dma_wait3A_377 = arith.constant 0 : i32
            %dma_wait3A_378 = tpu.memref_slice %run_scoped3A_26[%rem3A_368, %dma_wait3A_376, %dma_wait3A_377] : memref<2x160x128xf32, #tpu.memory_space<vmem>> -> memref<1x160x128xf32, #tpu.memory_space<vmem>>
            %dma_wait3A_379 = tpu.memref_squeeze %dma_wait3A_378 : memref<1x160x128xf32, #tpu.memory_space<vmem>> -> memref<160x128xf32, #tpu.memory_space<vmem>>
            %dma_wait3A_380 = arith.constant 0 : i32
            %dma_wait3A_381 = tpu.memref_slice %arg2[%mul3A_366, %dma_wait3A_380] : memref<320000x128xf32, #tpu.memory_space<hbm>> -> memref<160x128xf32, #tpu.memory_space<hbm>>
            tpu.wait_dma2 semaphore(%dma_wait3A_375 : memref<!tpu.dma_semaphore, #tpu.memory_space<semaphore_mem>>) src(%dma_wait3A_381 : memref<160x128xf32, #tpu.memory_space<hbm>>) dst(%dma_wait3A_379 : memref<160x128xf32, #tpu.memory_space<vmem>>)
            "tpu.trace_stop"() : () -> ()
          } else {
          }
          %rem3A_280 = arith.constant 2 : i32
          %rem3A_281 = arith.remui %while3A_183, %rem3A_280 : i32
          %rem3A_282 = arith.constant 2 : i32
          %rem3A_283 = arith.remui %while3A_185, %rem3A_282 : i32
          %run_scoped3A_284 = arith.constant 0 : i32
          %run_scoped3A_285 = arith.constant 0 : i32
          "tpu.trace_start"() <{level = 10 : i32, message = "ep_run_kernel"}> : () -> ()
          "tpu.region"() ({
            %run_scoped3A_365 = tpu.sem_alloc : memref<!tpu.dma_semaphore, #tpu.memory_space<semaphore_mem>>
            %dma_start3A_366 = arith.constant 0 : i32
            %dma_start3A_367 = arith.constant 0 : i32
            %dma_start3A_368 = tpu.memref_slice %run_scoped3A_26[%rem3A_283, %dma_start3A_366, %dma_start3A_367] : memref<2x160x128xf32, #tpu.memory_space<vmem>> -> memref<1x160x128xf32, #tpu.memory_space<vmem>>
            %dma_start3A_369 = tpu.memref_squeeze %dma_start3A_368 : memref<1x160x128xf32, #tpu.memory_space<vmem>> -> memref<160x128xf32, #tpu.memory_space<vmem>>
            %dma_start3A_370 = arith.constant 0 : i32
            %dma_start3A_371 = arith.constant 0 : i32
            %dma_start3A_372 = arith.constant 0 : i32
            %dma_start3A_373 = tpu.memref_slice %run_scoped3A[%rem3A_281, %dma_start3A_370, %dma_start3A_371, %dma_start3A_372] : memref<2x1x1x160xi32, #tpu.memory_space<vmem>> -> memref<1x1x1x160xi32, #tpu.memory_space<vmem>>
            %dma_start3A_374 = tpu.memref_squeeze %dma_start3A_373 : memref<1x1x1x160xi32, #tpu.memory_space<vmem>> -> memref<1x1x160xi32, #tpu.memory_space<vmem>>
            %dma_start3A_375 = arith.constant 0 : i32
            %dma_start3A_376 = tpu.memref_slice %dma_start3A_374[%run_scoped3A_284, %run_scoped3A_285, %dma_start3A_375] : memref<1x1x160xi32, #tpu.memory_space<vmem>> -> memref<1x1x160xi32, #tpu.memory_space<vmem>>
            %dma_start3A_377 = tpu.memref_squeeze %dma_start3A_376 : memref<1x1x160xi32, #tpu.memory_space<vmem>> -> memref<160xi32, #tpu.memory_space<vmem>>
            %dma_start3A_378 = arith.constant 0 : i32
            %dma_start3A_379 = arith.constant 0 : i32
            %dma_start3A_380 = tpu.memref_slice %arg6[%dma_start3A_378, %dma_start3A_379] : memref<10000x128xf32, #tpu.memory_space<vmem_shared>> -> memref<10000x128xf32, #tpu.memory_space<vmem_shared>>
            tpu.enqueue_indirect_dma source(%dma_start3A_369 : memref<160x128xf32, #tpu.memory_space<vmem>>) target(%dma_start3A_380 : memref<10000x128xf32, #tpu.memory_space<vmem_shared>>) offsets(%dma_start3A_377 : memref<160xi32, #tpu.memory_space<vmem>>) semaphore(%run_scoped3A_365 : memref<!tpu.dma_semaphore, #tpu.memory_space<semaphore_mem>>) {add = true}
            %dma_wait3A = arith.constant 0 : i32
            %dma_wait3A_381 = arith.constant 0 : i32
            %dma_wait3A_382 = tpu.memref_slice %run_scoped3A_26[%rem3A_283, %dma_wait3A, %dma_wait3A_381] : memref<2x160x128xf32, #tpu.memory_space<vmem>> -> memref<1x160x128xf32, #tpu.memory_space<vmem>>
            %dma_wait3A_383 = tpu.memref_squeeze %dma_wait3A_382 : memref<1x160x128xf32, #tpu.memory_space<vmem>> -> memref<160x128xf32, #tpu.memory_space<vmem>>
            %dma_wait3A_384 = arith.constant 0 : i32
            %dma_wait3A_385 = arith.constant 0 : i32
            %dma_wait3A_386 = arith.constant 0 : i32
            %dma_wait3A_387 = tpu.memref_slice %run_scoped3A[%rem3A_281, %dma_wait3A_384, %dma_wait3A_385, %dma_wait3A_386] : memref<2x1x1x160xi32, #tpu.memory_space<vmem>> -> memref<1x1x1x160xi32, #tpu.memory_space<vmem>>
            %dma_wait3A_388 = tpu.memref_squeeze %dma_wait3A_387 : memref<1x1x1x160xi32, #tpu.memory_space<vmem>> -> memref<1x1x160xi32, #tpu.memory_space<vmem>>
            %dma_wait3A_389 = arith.constant 0 : i32
            %dma_wait3A_390 = tpu.memref_slice %dma_wait3A_388[%run_scoped3A_284, %run_scoped3A_285, %dma_wait3A_389] : memref<1x1x160xi32, #tpu.memory_space<vmem>> -> memref<1x1x160xi32, #tpu.memory_space<vmem>>
            %dma_wait3A_391 = tpu.memref_squeeze %dma_wait3A_390 : memref<1x1x160xi32, #tpu.memory_space<vmem>> -> memref<160xi32, #tpu.memory_space<vmem>>
            %dma_wait3A_392 = arith.constant 0 : i32
            %dma_wait3A_393 = arith.constant 0 : i32
            %dma_wait3A_394 = tpu.memref_slice %arg6[%dma_wait3A_392, %dma_wait3A_393] : memref<10000x128xf32, #tpu.memory_space<vmem_shared>> -> memref<10000x128xf32, #tpu.memory_space<vmem_shared>>
            tpu.wait_indirect_dma semaphore(%run_scoped3A_365 : memref<!tpu.dma_semaphore, #tpu.memory_space<semaphore_mem>>) src(%dma_wait3A_383 : memref<160x128xf32, #tpu.memory_space<vmem>>) dst(%dma_wait3A_394 : memref<10000x128xf32, #tpu.memory_space<vmem_shared>>)
            tpu.yield
          }) : () -> ()
          "tpu.trace_stop"() : () -> ()
          %ne3A_286 = arith.cmpi ne, %add3A_194, %add3A_212 : i32
          %or3A_287 = arith.constant false
          %or3A_288 = arith.ori %or3A_287, %ne3A_286 : i1
          %or3A_289 = arith.constant false
          %or3A_290 = arith.ori %or3A_288, %or3A_289 : i1
          %or3A_291 = arith.constant false
          %or3A_292 = arith.ori %or3A_290, %or3A_291 : i1
          %or3A_293 = arith.ori %or3A_292, %eq3A_193 : i1
          %convert_element_type3A_294 = arith.extui %or3A_293 : i1 to i32
          %cond3A_295 = arith.constant 0 : i32
          %cond3A_296 = arith.cmpi ne, %convert_element_type3A_294, %cond3A_295 : i32
          scf.if %cond3A_296 {
          } else {
          }
          %and3A_297 = arith.constant false
          %and3A_298 = arith.andi %or3A_293, %and3A_297 : i1
          %ne3A_299 = arith.cmpi ne, %add3A_194, %add3A_212 : i32
          %or3A_300 = arith.constant false
          %or3A_301 = arith.ori %or3A_300, %ne3A_299 : i1
          %or3A_302 = arith.constant false
          %or3A_303 = arith.ori %or3A_301, %or3A_302 : i1
          %or3A_304 = arith.ori %or3A_303, %eq3A_193 : i1
          %convert_element_type3A_305 = arith.extui %or3A_304 : i1 to i32
          %cond3A_306 = arith.constant 0 : i32
          %cond3A_307 = arith.cmpi ne, %convert_element_type3A_305, %cond3A_306 : i32
          scf.if %cond3A_307 {
          } else {
          }
          %and3A_308 = arith.constant false
          %and3A_309 = arith.andi %or3A_304, %and3A_308 : i1
          %ne3A_310 = arith.cmpi ne, %add3A_194, %add3A_204 : i32
          %or3A_311 = arith.constant false
          %or3A_312 = arith.ori %or3A_311, %ne3A_310 : i1
          %or3A_313 = arith.constant false
          %or3A_314 = arith.ori %or3A_312, %or3A_313 : i1
          %or3A_315 = arith.constant false
          %or3A_316 = arith.ori %or3A_314, %or3A_315 : i1
          %not3A_317 = arith.constant true
          %not3A_318 = arith.xori %eq3A_190, %not3A_317 : i1
          %and3A_319 = arith.andi %or3A_316, %not3A_318 : i1
          %convert_element_type3A_320 = arith.extui %and3A_319 : i1 to i32
          %cond3A_321 = arith.constant 0 : i32
          %cond3A_322 = arith.cmpi ne, %convert_element_type3A_320, %cond3A_321 : i32
          scf.if %cond3A_322 {
          } else {
          }
          %and3A_323 = arith.constant false
          %and3A_324 = arith.andi %and3A_319, %and3A_323 : i1
          %ne3A_325 = arith.cmpi ne, %add3A_194, %add3A_204 : i32
          %or3A_326 = arith.constant false
          %or3A_327 = arith.ori %or3A_326, %ne3A_325 : i1
          %or3A_328 = arith.constant false
          %or3A_329 = arith.ori %or3A_327, %or3A_328 : i1
          %not3A_330 = arith.constant true
          %not3A_331 = arith.xori %eq3A_190, %not3A_330 : i1
          %and3A_332 = arith.andi %or3A_329, %not3A_331 : i1
          %convert_element_type3A_333 = arith.extui %and3A_332 : i1 to i32
          %cond3A_334 = arith.constant 0 : i32
          %cond3A_335 = arith.cmpi ne, %convert_element_type3A_333, %cond3A_334 : i32
          scf.if %cond3A_335 {
          } else {
          }
          %and3A_336 = arith.constant false
          %and3A_337 = arith.andi %and3A_332, %and3A_336 : i1
          %ne3A_338 = arith.cmpi ne, %add3A_194, %add3A_212 : i32
          %or3A_339 = arith.constant false
          %or3A_340 = arith.ori %or3A_339, %ne3A_338 : i1
          %or3A_341 = arith.constant false
          %or3A_342 = arith.ori %or3A_340, %or3A_341 : i1
          %or3A_343 = arith.constant false
          %or3A_344 = arith.ori %or3A_342, %or3A_343 : i1
          %or3A_345 = arith.ori %or3A_344, %eq3A_193 : i1
          %add3A_346 = arith.constant 1 : i32
          %add3A_347 = arith.addi %while3A_183, %add3A_346 : i32
          %select_n3A_348 = arith.select %or3A_345, %add3A_347, %while3A_183 : i32
          %ne3A_349 = arith.cmpi ne, %add3A_194, %add3A_212 : i32
          %or3A_350 = arith.constant false
          %or3A_351 = arith.ori %or3A_350, %ne3A_349 : i1
          %or3A_352 = arith.constant false
          %or3A_353 = arith.ori %or3A_351, %or3A_352 : i1
          %or3A_354 = arith.ori %or3A_353, %eq3A_193 : i1
          %add3A_355 = arith.constant 1 : i32
          %add3A_356 = arith.addi %while3A_185, %add3A_355 : i32
          %select_n3A_357 = arith.select %or3A_354, %add3A_356, %while3A_185 : i32
          %add3A_358 = arith.constant 1 : i32
          %add3A_359 = arith.addi %while3A_186, %add3A_358 : i32
          %select_n3A_360 = arith.constant true
          %select_n3A_361 = arith.select %select_n3A_360, %add3A_359, %while3A_186 : i32
          %eq3A_362 = arith.cmpi eq, %select_n3A_361, %select_n3A : i32
          %select_n3A_363 = arith.constant 0 : i32
          %select_n3A_364 = arith.select %eq3A_362, %select_n3A_363, %select_n3A_361 : i32
          scf.yield %select_n3A_238, %select_n3A_348, %select_n3A_259, %select_n3A_357, %select_n3A_364 : i32, i32, i32, i32, i32
        }
        %while3A_128 = arith.constant 1 : i32
        %while3A_129:5 = scf.for %while3A_181 = %while3A_125 to %while3A_121 step %while3A_128 iter_args(%while3A_182 = %while3A_127#0, %while3A_183 = %while3A_127#1, %while3A_184 = %while3A_127#2, %while3A_185 = %while3A_127#3, %while3A_186 = %while3A_127#4) -> (i32, i32, i32, i32, i32)  : i32 {
          %mul3A_187 = arith.constant 1 : i32
          %mul3A_188 = arith.muli %mul3A_187, %select_n3A : i32
          %eq3A_189 = arith.constant 0 : i32
          %eq3A_190 = arith.cmpi eq, %while3A_181, %eq3A_189 : i32
          %sub3A_191 = arith.constant 1 : i32
          %sub3A_192 = arith.subi %mul3A_188, %sub3A_191 : i32
          %eq3A_193 = arith.cmpi eq, %while3A_181, %sub3A_192 : i32
          %add3A_194 = arith.addi %while3A_186, %select_n3A_16 : i32
          %sub3A_195 = arith.constant 1 : i32
          %sub3A_196 = arith.subi %while3A_186, %sub3A_195 : i32
          %select_n3A_197 = arith.constant true
          %select_n3A_198 = arith.select %select_n3A_197, %sub3A_196, %while3A_186 : i32
          %eq3A_199 = arith.constant -1 : i32
          %eq3A_200 = arith.cmpi eq, %select_n3A_198, %eq3A_199 : i32
          %sub3A_201 = arith.constant 1 : i32
          %sub3A_202 = arith.subi %select_n3A, %sub3A_201 : i32
          %select_n3A_203 = arith.select %eq3A_200, %sub3A_202, %select_n3A_198 : i32
          %add3A_204 = arith.addi %select_n3A_203, %select_n3A_16 : i32
          %add3A_205 = arith.constant 1 : i32
          %add3A_206 = arith.addi %while3A_186, %add3A_205 : i32
          %select_n3A_207 = arith.constant true
          %select_n3A_208 = arith.select %select_n3A_207, %add3A_206, %while3A_186 : i32
          %eq3A_209 = arith.cmpi eq, %select_n3A_208, %select_n3A : i32
          %select_n3A_210 = arith.constant 0 : i32
          %select_n3A_211 = arith.select %eq3A_209, %select_n3A_210, %select_n3A_208 : i32
          %add3A_212 = arith.addi %select_n3A_211, %select_n3A_16 : i32
          %add3A_213 = arith.constant 1 : i32
          %add3A_214 = arith.addi %select_n3A_211, %add3A_213 : i32
          %select_n3A_215 = arith.constant true
          %select_n3A_216 = arith.select %select_n3A_215, %add3A_214, %select_n3A_211 : i32
          %eq3A_217 = arith.cmpi eq, %select_n3A_216, %select_n3A : i32
          %select_n3A_218 = arith.constant 0 : i32
          %select_n3A_219 = arith.select %eq3A_217, %select_n3A_218, %select_n3A_216 : i32
          %add3A_220 = arith.addi %select_n3A_219, %select_n3A_16 : i32
          %ne3A = arith.cmpi ne, %add3A_194, %add3A_212 : i32
          %or3A = arith.constant false
          %or3A_221 = arith.ori %or3A, %ne3A : i1
          %or3A_222 = arith.constant false
          %or3A_223 = arith.ori %or3A_221, %or3A_222 : i1
          %or3A_224 = arith.constant false
          %or3A_225 = arith.ori %or3A_223, %or3A_224 : i1
          %sub3A_226 = arith.constant 2 : i32
          %sub3A_227 = arith.subi %mul3A_188, %sub3A_226 : i32
          %add3A_228 = arith.constant 1 : i32
          %add3A_229 = arith.addi %sub3A_227, %add3A_228 : i32
          %ge3A = arith.cmpi sge, %while3A_181, %add3A_229 : i32
          %not3A = arith.constant true
          %not3A_230 = arith.xori %ge3A, %not3A : i1
          %and3A = arith.andi %or3A_225, %not3A_230 : i1
          %convert_element_type3A_231 = arith.extui %and3A : i1 to i32
          %cond3A_232 = arith.constant 0 : i32
          %cond3A_233 = arith.cmpi ne, %convert_element_type3A_231, %cond3A_232 : i32
          scf.if %cond3A_233 {
            "tpu.trace_start"() <{level = 10 : i32, message = "ep_copy_in"}> : () -> ()
            %rem3A_365 = arith.constant 2 : i32
            %rem3A_366 = arith.remui %while3A_182, %rem3A_365 : i32
            %mul3A_367 = arith.constant 1 : i32
            %mul3A_368 = arith.muli %mul3A_367, %add3A_212 : i32
            %dma_start3A_369 = arith.constant 0 : i32
            %dma_start3A_370 = arith.constant 0 : i32
            %dma_start3A_371 = arith.constant 0 : i32
            %dma_start3A_372 = tpu.memref_slice %run_scoped3A[%rem3A_366, %dma_start3A_369, %dma_start3A_370, %dma_start3A_371] : memref<2x1x1x160xi32, #tpu.memory_space<vmem>> -> memref<1x1x1x160xi32, #tpu.memory_space<vmem>>
            %dma_start3A_373 = tpu.memref_squeeze %dma_start3A_372 : memref<1x1x1x160xi32, #tpu.memory_space<vmem>> -> memref<1x1x160xi32, #tpu.memory_space<vmem>>
            %dma_start3A_374 = arith.constant 0 : i32
            %dma_start3A_375 = arith.constant 0 : i32
            %dma_start3A_376 = tpu.memref_slice %arg3[%mul3A_368, %dma_start3A_374, %dma_start3A_375] : memref<2000x1x160xi32, #tpu.memory_space<hbm>> -> memref<1x1x160xi32, #tpu.memory_space<hbm>>
            %dma_start3A_377 = tpu.memref_slice %run_scoped3A_25[%rem3A_366] : memref<2x!tpu.dma_semaphore, #tpu.memory_space<semaphore_mem>> -> memref<1x!tpu.dma_semaphore, #tpu.memory_space<semaphore_mem>>
            %dma_start3A_378 = tpu.memref_squeeze %dma_start3A_377 : memref<1x!tpu.dma_semaphore, #tpu.memory_space<semaphore_mem>> -> memref<!tpu.dma_semaphore, #tpu.memory_space<semaphore_mem>>
            %dma_start3A_379 = arith.constant 0 : i32
            %dma_start3A_380 = arith.constant 0 : i32
            %dma_start3A_381 = arith.constant 0 : i32
            %dma_start3A_382 = tpu.memref_slice %run_scoped3A[%rem3A_366, %dma_start3A_379, %dma_start3A_380, %dma_start3A_381] : memref<2x1x1x160xi32, #tpu.memory_space<vmem>> -> memref<1x1x1x160xi32, #tpu.memory_space<vmem>>
            %dma_start3A_383 = tpu.memref_squeeze %dma_start3A_382 : memref<1x1x1x160xi32, #tpu.memory_space<vmem>> -> memref<1x1x160xi32, #tpu.memory_space<vmem>>
            %dma_start3A_384 = arith.constant 0 : i32
            %dma_start3A_385 = arith.constant 0 : i32
            %dma_start3A_386 = tpu.memref_slice %arg3[%mul3A_368, %dma_start3A_384, %dma_start3A_385] : memref<2000x1x160xi32, #tpu.memory_space<hbm>> -> memref<1x1x160xi32, #tpu.memory_space<hbm>>
            tpu.enqueue_dma source(%dma_start3A_386 : memref<1x1x160xi32, #tpu.memory_space<hbm>>) target(%dma_start3A_383 : memref<1x1x160xi32, #tpu.memory_space<vmem>>) target_semaphore(%dma_start3A_378 : memref<!tpu.dma_semaphore, #tpu.memory_space<semaphore_mem>>)
            "tpu.trace_stop"() : () -> ()
          } else {
          }
          %and3A_234 = arith.constant true
          %and3A_235 = arith.andi %and3A, %and3A_234 : i1
          %add3A_236 = arith.constant 1 : i32
          %add3A_237 = arith.addi %while3A_182, %add3A_236 : i32
          %select_n3A_238 = arith.select %and3A_235, %add3A_237, %while3A_182 : i32
          %ne3A_239 = arith.cmpi ne, %add3A_194, %add3A_212 : i32
          %or3A_240 = arith.constant false
          %or3A_241 = arith.ori %or3A_240, %ne3A_239 : i1
          %or3A_242 = arith.constant false
          %or3A_243 = arith.ori %or3A_241, %or3A_242 : i1
          %sub3A_244 = arith.constant 2 : i32
          %sub3A_245 = arith.subi %mul3A_188, %sub3A_244 : i32
          %add3A_246 = arith.constant 1 : i32
          %add3A_247 = arith.addi %sub3A_245, %add3A_246 : i32
          %ge3A_248 = arith.cmpi sge, %while3A_181, %add3A_247 : i32
          %not3A_249 = arith.constant true
          %not3A_250 = arith.xori %ge3A_248, %not3A_249 : i1
          %and3A_251 = arith.andi %or3A_243, %not3A_250 : i1
          %convert_element_type3A_252 = arith.extui %and3A_251 : i1 to i32
          %cond3A_253 = arith.constant 0 : i32
          %cond3A_254 = arith.cmpi ne, %convert_element_type3A_252, %cond3A_253 : i32
          scf.if %cond3A_254 {
            "tpu.trace_start"() <{level = 10 : i32, message = "ep_copy_in"}> : () -> ()
            %rem3A_365 = arith.constant 2 : i32
            %rem3A_366 = arith.remui %while3A_184, %rem3A_365 : i32
            %mul3A_367 = arith.constant 160 : i32
            %mul3A_368 = arith.muli %mul3A_367, %add3A_212 : i32
            %dma_start3A_369 = arith.constant 0 : i32
            %dma_start3A_370 = arith.constant 0 : i32
            %dma_start3A_371 = tpu.memref_slice %run_scoped3A_26[%rem3A_366, %dma_start3A_369, %dma_start3A_370] : memref<2x160x128xf32, #tpu.memory_space<vmem>> -> memref<1x160x128xf32, #tpu.memory_space<vmem>>
            %dma_start3A_372 = tpu.memref_squeeze %dma_start3A_371 : memref<1x160x128xf32, #tpu.memory_space<vmem>> -> memref<160x128xf32, #tpu.memory_space<vmem>>
            %dma_start3A_373 = arith.constant 0 : i32
            %dma_start3A_374 = tpu.memref_slice %arg2[%mul3A_368, %dma_start3A_373] : memref<320000x128xf32, #tpu.memory_space<hbm>> -> memref<160x128xf32, #tpu.memory_space<hbm>>
            %dma_start3A_375 = tpu.memref_slice %run_scoped3A_27[%rem3A_366] : memref<2x!tpu.dma_semaphore, #tpu.memory_space<semaphore_mem>> -> memref<1x!tpu.dma_semaphore, #tpu.memory_space<semaphore_mem>>
            %dma_start3A_376 = tpu.memref_squeeze %dma_start3A_375 : memref<1x!tpu.dma_semaphore, #tpu.memory_space<semaphore_mem>> -> memref<!tpu.dma_semaphore, #tpu.memory_space<semaphore_mem>>
            %dma_start3A_377 = arith.constant 0 : i32
            %dma_start3A_378 = arith.constant 0 : i32
            %dma_start3A_379 = tpu.memref_slice %run_scoped3A_26[%rem3A_366, %dma_start3A_377, %dma_start3A_378] : memref<2x160x128xf32, #tpu.memory_space<vmem>> -> memref<1x160x128xf32, #tpu.memory_space<vmem>>
            %dma_start3A_380 = tpu.memref_squeeze %dma_start3A_379 : memref<1x160x128xf32, #tpu.memory_space<vmem>> -> memref<160x128xf32, #tpu.memory_space<vmem>>
            %dma_start3A_381 = arith.constant 0 : i32
            %dma_start3A_382 = tpu.memref_slice %arg2[%mul3A_368, %dma_start3A_381] : memref<320000x128xf32, #tpu.memory_space<hbm>> -> memref<160x128xf32, #tpu.memory_space<hbm>>
            tpu.enqueue_dma source(%dma_start3A_382 : memref<160x128xf32, #tpu.memory_space<hbm>>) target(%dma_start3A_380 : memref<160x128xf32, #tpu.memory_space<vmem>>) target_semaphore(%dma_start3A_376 : memref<!tpu.dma_semaphore, #tpu.memory_space<semaphore_mem>>)
            "tpu.trace_stop"() : () -> ()
          } else {
          }
          %and3A_255 = arith.constant true
          %and3A_256 = arith.andi %and3A_251, %and3A_255 : i1
          %add3A_257 = arith.constant 1 : i32
          %add3A_258 = arith.addi %while3A_184, %add3A_257 : i32
          %select_n3A_259 = arith.select %and3A_256, %add3A_258, %while3A_184 : i32
          %ne3A_260 = arith.cmpi ne, %add3A_194, %add3A_204 : i32
          %or3A_261 = arith.constant false
          %or3A_262 = arith.ori %or3A_261, %ne3A_260 : i1
          %or3A_263 = arith.constant false
          %or3A_264 = arith.ori %or3A_262, %or3A_263 : i1
          %or3A_265 = arith.constant false
          %or3A_266 = arith.ori %or3A_264, %or3A_265 : i1
          %or3A_267 = arith.ori %or3A_266, %eq3A_190 : i1
          %convert_element_type3A_268 = arith.extui %or3A_267 : i1 to i32
          %cond3A_269 = arith.constant 0 : i32
          %cond3A_270 = arith.cmpi ne, %convert_element_type3A_268, %cond3A_269 : i32
          scf.if %cond3A_270 {
            "tpu.trace_start"() <{level = 10 : i32, message = "ep_wait_in"}> : () -> ()
            %mul3A_365 = arith.constant 1 : i32
            %mul3A_366 = arith.muli %mul3A_365, %add3A_194 : i32
            %rem3A_367 = arith.constant 2 : i32
            %rem3A_368 = arith.remui %while3A_183, %rem3A_367 : i32
            %dma_wait3A = arith.constant 0 : i32
            %dma_wait3A_369 = arith.constant 0 : i32
            %dma_wait3A_370 = arith.constant 0 : i32
            %dma_wait3A_371 = tpu.memref_slice %run_scoped3A[%rem3A_368, %dma_wait3A, %dma_wait3A_369, %dma_wait3A_370] : memref<2x1x1x160xi32, #tpu.memory_space<vmem>> -> memref<1x1x1x160xi32, #tpu.memory_space<vmem>>
            %dma_wait3A_372 = tpu.memref_squeeze %dma_wait3A_371 : memref<1x1x1x160xi32, #tpu.memory_space<vmem>> -> memref<1x1x160xi32, #tpu.memory_space<vmem>>
            %dma_wait3A_373 = arith.constant 0 : i32
            %dma_wait3A_374 = arith.constant 0 : i32
            %dma_wait3A_375 = tpu.memref_slice %arg3[%mul3A_366, %dma_wait3A_373, %dma_wait3A_374] : memref<2000x1x160xi32, #tpu.memory_space<hbm>> -> memref<1x1x160xi32, #tpu.memory_space<hbm>>
            %dma_wait3A_376 = tpu.memref_slice %run_scoped3A_25[%rem3A_368] : memref<2x!tpu.dma_semaphore, #tpu.memory_space<semaphore_mem>> -> memref<1x!tpu.dma_semaphore, #tpu.memory_space<semaphore_mem>>
            %dma_wait3A_377 = tpu.memref_squeeze %dma_wait3A_376 : memref<1x!tpu.dma_semaphore, #tpu.memory_space<semaphore_mem>> -> memref<!tpu.dma_semaphore, #tpu.memory_space<semaphore_mem>>
            %dma_wait3A_378 = arith.constant 0 : i32
            %dma_wait3A_379 = arith.constant 0 : i32
            %dma_wait3A_380 = arith.constant 0 : i32
            %dma_wait3A_381 = tpu.memref_slice %run_scoped3A[%rem3A_368, %dma_wait3A_378, %dma_wait3A_379, %dma_wait3A_380] : memref<2x1x1x160xi32, #tpu.memory_space<vmem>> -> memref<1x1x1x160xi32, #tpu.memory_space<vmem>>
            %dma_wait3A_382 = tpu.memref_squeeze %dma_wait3A_381 : memref<1x1x1x160xi32, #tpu.memory_space<vmem>> -> memref<1x1x160xi32, #tpu.memory_space<vmem>>
            %dma_wait3A_383 = arith.constant 0 : i32
            %dma_wait3A_384 = arith.constant 0 : i32
            %dma_wait3A_385 = tpu.memref_slice %arg3[%mul3A_366, %dma_wait3A_383, %dma_wait3A_384] : memref<2000x1x160xi32, #tpu.memory_space<hbm>> -> memref<1x1x160xi32, #tpu.memory_space<hbm>>
            tpu.wait_dma2 semaphore(%dma_wait3A_377 : memref<!tpu.dma_semaphore, #tpu.memory_space<semaphore_mem>>) src(%dma_wait3A_385 : memref<1x1x160xi32, #tpu.memory_space<hbm>>) dst(%dma_wait3A_382 : memref<1x1x160xi32, #tpu.memory_space<vmem>>)
            "tpu.trace_stop"() : () -> ()
          } else {
          }
          %ne3A_271 = arith.cmpi ne, %add3A_194, %add3A_204 : i32
          %or3A_272 = arith.constant false
          %or3A_273 = arith.ori %or3A_272, %ne3A_271 : i1
          %or3A_274 = arith.constant false
          %or3A_275 = arith.ori %or3A_273, %or3A_274 : i1
          %or3A_276 = arith.ori %or3A_275, %eq3A_190 : i1
          %convert_element_type3A_277 = arith.extui %or3A_276 : i1 to i32
          %cond3A_278 = arith.constant 0 : i32
          %cond3A_279 = arith.cmpi ne, %convert_element_type3A_277, %cond3A_278 : i32
          scf.if %cond3A_279 {
            "tpu.trace_start"() <{level = 10 : i32, message = "ep_wait_in"}> : () -> ()
            %mul3A_365 = arith.constant 160 : i32
            %mul3A_366 = arith.muli %mul3A_365, %add3A_194 : i32
            %rem3A_367 = arith.constant 2 : i32
            %rem3A_368 = arith.remui %while3A_185, %rem3A_367 : i32
            %dma_wait3A = arith.constant 0 : i32
            %dma_wait3A_369 = arith.constant 0 : i32
            %dma_wait3A_370 = tpu.memref_slice %run_scoped3A_26[%rem3A_368, %dma_wait3A, %dma_wait3A_369] : memref<2x160x128xf32, #tpu.memory_space<vmem>> -> memref<1x160x128xf32, #tpu.memory_space<vmem>>
            %dma_wait3A_371 = tpu.memref_squeeze %dma_wait3A_370 : memref<1x160x128xf32, #tpu.memory_space<vmem>> -> memref<160x128xf32, #tpu.memory_space<vmem>>
            %dma_wait3A_372 = arith.constant 0 : i32
            %dma_wait3A_373 = tpu.memref_slice %arg2[%mul3A_366, %dma_wait3A_372] : memref<320000x128xf32, #tpu.memory_space<hbm>> -> memref<160x128xf32, #tpu.memory_space<hbm>>
            %dma_wait3A_374 = tpu.memref_slice %run_scoped3A_27[%rem3A_368] : memref<2x!tpu.dma_semaphore, #tpu.memory_space<semaphore_mem>> -> memref<1x!tpu.dma_semaphore, #tpu.memory_space<semaphore_mem>>
            %dma_wait3A_375 = tpu.memref_squeeze %dma_wait3A_374 : memref<1x!tpu.dma_semaphore, #tpu.memory_space<semaphore_mem>> -> memref<!tpu.dma_semaphore, #tpu.memory_space<semaphore_mem>>
            %dma_wait3A_376 = arith.constant 0 : i32
            %dma_wait3A_377 = arith.constant 0 : i32
            %dma_wait3A_378 = tpu.memref_slice %run_scoped3A_26[%rem3A_368, %dma_wait3A_376, %dma_wait3A_377] : memref<2x160x128xf32, #tpu.memory_space<vmem>> -> memref<1x160x128xf32, #tpu.memory_space<vmem>>
            %dma_wait3A_379 = tpu.memref_squeeze %dma_wait3A_378 : memref<1x160x128xf32, #tpu.memory_space<vmem>> -> memref<160x128xf32, #tpu.memory_space<vmem>>
            %dma_wait3A_380 = arith.constant 0 : i32
            %dma_wait3A_381 = tpu.memref_slice %arg2[%mul3A_366, %dma_wait3A_380] : memref<320000x128xf32, #tpu.memory_space<hbm>> -> memref<160x128xf32, #tpu.memory_space<hbm>>
            tpu.wait_dma2 semaphore(%dma_wait3A_375 : memref<!tpu.dma_semaphore, #tpu.memory_space<semaphore_mem>>) src(%dma_wait3A_381 : memref<160x128xf32, #tpu.memory_space<hbm>>) dst(%dma_wait3A_379 : memref<160x128xf32, #tpu.memory_space<vmem>>)
            "tpu.trace_stop"() : () -> ()
          } else {
          }
          %rem3A_280 = arith.constant 2 : i32
          %rem3A_281 = arith.remui %while3A_183, %rem3A_280 : i32
          %rem3A_282 = arith.constant 2 : i32
          %rem3A_283 = arith.remui %while3A_185, %rem3A_282 : i32
          %run_scoped3A_284 = arith.constant 0 : i32
          %run_scoped3A_285 = arith.constant 0 : i32
          "tpu.trace_start"() <{level = 10 : i32, message = "ep_run_kernel"}> : () -> ()
          "tpu.region"() ({
            %run_scoped3A_365 = tpu.sem_alloc : memref<!tpu.dma_semaphore, #tpu.memory_space<semaphore_mem>>
            %dma_start3A_366 = arith.constant 0 : i32
            %dma_start3A_367 = arith.constant 0 : i32
            %dma_start3A_368 = tpu.memref_slice %run_scoped3A_26[%rem3A_283, %dma_start3A_366, %dma_start3A_367] : memref<2x160x128xf32, #tpu.memory_space<vmem>> -> memref<1x160x128xf32, #tpu.memory_space<vmem>>
            %dma_start3A_369 = tpu.memref_squeeze %dma_start3A_368 : memref<1x160x128xf32, #tpu.memory_space<vmem>> -> memref<160x128xf32, #tpu.memory_space<vmem>>
            %dma_start3A_370 = arith.constant 0 : i32
            %dma_start3A_371 = arith.constant 0 : i32
            %dma_start3A_372 = arith.constant 0 : i32
            %dma_start3A_373 = tpu.memref_slice %run_scoped3A[%rem3A_281, %dma_start3A_370, %dma_start3A_371, %dma_start3A_372] : memref<2x1x1x160xi32, #tpu.memory_space<vmem>> -> memref<1x1x1x160xi32, #tpu.memory_space<vmem>>
            %dma_start3A_374 = tpu.memref_squeeze %dma_start3A_373 : memref<1x1x1x160xi32, #tpu.memory_space<vmem>> -> memref<1x1x160xi32, #tpu.memory_space<vmem>>
            %dma_start3A_375 = arith.constant 0 : i32
            %dma_start3A_376 = tpu.memref_slice %dma_start3A_374[%run_scoped3A_284, %run_scoped3A_285, %dma_start3A_375] : memref<1x1x160xi32, #tpu.memory_space<vmem>> -> memref<1x1x160xi32, #tpu.memory_space<vmem>>
            %dma_start3A_377 = tpu.memref_squeeze %dma_start3A_376 : memref<1x1x160xi32, #tpu.memory_space<vmem>> -> memref<160xi32, #tpu.memory_space<vmem>>
            %dma_start3A_378 = arith.constant 0 : i32
            %dma_start3A_379 = arith.constant 0 : i32
            %dma_start3A_380 = tpu.memref_slice %arg6[%dma_start3A_378, %dma_start3A_379] : memref<10000x128xf32, #tpu.memory_space<vmem_shared>> -> memref<10000x128xf32, #tpu.memory_space<vmem_shared>>
            tpu.enqueue_indirect_dma source(%dma_start3A_369 : memref<160x128xf32, #tpu.memory_space<vmem>>) target(%dma_start3A_380 : memref<10000x128xf32, #tpu.memory_space<vmem_shared>>) offsets(%dma_start3A_377 : memref<160xi32, #tpu.memory_space<vmem>>) semaphore(%run_scoped3A_365 : memref<!tpu.dma_semaphore, #tpu.memory_space<semaphore_mem>>) {add = true}
            %dma_wait3A = arith.constant 0 : i32
            %dma_wait3A_381 = arith.constant 0 : i32
            %dma_wait3A_382 = tpu.memref_slice %run_scoped3A_26[%rem3A_283, %dma_wait3A, %dma_wait3A_381] : memref<2x160x128xf32, #tpu.memory_space<vmem>> -> memref<1x160x128xf32, #tpu.memory_space<vmem>>
            %dma_wait3A_383 = tpu.memref_squeeze %dma_wait3A_382 : memref<1x160x128xf32, #tpu.memory_space<vmem>> -> memref<160x128xf32, #tpu.memory_space<vmem>>
            %dma_wait3A_384 = arith.constant 0 : i32
            %dma_wait3A_385 = arith.constant 0 : i32
            %dma_wait3A_386 = arith.constant 0 : i32
            %dma_wait3A_387 = tpu.memref_slice %run_scoped3A[%rem3A_281, %dma_wait3A_384, %dma_wait3A_385, %dma_wait3A_386] : memref<2x1x1x160xi32, #tpu.memory_space<vmem>> -> memref<1x1x1x160xi32, #tpu.memory_space<vmem>>
            %dma_wait3A_388 = tpu.memref_squeeze %dma_wait3A_387 : memref<1x1x1x160xi32, #tpu.memory_space<vmem>> -> memref<1x1x160xi32, #tpu.memory_space<vmem>>
            %dma_wait3A_389 = arith.constant 0 : i32
            %dma_wait3A_390 = tpu.memref_slice %dma_wait3A_388[%run_scoped3A_284, %run_scoped3A_285, %dma_wait3A_389] : memref<1x1x160xi32, #tpu.memory_space<vmem>> -> memref<1x1x160xi32, #tpu.memory_space<vmem>>
            %dma_wait3A_391 = tpu.memref_squeeze %dma_wait3A_390 : memref<1x1x160xi32, #tpu.memory_space<vmem>> -> memref<160xi32, #tpu.memory_space<vmem>>
            %dma_wait3A_392 = arith.constant 0 : i32
            %dma_wait3A_393 = arith.constant 0 : i32
            %dma_wait3A_394 = tpu.memref_slice %arg6[%dma_wait3A_392, %dma_wait3A_393] : memref<10000x128xf32, #tpu.memory_space<vmem_shared>> -> memref<10000x128xf32, #tpu.memory_space<vmem_shared>>
            tpu.wait_indirect_dma semaphore(%run_scoped3A_365 : memref<!tpu.dma_semaphore, #tpu.memory_space<semaphore_mem>>) src(%dma_wait3A_383 : memref<160x128xf32, #tpu.memory_space<vmem>>) dst(%dma_wait3A_394 : memref<10000x128xf32, #tpu.memory_space<vmem_shared>>)
            tpu.yield
          }) : () -> ()
          "tpu.trace_stop"() : () -> ()
          %ne3A_286 = arith.cmpi ne, %add3A_194, %add3A_212 : i32
          %or3A_287 = arith.constant false
          %or3A_288 = arith.ori %or3A_287, %ne3A_286 : i1
          %or3A_289 = arith.constant false
          %or3A_290 = arith.ori %or3A_288, %or3A_289 : i1
          %or3A_291 = arith.constant false
          %or3A_292 = arith.ori %or3A_290, %or3A_291 : i1
          %or3A_293 = arith.ori %or3A_292, %eq3A_193 : i1
          %convert_element_type3A_294 = arith.extui %or3A_293 : i1 to i32
          %cond3A_295 = arith.constant 0 : i32
          %cond3A_296 = arith.cmpi ne, %convert_element_type3A_294, %cond3A_295 : i32
          scf.if %cond3A_296 {
          } else {
          }
          %and3A_297 = arith.constant false
          %and3A_298 = arith.andi %or3A_293, %and3A_297 : i1
          %ne3A_299 = arith.cmpi ne, %add3A_194, %add3A_212 : i32
          %or3A_300 = arith.constant false
          %or3A_301 = arith.ori %or3A_300, %ne3A_299 : i1
          %or3A_302 = arith.constant false
          %or3A_303 = arith.ori %or3A_301, %or3A_302 : i1
          %or3A_304 = arith.ori %or3A_303, %eq3A_193 : i1
          %convert_element_type3A_305 = arith.extui %or3A_304 : i1 to i32
          %cond3A_306 = arith.constant 0 : i32
          %cond3A_307 = arith.cmpi ne, %convert_element_type3A_305, %cond3A_306 : i32
          scf.if %cond3A_307 {
          } else {
          }
          %and3A_308 = arith.constant false
          %and3A_309 = arith.andi %or3A_304, %and3A_308 : i1
          %ne3A_310 = arith.cmpi ne, %add3A_194, %add3A_204 : i32
          %or3A_311 = arith.constant false
          %or3A_312 = arith.ori %or3A_311, %ne3A_310 : i1
          %or3A_313 = arith.constant false
          %or3A_314 = arith.ori %or3A_312, %or3A_313 : i1
          %or3A_315 = arith.constant false
          %or3A_316 = arith.ori %or3A_314, %or3A_315 : i1
          %not3A_317 = arith.constant true
          %not3A_318 = arith.xori %eq3A_190, %not3A_317 : i1
          %and3A_319 = arith.andi %or3A_316, %not3A_318 : i1
          %convert_element_type3A_320 = arith.extui %and3A_319 : i1 to i32
          %cond3A_321 = arith.constant 0 : i32
          %cond3A_322 = arith.cmpi ne, %convert_element_type3A_320, %cond3A_321 : i32
          scf.if %cond3A_322 {
          } else {
          }
          %and3A_323 = arith.constant false
          %and3A_324 = arith.andi %and3A_319, %and3A_323 : i1
          %ne3A_325 = arith.cmpi ne, %add3A_194, %add3A_204 : i32
          %or3A_326 = arith.constant false
          %or3A_327 = arith.ori %or3A_326, %ne3A_325 : i1
          %or3A_328 = arith.constant false
          %or3A_329 = arith.ori %or3A_327, %or3A_328 : i1
          %not3A_330 = arith.constant true
          %not3A_331 = arith.xori %eq3A_190, %not3A_330 : i1
          %and3A_332 = arith.andi %or3A_329, %not3A_331 : i1
          %convert_element_type3A_333 = arith.extui %and3A_332 : i1 to i32
          %cond3A_334 = arith.constant 0 : i32
          %cond3A_335 = arith.cmpi ne, %convert_element_type3A_333, %cond3A_334 : i32
          scf.if %cond3A_335 {
          } else {
          }
          %and3A_336 = arith.constant false
          %and3A_337 = arith.andi %and3A_332, %and3A_336 : i1
          %ne3A_338 = arith.cmpi ne, %add3A_194, %add3A_212 : i32
          %or3A_339 = arith.constant false
          %or3A_340 = arith.ori %or3A_339, %ne3A_338 : i1
          %or3A_341 = arith.constant false
          %or3A_342 = arith.ori %or3A_340, %or3A_341 : i1
          %or3A_343 = arith.constant false
          %or3A_344 = arith.ori %or3A_342, %or3A_343 : i1
          %or3A_345 = arith.ori %or3A_344, %eq3A_193 : i1
          %add3A_346 = arith.constant 1 : i32
          %add3A_347 = arith.addi %while3A_183, %add3A_346 : i32
          %select_n3A_348 = arith.select %or3A_345, %add3A_347, %while3A_183 : i32
          %ne3A_349 = arith.cmpi ne, %add3A_194, %add3A_212 : i32
          %or3A_350 = arith.constant false
          %or3A_351 = arith.ori %or3A_350, %ne3A_349 : i1
          %or3A_352 = arith.constant false
          %or3A_353 = arith.ori %or3A_351, %or3A_352 : i1
          %or3A_354 = arith.ori %or3A_353, %eq3A_193 : i1
          %add3A_355 = arith.constant 1 : i32
          %add3A_356 = arith.addi %while3A_185, %add3A_355 : i32
          %select_n3A_357 = arith.select %or3A_354, %add3A_356, %while3A_185 : i32
          %add3A_358 = arith.constant 1 : i32
          %add3A_359 = arith.addi %while3A_186, %add3A_358 : i32
          %select_n3A_360 = arith.constant true
          %select_n3A_361 = arith.select %select_n3A_360, %add3A_359, %while3A_186 : i32
          %eq3A_362 = arith.cmpi eq, %select_n3A_361, %select_n3A : i32
          %select_n3A_363 = arith.constant 0 : i32
          %select_n3A_364 = arith.select %eq3A_362, %select_n3A_363, %select_n3A_361 : i32
          scf.yield %select_n3A_238, %select_n3A_348, %select_n3A_259, %select_n3A_357, %select_n3A_364 : i32, i32, i32, i32, i32
        }
        %sub3A_130 = arith.constant 1 : i32
        %sub3A_131 = arith.subi %while3A_129#4, %sub3A_130 : i32
        %select_n3A_132 = arith.constant true
        %select_n3A_133 = arith.select %select_n3A_132, %sub3A_131, %while3A_129#4 : i32
        %eq3A_134 = arith.constant -1 : i32
        %eq3A_135 = arith.cmpi eq, %select_n3A_133, %eq3A_134 : i32
        %sub3A_136 = arith.constant 1 : i32
        %sub3A_137 = arith.subi %select_n3A, %sub3A_136 : i32
        %select_n3A_138 = arith.select %eq3A_135, %sub3A_137, %select_n3A_133 : i32
        %sub3A_139 = arith.constant 1 : i32
        %sub3A_140 = arith.subi %mul3A_18, %sub3A_139 : i32
        %mul3A_141 = arith.constant 1 : i32
        %mul3A_142 = arith.muli %mul3A_141, %select_n3A : i32
        %eq3A_143 = arith.constant 0 : i32
        %eq3A_144 = arith.cmpi eq, %sub3A_140, %eq3A_143 : i32
        %sub3A_145 = arith.constant 1 : i32
        %sub3A_146 = arith.subi %mul3A_142, %sub3A_145 : i32
        %eq3A_147 = arith.cmpi eq, %sub3A_140, %sub3A_146 : i32
        %add3A_148 = arith.addi %select_n3A_138, %select_n3A_16 : i32
        %sub3A_149 = arith.constant 1 : i32
        %sub3A_150 = arith.subi %select_n3A_138, %sub3A_149 : i32
        %select_n3A_151 = arith.constant true
        %select_n3A_152 = arith.select %select_n3A_151, %sub3A_150, %select_n3A_138 : i32
        %eq3A_153 = arith.constant -1 : i32
        %eq3A_154 = arith.cmpi eq, %select_n3A_152, %eq3A_153 : i32
        %sub3A_155 = arith.constant 1 : i32
        %sub3A_156 = arith.subi %select_n3A, %sub3A_155 : i32
        %select_n3A_157 = arith.select %eq3A_154, %sub3A_156, %select_n3A_152 : i32
        %add3A_158 = arith.addi %select_n3A_157, %select_n3A_16 : i32
        %add3A_159 = arith.constant 1 : i32
        %add3A_160 = arith.addi %select_n3A_138, %add3A_159 : i32
        %select_n3A_161 = arith.constant true
        %select_n3A_162 = arith.select %select_n3A_161, %add3A_160, %select_n3A_138 : i32
        %eq3A_163 = arith.cmpi eq, %select_n3A_162, %select_n3A : i32
        %select_n3A_164 = arith.constant 0 : i32
        %select_n3A_165 = arith.select %eq3A_163, %select_n3A_164, %select_n3A_162 : i32
        %add3A_166 = arith.addi %select_n3A_165, %select_n3A_16 : i32
        %add3A_167 = arith.constant 1 : i32
        %add3A_168 = arith.addi %select_n3A_165, %add3A_167 : i32
        %select_n3A_169 = arith.constant true
        %select_n3A_170 = arith.select %select_n3A_169, %add3A_168, %select_n3A_165 : i32
        %eq3A_171 = arith.cmpi eq, %select_n3A_170, %select_n3A : i32
        %select_n3A_172 = arith.constant 0 : i32
        %select_n3A_173 = arith.select %eq3A_171, %select_n3A_172, %select_n3A_170 : i32
        %add3A_174 = arith.addi %select_n3A_173, %select_n3A_16 : i32
        %convert_element_type3A_175 = arith.extui %eq3A_147 : i1 to i32
        %cond3A_176 = arith.constant 0 : i32
        %cond3A_177 = arith.cmpi ne, %convert_element_type3A_175, %cond3A_176 : i32
        scf.if %cond3A_177 {
        } else {
        }
        %convert_element_type3A_178 = arith.extui %eq3A_147 : i1 to i32
        %cond3A_179 = arith.constant 0 : i32
        %cond3A_180 = arith.cmpi ne, %convert_element_type3A_178, %cond3A_179 : i32
        scf.if %cond3A_180 {
        } else {
        }
      } else {
      }
      tpu.yield
    }) : () -> ()
    %barrier3A_19 = arith.constant 0 : index
    tpu.barrier barrier_id(%barrier3A_19)
    %eq3A_20 = arith.constant 0 : i32
    %eq3A_21 = arith.cmpi eq, %arg1, %eq3A_20 : i32
    %convert_element_type3A_22 = arith.extui %eq3A_21 : i1 to i32
    %cond3A_23 = arith.constant 0 : i32
    %cond3A_24 = arith.cmpi ne, %convert_element_type3A_22, %cond3A_23 : i32
    scf.if %cond3A_24 {
      "tpu.region"() ({
        %run_scoped3A = tpu.sem_alloc : memref<!tpu.dma_semaphore, #tpu.memory_space<semaphore_mem>>
        %dma_start3A = arith.constant 0 : i32
        %dma_start3A_25 = arith.constant 0 : i32
        %dma_start3A_26 = tpu.memref_slice %arg5[%arg0, %dma_start3A, %dma_start3A_25] : memref<2x10000x128xf32, #tpu.memory_space<hbm>> -> memref<1x10000x128xf32, #tpu.memory_space<hbm>>
        %dma_start3A_27 = tpu.memref_squeeze %dma_start3A_26 : memref<1x10000x128xf32, #tpu.memory_space<hbm>> -> memref<10000x128xf32, #tpu.memory_space<hbm>>
        tpu.enqueue_dma source(%arg6 : memref<10000x128xf32, #tpu.memory_space<vmem_shared>>) target(%dma_start3A_27 : memref<10000x128xf32, #tpu.memory_space<hbm>>) target_semaphore(%run_scoped3A : memref<!tpu.dma_semaphore, #tpu.memory_space<semaphore_mem>>)
        %dma_wait3A = arith.constant 0 : i32
        %dma_wait3A_28 = arith.constant 0 : i32
        %dma_wait3A_29 = tpu.memref_slice %arg5[%arg0, %dma_wait3A, %dma_wait3A_28] : memref<2x10000x128xf32, #tpu.memory_space<hbm>> -> memref<1x10000x128xf32, #tpu.memory_space<hbm>>
        %dma_wait3A_30 = tpu.memref_squeeze %dma_wait3A_29 : memref<1x10000x128xf32, #tpu.memory_space<hbm>> -> memref<10000x128xf32, #tpu.memory_space<hbm>>
        tpu.wait_dma2 semaphore(%run_scoped3A : memref<!tpu.dma_semaphore, #tpu.memory_space<semaphore_mem>>) src(%arg6 : memref<10000x128xf32, #tpu.memory_space<vmem_shared>>) dst(%dma_wait3A_30 : memref<10000x128xf32, #tpu.memory_space<hbm>>)
        tpu.yield
      }) : () -> ()
    } else {
    }
    return
  }
}

#map = affine_map<(d0, d1) -> (0, 0)>
#map1 = affine_map<(d0, d1) -> (0, 0, 0)>
module attributes {stable_mosaic.version = 14 : i64} {
  func.func @k(%arg0: i32, %arg1: i32, %arg2: memref<10000x128xf32, #tpu.memory_space<hbm>>, %arg3: memref<10000x128xf32, #tpu.memory_space<hbm>>, %arg4: memref<2000x1x160xi32, #tpu.memory_space<hbm>>, %arg5: memref<2000x1x160xi32, #tpu.memory_space<hbm>>, %arg6: memref<320000x128xf32, #tpu.memory_space<hbm>>, %arg7: memref<320000x128xf32, #tpu.memory_space<hbm>>, %arg8: memref<!tpu.dma_semaphore, #tpu.memory_space<semaphore_mem>>, %arg9: memref<!tpu.dma_semaphore, #tpu.memory_space<semaphore_mem>>) attributes {dimension_semantics = [#tpu.dimension_semantics<core_parallel>, #tpu.dimension_semantics<subcore_parallel>], iteration_bounds = array<i64: 2, 16>, scalar_prefetch = 0 : i64, scratch_operands = 2 : i64, tpu.core_type = #tpu.core_type<sc_vector_subcore>, window_params = [{transform_indices = #map}, {transform_indices = #map}, {transform_indices = #map1}, {transform_indices = #map1}, {transform_indices = #map}, {transform_indices = #map}]} {
    %mul3A = arith.constant 1 : i32
    %mul3A_0 = arith.muli %arg1, %mul3A : i32
    %add3A = arith.constant 0 : i32
    %add3A_1 = arith.addi %add3A, %mul3A_0 : i32
    %mul3A_2 = arith.constant 16 : i32
    %mul3A_3 = arith.muli %arg0, %mul3A_2 : i32
    %add3A_4 = arith.addi %add3A_1, %mul3A_3 : i32
    %lt3A = arith.constant 16 : i32
    %lt3A_5 = arith.cmpi slt, %add3A_4, %lt3A : i32
    %jit3A = arith.constant 63 : i32
    %jit3A_6 = arith.constant 62 : i32
    %select_n3A = arith.select %lt3A_5, %jit3A, %jit3A_6 : i32
    %lt3A_7 = arith.constant 16 : i32
    %lt3A_8 = arith.cmpi slt, %add3A_4, %lt3A_7 : i32
    %mul3A_9 = arith.muli %add3A_4, %select_n3A : i32
    %mul3A_10 = arith.constant 62 : i32
    %mul3A_11 = arith.muli %add3A_4, %mul3A_10 : i32
    %add3A_12 = arith.constant 16 : i32
    %add3A_13 = arith.addi %mul3A_11, %add3A_12 : i32
    %select_n3A_14 = arith.select %lt3A_8, %mul3A_9, %add3A_13 : i32
    %mul3A_15 = arith.constant 1 : i32
    %mul3A_16 = arith.muli %mul3A_15, %select_n3A : i32
    "tpu.region"() ({
      %run_scoped3A = memref.alloca() : memref<2x1x1x160xi32, #tpu.memory_space<vmem>>
      %run_scoped3A_17 = tpu.sem_alloc : memref<2x!tpu.dma_semaphore, #tpu.memory_space<semaphore_mem>>
      %run_scoped3A_18 = memref.alloca() : memref<2x1x1x160xi32, #tpu.memory_space<vmem>>
      %run_scoped3A_19 = tpu.sem_alloc : memref<2x!tpu.dma_semaphore, #tpu.memory_space<semaphore_mem>>
      %run_scoped3A_20 = memref.alloca() : memref<2x160x128xf32, #tpu.memory_space<vmem>>
      %run_scoped3A_21 = tpu.sem_alloc : memref<2x!tpu.dma_semaphore, #tpu.memory_space<semaphore_mem>>
      %run_scoped3A_22 = memref.alloca() : memref<2x160x128xf32, #tpu.memory_space<vmem>>
      %run_scoped3A_23 = tpu.sem_alloc : memref<2x!tpu.dma_semaphore, #tpu.memory_space<semaphore_mem>>
      %gt3A = arith.constant 0 : i32
      %gt3A_24 = arith.cmpi sgt, %mul3A_16, %gt3A : i32
      %convert_element_type3A = arith.extui %gt3A_24 : i1 to i32
      %cond3A = arith.constant 0 : i32
      %cond3A_25 = arith.cmpi ne, %convert_element_type3A, %cond3A : i32
      scf.if %cond3A_25 {
        %mul3A_26 = arith.constant 1 : i32
        %mul3A_27 = arith.muli %mul3A_26, %select_n3A : i32
        %sub3A = arith.constant 1 : i32
        %sub3A_28 = arith.subi %mul3A_27, %sub3A : i32
        %eq3A = arith.constant 0 : i32
        %eq3A_29 = arith.cmpi eq, %sub3A_28, %eq3A : i32
        %add3A_30 = arith.constant 0 : i32
        %add3A_31 = arith.addi %add3A_30, %select_n3A_14 : i32
        %select_n3A_32 = arith.constant true
        %select_n3A_33 = arith.constant 0 : i32
        %select_n3A_34 = arith.constant -1 : i32
        %select_n3A_35 = arith.select %select_n3A_32, %select_n3A_34, %select_n3A_33 : i32
        %eq3A_36 = arith.constant -1 : i32
        %eq3A_37 = arith.cmpi eq, %select_n3A_35, %eq3A_36 : i32
        %sub3A_38 = arith.constant 1 : i32
        %sub3A_39 = arith.subi %select_n3A, %sub3A_38 : i32
        %select_n3A_40 = arith.select %eq3A_37, %sub3A_39, %select_n3A_35 : i32
        %add3A_41 = arith.addi %select_n3A_40, %select_n3A_14 : i32
        %select_n3A_42 = arith.constant true
        %select_n3A_43 = arith.constant 0 : i32
        %select_n3A_44 = arith.constant 1 : i32
        %select_n3A_45 = arith.select %select_n3A_42, %select_n3A_44, %select_n3A_43 : i32
        %eq3A_46 = arith.cmpi eq, %select_n3A_45, %select_n3A : i32
        %select_n3A_47 = arith.constant 0 : i32
        %select_n3A_48 = arith.select %eq3A_46, %select_n3A_47, %select_n3A_45 : i32
        %add3A_49 = arith.addi %select_n3A_48, %select_n3A_14 : i32
        %add3A_50 = arith.constant 1 : i32
        %add3A_51 = arith.addi %select_n3A_48, %add3A_50 : i32
        %select_n3A_52 = arith.constant true
        %select_n3A_53 = arith.select %select_n3A_52, %add3A_51, %select_n3A_48 : i32
        %eq3A_54 = arith.cmpi eq, %select_n3A_53, %select_n3A : i32
        %select_n3A_55 = arith.constant 0 : i32
        %select_n3A_56 = arith.select %eq3A_54, %select_n3A_55, %select_n3A_53 : i32
        %add3A_57 = arith.addi %select_n3A_56, %select_n3A_14 : i32
        "tpu.trace_start"() <{level = 10 : i32, message = "ep_initialize_0"}> : () -> ()
        %rem3A = arith.constant 0 : i32
        %rem3A_58 = arith.constant 2 : i32
        %rem3A_59 = arith.remui %rem3A, %rem3A_58 : i32
        %mul3A_60 = arith.constant 1 : i32
        %mul3A_61 = arith.muli %mul3A_60, %add3A_31 : i32
        %dma_start3A = arith.constant 0 : i32
        %dma_start3A_62 = arith.constant 0 : i32
        %dma_start3A_63 = arith.constant 0 : i32
        %dma_start3A_64 = tpu.memref_slice %run_scoped3A[%rem3A_59, %dma_start3A, %dma_start3A_62, %dma_start3A_63] : memref<2x1x1x160xi32, #tpu.memory_space<vmem>> -> memref<1x1x1x160xi32, #tpu.memory_space<vmem>>
        %dma_start3A_65 = tpu.memref_squeeze %dma_start3A_64 : memref<1x1x1x160xi32, #tpu.memory_space<vmem>> -> memref<1x1x160xi32, #tpu.memory_space<vmem>>
        %dma_start3A_66 = arith.constant 0 : i32
        %dma_start3A_67 = arith.constant 0 : i32
        %dma_start3A_68 = tpu.memref_slice %arg4[%mul3A_61, %dma_start3A_66, %dma_start3A_67] : memref<2000x1x160xi32, #tpu.memory_space<hbm>> -> memref<1x1x160xi32, #tpu.memory_space<hbm>>
        %dma_start3A_69 = tpu.memref_slice %run_scoped3A_17[%rem3A_59] : memref<2x!tpu.dma_semaphore, #tpu.memory_space<semaphore_mem>> -> memref<1x!tpu.dma_semaphore, #tpu.memory_space<semaphore_mem>>
        %dma_start3A_70 = tpu.memref_squeeze %dma_start3A_69 : memref<1x!tpu.dma_semaphore, #tpu.memory_space<semaphore_mem>> -> memref<!tpu.dma_semaphore, #tpu.memory_space<semaphore_mem>>
        %dma_start3A_71 = arith.constant 0 : i32
        %dma_start3A_72 = arith.constant 0 : i32
        %dma_start3A_73 = arith.constant 0 : i32
        %dma_start3A_74 = tpu.memref_slice %run_scoped3A[%rem3A_59, %dma_start3A_71, %dma_start3A_72, %dma_start3A_73] : memref<2x1x1x160xi32, #tpu.memory_space<vmem>> -> memref<1x1x1x160xi32, #tpu.memory_space<vmem>>
        %dma_start3A_75 = tpu.memref_squeeze %dma_start3A_74 : memref<1x1x1x160xi32, #tpu.memory_space<vmem>> -> memref<1x1x160xi32, #tpu.memory_space<vmem>>
        %dma_start3A_76 = arith.constant 0 : i32
        %dma_start3A_77 = arith.constant 0 : i32
        %dma_start3A_78 = tpu.memref_slice %arg4[%mul3A_61, %dma_start3A_76, %dma_start3A_77] : memref<2000x1x160xi32, #tpu.memory_space<hbm>> -> memref<1x1x160xi32, #tpu.memory_space<hbm>>
        tpu.enqueue_dma source(%dma_start3A_78 : memref<1x1x160xi32, #tpu.memory_space<hbm>>) target(%dma_start3A_75 : memref<1x1x160xi32, #tpu.memory_space<vmem>>) target_semaphore(%dma_start3A_70 : memref<!tpu.dma_semaphore, #tpu.memory_space<semaphore_mem>>)
        %add3A_79 = arith.constant 0 : i32
        %add3A_80 = arith.constant 1 : i32
        %add3A_81 = arith.addi %add3A_79, %add3A_80 : i32
        %select_n3A_82 = arith.constant true
        %select_n3A_83 = arith.constant 0 : i32
        %select_n3A_84 = arith.select %select_n3A_82, %add3A_81, %select_n3A_83 : i32
        %rem3A_85 = arith.constant 0 : i32
        %rem3A_86 = arith.constant 2 : i32
        %rem3A_87 = arith.remui %rem3A_85, %rem3A_86 : i32
        %mul3A_88 = arith.constant 1 : i32
        %mul3A_89 = arith.muli %mul3A_88, %add3A_31 : i32
        %dma_start3A_90 = arith.constant 0 : i32
        %dma_start3A_91 = arith.constant 0 : i32
        %dma_start3A_92 = arith.constant 0 : i32
        %dma_start3A_93 = tpu.memref_slice %run_scoped3A_18[%rem3A_87, %dma_start3A_90, %dma_start3A_91, %dma_start3A_92] : memref<2x1x1x160xi32, #tpu.memory_space<vmem>> -> memref<1x1x1x160xi32, #tpu.memory_space<vmem>>
        %dma_start3A_94 = tpu.memref_squeeze %dma_start3A_93 : memref<1x1x1x160xi32, #tpu.memory_space<vmem>> -> memref<1x1x160xi32, #tpu.memory_space<vmem>>
        %dma_start3A_95 = arith.constant 0 : i32
        %dma_start3A_96 = arith.constant 0 : i32
        %dma_start3A_97 = tpu.memref_slice %arg5[%mul3A_89, %dma_start3A_95, %dma_start3A_96] : memref<2000x1x160xi32, #tpu.memory_space<hbm>> -> memref<1x1x160xi32, #tpu.memory_space<hbm>>
        %dma_start3A_98 = tpu.memref_slice %run_scoped3A_19[%rem3A_87] : memref<2x!tpu.dma_semaphore, #tpu.memory_space<semaphore_mem>> -> memref<1x!tpu.dma_semaphore, #tpu.memory_space<semaphore_mem>>
        %dma_start3A_99 = tpu.memref_squeeze %dma_start3A_98 : memref<1x!tpu.dma_semaphore, #tpu.memory_space<semaphore_mem>> -> memref<!tpu.dma_semaphore, #tpu.memory_space<semaphore_mem>>
        %dma_start3A_100 = arith.constant 0 : i32
        %dma_start3A_101 = arith.constant 0 : i32
        %dma_start3A_102 = arith.constant 0 : i32
        %dma_start3A_103 = tpu.memref_slice %run_scoped3A_18[%rem3A_87, %dma_start3A_100, %dma_start3A_101, %dma_start3A_102] : memref<2x1x1x160xi32, #tpu.memory_space<vmem>> -> memref<1x1x1x160xi32, #tpu.memory_space<vmem>>
        %dma_start3A_104 = tpu.memref_squeeze %dma_start3A_103 : memref<1x1x1x160xi32, #tpu.memory_space<vmem>> -> memref<1x1x160xi32, #tpu.memory_space<vmem>>
        %dma_start3A_105 = arith.constant 0 : i32
        %dma_start3A_106 = arith.constant 0 : i32
        %dma_start3A_107 = tpu.memref_slice %arg5[%mul3A_89, %dma_start3A_105, %dma_start3A_106] : memref<2000x1x160xi32, #tpu.memory_space<hbm>> -> memref<1x1x160xi32, #tpu.memory_space<hbm>>
        tpu.enqueue_dma source(%dma_start3A_107 : memref<1x1x160xi32, #tpu.memory_space<hbm>>) target(%dma_start3A_104 : memref<1x1x160xi32, #tpu.memory_space<vmem>>) target_semaphore(%dma_start3A_99 : memref<!tpu.dma_semaphore, #tpu.memory_space<semaphore_mem>>)
        %add3A_108 = arith.constant 0 : i32
        %add3A_109 = arith.constant 1 : i32
        %add3A_110 = arith.addi %add3A_108, %add3A_109 : i32
        %select_n3A_111 = arith.constant true
        %select_n3A_112 = arith.constant 0 : i32
        %select_n3A_113 = arith.select %select_n3A_111, %add3A_110, %select_n3A_112 : i32
        %while3A = arith.constant 0 : i32
        %while3A_114 = arith.constant 0 : i32
        %while3A_115 = arith.constant 0 : i32
        %while3A_116 = arith.constant 0 : i32
        %while3A_117 = arith.constant 0 : i32
        %while3A_118 = arith.constant 0 : i32
        %while3A_119 = arith.constant 0 : i32
        %while3A_120 = arith.constant 0 : i32
        "tpu.trace_stop"() : () -> ()
        %while3A_121 = arith.subi %mul3A_16, %while3A : i32
        %while3A_122 = arith.addi %while3A, %while3A_121 : i32
        %while3A_123 = arith.constant 1 : i32
        %while3A_124 = arith.divsi %while3A_121, %while3A_123 : i32
        %while3A_125 = arith.muli %while3A_124, %while3A_123 : i32
        %while3A_126 = arith.addi %while3A, %while3A_125 : i32
        %while3A_127 = arith.constant 1 : i32
        %while3A_128:9 = scf.for %while3A_188 = %while3A to %while3A_126 step %while3A_127 iter_args(%while3A_189 = %select_n3A_84, %while3A_190 = %while3A_114, %while3A_191 = %select_n3A_113, %while3A_192 = %while3A_115, %while3A_193 = %while3A_116, %while3A_194 = %while3A_117, %while3A_195 = %while3A_118, %while3A_196 = %while3A_119, %while3A_197 = %while3A_120) -> (i32, i32, i32, i32, i32, i32, i32, i32, i32)  : i32 {
          %mul3A_198 = arith.constant 1 : i32
          %mul3A_199 = arith.muli %mul3A_198, %select_n3A : i32
          %eq3A_200 = arith.constant 0 : i32
          %eq3A_201 = arith.cmpi eq, %while3A_188, %eq3A_200 : i32
          %sub3A_202 = arith.constant 1 : i32
          %sub3A_203 = arith.subi %mul3A_199, %sub3A_202 : i32
          %eq3A_204 = arith.cmpi eq, %while3A_188, %sub3A_203 : i32
          %add3A_205 = arith.addi %while3A_197, %select_n3A_14 : i32
          %sub3A_206 = arith.constant 1 : i32
          %sub3A_207 = arith.subi %while3A_197, %sub3A_206 : i32
          %select_n3A_208 = arith.constant true
          %select_n3A_209 = arith.select %select_n3A_208, %sub3A_207, %while3A_197 : i32
          %eq3A_210 = arith.constant -1 : i32
          %eq3A_211 = arith.cmpi eq, %select_n3A_209, %eq3A_210 : i32
          %sub3A_212 = arith.constant 1 : i32
          %sub3A_213 = arith.subi %select_n3A, %sub3A_212 : i32
          %select_n3A_214 = arith.select %eq3A_211, %sub3A_213, %select_n3A_209 : i32
          %add3A_215 = arith.addi %select_n3A_214, %select_n3A_14 : i32
          %add3A_216 = arith.constant 1 : i32
          %add3A_217 = arith.addi %while3A_197, %add3A_216 : i32
          %select_n3A_218 = arith.constant true
          %select_n3A_219 = arith.select %select_n3A_218, %add3A_217, %while3A_197 : i32
          %eq3A_220 = arith.cmpi eq, %select_n3A_219, %select_n3A : i32
          %select_n3A_221 = arith.constant 0 : i32
          %select_n3A_222 = arith.select %eq3A_220, %select_n3A_221, %select_n3A_219 : i32
          %add3A_223 = arith.addi %select_n3A_222, %select_n3A_14 : i32
          %add3A_224 = arith.constant 1 : i32
          %add3A_225 = arith.addi %select_n3A_222, %add3A_224 : i32
          %select_n3A_226 = arith.constant true
          %select_n3A_227 = arith.select %select_n3A_226, %add3A_225, %select_n3A_222 : i32
          %eq3A_228 = arith.cmpi eq, %select_n3A_227, %select_n3A : i32
          %select_n3A_229 = arith.constant 0 : i32
          %select_n3A_230 = arith.select %eq3A_228, %select_n3A_229, %select_n3A_227 : i32
          %add3A_231 = arith.addi %select_n3A_230, %select_n3A_14 : i32
          %ne3A = arith.cmpi ne, %add3A_205, %add3A_223 : i32
          %or3A = arith.constant false
          %or3A_232 = arith.ori %or3A, %ne3A : i1
          %or3A_233 = arith.constant false
          %or3A_234 = arith.ori %or3A_232, %or3A_233 : i1
          %or3A_235 = arith.constant false
          %or3A_236 = arith.ori %or3A_234, %or3A_235 : i1
          %sub3A_237 = arith.constant 2 : i32
          %sub3A_238 = arith.subi %mul3A_199, %sub3A_237 : i32
          %add3A_239 = arith.constant 1 : i32
          %add3A_240 = arith.addi %sub3A_238, %add3A_239 : i32
          %ge3A = arith.cmpi sge, %while3A_188, %add3A_240 : i32
          %not3A = arith.constant true
          %not3A_241 = arith.xori %ge3A, %not3A : i1
          %and3A = arith.andi %or3A_236, %not3A_241 : i1
          %convert_element_type3A_242 = arith.extui %and3A : i1 to i32
          %cond3A_243 = arith.constant 0 : i32
          %cond3A_244 = arith.cmpi ne, %convert_element_type3A_242, %cond3A_243 : i32
          scf.if %cond3A_244 {
            "tpu.trace_start"() <{level = 10 : i32, message = "ep_copy_in"}> : () -> ()
            %rem3A_559 = arith.constant 2 : i32
            %rem3A_560 = arith.remui %while3A_189, %rem3A_559 : i32
            %mul3A_561 = arith.constant 1 : i32
            %mul3A_562 = arith.muli %mul3A_561, %add3A_223 : i32
            %dma_start3A_563 = arith.constant 0 : i32
            %dma_start3A_564 = arith.constant 0 : i32
            %dma_start3A_565 = arith.constant 0 : i32
            %dma_start3A_566 = tpu.memref_slice %run_scoped3A[%rem3A_560, %dma_start3A_563, %dma_start3A_564, %dma_start3A_565] : memref<2x1x1x160xi32, #tpu.memory_space<vmem>> -> memref<1x1x1x160xi32, #tpu.memory_space<vmem>>
            %dma_start3A_567 = tpu.memref_squeeze %dma_start3A_566 : memref<1x1x1x160xi32, #tpu.memory_space<vmem>> -> memref<1x1x160xi32, #tpu.memory_space<vmem>>
            %dma_start3A_568 = arith.constant 0 : i32
            %dma_start3A_569 = arith.constant 0 : i32
            %dma_start3A_570 = tpu.memref_slice %arg4[%mul3A_562, %dma_start3A_568, %dma_start3A_569] : memref<2000x1x160xi32, #tpu.memory_space<hbm>> -> memref<1x1x160xi32, #tpu.memory_space<hbm>>
            %dma_start3A_571 = tpu.memref_slice %run_scoped3A_17[%rem3A_560] : memref<2x!tpu.dma_semaphore, #tpu.memory_space<semaphore_mem>> -> memref<1x!tpu.dma_semaphore, #tpu.memory_space<semaphore_mem>>
            %dma_start3A_572 = tpu.memref_squeeze %dma_start3A_571 : memref<1x!tpu.dma_semaphore, #tpu.memory_space<semaphore_mem>> -> memref<!tpu.dma_semaphore, #tpu.memory_space<semaphore_mem>>
            %dma_start3A_573 = arith.constant 0 : i32
            %dma_start3A_574 = arith.constant 0 : i32
            %dma_start3A_575 = arith.constant 0 : i32
            %dma_start3A_576 = tpu.memref_slice %run_scoped3A[%rem3A_560, %dma_start3A_573, %dma_start3A_574, %dma_start3A_575] : memref<2x1x1x160xi32, #tpu.memory_space<vmem>> -> memref<1x1x1x160xi32, #tpu.memory_space<vmem>>
            %dma_start3A_577 = tpu.memref_squeeze %dma_start3A_576 : memref<1x1x1x160xi32, #tpu.memory_space<vmem>> -> memref<1x1x160xi32, #tpu.memory_space<vmem>>
            %dma_start3A_578 = arith.constant 0 : i32
            %dma_start3A_579 = arith.constant 0 : i32
            %dma_start3A_580 = tpu.memref_slice %arg4[%mul3A_562, %dma_start3A_578, %dma_start3A_579] : memref<2000x1x160xi32, #tpu.memory_space<hbm>> -> memref<1x1x160xi32, #tpu.memory_space<hbm>>
            tpu.enqueue_dma source(%dma_start3A_580 : memref<1x1x160xi32, #tpu.memory_space<hbm>>) target(%dma_start3A_577 : memref<1x1x160xi32, #tpu.memory_space<vmem>>) target_semaphore(%dma_start3A_572 : memref<!tpu.dma_semaphore, #tpu.memory_space<semaphore_mem>>)
            "tpu.trace_stop"() : () -> ()
          } else {
          }
          %and3A_245 = arith.constant true
          %and3A_246 = arith.andi %and3A, %and3A_245 : i1
          %add3A_247 = arith.constant 1 : i32
          %add3A_248 = arith.addi %while3A_189, %add3A_247 : i32
          %select_n3A_249 = arith.select %and3A_246, %add3A_248, %while3A_189 : i32
          %ne3A_250 = arith.cmpi ne, %add3A_205, %add3A_223 : i32
          %or3A_251 = arith.constant false
          %or3A_252 = arith.ori %or3A_251, %ne3A_250 : i1
          %or3A_253 = arith.constant false
          %or3A_254 = arith.ori %or3A_252, %or3A_253 : i1
          %or3A_255 = arith.constant false
          %or3A_256 = arith.ori %or3A_254, %or3A_255 : i1
          %sub3A_257 = arith.constant 2 : i32
          %sub3A_258 = arith.subi %mul3A_199, %sub3A_257 : i32
          %add3A_259 = arith.constant 1 : i32
          %add3A_260 = arith.addi %sub3A_258, %add3A_259 : i32
          %ge3A_261 = arith.cmpi sge, %while3A_188, %add3A_260 : i32
          %not3A_262 = arith.constant true
          %not3A_263 = arith.xori %ge3A_261, %not3A_262 : i1
          %and3A_264 = arith.andi %or3A_256, %not3A_263 : i1
          %convert_element_type3A_265 = arith.extui %and3A_264 : i1 to i32
          %cond3A_266 = arith.constant 0 : i32
          %cond3A_267 = arith.cmpi ne, %convert_element_type3A_265, %cond3A_266 : i32
          scf.if %cond3A_267 {
            "tpu.trace_start"() <{level = 10 : i32, message = "ep_copy_in"}> : () -> ()
            %rem3A_559 = arith.constant 2 : i32
            %rem3A_560 = arith.remui %while3A_191, %rem3A_559 : i32
            %mul3A_561 = arith.constant 1 : i32
            %mul3A_562 = arith.muli %mul3A_561, %add3A_223 : i32
            %dma_start3A_563 = arith.constant 0 : i32
            %dma_start3A_564 = arith.constant 0 : i32
            %dma_start3A_565 = arith.constant 0 : i32
            %dma_start3A_566 = tpu.memref_slice %run_scoped3A_18[%rem3A_560, %dma_start3A_563, %dma_start3A_564, %dma_start3A_565] : memref<2x1x1x160xi32, #tpu.memory_space<vmem>> -> memref<1x1x1x160xi32, #tpu.memory_space<vmem>>
            %dma_start3A_567 = tpu.memref_squeeze %dma_start3A_566 : memref<1x1x1x160xi32, #tpu.memory_space<vmem>> -> memref<1x1x160xi32, #tpu.memory_space<vmem>>
            %dma_start3A_568 = arith.constant 0 : i32
            %dma_start3A_569 = arith.constant 0 : i32
            %dma_start3A_570 = tpu.memref_slice %arg5[%mul3A_562, %dma_start3A_568, %dma_start3A_569] : memref<2000x1x160xi32, #tpu.memory_space<hbm>> -> memref<1x1x160xi32, #tpu.memory_space<hbm>>
            %dma_start3A_571 = tpu.memref_slice %run_scoped3A_19[%rem3A_560] : memref<2x!tpu.dma_semaphore, #tpu.memory_space<semaphore_mem>> -> memref<1x!tpu.dma_semaphore, #tpu.memory_space<semaphore_mem>>
            %dma_start3A_572 = tpu.memref_squeeze %dma_start3A_571 : memref<1x!tpu.dma_semaphore, #tpu.memory_space<semaphore_mem>> -> memref<!tpu.dma_semaphore, #tpu.memory_space<semaphore_mem>>
            %dma_start3A_573 = arith.constant 0 : i32
            %dma_start3A_574 = arith.constant 0 : i32
            %dma_start3A_575 = arith.constant 0 : i32
            %dma_start3A_576 = tpu.memref_slice %run_scoped3A_18[%rem3A_560, %dma_start3A_573, %dma_start3A_574, %dma_start3A_575] : memref<2x1x1x160xi32, #tpu.memory_space<vmem>> -> memref<1x1x1x160xi32, #tpu.memory_space<vmem>>
            %dma_start3A_577 = tpu.memref_squeeze %dma_start3A_576 : memref<1x1x1x160xi32, #tpu.memory_space<vmem>> -> memref<1x1x160xi32, #tpu.memory_space<vmem>>
            %dma_start3A_578 = arith.constant 0 : i32
            %dma_start3A_579 = arith.constant 0 : i32
            %dma_start3A_580 = tpu.memref_slice %arg5[%mul3A_562, %dma_start3A_578, %dma_start3A_579] : memref<2000x1x160xi32, #tpu.memory_space<hbm>> -> memref<1x1x160xi32, #tpu.memory_space<hbm>>
            tpu.enqueue_dma source(%dma_start3A_580 : memref<1x1x160xi32, #tpu.memory_space<hbm>>) target(%dma_start3A_577 : memref<1x1x160xi32, #tpu.memory_space<vmem>>) target_semaphore(%dma_start3A_572 : memref<!tpu.dma_semaphore, #tpu.memory_space<semaphore_mem>>)
            "tpu.trace_stop"() : () -> ()
          } else {
          }
          %and3A_268 = arith.constant true
          %and3A_269 = arith.andi %and3A_264, %and3A_268 : i1
          %add3A_270 = arith.constant 1 : i32
          %add3A_271 = arith.addi %while3A_191, %add3A_270 : i32
          %select_n3A_272 = arith.select %and3A_269, %add3A_271, %while3A_191 : i32
          %ne3A_273 = arith.cmpi ne, %add3A_205, %add3A_223 : i32
          %or3A_274 = arith.constant false
          %or3A_275 = arith.ori %or3A_274, %ne3A_273 : i1
          %or3A_276 = arith.constant false
          %or3A_277 = arith.ori %or3A_275, %or3A_276 : i1
          %sub3A_278 = arith.constant 2 : i32
          %sub3A_279 = arith.subi %mul3A_199, %sub3A_278 : i32
          %add3A_280 = arith.constant 1 : i32
          %add3A_281 = arith.addi %sub3A_279, %add3A_280 : i32
          %ge3A_282 = arith.cmpi sge, %while3A_188, %add3A_281 : i32
          %not3A_283 = arith.constant true
          %not3A_284 = arith.xori %ge3A_282, %not3A_283 : i1
          %and3A_285 = arith.andi %or3A_277, %not3A_284 : i1
          %ne3A_286 = arith.cmpi ne, %add3A_205, %add3A_223 : i32
          %or3A_287 = arith.constant false
          %or3A_288 = arith.ori %or3A_287, %ne3A_286 : i1
          %or3A_289 = arith.constant false
          %or3A_290 = arith.ori %or3A_288, %or3A_289 : i1
          %sub3A_291 = arith.constant 2 : i32
          %sub3A_292 = arith.subi %mul3A_199, %sub3A_291 : i32
          %add3A_293 = arith.constant 1 : i32
          %add3A_294 = arith.addi %sub3A_292, %add3A_293 : i32
          %ge3A_295 = arith.cmpi sge, %while3A_188, %add3A_294 : i32
          %not3A_296 = arith.constant true
          %not3A_297 = arith.xori %ge3A_295, %not3A_296 : i1
          %and3A_298 = arith.andi %or3A_290, %not3A_297 : i1
          %ne3A_299 = arith.cmpi ne, %add3A_205, %add3A_215 : i32
          %or3A_300 = arith.constant false
          %or3A_301 = arith.ori %or3A_300, %ne3A_299 : i1
          %or3A_302 = arith.constant false
          %or3A_303 = arith.ori %or3A_301, %or3A_302 : i1
          %or3A_304 = arith.constant false
          %or3A_305 = arith.ori %or3A_303, %or3A_304 : i1
          %or3A_306 = arith.ori %or3A_305, %eq3A_201 : i1
          %convert_element_type3A_307 = arith.extui %or3A_306 : i1 to i32
          %cond3A_308 = arith.constant 0 : i32
          %cond3A_309 = arith.cmpi ne, %convert_element_type3A_307, %cond3A_308 : i32
          scf.if %cond3A_309 {
            "tpu.trace_start"() <{level = 10 : i32, message = "ep_wait_in"}> : () -> ()
            %mul3A_559 = arith.constant 1 : i32
            %mul3A_560 = arith.muli %mul3A_559, %add3A_205 : i32
            %rem3A_561 = arith.constant 2 : i32
            %rem3A_562 = arith.remui %while3A_190, %rem3A_561 : i32
            %dma_wait3A_563 = arith.constant 0 : i32
            %dma_wait3A_564 = arith.constant 0 : i32
            %dma_wait3A_565 = arith.constant 0 : i32
            %dma_wait3A_566 = tpu.memref_slice %run_scoped3A[%rem3A_562, %dma_wait3A_563, %dma_wait3A_564, %dma_wait3A_565] : memref<2x1x1x160xi32, #tpu.memory_space<vmem>> -> memref<1x1x1x160xi32, #tpu.memory_space<vmem>>
            %dma_wait3A_567 = tpu.memref_squeeze %dma_wait3A_566 : memref<1x1x1x160xi32, #tpu.memory_space<vmem>> -> memref<1x1x160xi32, #tpu.memory_space<vmem>>
            %dma_wait3A_568 = arith.constant 0 : i32
            %dma_wait3A_569 = arith.constant 0 : i32
            %dma_wait3A_570 = tpu.memref_slice %arg4[%mul3A_560, %dma_wait3A_568, %dma_wait3A_569] : memref<2000x1x160xi32, #tpu.memory_space<hbm>> -> memref<1x1x160xi32, #tpu.memory_space<hbm>>
            %dma_wait3A_571 = tpu.memref_slice %run_scoped3A_17[%rem3A_562] : memref<2x!tpu.dma_semaphore, #tpu.memory_space<semaphore_mem>> -> memref<1x!tpu.dma_semaphore, #tpu.memory_space<semaphore_mem>>
            %dma_wait3A_572 = tpu.memref_squeeze %dma_wait3A_571 : memref<1x!tpu.dma_semaphore, #tpu.memory_space<semaphore_mem>> -> memref<!tpu.dma_semaphore, #tpu.memory_space<semaphore_mem>>
            %dma_wait3A_573 = arith.constant 0 : i32
            %dma_wait3A_574 = arith.constant 0 : i32
            %dma_wait3A_575 = arith.constant 0 : i32
            %dma_wait3A_576 = tpu.memref_slice %run_scoped3A[%rem3A_562, %dma_wait3A_573, %dma_wait3A_574, %dma_wait3A_575] : memref<2x1x1x160xi32, #tpu.memory_space<vmem>> -> memref<1x1x1x160xi32, #tpu.memory_space<vmem>>
            %dma_wait3A_577 = tpu.memref_squeeze %dma_wait3A_576 : memref<1x1x1x160xi32, #tpu.memory_space<vmem>> -> memref<1x1x160xi32, #tpu.memory_space<vmem>>
            %dma_wait3A_578 = arith.constant 0 : i32
            %dma_wait3A_579 = arith.constant 0 : i32
            %dma_wait3A_580 = tpu.memref_slice %arg4[%mul3A_560, %dma_wait3A_578, %dma_wait3A_579] : memref<2000x1x160xi32, #tpu.memory_space<hbm>> -> memref<1x1x160xi32, #tpu.memory_space<hbm>>
            tpu.wait_dma2 semaphore(%dma_wait3A_572 : memref<!tpu.dma_semaphore, #tpu.memory_space<semaphore_mem>>) src(%dma_wait3A_580 : memref<1x1x160xi32, #tpu.memory_space<hbm>>) dst(%dma_wait3A_577 : memref<1x1x160xi32, #tpu.memory_space<vmem>>)
            "tpu.trace_stop"() : () -> ()
          } else {
          }
          %ne3A_310 = arith.cmpi ne, %add3A_205, %add3A_215 : i32
          %or3A_311 = arith.constant false
          %or3A_312 = arith.ori %or3A_311, %ne3A_310 : i1
          %or3A_313 = arith.constant false
          %or3A_314 = arith.ori %or3A_312, %or3A_313 : i1
          %or3A_315 = arith.constant false
          %or3A_316 = arith.ori %or3A_314, %or3A_315 : i1
          %or3A_317 = arith.ori %or3A_316, %eq3A_201 : i1
          %convert_element_type3A_318 = arith.extui %or3A_317 : i1 to i32
          %cond3A_319 = arith.constant 0 : i32
          %cond3A_320 = arith.cmpi ne, %convert_element_type3A_318, %cond3A_319 : i32
          scf.if %cond3A_320 {
            "tpu.trace_start"() <{level = 10 : i32, message = "ep_wait_in"}> : () -> ()
            %mul3A_559 = arith.constant 1 : i32
            %mul3A_560 = arith.muli %mul3A_559, %add3A_205 : i32
            %rem3A_561 = arith.constant 2 : i32
            %rem3A_562 = arith.remui %while3A_192, %rem3A_561 : i32
            %dma_wait3A_563 = arith.constant 0 : i32
            %dma_wait3A_564 = arith.constant 0 : i32
            %dma_wait3A_565 = arith.constant 0 : i32
            %dma_wait3A_566 = tpu.memref_slice %run_scoped3A_18[%rem3A_562, %dma_wait3A_563, %dma_wait3A_564, %dma_wait3A_565] : memref<2x1x1x160xi32, #tpu.memory_space<vmem>> -> memref<1x1x1x160xi32, #tpu.memory_space<vmem>>
            %dma_wait3A_567 = tpu.memref_squeeze %dma_wait3A_566 : memref<1x1x1x160xi32, #tpu.memory_space<vmem>> -> memref<1x1x160xi32, #tpu.memory_space<vmem>>
            %dma_wait3A_568 = arith.constant 0 : i32
            %dma_wait3A_569 = arith.constant 0 : i32
            %dma_wait3A_570 = tpu.memref_slice %arg5[%mul3A_560, %dma_wait3A_568, %dma_wait3A_569] : memref<2000x1x160xi32, #tpu.memory_space<hbm>> -> memref<1x1x160xi32, #tpu.memory_space<hbm>>
            %dma_wait3A_571 = tpu.memref_slice %run_scoped3A_19[%rem3A_562] : memref<2x!tpu.dma_semaphore, #tpu.memory_space<semaphore_mem>> -> memref<1x!tpu.dma_semaphore, #tpu.memory_space<semaphore_mem>>
            %dma_wait3A_572 = tpu.memref_squeeze %dma_wait3A_571 : memref<1x!tpu.dma_semaphore, #tpu.memory_space<semaphore_mem>> -> memref<!tpu.dma_semaphore, #tpu.memory_space<semaphore_mem>>
            %dma_wait3A_573 = arith.constant 0 : i32
            %dma_wait3A_574 = arith.constant 0 : i32
            %dma_wait3A_575 = arith.constant 0 : i32
            %dma_wait3A_576 = tpu.memref_slice %run_scoped3A_18[%rem3A_562, %dma_wait3A_573, %dma_wait3A_574, %dma_wait3A_575] : memref<2x1x1x160xi32, #tpu.memory_space<vmem>> -> memref<1x1x1x160xi32, #tpu.memory_space<vmem>>
            %dma_wait3A_577 = tpu.memref_squeeze %dma_wait3A_576 : memref<1x1x1x160xi32, #tpu.memory_space<vmem>> -> memref<1x1x160xi32, #tpu.memory_space<vmem>>
            %dma_wait3A_578 = arith.constant 0 : i32
            %dma_wait3A_579 = arith.constant 0 : i32
            %dma_wait3A_580 = tpu.memref_slice %arg5[%mul3A_560, %dma_wait3A_578, %dma_wait3A_579] : memref<2000x1x160xi32, #tpu.memory_space<hbm>> -> memref<1x1x160xi32, #tpu.memory_space<hbm>>
            tpu.wait_dma2 semaphore(%dma_wait3A_572 : memref<!tpu.dma_semaphore, #tpu.memory_space<semaphore_mem>>) src(%dma_wait3A_580 : memref<1x1x160xi32, #tpu.memory_space<hbm>>) dst(%dma_wait3A_577 : memref<1x1x160xi32, #tpu.memory_space<vmem>>)
            "tpu.trace_stop"() : () -> ()
          } else {
          }
          %ne3A_321 = arith.cmpi ne, %add3A_205, %add3A_215 : i32
          %or3A_322 = arith.constant false
          %or3A_323 = arith.ori %or3A_322, %ne3A_321 : i1
          %or3A_324 = arith.constant false
          %or3A_325 = arith.ori %or3A_323, %or3A_324 : i1
          %or3A_326 = arith.ori %or3A_325, %eq3A_201 : i1
          %convert_element_type3A_327 = arith.extui %or3A_326 : i1 to i32
          %cond3A_328 = arith.constant 0 : i32
          %cond3A_329 = arith.cmpi ne, %convert_element_type3A_327, %cond3A_328 : i32
          scf.if %cond3A_329 {
          } else {
          }
          %ne3A_330 = arith.cmpi ne, %add3A_205, %add3A_215 : i32
          %or3A_331 = arith.constant false
          %or3A_332 = arith.ori %or3A_331, %ne3A_330 : i1
          %or3A_333 = arith.constant false
          %or3A_334 = arith.ori %or3A_332, %or3A_333 : i1
          %or3A_335 = arith.ori %or3A_334, %eq3A_201 : i1
          %convert_element_type3A_336 = arith.extui %or3A_335 : i1 to i32
          %cond3A_337 = arith.constant 0 : i32
          %cond3A_338 = arith.cmpi ne, %convert_element_type3A_336, %cond3A_337 : i32
          scf.if %cond3A_338 {
          } else {
          }
          %rem3A_339 = arith.constant 2 : i32
          %rem3A_340 = arith.remui %while3A_190, %rem3A_339 : i32
          %rem3A_341 = arith.constant 2 : i32
          %rem3A_342 = arith.remui %while3A_192, %rem3A_341 : i32
          %rem3A_343 = arith.constant 2 : i32
          %rem3A_344 = arith.remui %while3A_193, %rem3A_343 : i32
          %rem3A_345 = arith.constant 2 : i32
          %rem3A_346 = arith.remui %while3A_195, %rem3A_345 : i32
          %dma_start3A_347 = arith.constant 0 : i32
          %dma_start3A_348 = arith.constant 0 : i32
          "tpu.trace_start"() <{level = 10 : i32, message = "ep_run_kernel"}> : () -> ()
          %dma_start3A_349 = arith.constant 0 : i32
          %dma_start3A_350 = arith.constant 0 : i32
          %dma_start3A_351 = tpu.memref_slice %run_scoped3A_20[%rem3A_344, %dma_start3A_349, %dma_start3A_350] : memref<2x160x128xf32, #tpu.memory_space<vmem>> -> memref<1x160x128xf32, #tpu.memory_space<vmem>>
          %dma_start3A_352 = tpu.memref_squeeze %dma_start3A_351 : memref<1x160x128xf32, #tpu.memory_space<vmem>> -> memref<160x128xf32, #tpu.memory_space<vmem>>
          %dma_start3A_353 = arith.constant 0 : i32
          %dma_start3A_354 = arith.constant 0 : i32
          %dma_start3A_355 = arith.constant 0 : i32
          %dma_start3A_356 = tpu.memref_slice %run_scoped3A[%rem3A_340, %dma_start3A_353, %dma_start3A_354, %dma_start3A_355] : memref<2x1x1x160xi32, #tpu.memory_space<vmem>> -> memref<1x1x1x160xi32, #tpu.memory_space<vmem>>
          %dma_start3A_357 = tpu.memref_squeeze %dma_start3A_356 : memref<1x1x1x160xi32, #tpu.memory_space<vmem>> -> memref<1x1x160xi32, #tpu.memory_space<vmem>>
          %dma_start3A_358 = arith.constant 0 : i32
          %dma_start3A_359 = tpu.memref_slice %dma_start3A_357[%dma_start3A_347, %dma_start3A_348, %dma_start3A_358] : memref<1x1x160xi32, #tpu.memory_space<vmem>> -> memref<1x1x160xi32, #tpu.memory_space<vmem>>
          %dma_start3A_360 = tpu.memref_squeeze %dma_start3A_359 : memref<1x1x160xi32, #tpu.memory_space<vmem>> -> memref<160xi32, #tpu.memory_space<vmem>>
          %dma_start3A_361 = arith.constant 0 : i32
          %dma_start3A_362 = arith.constant 0 : i32
          %dma_start3A_363 = tpu.memref_slice %arg2[%dma_start3A_361, %dma_start3A_362] : memref<10000x128xf32, #tpu.memory_space<hbm>> -> memref<10000x128xf32, #tpu.memory_space<hbm>>
          tpu.enqueue_indirect_dma source(%dma_start3A_363 : memref<10000x128xf32, #tpu.memory_space<hbm>>) target(%dma_start3A_352 : memref<160x128xf32, #tpu.memory_space<vmem>>) offsets(%dma_start3A_360 : memref<160xi32, #tpu.memory_space<vmem>>) semaphore(%arg8 : memref<!tpu.dma_semaphore, #tpu.memory_space<semaphore_mem>>)
          %dma_start3A_364 = arith.constant 0 : i32
          %dma_start3A_365 = arith.constant 0 : i32
          %dma_start3A_366 = arith.constant 0 : i32
          %dma_start3A_367 = arith.constant 0 : i32
          %dma_start3A_368 = tpu.memref_slice %run_scoped3A_22[%rem3A_346, %dma_start3A_366, %dma_start3A_367] : memref<2x160x128xf32, #tpu.memory_space<vmem>> -> memref<1x160x128xf32, #tpu.memory_space<vmem>>
          %dma_start3A_369 = tpu.memref_squeeze %dma_start3A_368 : memref<1x160x128xf32, #tpu.memory_space<vmem>> -> memref<160x128xf32, #tpu.memory_space<vmem>>
          %dma_start3A_370 = arith.constant 0 : i32
          %dma_start3A_371 = arith.constant 0 : i32
          %dma_start3A_372 = arith.constant 0 : i32
          %dma_start3A_373 = tpu.memref_slice %run_scoped3A_18[%rem3A_342, %dma_start3A_370, %dma_start3A_371, %dma_start3A_372] : memref<2x1x1x160xi32, #tpu.memory_space<vmem>> -> memref<1x1x1x160xi32, #tpu.memory_space<vmem>>
          %dma_start3A_374 = tpu.memref_squeeze %dma_start3A_373 : memref<1x1x1x160xi32, #tpu.memory_space<vmem>> -> memref<1x1x160xi32, #tpu.memory_space<vmem>>
          %dma_start3A_375 = arith.constant 0 : i32
          %dma_start3A_376 = tpu.memref_slice %dma_start3A_374[%dma_start3A_364, %dma_start3A_365, %dma_start3A_375] : memref<1x1x160xi32, #tpu.memory_space<vmem>> -> memref<1x1x160xi32, #tpu.memory_space<vmem>>
          %dma_start3A_377 = tpu.memref_squeeze %dma_start3A_376 : memref<1x1x160xi32, #tpu.memory_space<vmem>> -> memref<160xi32, #tpu.memory_space<vmem>>
          %dma_start3A_378 = arith.constant 0 : i32
          %dma_start3A_379 = arith.constant 0 : i32
          %dma_start3A_380 = tpu.memref_slice %arg3[%dma_start3A_378, %dma_start3A_379] : memref<10000x128xf32, #tpu.memory_space<hbm>> -> memref<10000x128xf32, #tpu.memory_space<hbm>>
          tpu.enqueue_indirect_dma source(%dma_start3A_380 : memref<10000x128xf32, #tpu.memory_space<hbm>>) target(%dma_start3A_369 : memref<160x128xf32, #tpu.memory_space<vmem>>) offsets(%dma_start3A_377 : memref<160xi32, #tpu.memory_space<vmem>>) semaphore(%arg9 : memref<!tpu.dma_semaphore, #tpu.memory_space<semaphore_mem>>)
          %dma_wait3A = arith.constant 0 : i32
          %dma_wait3A_381 = arith.constant 0 : i32
          %dma_wait3A_382 = arith.constant 0 : i32
          %dma_wait3A_383 = arith.constant 0 : i32
          %dma_wait3A_384 = tpu.memref_slice %run_scoped3A_20[%rem3A_344, %dma_wait3A_382, %dma_wait3A_383] : memref<2x160x128xf32, #tpu.memory_space<vmem>> -> memref<1x160x128xf32, #tpu.memory_space<vmem>>
          %dma_wait3A_385 = tpu.memref_squeeze %dma_wait3A_384 : memref<1x160x128xf32, #tpu.memory_space<vmem>> -> memref<160x128xf32, #tpu.memory_space<vmem>>
          %dma_wait3A_386 = arith.constant 0 : i32
          %dma_wait3A_387 = arith.constant 0 : i32
          %dma_wait3A_388 = arith.constant 0 : i32
          %dma_wait3A_389 = tpu.memref_slice %run_scoped3A[%rem3A_340, %dma_wait3A_386, %dma_wait3A_387, %dma_wait3A_388] : memref<2x1x1x160xi32, #tpu.memory_space<vmem>> -> memref<1x1x1x160xi32, #tpu.memory_space<vmem>>
          %dma_wait3A_390 = tpu.memref_squeeze %dma_wait3A_389 : memref<1x1x1x160xi32, #tpu.memory_space<vmem>> -> memref<1x1x160xi32, #tpu.memory_space<vmem>>
          %dma_wait3A_391 = arith.constant 0 : i32
          %dma_wait3A_392 = tpu.memref_slice %dma_wait3A_390[%dma_wait3A, %dma_wait3A_381, %dma_wait3A_391] : memref<1x1x160xi32, #tpu.memory_space<vmem>> -> memref<1x1x160xi32, #tpu.memory_space<vmem>>
          %dma_wait3A_393 = tpu.memref_squeeze %dma_wait3A_392 : memref<1x1x160xi32, #tpu.memory_space<vmem>> -> memref<160xi32, #tpu.memory_space<vmem>>
          %dma_wait3A_394 = arith.constant 0 : i32
          %dma_wait3A_395 = arith.constant 0 : i32
          %dma_wait3A_396 = tpu.memref_slice %arg2[%dma_wait3A_394, %dma_wait3A_395] : memref<10000x128xf32, #tpu.memory_space<hbm>> -> memref<10000x128xf32, #tpu.memory_space<hbm>>
          tpu.wait_indirect_dma semaphore(%arg8 : memref<!tpu.dma_semaphore, #tpu.memory_space<semaphore_mem>>) src(%dma_wait3A_396 : memref<10000x128xf32, #tpu.memory_space<hbm>>) dst(%dma_wait3A_385 : memref<160x128xf32, #tpu.memory_space<vmem>>)
          %dma_wait3A_397 = arith.constant 0 : i32
          %dma_wait3A_398 = arith.constant 0 : i32
          %dma_wait3A_399 = arith.constant 0 : i32
          %dma_wait3A_400 = arith.constant 0 : i32
          %dma_wait3A_401 = tpu.memref_slice %run_scoped3A_22[%rem3A_346, %dma_wait3A_399, %dma_wait3A_400] : memref<2x160x128xf32, #tpu.memory_space<vmem>> -> memref<1x160x128xf32, #tpu.memory_space<vmem>>
          %dma_wait3A_402 = tpu.memref_squeeze %dma_wait3A_401 : memref<1x160x128xf32, #tpu.memory_space<vmem>> -> memref<160x128xf32, #tpu.memory_space<vmem>>
          %dma_wait3A_403 = arith.constant 0 : i32
          %dma_wait3A_404 = arith.constant 0 : i32
          %dma_wait3A_405 = arith.constant 0 : i32
          %dma_wait3A_406 = tpu.memref_slice %run_scoped3A_18[%rem3A_342, %dma_wait3A_403, %dma_wait3A_404, %dma_wait3A_405] : memref<2x1x1x160xi32, #tpu.memory_space<vmem>> -> memref<1x1x1x160xi32, #tpu.memory_space<vmem>>
          %dma_wait3A_407 = tpu.memref_squeeze %dma_wait3A_406 : memref<1x1x1x160xi32, #tpu.memory_space<vmem>> -> memref<1x1x160xi32, #tpu.memory_space<vmem>>
          %dma_wait3A_408 = arith.constant 0 : i32
          %dma_wait3A_409 = tpu.memref_slice %dma_wait3A_407[%dma_wait3A_397, %dma_wait3A_398, %dma_wait3A_408] : memref<1x1x160xi32, #tpu.memory_space<vmem>> -> memref<1x1x160xi32, #tpu.memory_space<vmem>>
          %dma_wait3A_410 = tpu.memref_squeeze %dma_wait3A_409 : memref<1x1x160xi32, #tpu.memory_space<vmem>> -> memref<160xi32, #tpu.memory_space<vmem>>
          %dma_wait3A_411 = arith.constant 0 : i32
          %dma_wait3A_412 = arith.constant 0 : i32
          %dma_wait3A_413 = tpu.memref_slice %arg3[%dma_wait3A_411, %dma_wait3A_412] : memref<10000x128xf32, #tpu.memory_space<hbm>> -> memref<10000x128xf32, #tpu.memory_space<hbm>>
          tpu.wait_indirect_dma semaphore(%arg9 : memref<!tpu.dma_semaphore, #tpu.memory_space<semaphore_mem>>) src(%dma_wait3A_413 : memref<10000x128xf32, #tpu.memory_space<hbm>>) dst(%dma_wait3A_402 : memref<160x128xf32, #tpu.memory_space<vmem>>)
          "tpu.trace_stop"() : () -> ()
          %ne3A_414 = arith.cmpi ne, %add3A_205, %add3A_223 : i32
          %or3A_415 = arith.constant false
          %or3A_416 = arith.ori %or3A_415, %ne3A_414 : i1
          %or3A_417 = arith.constant false
          %or3A_418 = arith.ori %or3A_416, %or3A_417 : i1
          %or3A_419 = arith.constant false
          %or3A_420 = arith.ori %or3A_418, %or3A_419 : i1
          %or3A_421 = arith.ori %or3A_420, %eq3A_204 : i1
          %convert_element_type3A_422 = arith.extui %or3A_421 : i1 to i32
          %cond3A_423 = arith.constant 0 : i32
          %cond3A_424 = arith.cmpi ne, %convert_element_type3A_422, %cond3A_423 : i32
          scf.if %cond3A_424 {
          } else {
          }
          %and3A_425 = arith.constant false
          %and3A_426 = arith.andi %or3A_421, %and3A_425 : i1
          %ne3A_427 = arith.cmpi ne, %add3A_205, %add3A_223 : i32
          %or3A_428 = arith.constant false
          %or3A_429 = arith.ori %or3A_428, %ne3A_427 : i1
          %or3A_430 = arith.constant false
          %or3A_431 = arith.ori %or3A_429, %or3A_430 : i1
          %or3A_432 = arith.constant false
          %or3A_433 = arith.ori %or3A_431, %or3A_432 : i1
          %or3A_434 = arith.ori %or3A_433, %eq3A_204 : i1
          %convert_element_type3A_435 = arith.extui %or3A_434 : i1 to i32
          %cond3A_436 = arith.constant 0 : i32
          %cond3A_437 = arith.cmpi ne, %convert_element_type3A_435, %cond3A_436 : i32
          scf.if %cond3A_437 {
          } else {
          }
          %and3A_438 = arith.constant false
          %and3A_439 = arith.andi %or3A_434, %and3A_438 : i1
          %ne3A_440 = arith.cmpi ne, %add3A_205, %add3A_223 : i32
          %or3A_441 = arith.constant false
          %or3A_442 = arith.ori %or3A_441, %ne3A_440 : i1
          %or3A_443 = arith.constant false
          %or3A_444 = arith.ori %or3A_442, %or3A_443 : i1
          %or3A_445 = arith.ori %or3A_444, %eq3A_204 : i1
          %convert_element_type3A_446 = arith.extui %or3A_445 : i1 to i32
          %cond3A_447 = arith.constant 0 : i32
          %cond3A_448 = arith.cmpi ne, %convert_element_type3A_446, %cond3A_447 : i32
          scf.if %cond3A_448 {
            "tpu.trace_start"() <{level = 10 : i32, message = "ep_copy_out"}> : () -> ()
            %rem3A_559 = arith.constant 2 : i32
            %rem3A_560 = arith.remui %while3A_193, %rem3A_559 : i32
            %mul3A_561 = arith.constant 160 : i32
            %mul3A_562 = arith.muli %mul3A_561, %add3A_205 : i32
            %dma_start3A_563 = arith.constant 0 : i32
            %dma_start3A_564 = arith.constant 0 : i32
            %dma_start3A_565 = tpu.memref_slice %run_scoped3A_20[%rem3A_560, %dma_start3A_563, %dma_start3A_564] : memref<2x160x128xf32, #tpu.memory_space<vmem>> -> memref<1x160x128xf32, #tpu.memory_space<vmem>>
            %dma_start3A_566 = tpu.memref_squeeze %dma_start3A_565 : memref<1x160x128xf32, #tpu.memory_space<vmem>> -> memref<160x128xf32, #tpu.memory_space<vmem>>
            %dma_start3A_567 = arith.constant 0 : i32
            %dma_start3A_568 = tpu.memref_slice %arg6[%mul3A_562, %dma_start3A_567] : memref<320000x128xf32, #tpu.memory_space<hbm>> -> memref<160x128xf32, #tpu.memory_space<hbm>>
            %dma_start3A_569 = tpu.memref_slice %run_scoped3A_21[%rem3A_560] : memref<2x!tpu.dma_semaphore, #tpu.memory_space<semaphore_mem>> -> memref<1x!tpu.dma_semaphore, #tpu.memory_space<semaphore_mem>>
            %dma_start3A_570 = tpu.memref_squeeze %dma_start3A_569 : memref<1x!tpu.dma_semaphore, #tpu.memory_space<semaphore_mem>> -> memref<!tpu.dma_semaphore, #tpu.memory_space<semaphore_mem>>
            %dma_start3A_571 = arith.constant 0 : i32
            %dma_start3A_572 = tpu.memref_slice %arg6[%mul3A_562, %dma_start3A_571] : memref<320000x128xf32, #tpu.memory_space<hbm>> -> memref<160x128xf32, #tpu.memory_space<hbm>>
            %dma_start3A_573 = arith.constant 0 : i32
            %dma_start3A_574 = arith.constant 0 : i32
            %dma_start3A_575 = tpu.memref_slice %run_scoped3A_20[%rem3A_560, %dma_start3A_573, %dma_start3A_574] : memref<2x160x128xf32, #tpu.memory_space<vmem>> -> memref<1x160x128xf32, #tpu.memory_space<vmem>>
            %dma_start3A_576 = tpu.memref_squeeze %dma_start3A_575 : memref<1x160x128xf32, #tpu.memory_space<vmem>> -> memref<160x128xf32, #tpu.memory_space<vmem>>
            tpu.enqueue_dma source(%dma_start3A_576 : memref<160x128xf32, #tpu.memory_space<vmem>>) target(%dma_start3A_572 : memref<160x128xf32, #tpu.memory_space<hbm>>) target_semaphore(%dma_start3A_570 : memref<!tpu.dma_semaphore, #tpu.memory_space<semaphore_mem>>)
            "tpu.trace_stop"() : () -> ()
          } else {
          }
          %and3A_449 = arith.constant true
          %and3A_450 = arith.andi %or3A_445, %and3A_449 : i1
          %add3A_451 = arith.constant 1 : i32
          %add3A_452 = arith.addi %while3A_193, %add3A_451 : i32
          %select_n3A_453 = arith.select %and3A_450, %add3A_452, %while3A_193 : i32
          %ne3A_454 = arith.cmpi ne, %add3A_205, %add3A_223 : i32
          %or3A_455 = arith.constant false
          %or3A_456 = arith.ori %or3A_455, %ne3A_454 : i1
          %or3A_457 = arith.constant false
          %or3A_458 = arith.ori %or3A_456, %or3A_457 : i1
          %or3A_459 = arith.ori %or3A_458, %eq3A_204 : i1
          %convert_element_type3A_460 = arith.extui %or3A_459 : i1 to i32
          %cond3A_461 = arith.constant 0 : i32
          %cond3A_462 = arith.cmpi ne, %convert_element_type3A_460, %cond3A_461 : i32
          scf.if %cond3A_462 {
            "tpu.trace_start"() <{level = 10 : i32, message = "ep_copy_out"}> : () -> ()
            %rem3A_559 = arith.constant 2 : i32
            %rem3A_560 = arith.remui %while3A_195, %rem3A_559 : i32
            %mul3A_561 = arith.constant 160 : i32
            %mul3A_562 = arith.muli %mul3A_561, %add3A_205 : i32
            %dma_start3A_563 = arith.constant 0 : i32
            %dma_start3A_564 = arith.constant 0 : i32
            %dma_start3A_565 = tpu.memref_slice %run_scoped3A_22[%rem3A_560, %dma_start3A_563, %dma_start3A_564] : memref<2x160x128xf32, #tpu.memory_space<vmem>> -> memref<1x160x128xf32, #tpu.memory_space<vmem>>
            %dma_start3A_566 = tpu.memref_squeeze %dma_start3A_565 : memref<1x160x128xf32, #tpu.memory_space<vmem>> -> memref<160x128xf32, #tpu.memory_space<vmem>>
            %dma_start3A_567 = arith.constant 0 : i32
            %dma_start3A_568 = tpu.memref_slice %arg7[%mul3A_562, %dma_start3A_567] : memref<320000x128xf32, #tpu.memory_space<hbm>> -> memref<160x128xf32, #tpu.memory_space<hbm>>
            %dma_start3A_569 = tpu.memref_slice %run_scoped3A_23[%rem3A_560] : memref<2x!tpu.dma_semaphore, #tpu.memory_space<semaphore_mem>> -> memref<1x!tpu.dma_semaphore, #tpu.memory_space<semaphore_mem>>
            %dma_start3A_570 = tpu.memref_squeeze %dma_start3A_569 : memref<1x!tpu.dma_semaphore, #tpu.memory_space<semaphore_mem>> -> memref<!tpu.dma_semaphore, #tpu.memory_space<semaphore_mem>>
            %dma_start3A_571 = arith.constant 0 : i32
            %dma_start3A_572 = tpu.memref_slice %arg7[%mul3A_562, %dma_start3A_571] : memref<320000x128xf32, #tpu.memory_space<hbm>> -> memref<160x128xf32, #tpu.memory_space<hbm>>
            %dma_start3A_573 = arith.constant 0 : i32
            %dma_start3A_574 = arith.constant 0 : i32
            %dma_start3A_575 = tpu.memref_slice %run_scoped3A_22[%rem3A_560, %dma_start3A_573, %dma_start3A_574] : memref<2x160x128xf32, #tpu.memory_space<vmem>> -> memref<1x160x128xf32, #tpu.memory_space<vmem>>
            %dma_start3A_576 = tpu.memref_squeeze %dma_start3A_575 : memref<1x160x128xf32, #tpu.memory_space<vmem>> -> memref<160x128xf32, #tpu.memory_space<vmem>>
            tpu.enqueue_dma source(%dma_start3A_576 : memref<160x128xf32, #tpu.memory_space<vmem>>) target(%dma_start3A_572 : memref<160x128xf32, #tpu.memory_space<hbm>>) target_semaphore(%dma_start3A_570 : memref<!tpu.dma_semaphore, #tpu.memory_space<semaphore_mem>>)
            "tpu.trace_stop"() : () -> ()
          } else {
          }
          %and3A_463 = arith.constant true
          %and3A_464 = arith.andi %or3A_459, %and3A_463 : i1
          %add3A_465 = arith.constant 1 : i32
          %add3A_466 = arith.addi %while3A_195, %add3A_465 : i32
          %select_n3A_467 = arith.select %and3A_464, %add3A_466, %while3A_195 : i32
          %ne3A_468 = arith.cmpi ne, %add3A_205, %add3A_215 : i32
          %or3A_469 = arith.constant false
          %or3A_470 = arith.ori %or3A_469, %ne3A_468 : i1
          %or3A_471 = arith.constant false
          %or3A_472 = arith.ori %or3A_470, %or3A_471 : i1
          %or3A_473 = arith.constant false
          %or3A_474 = arith.ori %or3A_472, %or3A_473 : i1
          %not3A_475 = arith.constant true
          %not3A_476 = arith.xori %eq3A_201, %not3A_475 : i1
          %and3A_477 = arith.andi %or3A_474, %not3A_476 : i1
          %convert_element_type3A_478 = arith.extui %and3A_477 : i1 to i32
          %cond3A_479 = arith.constant 0 : i32
          %cond3A_480 = arith.cmpi ne, %convert_element_type3A_478, %cond3A_479 : i32
          scf.if %cond3A_480 {
          } else {
          }
          %and3A_481 = arith.constant false
          %and3A_482 = arith.andi %and3A_477, %and3A_481 : i1
          %ne3A_483 = arith.cmpi ne, %add3A_205, %add3A_215 : i32
          %or3A_484 = arith.constant false
          %or3A_485 = arith.ori %or3A_484, %ne3A_483 : i1
          %or3A_486 = arith.constant false
          %or3A_487 = arith.ori %or3A_485, %or3A_486 : i1
          %or3A_488 = arith.constant false
          %or3A_489 = arith.ori %or3A_487, %or3A_488 : i1
          %not3A_490 = arith.constant true
          %not3A_491 = arith.xori %eq3A_201, %not3A_490 : i1
          %and3A_492 = arith.andi %or3A_489, %not3A_491 : i1
          %convert_element_type3A_493 = arith.extui %and3A_492 : i1 to i32
          %cond3A_494 = arith.constant 0 : i32
          %cond3A_495 = arith.cmpi ne, %convert_element_type3A_493, %cond3A_494 : i32
          scf.if %cond3A_495 {
          } else {
          }
          %and3A_496 = arith.constant false
          %and3A_497 = arith.andi %and3A_492, %and3A_496 : i1
          %ne3A_498 = arith.cmpi ne, %add3A_205, %add3A_215 : i32
          %or3A_499 = arith.constant false
          %or3A_500 = arith.ori %or3A_499, %ne3A_498 : i1
          %or3A_501 = arith.constant false
          %or3A_502 = arith.ori %or3A_500, %or3A_501 : i1
          %not3A_503 = arith.constant true
          %not3A_504 = arith.xori %eq3A_201, %not3A_503 : i1
          %and3A_505 = arith.andi %or3A_502, %not3A_504 : i1
          %convert_element_type3A_506 = arith.extui %and3A_505 : i1 to i32
          %cond3A_507 = arith.constant 0 : i32
          %cond3A_508 = arith.cmpi ne, %convert_element_type3A_506, %cond3A_507 : i32
          scf.if %cond3A_508 {
            "tpu.trace_start"() <{level = 10 : i32, message = "ep_wait_out"}> : () -> ()
            %rem3A_559 = arith.constant 2 : i32
            %rem3A_560 = arith.remui %while3A_194, %rem3A_559 : i32
            %mul3A_561 = arith.constant 160 : i32
            %mul3A_562 = arith.muli %mul3A_561, %add3A_215 : i32
            %dma_wait3A_563 = arith.constant 0 : i32
            %dma_wait3A_564 = arith.constant 0 : i32
            %dma_wait3A_565 = tpu.memref_slice %run_scoped3A_20[%rem3A_560, %dma_wait3A_563, %dma_wait3A_564] : memref<2x160x128xf32, #tpu.memory_space<vmem>> -> memref<1x160x128xf32, #tpu.memory_space<vmem>>
            %dma_wait3A_566 = tpu.memref_squeeze %dma_wait3A_565 : memref<1x160x128xf32, #tpu.memory_space<vmem>> -> memref<160x128xf32, #tpu.memory_space<vmem>>
            %dma_wait3A_567 = arith.constant 0 : i32
            %dma_wait3A_568 = tpu.memref_slice %arg6[%mul3A_562, %dma_wait3A_567] : memref<320000x128xf32, #tpu.memory_space<hbm>> -> memref<160x128xf32, #tpu.memory_space<hbm>>
            %dma_wait3A_569 = tpu.memref_slice %run_scoped3A_21[%rem3A_560] : memref<2x!tpu.dma_semaphore, #tpu.memory_space<semaphore_mem>> -> memref<1x!tpu.dma_semaphore, #tpu.memory_space<semaphore_mem>>
            %dma_wait3A_570 = tpu.memref_squeeze %dma_wait3A_569 : memref<1x!tpu.dma_semaphore, #tpu.memory_space<semaphore_mem>> -> memref<!tpu.dma_semaphore, #tpu.memory_space<semaphore_mem>>
            %dma_wait3A_571 = arith.constant 0 : i32
            %dma_wait3A_572 = tpu.memref_slice %arg6[%mul3A_562, %dma_wait3A_571] : memref<320000x128xf32, #tpu.memory_space<hbm>> -> memref<160x128xf32, #tpu.memory_space<hbm>>
            %dma_wait3A_573 = arith.constant 0 : i32
            %dma_wait3A_574 = arith.constant 0 : i32
            %dma_wait3A_575 = tpu.memref_slice %run_scoped3A_20[%rem3A_560, %dma_wait3A_573, %dma_wait3A_574] : memref<2x160x128xf32, #tpu.memory_space<vmem>> -> memref<1x160x128xf32, #tpu.memory_space<vmem>>
            %dma_wait3A_576 = tpu.memref_squeeze %dma_wait3A_575 : memref<1x160x128xf32, #tpu.memory_space<vmem>> -> memref<160x128xf32, #tpu.memory_space<vmem>>
            tpu.wait_dma2 semaphore(%dma_wait3A_570 : memref<!tpu.dma_semaphore, #tpu.memory_space<semaphore_mem>>) src(%dma_wait3A_576 : memref<160x128xf32, #tpu.memory_space<vmem>>) dst(%dma_wait3A_572 : memref<160x128xf32, #tpu.memory_space<hbm>>)
            "tpu.trace_stop"() : () -> ()
          } else {
          }
          %and3A_509 = arith.constant true
          %and3A_510 = arith.andi %and3A_505, %and3A_509 : i1
          %add3A_511 = arith.constant 1 : i32
          %add3A_512 = arith.addi %while3A_194, %add3A_511 : i32
          %select_n3A_513 = arith.select %and3A_510, %add3A_512, %while3A_194 : i32
          %ne3A_514 = arith.cmpi ne, %add3A_205, %add3A_215 : i32
          %or3A_515 = arith.constant false
          %or3A_516 = arith.ori %or3A_515, %ne3A_514 : i1
          %or3A_517 = arith.constant false
          %or3A_518 = arith.ori %or3A_516, %or3A_517 : i1
          %not3A_519 = arith.constant true
          %not3A_520 = arith.xori %eq3A_201, %not3A_519 : i1
          %and3A_521 = arith.andi %or3A_518, %not3A_520 : i1
          %convert_element_type3A_522 = arith.extui %and3A_521 : i1 to i32
          %cond3A_523 = arith.constant 0 : i32
          %cond3A_524 = arith.cmpi ne, %convert_element_type3A_522, %cond3A_523 : i32
          scf.if %cond3A_524 {
            "tpu.trace_start"() <{level = 10 : i32, message = "ep_wait_out"}> : () -> ()
            %rem3A_559 = arith.constant 2 : i32
            %rem3A_560 = arith.remui %while3A_196, %rem3A_559 : i32
            %mul3A_561 = arith.constant 160 : i32
            %mul3A_562 = arith.muli %mul3A_561, %add3A_215 : i32
            %dma_wait3A_563 = arith.constant 0 : i32
            %dma_wait3A_564 = arith.constant 0 : i32
            %dma_wait3A_565 = tpu.memref_slice %run_scoped3A_22[%rem3A_560, %dma_wait3A_563, %dma_wait3A_564] : memref<2x160x128xf32, #tpu.memory_space<vmem>> -> memref<1x160x128xf32, #tpu.memory_space<vmem>>
            %dma_wait3A_566 = tpu.memref_squeeze %dma_wait3A_565 : memref<1x160x128xf32, #tpu.memory_space<vmem>> -> memref<160x128xf32, #tpu.memory_space<vmem>>
            %dma_wait3A_567 = arith.constant 0 : i32
            %dma_wait3A_568 = tpu.memref_slice %arg7[%mul3A_562, %dma_wait3A_567] : memref<320000x128xf32, #tpu.memory_space<hbm>> -> memref<160x128xf32, #tpu.memory_space<hbm>>
            %dma_wait3A_569 = tpu.memref_slice %run_scoped3A_23[%rem3A_560] : memref<2x!tpu.dma_semaphore, #tpu.memory_space<semaphore_mem>> -> memref<1x!tpu.dma_semaphore, #tpu.memory_space<semaphore_mem>>
            %dma_wait3A_570 = tpu.memref_squeeze %dma_wait3A_569 : memref<1x!tpu.dma_semaphore, #tpu.memory_space<semaphore_mem>> -> memref<!tpu.dma_semaphore, #tpu.memory_space<semaphore_mem>>
            %dma_wait3A_571 = arith.constant 0 : i32
            %dma_wait3A_572 = tpu.memref_slice %arg7[%mul3A_562, %dma_wait3A_571] : memref<320000x128xf32, #tpu.memory_space<hbm>> -> memref<160x128xf32, #tpu.memory_space<hbm>>
            %dma_wait3A_573 = arith.constant 0 : i32
            %dma_wait3A_574 = arith.constant 0 : i32
            %dma_wait3A_575 = tpu.memref_slice %run_scoped3A_22[%rem3A_560, %dma_wait3A_573, %dma_wait3A_574] : memref<2x160x128xf32, #tpu.memory_space<vmem>> -> memref<1x160x128xf32, #tpu.memory_space<vmem>>
            %dma_wait3A_576 = tpu.memref_squeeze %dma_wait3A_575 : memref<1x160x128xf32, #tpu.memory_space<vmem>> -> memref<160x128xf32, #tpu.memory_space<vmem>>
            tpu.wait_dma2 semaphore(%dma_wait3A_570 : memref<!tpu.dma_semaphore, #tpu.memory_space<semaphore_mem>>) src(%dma_wait3A_576 : memref<160x128xf32, #tpu.memory_space<vmem>>) dst(%dma_wait3A_572 : memref<160x128xf32, #tpu.memory_space<hbm>>)
            "tpu.trace_stop"() : () -> ()
          } else {
          }
          %and3A_525 = arith.constant true
          %and3A_526 = arith.andi %and3A_521, %and3A_525 : i1
          %add3A_527 = arith.constant 1 : i32
          %add3A_528 = arith.addi %while3A_196, %add3A_527 : i32
          %select_n3A_529 = arith.select %and3A_526, %add3A_528, %while3A_196 : i32
          %ne3A_530 = arith.cmpi ne, %add3A_205, %add3A_223 : i32
          %or3A_531 = arith.constant false
          %or3A_532 = arith.ori %or3A_531, %ne3A_530 : i1
          %or3A_533 = arith.constant false
          %or3A_534 = arith.ori %or3A_532, %or3A_533 : i1
          %or3A_535 = arith.constant false
          %or3A_536 = arith.ori %or3A_534, %or3A_535 : i1
          %or3A_537 = arith.ori %or3A_536, %eq3A_204 : i1
          %add3A_538 = arith.constant 1 : i32
          %add3A_539 = arith.addi %while3A_190, %add3A_538 : i32
          %select_n3A_540 = arith.select %or3A_537, %add3A_539, %while3A_190 : i32
          %ne3A_541 = arith.cmpi ne, %add3A_205, %add3A_223 : i32
          %or3A_542 = arith.constant false
          %or3A_543 = arith.ori %or3A_542, %ne3A_541 : i1
          %or3A_544 = arith.constant false
          %or3A_545 = arith.ori %or3A_543, %or3A_544 : i1
          %or3A_546 = arith.constant false
          %or3A_547 = arith.ori %or3A_545, %or3A_546 : i1
          %or3A_548 = arith.ori %or3A_547, %eq3A_204 : i1
          %add3A_549 = arith.constant 1 : i32
          %add3A_550 = arith.addi %while3A_192, %add3A_549 : i32
          %select_n3A_551 = arith.select %or3A_548, %add3A_550, %while3A_192 : i32
          %add3A_552 = arith.constant 1 : i32
          %add3A_553 = arith.addi %while3A_197, %add3A_552 : i32
          %select_n3A_554 = arith.constant true
          %select_n3A_555 = arith.select %select_n3A_554, %add3A_553, %while3A_197 : i32
          %eq3A_556 = arith.cmpi eq, %select_n3A_555, %select_n3A : i32
          %select_n3A_557 = arith.constant 0 : i32
          %select_n3A_558 = arith.select %eq3A_556, %select_n3A_557, %select_n3A_555 : i32
          scf.yield %select_n3A_249, %select_n3A_540, %select_n3A_272, %select_n3A_551, %select_n3A_453, %select_n3A_513, %select_n3A_467, %select_n3A_529, %select_n3A_558 : i32, i32, i32, i32, i32, i32, i32, i32, i32
        }
        %while3A_129 = arith.constant 1 : i32
        %while3A_130:9 = scf.for %while3A_188 = %while3A_126 to %while3A_122 step %while3A_129 iter_args(%while3A_189 = %while3A_128#0, %while3A_190 = %while3A_128#1, %while3A_191 = %while3A_128#2, %while3A_192 = %while3A_128#3, %while3A_193 = %while3A_128#4, %while3A_194 = %while3A_128#5, %while3A_195 = %while3A_128#6, %while3A_196 = %while3A_128#7, %while3A_197 = %while3A_128#8) -> (i32, i32, i32, i32, i32, i32, i32, i32, i32)  : i32 {
          %mul3A_198 = arith.constant 1 : i32
          %mul3A_199 = arith.muli %mul3A_198, %select_n3A : i32
          %eq3A_200 = arith.constant 0 : i32
          %eq3A_201 = arith.cmpi eq, %while3A_188, %eq3A_200 : i32
          %sub3A_202 = arith.constant 1 : i32
          %sub3A_203 = arith.subi %mul3A_199, %sub3A_202 : i32
          %eq3A_204 = arith.cmpi eq, %while3A_188, %sub3A_203 : i32
          %add3A_205 = arith.addi %while3A_197, %select_n3A_14 : i32
          %sub3A_206 = arith.constant 1 : i32
          %sub3A_207 = arith.subi %while3A_197, %sub3A_206 : i32
          %select_n3A_208 = arith.constant true
          %select_n3A_209 = arith.select %select_n3A_208, %sub3A_207, %while3A_197 : i32
          %eq3A_210 = arith.constant -1 : i32
          %eq3A_211 = arith.cmpi eq, %select_n3A_209, %eq3A_210 : i32
          %sub3A_212 = arith.constant 1 : i32
          %sub3A_213 = arith.subi %select_n3A, %sub3A_212 : i32
          %select_n3A_214 = arith.select %eq3A_211, %sub3A_213, %select_n3A_209 : i32
          %add3A_215 = arith.addi %select_n3A_214, %select_n3A_14 : i32
          %add3A_216 = arith.constant 1 : i32
          %add3A_217 = arith.addi %while3A_197, %add3A_216 : i32
          %select_n3A_218 = arith.constant true
          %select_n3A_219 = arith.select %select_n3A_218, %add3A_217, %while3A_197 : i32
          %eq3A_220 = arith.cmpi eq, %select_n3A_219, %select_n3A : i32
          %select_n3A_221 = arith.constant 0 : i32
          %select_n3A_222 = arith.select %eq3A_220, %select_n3A_221, %select_n3A_219 : i32
          %add3A_223 = arith.addi %select_n3A_222, %select_n3A_14 : i32
          %add3A_224 = arith.constant 1 : i32
          %add3A_225 = arith.addi %select_n3A_222, %add3A_224 : i32
          %select_n3A_226 = arith.constant true
          %select_n3A_227 = arith.select %select_n3A_226, %add3A_225, %select_n3A_222 : i32
          %eq3A_228 = arith.cmpi eq, %select_n3A_227, %select_n3A : i32
          %select_n3A_229 = arith.constant 0 : i32
          %select_n3A_230 = arith.select %eq3A_228, %select_n3A_229, %select_n3A_227 : i32
          %add3A_231 = arith.addi %select_n3A_230, %select_n3A_14 : i32
          %ne3A = arith.cmpi ne, %add3A_205, %add3A_223 : i32
          %or3A = arith.constant false
          %or3A_232 = arith.ori %or3A, %ne3A : i1
          %or3A_233 = arith.constant false
          %or3A_234 = arith.ori %or3A_232, %or3A_233 : i1
          %or3A_235 = arith.constant false
          %or3A_236 = arith.ori %or3A_234, %or3A_235 : i1
          %sub3A_237 = arith.constant 2 : i32
          %sub3A_238 = arith.subi %mul3A_199, %sub3A_237 : i32
          %add3A_239 = arith.constant 1 : i32
          %add3A_240 = arith.addi %sub3A_238, %add3A_239 : i32
          %ge3A = arith.cmpi sge, %while3A_188, %add3A_240 : i32
          %not3A = arith.constant true
          %not3A_241 = arith.xori %ge3A, %not3A : i1
          %and3A = arith.andi %or3A_236, %not3A_241 : i1
          %convert_element_type3A_242 = arith.extui %and3A : i1 to i32
          %cond3A_243 = arith.constant 0 : i32
          %cond3A_244 = arith.cmpi ne, %convert_element_type3A_242, %cond3A_243 : i32
          scf.if %cond3A_244 {
            "tpu.trace_start"() <{level = 10 : i32, message = "ep_copy_in"}> : () -> ()
            %rem3A_559 = arith.constant 2 : i32
            %rem3A_560 = arith.remui %while3A_189, %rem3A_559 : i32
            %mul3A_561 = arith.constant 1 : i32
            %mul3A_562 = arith.muli %mul3A_561, %add3A_223 : i32
            %dma_start3A_563 = arith.constant 0 : i32
            %dma_start3A_564 = arith.constant 0 : i32
            %dma_start3A_565 = arith.constant 0 : i32
            %dma_start3A_566 = tpu.memref_slice %run_scoped3A[%rem3A_560, %dma_start3A_563, %dma_start3A_564, %dma_start3A_565] : memref<2x1x1x160xi32, #tpu.memory_space<vmem>> -> memref<1x1x1x160xi32, #tpu.memory_space<vmem>>
            %dma_start3A_567 = tpu.memref_squeeze %dma_start3A_566 : memref<1x1x1x160xi32, #tpu.memory_space<vmem>> -> memref<1x1x160xi32, #tpu.memory_space<vmem>>
            %dma_start3A_568 = arith.constant 0 : i32
            %dma_start3A_569 = arith.constant 0 : i32
            %dma_start3A_570 = tpu.memref_slice %arg4[%mul3A_562, %dma_start3A_568, %dma_start3A_569] : memref<2000x1x160xi32, #tpu.memory_space<hbm>> -> memref<1x1x160xi32, #tpu.memory_space<hbm>>
            %dma_start3A_571 = tpu.memref_slice %run_scoped3A_17[%rem3A_560] : memref<2x!tpu.dma_semaphore, #tpu.memory_space<semaphore_mem>> -> memref<1x!tpu.dma_semaphore, #tpu.memory_space<semaphore_mem>>
            %dma_start3A_572 = tpu.memref_squeeze %dma_start3A_571 : memref<1x!tpu.dma_semaphore, #tpu.memory_space<semaphore_mem>> -> memref<!tpu.dma_semaphore, #tpu.memory_space<semaphore_mem>>
            %dma_start3A_573 = arith.constant 0 : i32
            %dma_start3A_574 = arith.constant 0 : i32
            %dma_start3A_575 = arith.constant 0 : i32
            %dma_start3A_576 = tpu.memref_slice %run_scoped3A[%rem3A_560, %dma_start3A_573, %dma_start3A_574, %dma_start3A_575] : memref<2x1x1x160xi32, #tpu.memory_space<vmem>> -> memref<1x1x1x160xi32, #tpu.memory_space<vmem>>
            %dma_start3A_577 = tpu.memref_squeeze %dma_start3A_576 : memref<1x1x1x160xi32, #tpu.memory_space<vmem>> -> memref<1x1x160xi32, #tpu.memory_space<vmem>>
            %dma_start3A_578 = arith.constant 0 : i32
            %dma_start3A_579 = arith.constant 0 : i32
            %dma_start3A_580 = tpu.memref_slice %arg4[%mul3A_562, %dma_start3A_578, %dma_start3A_579] : memref<2000x1x160xi32, #tpu.memory_space<hbm>> -> memref<1x1x160xi32, #tpu.memory_space<hbm>>
            tpu.enqueue_dma source(%dma_start3A_580 : memref<1x1x160xi32, #tpu.memory_space<hbm>>) target(%dma_start3A_577 : memref<1x1x160xi32, #tpu.memory_space<vmem>>) target_semaphore(%dma_start3A_572 : memref<!tpu.dma_semaphore, #tpu.memory_space<semaphore_mem>>)
            "tpu.trace_stop"() : () -> ()
          } else {
          }
          %and3A_245 = arith.constant true
          %and3A_246 = arith.andi %and3A, %and3A_245 : i1
          %add3A_247 = arith.constant 1 : i32
          %add3A_248 = arith.addi %while3A_189, %add3A_247 : i32
          %select_n3A_249 = arith.select %and3A_246, %add3A_248, %while3A_189 : i32
          %ne3A_250 = arith.cmpi ne, %add3A_205, %add3A_223 : i32
          %or3A_251 = arith.constant false
          %or3A_252 = arith.ori %or3A_251, %ne3A_250 : i1
          %or3A_253 = arith.constant false
          %or3A_254 = arith.ori %or3A_252, %or3A_253 : i1
          %or3A_255 = arith.constant false
          %or3A_256 = arith.ori %or3A_254, %or3A_255 : i1
          %sub3A_257 = arith.constant 2 : i32
          %sub3A_258 = arith.subi %mul3A_199, %sub3A_257 : i32
          %add3A_259 = arith.constant 1 : i32
          %add3A_260 = arith.addi %sub3A_258, %add3A_259 : i32
          %ge3A_261 = arith.cmpi sge, %while3A_188, %add3A_260 : i32
          %not3A_262 = arith.constant true
          %not3A_263 = arith.xori %ge3A_261, %not3A_262 : i1
          %and3A_264 = arith.andi %or3A_256, %not3A_263 : i1
          %convert_element_type3A_265 = arith.extui %and3A_264 : i1 to i32
          %cond3A_266 = arith.constant 0 : i32
          %cond3A_267 = arith.cmpi ne, %convert_element_type3A_265, %cond3A_266 : i32
          scf.if %cond3A_267 {
            "tpu.trace_start"() <{level = 10 : i32, message = "ep_copy_in"}> : () -> ()
            %rem3A_559 = arith.constant 2 : i32
            %rem3A_560 = arith.remui %while3A_191, %rem3A_559 : i32
            %mul3A_561 = arith.constant 1 : i32
            %mul3A_562 = arith.muli %mul3A_561, %add3A_223 : i32
            %dma_start3A_563 = arith.constant 0 : i32
            %dma_start3A_564 = arith.constant 0 : i32
            %dma_start3A_565 = arith.constant 0 : i32
            %dma_start3A_566 = tpu.memref_slice %run_scoped3A_18[%rem3A_560, %dma_start3A_563, %dma_start3A_564, %dma_start3A_565] : memref<2x1x1x160xi32, #tpu.memory_space<vmem>> -> memref<1x1x1x160xi32, #tpu.memory_space<vmem>>
            %dma_start3A_567 = tpu.memref_squeeze %dma_start3A_566 : memref<1x1x1x160xi32, #tpu.memory_space<vmem>> -> memref<1x1x160xi32, #tpu.memory_space<vmem>>
            %dma_start3A_568 = arith.constant 0 : i32
            %dma_start3A_569 = arith.constant 0 : i32
            %dma_start3A_570 = tpu.memref_slice %arg5[%mul3A_562, %dma_start3A_568, %dma_start3A_569] : memref<2000x1x160xi32, #tpu.memory_space<hbm>> -> memref<1x1x160xi32, #tpu.memory_space<hbm>>
            %dma_start3A_571 = tpu.memref_slice %run_scoped3A_19[%rem3A_560] : memref<2x!tpu.dma_semaphore, #tpu.memory_space<semaphore_mem>> -> memref<1x!tpu.dma_semaphore, #tpu.memory_space<semaphore_mem>>
            %dma_start3A_572 = tpu.memref_squeeze %dma_start3A_571 : memref<1x!tpu.dma_semaphore, #tpu.memory_space<semaphore_mem>> -> memref<!tpu.dma_semaphore, #tpu.memory_space<semaphore_mem>>
            %dma_start3A_573 = arith.constant 0 : i32
            %dma_start3A_574 = arith.constant 0 : i32
            %dma_start3A_575 = arith.constant 0 : i32
            %dma_start3A_576 = tpu.memref_slice %run_scoped3A_18[%rem3A_560, %dma_start3A_573, %dma_start3A_574, %dma_start3A_575] : memref<2x1x1x160xi32, #tpu.memory_space<vmem>> -> memref<1x1x1x160xi32, #tpu.memory_space<vmem>>
            %dma_start3A_577 = tpu.memref_squeeze %dma_start3A_576 : memref<1x1x1x160xi32, #tpu.memory_space<vmem>> -> memref<1x1x160xi32, #tpu.memory_space<vmem>>
            %dma_start3A_578 = arith.constant 0 : i32
            %dma_start3A_579 = arith.constant 0 : i32
            %dma_start3A_580 = tpu.memref_slice %arg5[%mul3A_562, %dma_start3A_578, %dma_start3A_579] : memref<2000x1x160xi32, #tpu.memory_space<hbm>> -> memref<1x1x160xi32, #tpu.memory_space<hbm>>
            tpu.enqueue_dma source(%dma_start3A_580 : memref<1x1x160xi32, #tpu.memory_space<hbm>>) target(%dma_start3A_577 : memref<1x1x160xi32, #tpu.memory_space<vmem>>) target_semaphore(%dma_start3A_572 : memref<!tpu.dma_semaphore, #tpu.memory_space<semaphore_mem>>)
            "tpu.trace_stop"() : () -> ()
          } else {
          }
          %and3A_268 = arith.constant true
          %and3A_269 = arith.andi %and3A_264, %and3A_268 : i1
          %add3A_270 = arith.constant 1 : i32
          %add3A_271 = arith.addi %while3A_191, %add3A_270 : i32
          %select_n3A_272 = arith.select %and3A_269, %add3A_271, %while3A_191 : i32
          %ne3A_273 = arith.cmpi ne, %add3A_205, %add3A_223 : i32
          %or3A_274 = arith.constant false
          %or3A_275 = arith.ori %or3A_274, %ne3A_273 : i1
          %or3A_276 = arith.constant false
          %or3A_277 = arith.ori %or3A_275, %or3A_276 : i1
          %sub3A_278 = arith.constant 2 : i32
          %sub3A_279 = arith.subi %mul3A_199, %sub3A_278 : i32
          %add3A_280 = arith.constant 1 : i32
          %add3A_281 = arith.addi %sub3A_279, %add3A_280 : i32
          %ge3A_282 = arith.cmpi sge, %while3A_188, %add3A_281 : i32
          %not3A_283 = arith.constant true
          %not3A_284 = arith.xori %ge3A_282, %not3A_283 : i1
          %and3A_285 = arith.andi %or3A_277, %not3A_284 : i1
          %ne3A_286 = arith.cmpi ne, %add3A_205, %add3A_223 : i32
          %or3A_287 = arith.constant false
          %or3A_288 = arith.ori %or3A_287, %ne3A_286 : i1
          %or3A_289 = arith.constant false
          %or3A_290 = arith.ori %or3A_288, %or3A_289 : i1
          %sub3A_291 = arith.constant 2 : i32
          %sub3A_292 = arith.subi %mul3A_199, %sub3A_291 : i32
          %add3A_293 = arith.constant 1 : i32
          %add3A_294 = arith.addi %sub3A_292, %add3A_293 : i32
          %ge3A_295 = arith.cmpi sge, %while3A_188, %add3A_294 : i32
          %not3A_296 = arith.constant true
          %not3A_297 = arith.xori %ge3A_295, %not3A_296 : i1
          %and3A_298 = arith.andi %or3A_290, %not3A_297 : i1
          %ne3A_299 = arith.cmpi ne, %add3A_205, %add3A_215 : i32
          %or3A_300 = arith.constant false
          %or3A_301 = arith.ori %or3A_300, %ne3A_299 : i1
          %or3A_302 = arith.constant false
          %or3A_303 = arith.ori %or3A_301, %or3A_302 : i1
          %or3A_304 = arith.constant false
          %or3A_305 = arith.ori %or3A_303, %or3A_304 : i1
          %or3A_306 = arith.ori %or3A_305, %eq3A_201 : i1
          %convert_element_type3A_307 = arith.extui %or3A_306 : i1 to i32
          %cond3A_308 = arith.constant 0 : i32
          %cond3A_309 = arith.cmpi ne, %convert_element_type3A_307, %cond3A_308 : i32
          scf.if %cond3A_309 {
            "tpu.trace_start"() <{level = 10 : i32, message = "ep_wait_in"}> : () -> ()
            %mul3A_559 = arith.constant 1 : i32
            %mul3A_560 = arith.muli %mul3A_559, %add3A_205 : i32
            %rem3A_561 = arith.constant 2 : i32
            %rem3A_562 = arith.remui %while3A_190, %rem3A_561 : i32
            %dma_wait3A_563 = arith.constant 0 : i32
            %dma_wait3A_564 = arith.constant 0 : i32
            %dma_wait3A_565 = arith.constant 0 : i32
            %dma_wait3A_566 = tpu.memref_slice %run_scoped3A[%rem3A_562, %dma_wait3A_563, %dma_wait3A_564, %dma_wait3A_565] : memref<2x1x1x160xi32, #tpu.memory_space<vmem>> -> memref<1x1x1x160xi32, #tpu.memory_space<vmem>>
            %dma_wait3A_567 = tpu.memref_squeeze %dma_wait3A_566 : memref<1x1x1x160xi32, #tpu.memory_space<vmem>> -> memref<1x1x160xi32, #tpu.memory_space<vmem>>
            %dma_wait3A_568 = arith.constant 0 : i32
            %dma_wait3A_569 = arith.constant 0 : i32
            %dma_wait3A_570 = tpu.memref_slice %arg4[%mul3A_560, %dma_wait3A_568, %dma_wait3A_569] : memref<2000x1x160xi32, #tpu.memory_space<hbm>> -> memref<1x1x160xi32, #tpu.memory_space<hbm>>
            %dma_wait3A_571 = tpu.memref_slice %run_scoped3A_17[%rem3A_562] : memref<2x!tpu.dma_semaphore, #tpu.memory_space<semaphore_mem>> -> memref<1x!tpu.dma_semaphore, #tpu.memory_space<semaphore_mem>>
            %dma_wait3A_572 = tpu.memref_squeeze %dma_wait3A_571 : memref<1x!tpu.dma_semaphore, #tpu.memory_space<semaphore_mem>> -> memref<!tpu.dma_semaphore, #tpu.memory_space<semaphore_mem>>
            %dma_wait3A_573 = arith.constant 0 : i32
            %dma_wait3A_574 = arith.constant 0 : i32
            %dma_wait3A_575 = arith.constant 0 : i32
            %dma_wait3A_576 = tpu.memref_slice %run_scoped3A[%rem3A_562, %dma_wait3A_573, %dma_wait3A_574, %dma_wait3A_575] : memref<2x1x1x160xi32, #tpu.memory_space<vmem>> -> memref<1x1x1x160xi32, #tpu.memory_space<vmem>>
            %dma_wait3A_577 = tpu.memref_squeeze %dma_wait3A_576 : memref<1x1x1x160xi32, #tpu.memory_space<vmem>> -> memref<1x1x160xi32, #tpu.memory_space<vmem>>
            %dma_wait3A_578 = arith.constant 0 : i32
            %dma_wait3A_579 = arith.constant 0 : i32
            %dma_wait3A_580 = tpu.memref_slice %arg4[%mul3A_560, %dma_wait3A_578, %dma_wait3A_579] : memref<2000x1x160xi32, #tpu.memory_space<hbm>> -> memref<1x1x160xi32, #tpu.memory_space<hbm>>
            tpu.wait_dma2 semaphore(%dma_wait3A_572 : memref<!tpu.dma_semaphore, #tpu.memory_space<semaphore_mem>>) src(%dma_wait3A_580 : memref<1x1x160xi32, #tpu.memory_space<hbm>>) dst(%dma_wait3A_577 : memref<1x1x160xi32, #tpu.memory_space<vmem>>)
            "tpu.trace_stop"() : () -> ()
          } else {
          }
          %ne3A_310 = arith.cmpi ne, %add3A_205, %add3A_215 : i32
          %or3A_311 = arith.constant false
          %or3A_312 = arith.ori %or3A_311, %ne3A_310 : i1
          %or3A_313 = arith.constant false
          %or3A_314 = arith.ori %or3A_312, %or3A_313 : i1
          %or3A_315 = arith.constant false
          %or3A_316 = arith.ori %or3A_314, %or3A_315 : i1
          %or3A_317 = arith.ori %or3A_316, %eq3A_201 : i1
          %convert_element_type3A_318 = arith.extui %or3A_317 : i1 to i32
          %cond3A_319 = arith.constant 0 : i32
          %cond3A_320 = arith.cmpi ne, %convert_element_type3A_318, %cond3A_319 : i32
          scf.if %cond3A_320 {
            "tpu.trace_start"() <{level = 10 : i32, message = "ep_wait_in"}> : () -> ()
            %mul3A_559 = arith.constant 1 : i32
            %mul3A_560 = arith.muli %mul3A_559, %add3A_205 : i32
            %rem3A_561 = arith.constant 2 : i32
            %rem3A_562 = arith.remui %while3A_192, %rem3A_561 : i32
            %dma_wait3A_563 = arith.constant 0 : i32
            %dma_wait3A_564 = arith.constant 0 : i32
            %dma_wait3A_565 = arith.constant 0 : i32
            %dma_wait3A_566 = tpu.memref_slice %run_scoped3A_18[%rem3A_562, %dma_wait3A_563, %dma_wait3A_564, %dma_wait3A_565] : memref<2x1x1x160xi32, #tpu.memory_space<vmem>> -> memref<1x1x1x160xi32, #tpu.memory_space<vmem>>
            %dma_wait3A_567 = tpu.memref_squeeze %dma_wait3A_566 : memref<1x1x1x160xi32, #tpu.memory_space<vmem>> -> memref<1x1x160xi32, #tpu.memory_space<vmem>>
            %dma_wait3A_568 = arith.constant 0 : i32
            %dma_wait3A_569 = arith.constant 0 : i32
            %dma_wait3A_570 = tpu.memref_slice %arg5[%mul3A_560, %dma_wait3A_568, %dma_wait3A_569] : memref<2000x1x160xi32, #tpu.memory_space<hbm>> -> memref<1x1x160xi32, #tpu.memory_space<hbm>>
            %dma_wait3A_571 = tpu.memref_slice %run_scoped3A_19[%rem3A_562] : memref<2x!tpu.dma_semaphore, #tpu.memory_space<semaphore_mem>> -> memref<1x!tpu.dma_semaphore, #tpu.memory_space<semaphore_mem>>
            %dma_wait3A_572 = tpu.memref_squeeze %dma_wait3A_571 : memref<1x!tpu.dma_semaphore, #tpu.memory_space<semaphore_mem>> -> memref<!tpu.dma_semaphore, #tpu.memory_space<semaphore_mem>>
            %dma_wait3A_573 = arith.constant 0 : i32
            %dma_wait3A_574 = arith.constant 0 : i32
            %dma_wait3A_575 = arith.constant 0 : i32
            %dma_wait3A_576 = tpu.memref_slice %run_scoped3A_18[%rem3A_562, %dma_wait3A_573, %dma_wait3A_574, %dma_wait3A_575] : memref<2x1x1x160xi32, #tpu.memory_space<vmem>> -> memref<1x1x1x160xi32, #tpu.memory_space<vmem>>
            %dma_wait3A_577 = tpu.memref_squeeze %dma_wait3A_576 : memref<1x1x1x160xi32, #tpu.memory_space<vmem>> -> memref<1x1x160xi32, #tpu.memory_space<vmem>>
            %dma_wait3A_578 = arith.constant 0 : i32
            %dma_wait3A_579 = arith.constant 0 : i32
            %dma_wait3A_580 = tpu.memref_slice %arg5[%mul3A_560, %dma_wait3A_578, %dma_wait3A_579] : memref<2000x1x160xi32, #tpu.memory_space<hbm>> -> memref<1x1x160xi32, #tpu.memory_space<hbm>>
            tpu.wait_dma2 semaphore(%dma_wait3A_572 : memref<!tpu.dma_semaphore, #tpu.memory_space<semaphore_mem>>) src(%dma_wait3A_580 : memref<1x1x160xi32, #tpu.memory_space<hbm>>) dst(%dma_wait3A_577 : memref<1x1x160xi32, #tpu.memory_space<vmem>>)
            "tpu.trace_stop"() : () -> ()
          } else {
          }
          %ne3A_321 = arith.cmpi ne, %add3A_205, %add3A_215 : i32
          %or3A_322 = arith.constant false
          %or3A_323 = arith.ori %or3A_322, %ne3A_321 : i1
          %or3A_324 = arith.constant false
          %or3A_325 = arith.ori %or3A_323, %or3A_324 : i1
          %or3A_326 = arith.ori %or3A_325, %eq3A_201 : i1
          %convert_element_type3A_327 = arith.extui %or3A_326 : i1 to i32
          %cond3A_328 = arith.constant 0 : i32
          %cond3A_329 = arith.cmpi ne, %convert_element_type3A_327, %cond3A_328 : i32
          scf.if %cond3A_329 {
          } else {
          }
          %ne3A_330 = arith.cmpi ne, %add3A_205, %add3A_215 : i32
          %or3A_331 = arith.constant false
          %or3A_332 = arith.ori %or3A_331, %ne3A_330 : i1
          %or3A_333 = arith.constant false
          %or3A_334 = arith.ori %or3A_332, %or3A_333 : i1
          %or3A_335 = arith.ori %or3A_334, %eq3A_201 : i1
          %convert_element_type3A_336 = arith.extui %or3A_335 : i1 to i32
          %cond3A_337 = arith.constant 0 : i32
          %cond3A_338 = arith.cmpi ne, %convert_element_type3A_336, %cond3A_337 : i32
          scf.if %cond3A_338 {
          } else {
          }
          %rem3A_339 = arith.constant 2 : i32
          %rem3A_340 = arith.remui %while3A_190, %rem3A_339 : i32
          %rem3A_341 = arith.constant 2 : i32
          %rem3A_342 = arith.remui %while3A_192, %rem3A_341 : i32
          %rem3A_343 = arith.constant 2 : i32
          %rem3A_344 = arith.remui %while3A_193, %rem3A_343 : i32
          %rem3A_345 = arith.constant 2 : i32
          %rem3A_346 = arith.remui %while3A_195, %rem3A_345 : i32
          %dma_start3A_347 = arith.constant 0 : i32
          %dma_start3A_348 = arith.constant 0 : i32
          "tpu.trace_start"() <{level = 10 : i32, message = "ep_run_kernel"}> : () -> ()
          %dma_start3A_349 = arith.constant 0 : i32
          %dma_start3A_350 = arith.constant 0 : i32
          %dma_start3A_351 = tpu.memref_slice %run_scoped3A_20[%rem3A_344, %dma_start3A_349, %dma_start3A_350] : memref<2x160x128xf32, #tpu.memory_space<vmem>> -> memref<1x160x128xf32, #tpu.memory_space<vmem>>
          %dma_start3A_352 = tpu.memref_squeeze %dma_start3A_351 : memref<1x160x128xf32, #tpu.memory_space<vmem>> -> memref<160x128xf32, #tpu.memory_space<vmem>>
          %dma_start3A_353 = arith.constant 0 : i32
          %dma_start3A_354 = arith.constant 0 : i32
          %dma_start3A_355 = arith.constant 0 : i32
          %dma_start3A_356 = tpu.memref_slice %run_scoped3A[%rem3A_340, %dma_start3A_353, %dma_start3A_354, %dma_start3A_355] : memref<2x1x1x160xi32, #tpu.memory_space<vmem>> -> memref<1x1x1x160xi32, #tpu.memory_space<vmem>>
          %dma_start3A_357 = tpu.memref_squeeze %dma_start3A_356 : memref<1x1x1x160xi32, #tpu.memory_space<vmem>> -> memref<1x1x160xi32, #tpu.memory_space<vmem>>
          %dma_start3A_358 = arith.constant 0 : i32
          %dma_start3A_359 = tpu.memref_slice %dma_start3A_357[%dma_start3A_347, %dma_start3A_348, %dma_start3A_358] : memref<1x1x160xi32, #tpu.memory_space<vmem>> -> memref<1x1x160xi32, #tpu.memory_space<vmem>>
          %dma_start3A_360 = tpu.memref_squeeze %dma_start3A_359 : memref<1x1x160xi32, #tpu.memory_space<vmem>> -> memref<160xi32, #tpu.memory_space<vmem>>
          %dma_start3A_361 = arith.constant 0 : i32
          %dma_start3A_362 = arith.constant 0 : i32
          %dma_start3A_363 = tpu.memref_slice %arg2[%dma_start3A_361, %dma_start3A_362] : memref<10000x128xf32, #tpu.memory_space<hbm>> -> memref<10000x128xf32, #tpu.memory_space<hbm>>
          tpu.enqueue_indirect_dma source(%dma_start3A_363 : memref<10000x128xf32, #tpu.memory_space<hbm>>) target(%dma_start3A_352 : memref<160x128xf32, #tpu.memory_space<vmem>>) offsets(%dma_start3A_360 : memref<160xi32, #tpu.memory_space<vmem>>) semaphore(%arg8 : memref<!tpu.dma_semaphore, #tpu.memory_space<semaphore_mem>>)
          %dma_start3A_364 = arith.constant 0 : i32
          %dma_start3A_365 = arith.constant 0 : i32
          %dma_start3A_366 = arith.constant 0 : i32
          %dma_start3A_367 = arith.constant 0 : i32
          %dma_start3A_368 = tpu.memref_slice %run_scoped3A_22[%rem3A_346, %dma_start3A_366, %dma_start3A_367] : memref<2x160x128xf32, #tpu.memory_space<vmem>> -> memref<1x160x128xf32, #tpu.memory_space<vmem>>
          %dma_start3A_369 = tpu.memref_squeeze %dma_start3A_368 : memref<1x160x128xf32, #tpu.memory_space<vmem>> -> memref<160x128xf32, #tpu.memory_space<vmem>>
          %dma_start3A_370 = arith.constant 0 : i32
          %dma_start3A_371 = arith.constant 0 : i32
          %dma_start3A_372 = arith.constant 0 : i32
          %dma_start3A_373 = tpu.memref_slice %run_scoped3A_18[%rem3A_342, %dma_start3A_370, %dma_start3A_371, %dma_start3A_372] : memref<2x1x1x160xi32, #tpu.memory_space<vmem>> -> memref<1x1x1x160xi32, #tpu.memory_space<vmem>>
          %dma_start3A_374 = tpu.memref_squeeze %dma_start3A_373 : memref<1x1x1x160xi32, #tpu.memory_space<vmem>> -> memref<1x1x160xi32, #tpu.memory_space<vmem>>
          %dma_start3A_375 = arith.constant 0 : i32
          %dma_start3A_376 = tpu.memref_slice %dma_start3A_374[%dma_start3A_364, %dma_start3A_365, %dma_start3A_375] : memref<1x1x160xi32, #tpu.memory_space<vmem>> -> memref<1x1x160xi32, #tpu.memory_space<vmem>>
          %dma_start3A_377 = tpu.memref_squeeze %dma_start3A_376 : memref<1x1x160xi32, #tpu.memory_space<vmem>> -> memref<160xi32, #tpu.memory_space<vmem>>
          %dma_start3A_378 = arith.constant 0 : i32
          %dma_start3A_379 = arith.constant 0 : i32
          %dma_start3A_380 = tpu.memref_slice %arg3[%dma_start3A_378, %dma_start3A_379] : memref<10000x128xf32, #tpu.memory_space<hbm>> -> memref<10000x128xf32, #tpu.memory_space<hbm>>
          tpu.enqueue_indirect_dma source(%dma_start3A_380 : memref<10000x128xf32, #tpu.memory_space<hbm>>) target(%dma_start3A_369 : memref<160x128xf32, #tpu.memory_space<vmem>>) offsets(%dma_start3A_377 : memref<160xi32, #tpu.memory_space<vmem>>) semaphore(%arg9 : memref<!tpu.dma_semaphore, #tpu.memory_space<semaphore_mem>>)
          %dma_wait3A = arith.constant 0 : i32
          %dma_wait3A_381 = arith.constant 0 : i32
          %dma_wait3A_382 = arith.constant 0 : i32
          %dma_wait3A_383 = arith.constant 0 : i32
          %dma_wait3A_384 = tpu.memref_slice %run_scoped3A_20[%rem3A_344, %dma_wait3A_382, %dma_wait3A_383] : memref<2x160x128xf32, #tpu.memory_space<vmem>> -> memref<1x160x128xf32, #tpu.memory_space<vmem>>
          %dma_wait3A_385 = tpu.memref_squeeze %dma_wait3A_384 : memref<1x160x128xf32, #tpu.memory_space<vmem>> -> memref<160x128xf32, #tpu.memory_space<vmem>>
          %dma_wait3A_386 = arith.constant 0 : i32
          %dma_wait3A_387 = arith.constant 0 : i32
          %dma_wait3A_388 = arith.constant 0 : i32
          %dma_wait3A_389 = tpu.memref_slice %run_scoped3A[%rem3A_340, %dma_wait3A_386, %dma_wait3A_387, %dma_wait3A_388] : memref<2x1x1x160xi32, #tpu.memory_space<vmem>> -> memref<1x1x1x160xi32, #tpu.memory_space<vmem>>
          %dma_wait3A_390 = tpu.memref_squeeze %dma_wait3A_389 : memref<1x1x1x160xi32, #tpu.memory_space<vmem>> -> memref<1x1x160xi32, #tpu.memory_space<vmem>>
          %dma_wait3A_391 = arith.constant 0 : i32
          %dma_wait3A_392 = tpu.memref_slice %dma_wait3A_390[%dma_wait3A, %dma_wait3A_381, %dma_wait3A_391] : memref<1x1x160xi32, #tpu.memory_space<vmem>> -> memref<1x1x160xi32, #tpu.memory_space<vmem>>
          %dma_wait3A_393 = tpu.memref_squeeze %dma_wait3A_392 : memref<1x1x160xi32, #tpu.memory_space<vmem>> -> memref<160xi32, #tpu.memory_space<vmem>>
          %dma_wait3A_394 = arith.constant 0 : i32
          %dma_wait3A_395 = arith.constant 0 : i32
          %dma_wait3A_396 = tpu.memref_slice %arg2[%dma_wait3A_394, %dma_wait3A_395] : memref<10000x128xf32, #tpu.memory_space<hbm>> -> memref<10000x128xf32, #tpu.memory_space<hbm>>
          tpu.wait_indirect_dma semaphore(%arg8 : memref<!tpu.dma_semaphore, #tpu.memory_space<semaphore_mem>>) src(%dma_wait3A_396 : memref<10000x128xf32, #tpu.memory_space<hbm>>) dst(%dma_wait3A_385 : memref<160x128xf32, #tpu.memory_space<vmem>>)
          %dma_wait3A_397 = arith.constant 0 : i32
          %dma_wait3A_398 = arith.constant 0 : i32
          %dma_wait3A_399 = arith.constant 0 : i32
          %dma_wait3A_400 = arith.constant 0 : i32
          %dma_wait3A_401 = tpu.memref_slice %run_scoped3A_22[%rem3A_346, %dma_wait3A_399, %dma_wait3A_400] : memref<2x160x128xf32, #tpu.memory_space<vmem>> -> memref<1x160x128xf32, #tpu.memory_space<vmem>>
          %dma_wait3A_402 = tpu.memref_squeeze %dma_wait3A_401 : memref<1x160x128xf32, #tpu.memory_space<vmem>> -> memref<160x128xf32, #tpu.memory_space<vmem>>
          %dma_wait3A_403 = arith.constant 0 : i32
          %dma_wait3A_404 = arith.constant 0 : i32
          %dma_wait3A_405 = arith.constant 0 : i32
          %dma_wait3A_406 = tpu.memref_slice %run_scoped3A_18[%rem3A_342, %dma_wait3A_403, %dma_wait3A_404, %dma_wait3A_405] : memref<2x1x1x160xi32, #tpu.memory_space<vmem>> -> memref<1x1x1x160xi32, #tpu.memory_space<vmem>>
          %dma_wait3A_407 = tpu.memref_squeeze %dma_wait3A_406 : memref<1x1x1x160xi32, #tpu.memory_space<vmem>> -> memref<1x1x160xi32, #tpu.memory_space<vmem>>
          %dma_wait3A_408 = arith.constant 0 : i32
          %dma_wait3A_409 = tpu.memref_slice %dma_wait3A_407[%dma_wait3A_397, %dma_wait3A_398, %dma_wait3A_408] : memref<1x1x160xi32, #tpu.memory_space<vmem>> -> memref<1x1x160xi32, #tpu.memory_space<vmem>>
          %dma_wait3A_410 = tpu.memref_squeeze %dma_wait3A_409 : memref<1x1x160xi32, #tpu.memory_space<vmem>> -> memref<160xi32, #tpu.memory_space<vmem>>
          %dma_wait3A_411 = arith.constant 0 : i32
          %dma_wait3A_412 = arith.constant 0 : i32
          %dma_wait3A_413 = tpu.memref_slice %arg3[%dma_wait3A_411, %dma_wait3A_412] : memref<10000x128xf32, #tpu.memory_space<hbm>> -> memref<10000x128xf32, #tpu.memory_space<hbm>>
          tpu.wait_indirect_dma semaphore(%arg9 : memref<!tpu.dma_semaphore, #tpu.memory_space<semaphore_mem>>) src(%dma_wait3A_413 : memref<10000x128xf32, #tpu.memory_space<hbm>>) dst(%dma_wait3A_402 : memref<160x128xf32, #tpu.memory_space<vmem>>)
          "tpu.trace_stop"() : () -> ()
          %ne3A_414 = arith.cmpi ne, %add3A_205, %add3A_223 : i32
          %or3A_415 = arith.constant false
          %or3A_416 = arith.ori %or3A_415, %ne3A_414 : i1
          %or3A_417 = arith.constant false
          %or3A_418 = arith.ori %or3A_416, %or3A_417 : i1
          %or3A_419 = arith.constant false
          %or3A_420 = arith.ori %or3A_418, %or3A_419 : i1
          %or3A_421 = arith.ori %or3A_420, %eq3A_204 : i1
          %convert_element_type3A_422 = arith.extui %or3A_421 : i1 to i32
          %cond3A_423 = arith.constant 0 : i32
          %cond3A_424 = arith.cmpi ne, %convert_element_type3A_422, %cond3A_423 : i32
          scf.if %cond3A_424 {
          } else {
          }
          %and3A_425 = arith.constant false
          %and3A_426 = arith.andi %or3A_421, %and3A_425 : i1
          %ne3A_427 = arith.cmpi ne, %add3A_205, %add3A_223 : i32
          %or3A_428 = arith.constant false
          %or3A_429 = arith.ori %or3A_428, %ne3A_427 : i1
          %or3A_430 = arith.constant false
          %or3A_431 = arith.ori %or3A_429, %or3A_430 : i1
          %or3A_432 = arith.constant false
          %or3A_433 = arith.ori %or3A_431, %or3A_432 : i1
          %or3A_434 = arith.ori %or3A_433, %eq3A_204 : i1
          %convert_element_type3A_435 = arith.extui %or3A_434 : i1 to i32
          %cond3A_436 = arith.constant 0 : i32
          %cond3A_437 = arith.cmpi ne, %convert_element_type3A_435, %cond3A_436 : i32
          scf.if %cond3A_437 {
          } else {
          }
          %and3A_438 = arith.constant false
          %and3A_439 = arith.andi %or3A_434, %and3A_438 : i1
          %ne3A_440 = arith.cmpi ne, %add3A_205, %add3A_223 : i32
          %or3A_441 = arith.constant false
          %or3A_442 = arith.ori %or3A_441, %ne3A_440 : i1
          %or3A_443 = arith.constant false
          %or3A_444 = arith.ori %or3A_442, %or3A_443 : i1
          %or3A_445 = arith.ori %or3A_444, %eq3A_204 : i1
          %convert_element_type3A_446 = arith.extui %or3A_445 : i1 to i32
          %cond3A_447 = arith.constant 0 : i32
          %cond3A_448 = arith.cmpi ne, %convert_element_type3A_446, %cond3A_447 : i32
          scf.if %cond3A_448 {
            "tpu.trace_start"() <{level = 10 : i32, message = "ep_copy_out"}> : () -> ()
            %rem3A_559 = arith.constant 2 : i32
            %rem3A_560 = arith.remui %while3A_193, %rem3A_559 : i32
            %mul3A_561 = arith.constant 160 : i32
            %mul3A_562 = arith.muli %mul3A_561, %add3A_205 : i32
            %dma_start3A_563 = arith.constant 0 : i32
            %dma_start3A_564 = arith.constant 0 : i32
            %dma_start3A_565 = tpu.memref_slice %run_scoped3A_20[%rem3A_560, %dma_start3A_563, %dma_start3A_564] : memref<2x160x128xf32, #tpu.memory_space<vmem>> -> memref<1x160x128xf32, #tpu.memory_space<vmem>>
            %dma_start3A_566 = tpu.memref_squeeze %dma_start3A_565 : memref<1x160x128xf32, #tpu.memory_space<vmem>> -> memref<160x128xf32, #tpu.memory_space<vmem>>
            %dma_start3A_567 = arith.constant 0 : i32
            %dma_start3A_568 = tpu.memref_slice %arg6[%mul3A_562, %dma_start3A_567] : memref<320000x128xf32, #tpu.memory_space<hbm>> -> memref<160x128xf32, #tpu.memory_space<hbm>>
            %dma_start3A_569 = tpu.memref_slice %run_scoped3A_21[%rem3A_560] : memref<2x!tpu.dma_semaphore, #tpu.memory_space<semaphore_mem>> -> memref<1x!tpu.dma_semaphore, #tpu.memory_space<semaphore_mem>>
            %dma_start3A_570 = tpu.memref_squeeze %dma_start3A_569 : memref<1x!tpu.dma_semaphore, #tpu.memory_space<semaphore_mem>> -> memref<!tpu.dma_semaphore, #tpu.memory_space<semaphore_mem>>
            %dma_start3A_571 = arith.constant 0 : i32
            %dma_start3A_572 = tpu.memref_slice %arg6[%mul3A_562, %dma_start3A_571] : memref<320000x128xf32, #tpu.memory_space<hbm>> -> memref<160x128xf32, #tpu.memory_space<hbm>>
            %dma_start3A_573 = arith.constant 0 : i32
            %dma_start3A_574 = arith.constant 0 : i32
            %dma_start3A_575 = tpu.memref_slice %run_scoped3A_20[%rem3A_560, %dma_start3A_573, %dma_start3A_574] : memref<2x160x128xf32, #tpu.memory_space<vmem>> -> memref<1x160x128xf32, #tpu.memory_space<vmem>>
            %dma_start3A_576 = tpu.memref_squeeze %dma_start3A_575 : memref<1x160x128xf32, #tpu.memory_space<vmem>> -> memref<160x128xf32, #tpu.memory_space<vmem>>
            tpu.enqueue_dma source(%dma_start3A_576 : memref<160x128xf32, #tpu.memory_space<vmem>>) target(%dma_start3A_572 : memref<160x128xf32, #tpu.memory_space<hbm>>) target_semaphore(%dma_start3A_570 : memref<!tpu.dma_semaphore, #tpu.memory_space<semaphore_mem>>)
            "tpu.trace_stop"() : () -> ()
          } else {
          }
          %and3A_449 = arith.constant true
          %and3A_450 = arith.andi %or3A_445, %and3A_449 : i1
          %add3A_451 = arith.constant 1 : i32
          %add3A_452 = arith.addi %while3A_193, %add3A_451 : i32
          %select_n3A_453 = arith.select %and3A_450, %add3A_452, %while3A_193 : i32
          %ne3A_454 = arith.cmpi ne, %add3A_205, %add3A_223 : i32
          %or3A_455 = arith.constant false
          %or3A_456 = arith.ori %or3A_455, %ne3A_454 : i1
          %or3A_457 = arith.constant false
          %or3A_458 = arith.ori %or3A_456, %or3A_457 : i1
          %or3A_459 = arith.ori %or3A_458, %eq3A_204 : i1
          %convert_element_type3A_460 = arith.extui %or3A_459 : i1 to i32
          %cond3A_461 = arith.constant 0 : i32
          %cond3A_462 = arith.cmpi ne, %convert_element_type3A_460, %cond3A_461 : i32
          scf.if %cond3A_462 {
            "tpu.trace_start"() <{level = 10 : i32, message = "ep_copy_out"}> : () -> ()
            %rem3A_559 = arith.constant 2 : i32
            %rem3A_560 = arith.remui %while3A_195, %rem3A_559 : i32
            %mul3A_561 = arith.constant 160 : i32
            %mul3A_562 = arith.muli %mul3A_561, %add3A_205 : i32
            %dma_start3A_563 = arith.constant 0 : i32
            %dma_start3A_564 = arith.constant 0 : i32
            %dma_start3A_565 = tpu.memref_slice %run_scoped3A_22[%rem3A_560, %dma_start3A_563, %dma_start3A_564] : memref<2x160x128xf32, #tpu.memory_space<vmem>> -> memref<1x160x128xf32, #tpu.memory_space<vmem>>
            %dma_start3A_566 = tpu.memref_squeeze %dma_start3A_565 : memref<1x160x128xf32, #tpu.memory_space<vmem>> -> memref<160x128xf32, #tpu.memory_space<vmem>>
            %dma_start3A_567 = arith.constant 0 : i32
            %dma_start3A_568 = tpu.memref_slice %arg7[%mul3A_562, %dma_start3A_567] : memref<320000x128xf32, #tpu.memory_space<hbm>> -> memref<160x128xf32, #tpu.memory_space<hbm>>
            %dma_start3A_569 = tpu.memref_slice %run_scoped3A_23[%rem3A_560] : memref<2x!tpu.dma_semaphore, #tpu.memory_space<semaphore_mem>> -> memref<1x!tpu.dma_semaphore, #tpu.memory_space<semaphore_mem>>
            %dma_start3A_570 = tpu.memref_squeeze %dma_start3A_569 : memref<1x!tpu.dma_semaphore, #tpu.memory_space<semaphore_mem>> -> memref<!tpu.dma_semaphore, #tpu.memory_space<semaphore_mem>>
            %dma_start3A_571 = arith.constant 0 : i32
            %dma_start3A_572 = tpu.memref_slice %arg7[%mul3A_562, %dma_start3A_571] : memref<320000x128xf32, #tpu.memory_space<hbm>> -> memref<160x128xf32, #tpu.memory_space<hbm>>
            %dma_start3A_573 = arith.constant 0 : i32
            %dma_start3A_574 = arith.constant 0 : i32
            %dma_start3A_575 = tpu.memref_slice %run_scoped3A_22[%rem3A_560, %dma_start3A_573, %dma_start3A_574] : memref<2x160x128xf32, #tpu.memory_space<vmem>> -> memref<1x160x128xf32, #tpu.memory_space<vmem>>
            %dma_start3A_576 = tpu.memref_squeeze %dma_start3A_575 : memref<1x160x128xf32, #tpu.memory_space<vmem>> -> memref<160x128xf32, #tpu.memory_space<vmem>>
            tpu.enqueue_dma source(%dma_start3A_576 : memref<160x128xf32, #tpu.memory_space<vmem>>) target(%dma_start3A_572 : memref<160x128xf32, #tpu.memory_space<hbm>>) target_semaphore(%dma_start3A_570 : memref<!tpu.dma_semaphore, #tpu.memory_space<semaphore_mem>>)
            "tpu.trace_stop"() : () -> ()
          } else {
          }
          %and3A_463 = arith.constant true
          %and3A_464 = arith.andi %or3A_459, %and3A_463 : i1
          %add3A_465 = arith.constant 1 : i32
          %add3A_466 = arith.addi %while3A_195, %add3A_465 : i32
          %select_n3A_467 = arith.select %and3A_464, %add3A_466, %while3A_195 : i32
          %ne3A_468 = arith.cmpi ne, %add3A_205, %add3A_215 : i32
          %or3A_469 = arith.constant false
          %or3A_470 = arith.ori %or3A_469, %ne3A_468 : i1
          %or3A_471 = arith.constant false
          %or3A_472 = arith.ori %or3A_470, %or3A_471 : i1
          %or3A_473 = arith.constant false
          %or3A_474 = arith.ori %or3A_472, %or3A_473 : i1
          %not3A_475 = arith.constant true
          %not3A_476 = arith.xori %eq3A_201, %not3A_475 : i1
          %and3A_477 = arith.andi %or3A_474, %not3A_476 : i1
          %convert_element_type3A_478 = arith.extui %and3A_477 : i1 to i32
          %cond3A_479 = arith.constant 0 : i32
          %cond3A_480 = arith.cmpi ne, %convert_element_type3A_478, %cond3A_479 : i32
          scf.if %cond3A_480 {
          } else {
          }
          %and3A_481 = arith.constant false
          %and3A_482 = arith.andi %and3A_477, %and3A_481 : i1
          %ne3A_483 = arith.cmpi ne, %add3A_205, %add3A_215 : i32
          %or3A_484 = arith.constant false
          %or3A_485 = arith.ori %or3A_484, %ne3A_483 : i1
          %or3A_486 = arith.constant false
          %or3A_487 = arith.ori %or3A_485, %or3A_486 : i1
          %or3A_488 = arith.constant false
          %or3A_489 = arith.ori %or3A_487, %or3A_488 : i1
          %not3A_490 = arith.constant true
          %not3A_491 = arith.xori %eq3A_201, %not3A_490 : i1
          %and3A_492 = arith.andi %or3A_489, %not3A_491 : i1
          %convert_element_type3A_493 = arith.extui %and3A_492 : i1 to i32
          %cond3A_494 = arith.constant 0 : i32
          %cond3A_495 = arith.cmpi ne, %convert_element_type3A_493, %cond3A_494 : i32
          scf.if %cond3A_495 {
          } else {
          }
          %and3A_496 = arith.constant false
          %and3A_497 = arith.andi %and3A_492, %and3A_496 : i1
          %ne3A_498 = arith.cmpi ne, %add3A_205, %add3A_215 : i32
          %or3A_499 = arith.constant false
          %or3A_500 = arith.ori %or3A_499, %ne3A_498 : i1
          %or3A_501 = arith.constant false
          %or3A_502 = arith.ori %or3A_500, %or3A_501 : i1
          %not3A_503 = arith.constant true
          %not3A_504 = arith.xori %eq3A_201, %not3A_503 : i1
          %and3A_505 = arith.andi %or3A_502, %not3A_504 : i1
          %convert_element_type3A_506 = arith.extui %and3A_505 : i1 to i32
          %cond3A_507 = arith.constant 0 : i32
          %cond3A_508 = arith.cmpi ne, %convert_element_type3A_506, %cond3A_507 : i32
          scf.if %cond3A_508 {
            "tpu.trace_start"() <{level = 10 : i32, message = "ep_wait_out"}> : () -> ()
            %rem3A_559 = arith.constant 2 : i32
            %rem3A_560 = arith.remui %while3A_194, %rem3A_559 : i32
            %mul3A_561 = arith.constant 160 : i32
            %mul3A_562 = arith.muli %mul3A_561, %add3A_215 : i32
            %dma_wait3A_563 = arith.constant 0 : i32
            %dma_wait3A_564 = arith.constant 0 : i32
            %dma_wait3A_565 = tpu.memref_slice %run_scoped3A_20[%rem3A_560, %dma_wait3A_563, %dma_wait3A_564] : memref<2x160x128xf32, #tpu.memory_space<vmem>> -> memref<1x160x128xf32, #tpu.memory_space<vmem>>
            %dma_wait3A_566 = tpu.memref_squeeze %dma_wait3A_565 : memref<1x160x128xf32, #tpu.memory_space<vmem>> -> memref<160x128xf32, #tpu.memory_space<vmem>>
            %dma_wait3A_567 = arith.constant 0 : i32
            %dma_wait3A_568 = tpu.memref_slice %arg6[%mul3A_562, %dma_wait3A_567] : memref<320000x128xf32, #tpu.memory_space<hbm>> -> memref<160x128xf32, #tpu.memory_space<hbm>>
            %dma_wait3A_569 = tpu.memref_slice %run_scoped3A_21[%rem3A_560] : memref<2x!tpu.dma_semaphore, #tpu.memory_space<semaphore_mem>> -> memref<1x!tpu.dma_semaphore, #tpu.memory_space<semaphore_mem>>
            %dma_wait3A_570 = tpu.memref_squeeze %dma_wait3A_569 : memref<1x!tpu.dma_semaphore, #tpu.memory_space<semaphore_mem>> -> memref<!tpu.dma_semaphore, #tpu.memory_space<semaphore_mem>>
            %dma_wait3A_571 = arith.constant 0 : i32
            %dma_wait3A_572 = tpu.memref_slice %arg6[%mul3A_562, %dma_wait3A_571] : memref<320000x128xf32, #tpu.memory_space<hbm>> -> memref<160x128xf32, #tpu.memory_space<hbm>>
            %dma_wait3A_573 = arith.constant 0 : i32
            %dma_wait3A_574 = arith.constant 0 : i32
            %dma_wait3A_575 = tpu.memref_slice %run_scoped3A_20[%rem3A_560, %dma_wait3A_573, %dma_wait3A_574] : memref<2x160x128xf32, #tpu.memory_space<vmem>> -> memref<1x160x128xf32, #tpu.memory_space<vmem>>
            %dma_wait3A_576 = tpu.memref_squeeze %dma_wait3A_575 : memref<1x160x128xf32, #tpu.memory_space<vmem>> -> memref<160x128xf32, #tpu.memory_space<vmem>>
            tpu.wait_dma2 semaphore(%dma_wait3A_570 : memref<!tpu.dma_semaphore, #tpu.memory_space<semaphore_mem>>) src(%dma_wait3A_576 : memref<160x128xf32, #tpu.memory_space<vmem>>) dst(%dma_wait3A_572 : memref<160x128xf32, #tpu.memory_space<hbm>>)
            "tpu.trace_stop"() : () -> ()
          } else {
          }
          %and3A_509 = arith.constant true
          %and3A_510 = arith.andi %and3A_505, %and3A_509 : i1
          %add3A_511 = arith.constant 1 : i32
          %add3A_512 = arith.addi %while3A_194, %add3A_511 : i32
          %select_n3A_513 = arith.select %and3A_510, %add3A_512, %while3A_194 : i32
          %ne3A_514 = arith.cmpi ne, %add3A_205, %add3A_215 : i32
          %or3A_515 = arith.constant false
          %or3A_516 = arith.ori %or3A_515, %ne3A_514 : i1
          %or3A_517 = arith.constant false
          %or3A_518 = arith.ori %or3A_516, %or3A_517 : i1
          %not3A_519 = arith.constant true
          %not3A_520 = arith.xori %eq3A_201, %not3A_519 : i1
          %and3A_521 = arith.andi %or3A_518, %not3A_520 : i1
          %convert_element_type3A_522 = arith.extui %and3A_521 : i1 to i32
          %cond3A_523 = arith.constant 0 : i32
          %cond3A_524 = arith.cmpi ne, %convert_element_type3A_522, %cond3A_523 : i32
          scf.if %cond3A_524 {
            "tpu.trace_start"() <{level = 10 : i32, message = "ep_wait_out"}> : () -> ()
            %rem3A_559 = arith.constant 2 : i32
            %rem3A_560 = arith.remui %while3A_196, %rem3A_559 : i32
            %mul3A_561 = arith.constant 160 : i32
            %mul3A_562 = arith.muli %mul3A_561, %add3A_215 : i32
            %dma_wait3A_563 = arith.constant 0 : i32
            %dma_wait3A_564 = arith.constant 0 : i32
            %dma_wait3A_565 = tpu.memref_slice %run_scoped3A_22[%rem3A_560, %dma_wait3A_563, %dma_wait3A_564] : memref<2x160x128xf32, #tpu.memory_space<vmem>> -> memref<1x160x128xf32, #tpu.memory_space<vmem>>
            %dma_wait3A_566 = tpu.memref_squeeze %dma_wait3A_565 : memref<1x160x128xf32, #tpu.memory_space<vmem>> -> memref<160x128xf32, #tpu.memory_space<vmem>>
            %dma_wait3A_567 = arith.constant 0 : i32
            %dma_wait3A_568 = tpu.memref_slice %arg7[%mul3A_562, %dma_wait3A_567] : memref<320000x128xf32, #tpu.memory_space<hbm>> -> memref<160x128xf32, #tpu.memory_space<hbm>>
            %dma_wait3A_569 = tpu.memref_slice %run_scoped3A_23[%rem3A_560] : memref<2x!tpu.dma_semaphore, #tpu.memory_space<semaphore_mem>> -> memref<1x!tpu.dma_semaphore, #tpu.memory_space<semaphore_mem>>
            %dma_wait3A_570 = tpu.memref_squeeze %dma_wait3A_569 : memref<1x!tpu.dma_semaphore, #tpu.memory_space<semaphore_mem>> -> memref<!tpu.dma_semaphore, #tpu.memory_space<semaphore_mem>>
            %dma_wait3A_571 = arith.constant 0 : i32
            %dma_wait3A_572 = tpu.memref_slice %arg7[%mul3A_562, %dma_wait3A_571] : memref<320000x128xf32, #tpu.memory_space<hbm>> -> memref<160x128xf32, #tpu.memory_space<hbm>>
            %dma_wait3A_573 = arith.constant 0 : i32
            %dma_wait3A_574 = arith.constant 0 : i32
            %dma_wait3A_575 = tpu.memref_slice %run_scoped3A_22[%rem3A_560, %dma_wait3A_573, %dma_wait3A_574] : memref<2x160x128xf32, #tpu.memory_space<vmem>> -> memref<1x160x128xf32, #tpu.memory_space<vmem>>
            %dma_wait3A_576 = tpu.memref_squeeze %dma_wait3A_575 : memref<1x160x128xf32, #tpu.memory_space<vmem>> -> memref<160x128xf32, #tpu.memory_space<vmem>>
            tpu.wait_dma2 semaphore(%dma_wait3A_570 : memref<!tpu.dma_semaphore, #tpu.memory_space<semaphore_mem>>) src(%dma_wait3A_576 : memref<160x128xf32, #tpu.memory_space<vmem>>) dst(%dma_wait3A_572 : memref<160x128xf32, #tpu.memory_space<hbm>>)
            "tpu.trace_stop"() : () -> ()
          } else {
          }
          %and3A_525 = arith.constant true
          %and3A_526 = arith.andi %and3A_521, %and3A_525 : i1
          %add3A_527 = arith.constant 1 : i32
          %add3A_528 = arith.addi %while3A_196, %add3A_527 : i32
          %select_n3A_529 = arith.select %and3A_526, %add3A_528, %while3A_196 : i32
          %ne3A_530 = arith.cmpi ne, %add3A_205, %add3A_223 : i32
          %or3A_531 = arith.constant false
          %or3A_532 = arith.ori %or3A_531, %ne3A_530 : i1
          %or3A_533 = arith.constant false
          %or3A_534 = arith.ori %or3A_532, %or3A_533 : i1
          %or3A_535 = arith.constant false
          %or3A_536 = arith.ori %or3A_534, %or3A_535 : i1
          %or3A_537 = arith.ori %or3A_536, %eq3A_204 : i1
          %add3A_538 = arith.constant 1 : i32
          %add3A_539 = arith.addi %while3A_190, %add3A_538 : i32
          %select_n3A_540 = arith.select %or3A_537, %add3A_539, %while3A_190 : i32
          %ne3A_541 = arith.cmpi ne, %add3A_205, %add3A_223 : i32
          %or3A_542 = arith.constant false
          %or3A_543 = arith.ori %or3A_542, %ne3A_541 : i1
          %or3A_544 = arith.constant false
          %or3A_545 = arith.ori %or3A_543, %or3A_544 : i1
          %or3A_546 = arith.constant false
          %or3A_547 = arith.ori %or3A_545, %or3A_546 : i1
          %or3A_548 = arith.ori %or3A_547, %eq3A_204 : i1
          %add3A_549 = arith.constant 1 : i32
          %add3A_550 = arith.addi %while3A_192, %add3A_549 : i32
          %select_n3A_551 = arith.select %or3A_548, %add3A_550, %while3A_192 : i32
          %add3A_552 = arith.constant 1 : i32
          %add3A_553 = arith.addi %while3A_197, %add3A_552 : i32
          %select_n3A_554 = arith.constant true
          %select_n3A_555 = arith.select %select_n3A_554, %add3A_553, %while3A_197 : i32
          %eq3A_556 = arith.cmpi eq, %select_n3A_555, %select_n3A : i32
          %select_n3A_557 = arith.constant 0 : i32
          %select_n3A_558 = arith.select %eq3A_556, %select_n3A_557, %select_n3A_555 : i32
          scf.yield %select_n3A_249, %select_n3A_540, %select_n3A_272, %select_n3A_551, %select_n3A_453, %select_n3A_513, %select_n3A_467, %select_n3A_529, %select_n3A_558 : i32, i32, i32, i32, i32, i32, i32, i32, i32
        }
        %sub3A_131 = arith.constant 1 : i32
        %sub3A_132 = arith.subi %while3A_130#8, %sub3A_131 : i32
        %select_n3A_133 = arith.constant true
        %select_n3A_134 = arith.select %select_n3A_133, %sub3A_132, %while3A_130#8 : i32
        %eq3A_135 = arith.constant -1 : i32
        %eq3A_136 = arith.cmpi eq, %select_n3A_134, %eq3A_135 : i32
        %sub3A_137 = arith.constant 1 : i32
        %sub3A_138 = arith.subi %select_n3A, %sub3A_137 : i32
        %select_n3A_139 = arith.select %eq3A_136, %sub3A_138, %select_n3A_134 : i32
        %sub3A_140 = arith.constant 1 : i32
        %sub3A_141 = arith.subi %mul3A_16, %sub3A_140 : i32
        %mul3A_142 = arith.constant 1 : i32
        %mul3A_143 = arith.muli %mul3A_142, %select_n3A : i32
        %eq3A_144 = arith.constant 0 : i32
        %eq3A_145 = arith.cmpi eq, %sub3A_141, %eq3A_144 : i32
        %sub3A_146 = arith.constant 1 : i32
        %sub3A_147 = arith.subi %mul3A_143, %sub3A_146 : i32
        %eq3A_148 = arith.cmpi eq, %sub3A_141, %sub3A_147 : i32
        %add3A_149 = arith.addi %select_n3A_139, %select_n3A_14 : i32
        %sub3A_150 = arith.constant 1 : i32
        %sub3A_151 = arith.subi %select_n3A_139, %sub3A_150 : i32
        %select_n3A_152 = arith.constant true
        %select_n3A_153 = arith.select %select_n3A_152, %sub3A_151, %select_n3A_139 : i32
        %eq3A_154 = arith.constant -1 : i32
        %eq3A_155 = arith.cmpi eq, %select_n3A_153, %eq3A_154 : i32
        %sub3A_156 = arith.constant 1 : i32
        %sub3A_157 = arith.subi %select_n3A, %sub3A_156 : i32
        %select_n3A_158 = arith.select %eq3A_155, %sub3A_157, %select_n3A_153 : i32
        %add3A_159 = arith.addi %select_n3A_158, %select_n3A_14 : i32
        %add3A_160 = arith.constant 1 : i32
        %add3A_161 = arith.addi %select_n3A_139, %add3A_160 : i32
        %select_n3A_162 = arith.constant true
        %select_n3A_163 = arith.select %select_n3A_162, %add3A_161, %select_n3A_139 : i32
        %eq3A_164 = arith.cmpi eq, %select_n3A_163, %select_n3A : i32
        %select_n3A_165 = arith.constant 0 : i32
        %select_n3A_166 = arith.select %eq3A_164, %select_n3A_165, %select_n3A_163 : i32
        %add3A_167 = arith.addi %select_n3A_166, %select_n3A_14 : i32
        %add3A_168 = arith.constant 1 : i32
        %add3A_169 = arith.addi %select_n3A_166, %add3A_168 : i32
        %select_n3A_170 = arith.constant true
        %select_n3A_171 = arith.select %select_n3A_170, %add3A_169, %select_n3A_166 : i32
        %eq3A_172 = arith.cmpi eq, %select_n3A_171, %select_n3A : i32
        %select_n3A_173 = arith.constant 0 : i32
        %select_n3A_174 = arith.select %eq3A_172, %select_n3A_173, %select_n3A_171 : i32
        %add3A_175 = arith.addi %select_n3A_174, %select_n3A_14 : i32
        %convert_element_type3A_176 = arith.extui %eq3A_148 : i1 to i32
        %cond3A_177 = arith.constant 0 : i32
        %cond3A_178 = arith.cmpi ne, %convert_element_type3A_176, %cond3A_177 : i32
        scf.if %cond3A_178 {
        } else {
        }
        %convert_element_type3A_179 = arith.extui %eq3A_148 : i1 to i32
        %cond3A_180 = arith.constant 0 : i32
        %cond3A_181 = arith.cmpi ne, %convert_element_type3A_179, %cond3A_180 : i32
        scf.if %cond3A_181 {
        } else {
        }
        %convert_element_type3A_182 = arith.extui %eq3A_148 : i1 to i32
        %cond3A_183 = arith.constant 0 : i32
        %cond3A_184 = arith.cmpi ne, %convert_element_type3A_182, %cond3A_183 : i32
        scf.if %cond3A_184 {
          "tpu.trace_start"() <{level = 10 : i32, message = "ep_finalize"}> : () -> ()
          %rem3A_188 = arith.constant 2 : i32
          %rem3A_189 = arith.remui %while3A_130#5, %rem3A_188 : i32
          %mul3A_190 = arith.constant 160 : i32
          %mul3A_191 = arith.muli %mul3A_190, %add3A_149 : i32
          %dma_wait3A = arith.constant 0 : i32
          %dma_wait3A_192 = arith.constant 0 : i32
          %dma_wait3A_193 = tpu.memref_slice %run_scoped3A_20[%rem3A_189, %dma_wait3A, %dma_wait3A_192] : memref<2x160x128xf32, #tpu.memory_space<vmem>> -> memref<1x160x128xf32, #tpu.memory_space<vmem>>
          %dma_wait3A_194 = tpu.memref_squeeze %dma_wait3A_193 : memref<1x160x128xf32, #tpu.memory_space<vmem>> -> memref<160x128xf32, #tpu.memory_space<vmem>>
          %dma_wait3A_195 = arith.constant 0 : i32
          %dma_wait3A_196 = tpu.memref_slice %arg6[%mul3A_191, %dma_wait3A_195] : memref<320000x128xf32, #tpu.memory_space<hbm>> -> memref<160x128xf32, #tpu.memory_space<hbm>>
          %dma_wait3A_197 = tpu.memref_slice %run_scoped3A_21[%rem3A_189] : memref<2x!tpu.dma_semaphore, #tpu.memory_space<semaphore_mem>> -> memref<1x!tpu.dma_semaphore, #tpu.memory_space<semaphore_mem>>
          %dma_wait3A_198 = tpu.memref_squeeze %dma_wait3A_197 : memref<1x!tpu.dma_semaphore, #tpu.memory_space<semaphore_mem>> -> memref<!tpu.dma_semaphore, #tpu.memory_space<semaphore_mem>>
          %dma_wait3A_199 = arith.constant 0 : i32
          %dma_wait3A_200 = tpu.memref_slice %arg6[%mul3A_191, %dma_wait3A_199] : memref<320000x128xf32, #tpu.memory_space<hbm>> -> memref<160x128xf32, #tpu.memory_space<hbm>>
          %dma_wait3A_201 = arith.constant 0 : i32
          %dma_wait3A_202 = arith.constant 0 : i32
          %dma_wait3A_203 = tpu.memref_slice %run_scoped3A_20[%rem3A_189, %dma_wait3A_201, %dma_wait3A_202] : memref<2x160x128xf32, #tpu.memory_space<vmem>> -> memref<1x160x128xf32, #tpu.memory_space<vmem>>
          %dma_wait3A_204 = tpu.memref_squeeze %dma_wait3A_203 : memref<1x160x128xf32, #tpu.memory_space<vmem>> -> memref<160x128xf32, #tpu.memory_space<vmem>>
          tpu.wait_dma2 semaphore(%dma_wait3A_198 : memref<!tpu.dma_semaphore, #tpu.memory_space<semaphore_mem>>) src(%dma_wait3A_204 : memref<160x128xf32, #tpu.memory_space<vmem>>) dst(%dma_wait3A_200 : memref<160x128xf32, #tpu.memory_space<hbm>>)
          "tpu.trace_stop"() : () -> ()
        } else {
        }
        %convert_element_type3A_185 = arith.extui %eq3A_148 : i1 to i32
        %cond3A_186 = arith.constant 0 : i32
        %cond3A_187 = arith.cmpi ne, %convert_element_type3A_185, %cond3A_186 : i32
        scf.if %cond3A_187 {
          "tpu.trace_start"() <{level = 10 : i32, message = "ep_finalize"}> : () -> ()
          %rem3A_188 = arith.constant 2 : i32
          %rem3A_189 = arith.remui %while3A_130#7, %rem3A_188 : i32
          %mul3A_190 = arith.constant 160 : i32
          %mul3A_191 = arith.muli %mul3A_190, %add3A_149 : i32
          %dma_wait3A = arith.constant 0 : i32
          %dma_wait3A_192 = arith.constant 0 : i32
          %dma_wait3A_193 = tpu.memref_slice %run_scoped3A_22[%rem3A_189, %dma_wait3A, %dma_wait3A_192] : memref<2x160x128xf32, #tpu.memory_space<vmem>> -> memref<1x160x128xf32, #tpu.memory_space<vmem>>
          %dma_wait3A_194 = tpu.memref_squeeze %dma_wait3A_193 : memref<1x160x128xf32, #tpu.memory_space<vmem>> -> memref<160x128xf32, #tpu.memory_space<vmem>>
          %dma_wait3A_195 = arith.constant 0 : i32
          %dma_wait3A_196 = tpu.memref_slice %arg7[%mul3A_191, %dma_wait3A_195] : memref<320000x128xf32, #tpu.memory_space<hbm>> -> memref<160x128xf32, #tpu.memory_space<hbm>>
          %dma_wait3A_197 = tpu.memref_slice %run_scoped3A_23[%rem3A_189] : memref<2x!tpu.dma_semaphore, #tpu.memory_space<semaphore_mem>> -> memref<1x!tpu.dma_semaphore, #tpu.memory_space<semaphore_mem>>
          %dma_wait3A_198 = tpu.memref_squeeze %dma_wait3A_197 : memref<1x!tpu.dma_semaphore, #tpu.memory_space<semaphore_mem>> -> memref<!tpu.dma_semaphore, #tpu.memory_space<semaphore_mem>>
          %dma_wait3A_199 = arith.constant 0 : i32
          %dma_wait3A_200 = tpu.memref_slice %arg7[%mul3A_191, %dma_wait3A_199] : memref<320000x128xf32, #tpu.memory_space<hbm>> -> memref<160x128xf32, #tpu.memory_space<hbm>>
          %dma_wait3A_201 = arith.constant 0 : i32
          %dma_wait3A_202 = arith.constant 0 : i32
          %dma_wait3A_203 = tpu.memref_slice %run_scoped3A_22[%rem3A_189, %dma_wait3A_201, %dma_wait3A_202] : memref<2x160x128xf32, #tpu.memory_space<vmem>> -> memref<1x160x128xf32, #tpu.memory_space<vmem>>
          %dma_wait3A_204 = tpu.memref_squeeze %dma_wait3A_203 : memref<1x160x128xf32, #tpu.memory_space<vmem>> -> memref<160x128xf32, #tpu.memory_space<vmem>>
          tpu.wait_dma2 semaphore(%dma_wait3A_198 : memref<!tpu.dma_semaphore, #tpu.memory_space<semaphore_mem>>) src(%dma_wait3A_204 : memref<160x128xf32, #tpu.memory_space<vmem>>) dst(%dma_wait3A_200 : memref<160x128xf32, #tpu.memory_space<hbm>>)
          "tpu.trace_stop"() : () -> ()
        } else {
        }
      } else {
      }
      tpu.yield
    }) : () -> ()
    return
  }
}

#map = affine_map<(d0, d1) -> (0, 0)>
#map1 = affine_map<(d0, d1) -> (0, 0, 0)>
module attributes {stable_mosaic.version = 14 : i64} {
  func.func @k(%arg0: i32, %arg1: i32, %arg2: memref<10000x128xf32, #tpu.memory_space<hbm>>, %arg3: memref<10000x128xf32, #tpu.memory_space<hbm>>, %arg4: memref<2000x1x160xi32, #tpu.memory_space<hbm>>, %arg5: memref<2000x1x160xi32, #tpu.memory_space<hbm>>, %arg6: memref<320000x128xf32, #tpu.memory_space<hbm>>, %arg7: memref<320000x128xf32, #tpu.memory_space<hbm>>, %arg8: memref<!tpu.dma_semaphore, #tpu.memory_space<semaphore_mem>>, %arg9: memref<!tpu.dma_semaphore, #tpu.memory_space<semaphore_mem>>) attributes {dimension_semantics = [#tpu.dimension_semantics<core_parallel>, #tpu.dimension_semantics<subcore_parallel>], iteration_bounds = array<i64: 2, 16>, scalar_prefetch = 0 : i64, scratch_operands = 2 : i64, tpu.core_type = #tpu.core_type<sc_vector_subcore>, window_params = [{transform_indices = #map}, {transform_indices = #map}, {transform_indices = #map1}, {transform_indices = #map1}, {transform_indices = #map}, {transform_indices = #map}]} {
    %mul3A = arith.constant 1 : i32
    %mul3A_0 = arith.muli %arg1, %mul3A : i32
    %add3A = arith.constant 0 : i32
    %add3A_1 = arith.addi %add3A, %mul3A_0 : i32
    %mul3A_2 = arith.constant 16 : i32
    %mul3A_3 = arith.muli %arg0, %mul3A_2 : i32
    %add3A_4 = arith.addi %add3A_1, %mul3A_3 : i32
    %lt3A = arith.constant 16 : i32
    %lt3A_5 = arith.cmpi slt, %add3A_4, %lt3A : i32
    %jit3A = arith.constant 63 : i32
    %jit3A_6 = arith.constant 62 : i32
    %select_n3A = arith.select %lt3A_5, %jit3A, %jit3A_6 : i32
    %lt3A_7 = arith.constant 16 : i32
    %lt3A_8 = arith.cmpi slt, %add3A_4, %lt3A_7 : i32
    %mul3A_9 = arith.muli %add3A_4, %select_n3A : i32
    %mul3A_10 = arith.constant 62 : i32
    %mul3A_11 = arith.muli %add3A_4, %mul3A_10 : i32
    %add3A_12 = arith.constant 16 : i32
    %add3A_13 = arith.addi %mul3A_11, %add3A_12 : i32
    %select_n3A_14 = arith.select %lt3A_8, %mul3A_9, %add3A_13 : i32
    %mul3A_15 = arith.constant 1 : i32
    %mul3A_16 = arith.muli %mul3A_15, %select_n3A : i32
    "tpu.region"() ({
      %run_scoped3A = memref.alloca() : memref<2x1x1x160xi32, #tpu.memory_space<vmem>>
      %run_scoped3A_17 = tpu.sem_alloc : memref<2x!tpu.dma_semaphore, #tpu.memory_space<semaphore_mem>>
      %run_scoped3A_18 = memref.alloca() : memref<2x1x1x160xi32, #tpu.memory_space<vmem>>
      %run_scoped3A_19 = tpu.sem_alloc : memref<2x!tpu.dma_semaphore, #tpu.memory_space<semaphore_mem>>
      %run_scoped3A_20 = memref.alloca() : memref<2x160x128xf32, #tpu.memory_space<vmem>>
      %run_scoped3A_21 = tpu.sem_alloc : memref<2x!tpu.dma_semaphore, #tpu.memory_space<semaphore_mem>>
      %run_scoped3A_22 = memref.alloca() : memref<2x160x128xf32, #tpu.memory_space<vmem>>
      %run_scoped3A_23 = tpu.sem_alloc : memref<2x!tpu.dma_semaphore, #tpu.memory_space<semaphore_mem>>
      %gt3A = arith.constant 0 : i32
      %gt3A_24 = arith.cmpi sgt, %mul3A_16, %gt3A : i32
      %convert_element_type3A = arith.extui %gt3A_24 : i1 to i32
      %cond3A = arith.constant 0 : i32
      %cond3A_25 = arith.cmpi ne, %convert_element_type3A, %cond3A : i32
      scf.if %cond3A_25 {
        %mul3A_26 = arith.constant 1 : i32
        %mul3A_27 = arith.muli %mul3A_26, %select_n3A : i32
        %sub3A = arith.constant 1 : i32
        %sub3A_28 = arith.subi %mul3A_27, %sub3A : i32
        %eq3A = arith.constant 0 : i32
        %eq3A_29 = arith.cmpi eq, %sub3A_28, %eq3A : i32
        %add3A_30 = arith.constant 0 : i32
        %add3A_31 = arith.addi %add3A_30, %select_n3A_14 : i32
        %select_n3A_32 = arith.constant true
        %select_n3A_33 = arith.constant 0 : i32
        %select_n3A_34 = arith.constant -1 : i32
        %select_n3A_35 = arith.select %select_n3A_32, %select_n3A_34, %select_n3A_33 : i32
        %eq3A_36 = arith.constant -1 : i32
        %eq3A_37 = arith.cmpi eq, %select_n3A_35, %eq3A_36 : i32
        %sub3A_38 = arith.constant 1 : i32
        %sub3A_39 = arith.subi %select_n3A, %sub3A_38 : i32
        %select_n3A_40 = arith.select %eq3A_37, %sub3A_39, %select_n3A_35 : i32
        %add3A_41 = arith.addi %select_n3A_40, %select_n3A_14 : i32
        %select_n3A_42 = arith.constant true
        %select_n3A_43 = arith.constant 0 : i32
        %select_n3A_44 = arith.constant 1 : i32
        %select_n3A_45 = arith.select %select_n3A_42, %select_n3A_44, %select_n3A_43 : i32
        %eq3A_46 = arith.cmpi eq, %select_n3A_45, %select_n3A : i32
        %select_n3A_47 = arith.constant 0 : i32
        %select_n3A_48 = arith.select %eq3A_46, %select_n3A_47, %select_n3A_45 : i32
        %add3A_49 = arith.addi %select_n3A_48, %select_n3A_14 : i32
        %add3A_50 = arith.constant 1 : i32
        %add3A_51 = arith.addi %select_n3A_48, %add3A_50 : i32
        %select_n3A_52 = arith.constant true
        %select_n3A_53 = arith.select %select_n3A_52, %add3A_51, %select_n3A_48 : i32
        %eq3A_54 = arith.cmpi eq, %select_n3A_53, %select_n3A : i32
        %select_n3A_55 = arith.constant 0 : i32
        %select_n3A_56 = arith.select %eq3A_54, %select_n3A_55, %select_n3A_53 : i32
        %add3A_57 = arith.addi %select_n3A_56, %select_n3A_14 : i32
        "tpu.trace_start"() <{level = 10 : i32, message = "ep_initialize_0"}> : () -> ()
        %rem3A = arith.constant 0 : i32
        %rem3A_58 = arith.constant 2 : i32
        %rem3A_59 = arith.remui %rem3A, %rem3A_58 : i32
        %mul3A_60 = arith.constant 1 : i32
        %mul3A_61 = arith.muli %mul3A_60, %add3A_31 : i32
        %dma_start3A = arith.constant 0 : i32
        %dma_start3A_62 = arith.constant 0 : i32
        %dma_start3A_63 = arith.constant 0 : i32
        %dma_start3A_64 = tpu.memref_slice %run_scoped3A[%rem3A_59, %dma_start3A, %dma_start3A_62, %dma_start3A_63] : memref<2x1x1x160xi32, #tpu.memory_space<vmem>> -> memref<1x1x1x160xi32, #tpu.memory_space<vmem>>
        %dma_start3A_65 = tpu.memref_squeeze %dma_start3A_64 : memref<1x1x1x160xi32, #tpu.memory_space<vmem>> -> memref<1x1x160xi32, #tpu.memory_space<vmem>>
        %dma_start3A_66 = arith.constant 0 : i32
        %dma_start3A_67 = arith.constant 0 : i32
        %dma_start3A_68 = tpu.memref_slice %arg4[%mul3A_61, %dma_start3A_66, %dma_start3A_67] : memref<2000x1x160xi32, #tpu.memory_space<hbm>> -> memref<1x1x160xi32, #tpu.memory_space<hbm>>
        %dma_start3A_69 = tpu.memref_slice %run_scoped3A_17[%rem3A_59] : memref<2x!tpu.dma_semaphore, #tpu.memory_space<semaphore_mem>> -> memref<1x!tpu.dma_semaphore, #tpu.memory_space<semaphore_mem>>
        %dma_start3A_70 = tpu.memref_squeeze %dma_start3A_69 : memref<1x!tpu.dma_semaphore, #tpu.memory_space<semaphore_mem>> -> memref<!tpu.dma_semaphore, #tpu.memory_space<semaphore_mem>>
        %dma_start3A_71 = arith.constant 0 : i32
        %dma_start3A_72 = arith.constant 0 : i32
        %dma_start3A_73 = arith.constant 0 : i32
        %dma_start3A_74 = tpu.memref_slice %run_scoped3A[%rem3A_59, %dma_start3A_71, %dma_start3A_72, %dma_start3A_73] : memref<2x1x1x160xi32, #tpu.memory_space<vmem>> -> memref<1x1x1x160xi32, #tpu.memory_space<vmem>>
        %dma_start3A_75 = tpu.memref_squeeze %dma_start3A_74 : memref<1x1x1x160xi32, #tpu.memory_space<vmem>> -> memref<1x1x160xi32, #tpu.memory_space<vmem>>
        %dma_start3A_76 = arith.constant 0 : i32
        %dma_start3A_77 = arith.constant 0 : i32
        %dma_start3A_78 = tpu.memref_slice %arg4[%mul3A_61, %dma_start3A_76, %dma_start3A_77] : memref<2000x1x160xi32, #tpu.memory_space<hbm>> -> memref<1x1x160xi32, #tpu.memory_space<hbm>>
        tpu.enqueue_dma source(%dma_start3A_78 : memref<1x1x160xi32, #tpu.memory_space<hbm>>) target(%dma_start3A_75 : memref<1x1x160xi32, #tpu.memory_space<vmem>>) target_semaphore(%dma_start3A_70 : memref<!tpu.dma_semaphore, #tpu.memory_space<semaphore_mem>>)
        %add3A_79 = arith.constant 0 : i32
        %add3A_80 = arith.constant 1 : i32
        %add3A_81 = arith.addi %add3A_79, %add3A_80 : i32
        %select_n3A_82 = arith.constant true
        %select_n3A_83 = arith.constant 0 : i32
        %select_n3A_84 = arith.select %select_n3A_82, %add3A_81, %select_n3A_83 : i32
        %rem3A_85 = arith.constant 0 : i32
        %rem3A_86 = arith.constant 2 : i32
        %rem3A_87 = arith.remui %rem3A_85, %rem3A_86 : i32
        %mul3A_88 = arith.constant 1 : i32
        %mul3A_89 = arith.muli %mul3A_88, %add3A_31 : i32
        %dma_start3A_90 = arith.constant 0 : i32
        %dma_start3A_91 = arith.constant 0 : i32
        %dma_start3A_92 = arith.constant 0 : i32
        %dma_start3A_93 = tpu.memref_slice %run_scoped3A_18[%rem3A_87, %dma_start3A_90, %dma_start3A_91, %dma_start3A_92] : memref<2x1x1x160xi32, #tpu.memory_space<vmem>> -> memref<1x1x1x160xi32, #tpu.memory_space<vmem>>
        %dma_start3A_94 = tpu.memref_squeeze %dma_start3A_93 : memref<1x1x1x160xi32, #tpu.memory_space<vmem>> -> memref<1x1x160xi32, #tpu.memory_space<vmem>>
        %dma_start3A_95 = arith.constant 0 : i32
        %dma_start3A_96 = arith.constant 0 : i32
        %dma_start3A_97 = tpu.memref_slice %arg5[%mul3A_89, %dma_start3A_95, %dma_start3A_96] : memref<2000x1x160xi32, #tpu.memory_space<hbm>> -> memref<1x1x160xi32, #tpu.memory_space<hbm>>
        %dma_start3A_98 = tpu.memref_slice %run_scoped3A_19[%rem3A_87] : memref<2x!tpu.dma_semaphore, #tpu.memory_space<semaphore_mem>> -> memref<1x!tpu.dma_semaphore, #tpu.memory_space<semaphore_mem>>
        %dma_start3A_99 = tpu.memref_squeeze %dma_start3A_98 : memref<1x!tpu.dma_semaphore, #tpu.memory_space<semaphore_mem>> -> memref<!tpu.dma_semaphore, #tpu.memory_space<semaphore_mem>>
        %dma_start3A_100 = arith.constant 0 : i32
        %dma_start3A_101 = arith.constant 0 : i32
        %dma_start3A_102 = arith.constant 0 : i32
        %dma_start3A_103 = tpu.memref_slice %run_scoped3A_18[%rem3A_87, %dma_start3A_100, %dma_start3A_101, %dma_start3A_102] : memref<2x1x1x160xi32, #tpu.memory_space<vmem>> -> memref<1x1x1x160xi32, #tpu.memory_space<vmem>>
        %dma_start3A_104 = tpu.memref_squeeze %dma_start3A_103 : memref<1x1x1x160xi32, #tpu.memory_space<vmem>> -> memref<1x1x160xi32, #tpu.memory_space<vmem>>
        %dma_start3A_105 = arith.constant 0 : i32
        %dma_start3A_106 = arith.constant 0 : i32
        %dma_start3A_107 = tpu.memref_slice %arg5[%mul3A_89, %dma_start3A_105, %dma_start3A_106] : memref<2000x1x160xi32, #tpu.memory_space<hbm>> -> memref<1x1x160xi32, #tpu.memory_space<hbm>>
        tpu.enqueue_dma source(%dma_start3A_107 : memref<1x1x160xi32, #tpu.memory_space<hbm>>) target(%dma_start3A_104 : memref<1x1x160xi32, #tpu.memory_space<vmem>>) target_semaphore(%dma_start3A_99 : memref<!tpu.dma_semaphore, #tpu.memory_space<semaphore_mem>>)
        %add3A_108 = arith.constant 0 : i32
        %add3A_109 = arith.constant 1 : i32
        %add3A_110 = arith.addi %add3A_108, %add3A_109 : i32
        %select_n3A_111 = arith.constant true
        %select_n3A_112 = arith.constant 0 : i32
        %select_n3A_113 = arith.select %select_n3A_111, %add3A_110, %select_n3A_112 : i32
        %while3A = arith.constant 0 : i32
        %while3A_114 = arith.constant 0 : i32
        %while3A_115 = arith.constant 0 : i32
        %while3A_116 = arith.constant 0 : i32
        %while3A_117 = arith.constant 0 : i32
        %while3A_118 = arith.constant 0 : i32
        %while3A_119 = arith.constant 0 : i32
        %while3A_120 = arith.constant 0 : i32
        "tpu.trace_stop"() : () -> ()
        %while3A_121 = arith.subi %mul3A_16, %while3A : i32
        %while3A_122 = arith.addi %while3A, %while3A_121 : i32
        %while3A_123 = arith.constant 1 : i32
        %while3A_124 = arith.divsi %while3A_121, %while3A_123 : i32
        %while3A_125 = arith.muli %while3A_124, %while3A_123 : i32
        %while3A_126 = arith.addi %while3A, %while3A_125 : i32
        %while3A_127 = arith.constant 1 : i32
        %while3A_128:9 = scf.for %while3A_188 = %while3A to %while3A_126 step %while3A_127 iter_args(%while3A_189 = %select_n3A_84, %while3A_190 = %while3A_114, %while3A_191 = %select_n3A_113, %while3A_192 = %while3A_115, %while3A_193 = %while3A_116, %while3A_194 = %while3A_117, %while3A_195 = %while3A_118, %while3A_196 = %while3A_119, %while3A_197 = %while3A_120) -> (i32, i32, i32, i32, i32, i32, i32, i32, i32)  : i32 {
          %mul3A_198 = arith.constant 1 : i32
          %mul3A_199 = arith.muli %mul3A_198, %select_n3A : i32
          %eq3A_200 = arith.constant 0 : i32
          %eq3A_201 = arith.cmpi eq, %while3A_188, %eq3A_200 : i32
          %sub3A_202 = arith.constant 1 : i32
          %sub3A_203 = arith.subi %mul3A_199, %sub3A_202 : i32
          %eq3A_204 = arith.cmpi eq, %while3A_188, %sub3A_203 : i32
          %add3A_205 = arith.addi %while3A_197, %select_n3A_14 : i32
          %sub3A_206 = arith.constant 1 : i32
          %sub3A_207 = arith.subi %while3A_197, %sub3A_206 : i32
          %select_n3A_208 = arith.constant true
          %select_n3A_209 = arith.select %select_n3A_208, %sub3A_207, %while3A_197 : i32
          %eq3A_210 = arith.constant -1 : i32
          %eq3A_211 = arith.cmpi eq, %select_n3A_209, %eq3A_210 : i32
          %sub3A_212 = arith.constant 1 : i32
          %sub3A_213 = arith.subi %select_n3A, %sub3A_212 : i32
          %select_n3A_214 = arith.select %eq3A_211, %sub3A_213, %select_n3A_209 : i32
          %add3A_215 = arith.addi %select_n3A_214, %select_n3A_14 : i32
          %add3A_216 = arith.constant 1 : i32
          %add3A_217 = arith.addi %while3A_197, %add3A_216 : i32
          %select_n3A_218 = arith.constant true
          %select_n3A_219 = arith.select %select_n3A_218, %add3A_217, %while3A_197 : i32
          %eq3A_220 = arith.cmpi eq, %select_n3A_219, %select_n3A : i32
          %select_n3A_221 = arith.constant 0 : i32
          %select_n3A_222 = arith.select %eq3A_220, %select_n3A_221, %select_n3A_219 : i32
          %add3A_223 = arith.addi %select_n3A_222, %select_n3A_14 : i32
          %add3A_224 = arith.constant 1 : i32
          %add3A_225 = arith.addi %select_n3A_222, %add3A_224 : i32
          %select_n3A_226 = arith.constant true
          %select_n3A_227 = arith.select %select_n3A_226, %add3A_225, %select_n3A_222 : i32
          %eq3A_228 = arith.cmpi eq, %select_n3A_227, %select_n3A : i32
          %select_n3A_229 = arith.constant 0 : i32
          %select_n3A_230 = arith.select %eq3A_228, %select_n3A_229, %select_n3A_227 : i32
          %add3A_231 = arith.addi %select_n3A_230, %select_n3A_14 : i32
          %ne3A = arith.cmpi ne, %add3A_205, %add3A_223 : i32
          %or3A = arith.constant false
          %or3A_232 = arith.ori %or3A, %ne3A : i1
          %or3A_233 = arith.constant false
          %or3A_234 = arith.ori %or3A_232, %or3A_233 : i1
          %or3A_235 = arith.constant false
          %or3A_236 = arith.ori %or3A_234, %or3A_235 : i1
          %sub3A_237 = arith.constant 2 : i32
          %sub3A_238 = arith.subi %mul3A_199, %sub3A_237 : i32
          %add3A_239 = arith.constant 1 : i32
          %add3A_240 = arith.addi %sub3A_238, %add3A_239 : i32
          %ge3A = arith.cmpi sge, %while3A_188, %add3A_240 : i32
          %not3A = arith.constant true
          %not3A_241 = arith.xori %ge3A, %not3A : i1
          %and3A = arith.andi %or3A_236, %not3A_241 : i1
          %convert_element_type3A_242 = arith.extui %and3A : i1 to i32
          %cond3A_243 = arith.constant 0 : i32
          %cond3A_244 = arith.cmpi ne, %convert_element_type3A_242, %cond3A_243 : i32
          scf.if %cond3A_244 {
            "tpu.trace_start"() <{level = 10 : i32, message = "ep_copy_in"}> : () -> ()
            %rem3A_559 = arith.constant 2 : i32
            %rem3A_560 = arith.remui %while3A_189, %rem3A_559 : i32
            %mul3A_561 = arith.constant 1 : i32
            %mul3A_562 = arith.muli %mul3A_561, %add3A_223 : i32
            %dma_start3A_563 = arith.constant 0 : i32
            %dma_start3A_564 = arith.constant 0 : i32
            %dma_start3A_565 = arith.constant 0 : i32
            %dma_start3A_566 = tpu.memref_slice %run_scoped3A[%rem3A_560, %dma_start3A_563, %dma_start3A_564, %dma_start3A_565] : memref<2x1x1x160xi32, #tpu.memory_space<vmem>> -> memref<1x1x1x160xi32, #tpu.memory_space<vmem>>
            %dma_start3A_567 = tpu.memref_squeeze %dma_start3A_566 : memref<1x1x1x160xi32, #tpu.memory_space<vmem>> -> memref<1x1x160xi32, #tpu.memory_space<vmem>>
            %dma_start3A_568 = arith.constant 0 : i32
            %dma_start3A_569 = arith.constant 0 : i32
            %dma_start3A_570 = tpu.memref_slice %arg4[%mul3A_562, %dma_start3A_568, %dma_start3A_569] : memref<2000x1x160xi32, #tpu.memory_space<hbm>> -> memref<1x1x160xi32, #tpu.memory_space<hbm>>
            %dma_start3A_571 = tpu.memref_slice %run_scoped3A_17[%rem3A_560] : memref<2x!tpu.dma_semaphore, #tpu.memory_space<semaphore_mem>> -> memref<1x!tpu.dma_semaphore, #tpu.memory_space<semaphore_mem>>
            %dma_start3A_572 = tpu.memref_squeeze %dma_start3A_571 : memref<1x!tpu.dma_semaphore, #tpu.memory_space<semaphore_mem>> -> memref<!tpu.dma_semaphore, #tpu.memory_space<semaphore_mem>>
            %dma_start3A_573 = arith.constant 0 : i32
            %dma_start3A_574 = arith.constant 0 : i32
            %dma_start3A_575 = arith.constant 0 : i32
            %dma_start3A_576 = tpu.memref_slice %run_scoped3A[%rem3A_560, %dma_start3A_573, %dma_start3A_574, %dma_start3A_575] : memref<2x1x1x160xi32, #tpu.memory_space<vmem>> -> memref<1x1x1x160xi32, #tpu.memory_space<vmem>>
            %dma_start3A_577 = tpu.memref_squeeze %dma_start3A_576 : memref<1x1x1x160xi32, #tpu.memory_space<vmem>> -> memref<1x1x160xi32, #tpu.memory_space<vmem>>
            %dma_start3A_578 = arith.constant 0 : i32
            %dma_start3A_579 = arith.constant 0 : i32
            %dma_start3A_580 = tpu.memref_slice %arg4[%mul3A_562, %dma_start3A_578, %dma_start3A_579] : memref<2000x1x160xi32, #tpu.memory_space<hbm>> -> memref<1x1x160xi32, #tpu.memory_space<hbm>>
            tpu.enqueue_dma source(%dma_start3A_580 : memref<1x1x160xi32, #tpu.memory_space<hbm>>) target(%dma_start3A_577 : memref<1x1x160xi32, #tpu.memory_space<vmem>>) target_semaphore(%dma_start3A_572 : memref<!tpu.dma_semaphore, #tpu.memory_space<semaphore_mem>>)
            "tpu.trace_stop"() : () -> ()
          } else {
          }
          %and3A_245 = arith.constant true
          %and3A_246 = arith.andi %and3A, %and3A_245 : i1
          %add3A_247 = arith.constant 1 : i32
          %add3A_248 = arith.addi %while3A_189, %add3A_247 : i32
          %select_n3A_249 = arith.select %and3A_246, %add3A_248, %while3A_189 : i32
          %ne3A_250 = arith.cmpi ne, %add3A_205, %add3A_223 : i32
          %or3A_251 = arith.constant false
          %or3A_252 = arith.ori %or3A_251, %ne3A_250 : i1
          %or3A_253 = arith.constant false
          %or3A_254 = arith.ori %or3A_252, %or3A_253 : i1
          %or3A_255 = arith.constant false
          %or3A_256 = arith.ori %or3A_254, %or3A_255 : i1
          %sub3A_257 = arith.constant 2 : i32
          %sub3A_258 = arith.subi %mul3A_199, %sub3A_257 : i32
          %add3A_259 = arith.constant 1 : i32
          %add3A_260 = arith.addi %sub3A_258, %add3A_259 : i32
          %ge3A_261 = arith.cmpi sge, %while3A_188, %add3A_260 : i32
          %not3A_262 = arith.constant true
          %not3A_263 = arith.xori %ge3A_261, %not3A_262 : i1
          %and3A_264 = arith.andi %or3A_256, %not3A_263 : i1
          %convert_element_type3A_265 = arith.extui %and3A_264 : i1 to i32
          %cond3A_266 = arith.constant 0 : i32
          %cond3A_267 = arith.cmpi ne, %convert_element_type3A_265, %cond3A_266 : i32
          scf.if %cond3A_267 {
            "tpu.trace_start"() <{level = 10 : i32, message = "ep_copy_in"}> : () -> ()
            %rem3A_559 = arith.constant 2 : i32
            %rem3A_560 = arith.remui %while3A_191, %rem3A_559 : i32
            %mul3A_561 = arith.constant 1 : i32
            %mul3A_562 = arith.muli %mul3A_561, %add3A_223 : i32
            %dma_start3A_563 = arith.constant 0 : i32
            %dma_start3A_564 = arith.constant 0 : i32
            %dma_start3A_565 = arith.constant 0 : i32
            %dma_start3A_566 = tpu.memref_slice %run_scoped3A_18[%rem3A_560, %dma_start3A_563, %dma_start3A_564, %dma_start3A_565] : memref<2x1x1x160xi32, #tpu.memory_space<vmem>> -> memref<1x1x1x160xi32, #tpu.memory_space<vmem>>
            %dma_start3A_567 = tpu.memref_squeeze %dma_start3A_566 : memref<1x1x1x160xi32, #tpu.memory_space<vmem>> -> memref<1x1x160xi32, #tpu.memory_space<vmem>>
            %dma_start3A_568 = arith.constant 0 : i32
            %dma_start3A_569 = arith.constant 0 : i32
            %dma_start3A_570 = tpu.memref_slice %arg5[%mul3A_562, %dma_start3A_568, %dma_start3A_569] : memref<2000x1x160xi32, #tpu.memory_space<hbm>> -> memref<1x1x160xi32, #tpu.memory_space<hbm>>
            %dma_start3A_571 = tpu.memref_slice %run_scoped3A_19[%rem3A_560] : memref<2x!tpu.dma_semaphore, #tpu.memory_space<semaphore_mem>> -> memref<1x!tpu.dma_semaphore, #tpu.memory_space<semaphore_mem>>
            %dma_start3A_572 = tpu.memref_squeeze %dma_start3A_571 : memref<1x!tpu.dma_semaphore, #tpu.memory_space<semaphore_mem>> -> memref<!tpu.dma_semaphore, #tpu.memory_space<semaphore_mem>>
            %dma_start3A_573 = arith.constant 0 : i32
            %dma_start3A_574 = arith.constant 0 : i32
            %dma_start3A_575 = arith.constant 0 : i32
            %dma_start3A_576 = tpu.memref_slice %run_scoped3A_18[%rem3A_560, %dma_start3A_573, %dma_start3A_574, %dma_start3A_575] : memref<2x1x1x160xi32, #tpu.memory_space<vmem>> -> memref<1x1x1x160xi32, #tpu.memory_space<vmem>>
            %dma_start3A_577 = tpu.memref_squeeze %dma_start3A_576 : memref<1x1x1x160xi32, #tpu.memory_space<vmem>> -> memref<1x1x160xi32, #tpu.memory_space<vmem>>
            %dma_start3A_578 = arith.constant 0 : i32
            %dma_start3A_579 = arith.constant 0 : i32
            %dma_start3A_580 = tpu.memref_slice %arg5[%mul3A_562, %dma_start3A_578, %dma_start3A_579] : memref<2000x1x160xi32, #tpu.memory_space<hbm>> -> memref<1x1x160xi32, #tpu.memory_space<hbm>>
            tpu.enqueue_dma source(%dma_start3A_580 : memref<1x1x160xi32, #tpu.memory_space<hbm>>) target(%dma_start3A_577 : memref<1x1x160xi32, #tpu.memory_space<vmem>>) target_semaphore(%dma_start3A_572 : memref<!tpu.dma_semaphore, #tpu.memory_space<semaphore_mem>>)
            "tpu.trace_stop"() : () -> ()
          } else {
          }
          %and3A_268 = arith.constant true
          %and3A_269 = arith.andi %and3A_264, %and3A_268 : i1
          %add3A_270 = arith.constant 1 : i32
          %add3A_271 = arith.addi %while3A_191, %add3A_270 : i32
          %select_n3A_272 = arith.select %and3A_269, %add3A_271, %while3A_191 : i32
          %ne3A_273 = arith.cmpi ne, %add3A_205, %add3A_223 : i32
          %or3A_274 = arith.constant false
          %or3A_275 = arith.ori %or3A_274, %ne3A_273 : i1
          %or3A_276 = arith.constant false
          %or3A_277 = arith.ori %or3A_275, %or3A_276 : i1
          %sub3A_278 = arith.constant 2 : i32
          %sub3A_279 = arith.subi %mul3A_199, %sub3A_278 : i32
          %add3A_280 = arith.constant 1 : i32
          %add3A_281 = arith.addi %sub3A_279, %add3A_280 : i32
          %ge3A_282 = arith.cmpi sge, %while3A_188, %add3A_281 : i32
          %not3A_283 = arith.constant true
          %not3A_284 = arith.xori %ge3A_282, %not3A_283 : i1
          %and3A_285 = arith.andi %or3A_277, %not3A_284 : i1
          %ne3A_286 = arith.cmpi ne, %add3A_205, %add3A_223 : i32
          %or3A_287 = arith.constant false
          %or3A_288 = arith.ori %or3A_287, %ne3A_286 : i1
          %or3A_289 = arith.constant false
          %or3A_290 = arith.ori %or3A_288, %or3A_289 : i1
          %sub3A_291 = arith.constant 2 : i32
          %sub3A_292 = arith.subi %mul3A_199, %sub3A_291 : i32
          %add3A_293 = arith.constant 1 : i32
          %add3A_294 = arith.addi %sub3A_292, %add3A_293 : i32
          %ge3A_295 = arith.cmpi sge, %while3A_188, %add3A_294 : i32
          %not3A_296 = arith.constant true
          %not3A_297 = arith.xori %ge3A_295, %not3A_296 : i1
          %and3A_298 = arith.andi %or3A_290, %not3A_297 : i1
          %ne3A_299 = arith.cmpi ne, %add3A_205, %add3A_215 : i32
          %or3A_300 = arith.constant false
          %or3A_301 = arith.ori %or3A_300, %ne3A_299 : i1
          %or3A_302 = arith.constant false
          %or3A_303 = arith.ori %or3A_301, %or3A_302 : i1
          %or3A_304 = arith.constant false
          %or3A_305 = arith.ori %or3A_303, %or3A_304 : i1
          %or3A_306 = arith.ori %or3A_305, %eq3A_201 : i1
          %convert_element_type3A_307 = arith.extui %or3A_306 : i1 to i32
          %cond3A_308 = arith.constant 0 : i32
          %cond3A_309 = arith.cmpi ne, %convert_element_type3A_307, %cond3A_308 : i32
          scf.if %cond3A_309 {
            "tpu.trace_start"() <{level = 10 : i32, message = "ep_wait_in"}> : () -> ()
            %mul3A_559 = arith.constant 1 : i32
            %mul3A_560 = arith.muli %mul3A_559, %add3A_205 : i32
            %rem3A_561 = arith.constant 2 : i32
            %rem3A_562 = arith.remui %while3A_190, %rem3A_561 : i32
            %dma_wait3A_563 = arith.constant 0 : i32
            %dma_wait3A_564 = arith.constant 0 : i32
            %dma_wait3A_565 = arith.constant 0 : i32
            %dma_wait3A_566 = tpu.memref_slice %run_scoped3A[%rem3A_562, %dma_wait3A_563, %dma_wait3A_564, %dma_wait3A_565] : memref<2x1x1x160xi32, #tpu.memory_space<vmem>> -> memref<1x1x1x160xi32, #tpu.memory_space<vmem>>
            %dma_wait3A_567 = tpu.memref_squeeze %dma_wait3A_566 : memref<1x1x1x160xi32, #tpu.memory_space<vmem>> -> memref<1x1x160xi32, #tpu.memory_space<vmem>>
            %dma_wait3A_568 = arith.constant 0 : i32
            %dma_wait3A_569 = arith.constant 0 : i32
            %dma_wait3A_570 = tpu.memref_slice %arg4[%mul3A_560, %dma_wait3A_568, %dma_wait3A_569] : memref<2000x1x160xi32, #tpu.memory_space<hbm>> -> memref<1x1x160xi32, #tpu.memory_space<hbm>>
            %dma_wait3A_571 = tpu.memref_slice %run_scoped3A_17[%rem3A_562] : memref<2x!tpu.dma_semaphore, #tpu.memory_space<semaphore_mem>> -> memref<1x!tpu.dma_semaphore, #tpu.memory_space<semaphore_mem>>
            %dma_wait3A_572 = tpu.memref_squeeze %dma_wait3A_571 : memref<1x!tpu.dma_semaphore, #tpu.memory_space<semaphore_mem>> -> memref<!tpu.dma_semaphore, #tpu.memory_space<semaphore_mem>>
            %dma_wait3A_573 = arith.constant 0 : i32
            %dma_wait3A_574 = arith.constant 0 : i32
            %dma_wait3A_575 = arith.constant 0 : i32
            %dma_wait3A_576 = tpu.memref_slice %run_scoped3A[%rem3A_562, %dma_wait3A_573, %dma_wait3A_574, %dma_wait3A_575] : memref<2x1x1x160xi32, #tpu.memory_space<vmem>> -> memref<1x1x1x160xi32, #tpu.memory_space<vmem>>
            %dma_wait3A_577 = tpu.memref_squeeze %dma_wait3A_576 : memref<1x1x1x160xi32, #tpu.memory_space<vmem>> -> memref<1x1x160xi32, #tpu.memory_space<vmem>>
            %dma_wait3A_578 = arith.constant 0 : i32
            %dma_wait3A_579 = arith.constant 0 : i32
            %dma_wait3A_580 = tpu.memref_slice %arg4[%mul3A_560, %dma_wait3A_578, %dma_wait3A_579] : memref<2000x1x160xi32, #tpu.memory_space<hbm>> -> memref<1x1x160xi32, #tpu.memory_space<hbm>>
            tpu.wait_dma2 semaphore(%dma_wait3A_572 : memref<!tpu.dma_semaphore, #tpu.memory_space<semaphore_mem>>) src(%dma_wait3A_580 : memref<1x1x160xi32, #tpu.memory_space<hbm>>) dst(%dma_wait3A_577 : memref<1x1x160xi32, #tpu.memory_space<vmem>>)
            "tpu.trace_stop"() : () -> ()
          } else {
          }
          %ne3A_310 = arith.cmpi ne, %add3A_205, %add3A_215 : i32
          %or3A_311 = arith.constant false
          %or3A_312 = arith.ori %or3A_311, %ne3A_310 : i1
          %or3A_313 = arith.constant false
          %or3A_314 = arith.ori %or3A_312, %or3A_313 : i1
          %or3A_315 = arith.constant false
          %or3A_316 = arith.ori %or3A_314, %or3A_315 : i1
          %or3A_317 = arith.ori %or3A_316, %eq3A_201 : i1
          %convert_element_type3A_318 = arith.extui %or3A_317 : i1 to i32
          %cond3A_319 = arith.constant 0 : i32
          %cond3A_320 = arith.cmpi ne, %convert_element_type3A_318, %cond3A_319 : i32
          scf.if %cond3A_320 {
            "tpu.trace_start"() <{level = 10 : i32, message = "ep_wait_in"}> : () -> ()
            %mul3A_559 = arith.constant 1 : i32
            %mul3A_560 = arith.muli %mul3A_559, %add3A_205 : i32
            %rem3A_561 = arith.constant 2 : i32
            %rem3A_562 = arith.remui %while3A_192, %rem3A_561 : i32
            %dma_wait3A_563 = arith.constant 0 : i32
            %dma_wait3A_564 = arith.constant 0 : i32
            %dma_wait3A_565 = arith.constant 0 : i32
            %dma_wait3A_566 = tpu.memref_slice %run_scoped3A_18[%rem3A_562, %dma_wait3A_563, %dma_wait3A_564, %dma_wait3A_565] : memref<2x1x1x160xi32, #tpu.memory_space<vmem>> -> memref<1x1x1x160xi32, #tpu.memory_space<vmem>>
            %dma_wait3A_567 = tpu.memref_squeeze %dma_wait3A_566 : memref<1x1x1x160xi32, #tpu.memory_space<vmem>> -> memref<1x1x160xi32, #tpu.memory_space<vmem>>
            %dma_wait3A_568 = arith.constant 0 : i32
            %dma_wait3A_569 = arith.constant 0 : i32
            %dma_wait3A_570 = tpu.memref_slice %arg5[%mul3A_560, %dma_wait3A_568, %dma_wait3A_569] : memref<2000x1x160xi32, #tpu.memory_space<hbm>> -> memref<1x1x160xi32, #tpu.memory_space<hbm>>
            %dma_wait3A_571 = tpu.memref_slice %run_scoped3A_19[%rem3A_562] : memref<2x!tpu.dma_semaphore, #tpu.memory_space<semaphore_mem>> -> memref<1x!tpu.dma_semaphore, #tpu.memory_space<semaphore_mem>>
            %dma_wait3A_572 = tpu.memref_squeeze %dma_wait3A_571 : memref<1x!tpu.dma_semaphore, #tpu.memory_space<semaphore_mem>> -> memref<!tpu.dma_semaphore, #tpu.memory_space<semaphore_mem>>
            %dma_wait3A_573 = arith.constant 0 : i32
            %dma_wait3A_574 = arith.constant 0 : i32
            %dma_wait3A_575 = arith.constant 0 : i32
            %dma_wait3A_576 = tpu.memref_slice %run_scoped3A_18[%rem3A_562, %dma_wait3A_573, %dma_wait3A_574, %dma_wait3A_575] : memref<2x1x1x160xi32, #tpu.memory_space<vmem>> -> memref<1x1x1x160xi32, #tpu.memory_space<vmem>>
            %dma_wait3A_577 = tpu.memref_squeeze %dma_wait3A_576 : memref<1x1x1x160xi32, #tpu.memory_space<vmem>> -> memref<1x1x160xi32, #tpu.memory_space<vmem>>
            %dma_wait3A_578 = arith.constant 0 : i32
            %dma_wait3A_579 = arith.constant 0 : i32
            %dma_wait3A_580 = tpu.memref_slice %arg5[%mul3A_560, %dma_wait3A_578, %dma_wait3A_579] : memref<2000x1x160xi32, #tpu.memory_space<hbm>> -> memref<1x1x160xi32, #tpu.memory_space<hbm>>
            tpu.wait_dma2 semaphore(%dma_wait3A_572 : memref<!tpu.dma_semaphore, #tpu.memory_space<semaphore_mem>>) src(%dma_wait3A_580 : memref<1x1x160xi32, #tpu.memory_space<hbm>>) dst(%dma_wait3A_577 : memref<1x1x160xi32, #tpu.memory_space<vmem>>)
            "tpu.trace_stop"() : () -> ()
          } else {
          }
          %ne3A_321 = arith.cmpi ne, %add3A_205, %add3A_215 : i32
          %or3A_322 = arith.constant false
          %or3A_323 = arith.ori %or3A_322, %ne3A_321 : i1
          %or3A_324 = arith.constant false
          %or3A_325 = arith.ori %or3A_323, %or3A_324 : i1
          %or3A_326 = arith.ori %or3A_325, %eq3A_201 : i1
          %convert_element_type3A_327 = arith.extui %or3A_326 : i1 to i32
          %cond3A_328 = arith.constant 0 : i32
          %cond3A_329 = arith.cmpi ne, %convert_element_type3A_327, %cond3A_328 : i32
          scf.if %cond3A_329 {
          } else {
          }
          %ne3A_330 = arith.cmpi ne, %add3A_205, %add3A_215 : i32
          %or3A_331 = arith.constant false
          %or3A_332 = arith.ori %or3A_331, %ne3A_330 : i1
          %or3A_333 = arith.constant false
          %or3A_334 = arith.ori %or3A_332, %or3A_333 : i1
          %or3A_335 = arith.ori %or3A_334, %eq3A_201 : i1
          %convert_element_type3A_336 = arith.extui %or3A_335 : i1 to i32
          %cond3A_337 = arith.constant 0 : i32
          %cond3A_338 = arith.cmpi ne, %convert_element_type3A_336, %cond3A_337 : i32
          scf.if %cond3A_338 {
          } else {
          }
          %rem3A_339 = arith.constant 2 : i32
          %rem3A_340 = arith.remui %while3A_190, %rem3A_339 : i32
          %rem3A_341 = arith.constant 2 : i32
          %rem3A_342 = arith.remui %while3A_192, %rem3A_341 : i32
          %rem3A_343 = arith.constant 2 : i32
          %rem3A_344 = arith.remui %while3A_193, %rem3A_343 : i32
          %rem3A_345 = arith.constant 2 : i32
          %rem3A_346 = arith.remui %while3A_195, %rem3A_345 : i32
          %dma_start3A_347 = arith.constant 0 : i32
          %dma_start3A_348 = arith.constant 0 : i32
          "tpu.trace_start"() <{level = 10 : i32, message = "ep_run_kernel"}> : () -> ()
          %dma_start3A_349 = arith.constant 0 : i32
          %dma_start3A_350 = arith.constant 0 : i32
          %dma_start3A_351 = tpu.memref_slice %run_scoped3A_20[%rem3A_344, %dma_start3A_349, %dma_start3A_350] : memref<2x160x128xf32, #tpu.memory_space<vmem>> -> memref<1x160x128xf32, #tpu.memory_space<vmem>>
          %dma_start3A_352 = tpu.memref_squeeze %dma_start3A_351 : memref<1x160x128xf32, #tpu.memory_space<vmem>> -> memref<160x128xf32, #tpu.memory_space<vmem>>
          %dma_start3A_353 = arith.constant 0 : i32
          %dma_start3A_354 = arith.constant 0 : i32
          %dma_start3A_355 = arith.constant 0 : i32
          %dma_start3A_356 = tpu.memref_slice %run_scoped3A[%rem3A_340, %dma_start3A_353, %dma_start3A_354, %dma_start3A_355] : memref<2x1x1x160xi32, #tpu.memory_space<vmem>> -> memref<1x1x1x160xi32, #tpu.memory_space<vmem>>
          %dma_start3A_357 = tpu.memref_squeeze %dma_start3A_356 : memref<1x1x1x160xi32, #tpu.memory_space<vmem>> -> memref<1x1x160xi32, #tpu.memory_space<vmem>>
          %dma_start3A_358 = arith.constant 0 : i32
          %dma_start3A_359 = tpu.memref_slice %dma_start3A_357[%dma_start3A_347, %dma_start3A_348, %dma_start3A_358] : memref<1x1x160xi32, #tpu.memory_space<vmem>> -> memref<1x1x160xi32, #tpu.memory_space<vmem>>
          %dma_start3A_360 = tpu.memref_squeeze %dma_start3A_359 : memref<1x1x160xi32, #tpu.memory_space<vmem>> -> memref<160xi32, #tpu.memory_space<vmem>>
          %dma_start3A_361 = arith.constant 0 : i32
          %dma_start3A_362 = arith.constant 0 : i32
          %dma_start3A_363 = tpu.memref_slice %arg2[%dma_start3A_361, %dma_start3A_362] : memref<10000x128xf32, #tpu.memory_space<hbm>> -> memref<10000x128xf32, #tpu.memory_space<hbm>>
          tpu.enqueue_indirect_dma source(%dma_start3A_363 : memref<10000x128xf32, #tpu.memory_space<hbm>>) target(%dma_start3A_352 : memref<160x128xf32, #tpu.memory_space<vmem>>) offsets(%dma_start3A_360 : memref<160xi32, #tpu.memory_space<vmem>>) semaphore(%arg8 : memref<!tpu.dma_semaphore, #tpu.memory_space<semaphore_mem>>)
          %dma_start3A_364 = arith.constant 0 : i32
          %dma_start3A_365 = arith.constant 0 : i32
          %dma_start3A_366 = arith.constant 0 : i32
          %dma_start3A_367 = arith.constant 0 : i32
          %dma_start3A_368 = tpu.memref_slice %run_scoped3A_22[%rem3A_346, %dma_start3A_366, %dma_start3A_367] : memref<2x160x128xf32, #tpu.memory_space<vmem>> -> memref<1x160x128xf32, #tpu.memory_space<vmem>>
          %dma_start3A_369 = tpu.memref_squeeze %dma_start3A_368 : memref<1x160x128xf32, #tpu.memory_space<vmem>> -> memref<160x128xf32, #tpu.memory_space<vmem>>
          %dma_start3A_370 = arith.constant 0 : i32
          %dma_start3A_371 = arith.constant 0 : i32
          %dma_start3A_372 = arith.constant 0 : i32
          %dma_start3A_373 = tpu.memref_slice %run_scoped3A_18[%rem3A_342, %dma_start3A_370, %dma_start3A_371, %dma_start3A_372] : memref<2x1x1x160xi32, #tpu.memory_space<vmem>> -> memref<1x1x1x160xi32, #tpu.memory_space<vmem>>
          %dma_start3A_374 = tpu.memref_squeeze %dma_start3A_373 : memref<1x1x1x160xi32, #tpu.memory_space<vmem>> -> memref<1x1x160xi32, #tpu.memory_space<vmem>>
          %dma_start3A_375 = arith.constant 0 : i32
          %dma_start3A_376 = tpu.memref_slice %dma_start3A_374[%dma_start3A_364, %dma_start3A_365, %dma_start3A_375] : memref<1x1x160xi32, #tpu.memory_space<vmem>> -> memref<1x1x160xi32, #tpu.memory_space<vmem>>
          %dma_start3A_377 = tpu.memref_squeeze %dma_start3A_376 : memref<1x1x160xi32, #tpu.memory_space<vmem>> -> memref<160xi32, #tpu.memory_space<vmem>>
          %dma_start3A_378 = arith.constant 0 : i32
          %dma_start3A_379 = arith.constant 0 : i32
          %dma_start3A_380 = tpu.memref_slice %arg3[%dma_start3A_378, %dma_start3A_379] : memref<10000x128xf32, #tpu.memory_space<hbm>> -> memref<10000x128xf32, #tpu.memory_space<hbm>>
          tpu.enqueue_indirect_dma source(%dma_start3A_380 : memref<10000x128xf32, #tpu.memory_space<hbm>>) target(%dma_start3A_369 : memref<160x128xf32, #tpu.memory_space<vmem>>) offsets(%dma_start3A_377 : memref<160xi32, #tpu.memory_space<vmem>>) semaphore(%arg9 : memref<!tpu.dma_semaphore, #tpu.memory_space<semaphore_mem>>)
          %dma_wait3A = arith.constant 0 : i32
          %dma_wait3A_381 = arith.constant 0 : i32
          %dma_wait3A_382 = arith.constant 0 : i32
          %dma_wait3A_383 = arith.constant 0 : i32
          %dma_wait3A_384 = tpu.memref_slice %run_scoped3A_20[%rem3A_344, %dma_wait3A_382, %dma_wait3A_383] : memref<2x160x128xf32, #tpu.memory_space<vmem>> -> memref<1x160x128xf32, #tpu.memory_space<vmem>>
          %dma_wait3A_385 = tpu.memref_squeeze %dma_wait3A_384 : memref<1x160x128xf32, #tpu.memory_space<vmem>> -> memref<160x128xf32, #tpu.memory_space<vmem>>
          %dma_wait3A_386 = arith.constant 0 : i32
          %dma_wait3A_387 = arith.constant 0 : i32
          %dma_wait3A_388 = arith.constant 0 : i32
          %dma_wait3A_389 = tpu.memref_slice %run_scoped3A[%rem3A_340, %dma_wait3A_386, %dma_wait3A_387, %dma_wait3A_388] : memref<2x1x1x160xi32, #tpu.memory_space<vmem>> -> memref<1x1x1x160xi32, #tpu.memory_space<vmem>>
          %dma_wait3A_390 = tpu.memref_squeeze %dma_wait3A_389 : memref<1x1x1x160xi32, #tpu.memory_space<vmem>> -> memref<1x1x160xi32, #tpu.memory_space<vmem>>
          %dma_wait3A_391 = arith.constant 0 : i32
          %dma_wait3A_392 = tpu.memref_slice %dma_wait3A_390[%dma_wait3A, %dma_wait3A_381, %dma_wait3A_391] : memref<1x1x160xi32, #tpu.memory_space<vmem>> -> memref<1x1x160xi32, #tpu.memory_space<vmem>>
          %dma_wait3A_393 = tpu.memref_squeeze %dma_wait3A_392 : memref<1x1x160xi32, #tpu.memory_space<vmem>> -> memref<160xi32, #tpu.memory_space<vmem>>
          %dma_wait3A_394 = arith.constant 0 : i32
          %dma_wait3A_395 = arith.constant 0 : i32
          %dma_wait3A_396 = tpu.memref_slice %arg2[%dma_wait3A_394, %dma_wait3A_395] : memref<10000x128xf32, #tpu.memory_space<hbm>> -> memref<10000x128xf32, #tpu.memory_space<hbm>>
          tpu.wait_indirect_dma semaphore(%arg8 : memref<!tpu.dma_semaphore, #tpu.memory_space<semaphore_mem>>) src(%dma_wait3A_396 : memref<10000x128xf32, #tpu.memory_space<hbm>>) dst(%dma_wait3A_385 : memref<160x128xf32, #tpu.memory_space<vmem>>)
          %dma_wait3A_397 = arith.constant 0 : i32
          %dma_wait3A_398 = arith.constant 0 : i32
          %dma_wait3A_399 = arith.constant 0 : i32
          %dma_wait3A_400 = arith.constant 0 : i32
          %dma_wait3A_401 = tpu.memref_slice %run_scoped3A_22[%rem3A_346, %dma_wait3A_399, %dma_wait3A_400] : memref<2x160x128xf32, #tpu.memory_space<vmem>> -> memref<1x160x128xf32, #tpu.memory_space<vmem>>
          %dma_wait3A_402 = tpu.memref_squeeze %dma_wait3A_401 : memref<1x160x128xf32, #tpu.memory_space<vmem>> -> memref<160x128xf32, #tpu.memory_space<vmem>>
          %dma_wait3A_403 = arith.constant 0 : i32
          %dma_wait3A_404 = arith.constant 0 : i32
          %dma_wait3A_405 = arith.constant 0 : i32
          %dma_wait3A_406 = tpu.memref_slice %run_scoped3A_18[%rem3A_342, %dma_wait3A_403, %dma_wait3A_404, %dma_wait3A_405] : memref<2x1x1x160xi32, #tpu.memory_space<vmem>> -> memref<1x1x1x160xi32, #tpu.memory_space<vmem>>
          %dma_wait3A_407 = tpu.memref_squeeze %dma_wait3A_406 : memref<1x1x1x160xi32, #tpu.memory_space<vmem>> -> memref<1x1x160xi32, #tpu.memory_space<vmem>>
          %dma_wait3A_408 = arith.constant 0 : i32
          %dma_wait3A_409 = tpu.memref_slice %dma_wait3A_407[%dma_wait3A_397, %dma_wait3A_398, %dma_wait3A_408] : memref<1x1x160xi32, #tpu.memory_space<vmem>> -> memref<1x1x160xi32, #tpu.memory_space<vmem>>
          %dma_wait3A_410 = tpu.memref_squeeze %dma_wait3A_409 : memref<1x1x160xi32, #tpu.memory_space<vmem>> -> memref<160xi32, #tpu.memory_space<vmem>>
          %dma_wait3A_411 = arith.constant 0 : i32
          %dma_wait3A_412 = arith.constant 0 : i32
          %dma_wait3A_413 = tpu.memref_slice %arg3[%dma_wait3A_411, %dma_wait3A_412] : memref<10000x128xf32, #tpu.memory_space<hbm>> -> memref<10000x128xf32, #tpu.memory_space<hbm>>
          tpu.wait_indirect_dma semaphore(%arg9 : memref<!tpu.dma_semaphore, #tpu.memory_space<semaphore_mem>>) src(%dma_wait3A_413 : memref<10000x128xf32, #tpu.memory_space<hbm>>) dst(%dma_wait3A_402 : memref<160x128xf32, #tpu.memory_space<vmem>>)
          "tpu.trace_stop"() : () -> ()
          %ne3A_414 = arith.cmpi ne, %add3A_205, %add3A_223 : i32
          %or3A_415 = arith.constant false
          %or3A_416 = arith.ori %or3A_415, %ne3A_414 : i1
          %or3A_417 = arith.constant false
          %or3A_418 = arith.ori %or3A_416, %or3A_417 : i1
          %or3A_419 = arith.constant false
          %or3A_420 = arith.ori %or3A_418, %or3A_419 : i1
          %or3A_421 = arith.ori %or3A_420, %eq3A_204 : i1
          %convert_element_type3A_422 = arith.extui %or3A_421 : i1 to i32
          %cond3A_423 = arith.constant 0 : i32
          %cond3A_424 = arith.cmpi ne, %convert_element_type3A_422, %cond3A_423 : i32
          scf.if %cond3A_424 {
          } else {
          }
          %and3A_425 = arith.constant false
          %and3A_426 = arith.andi %or3A_421, %and3A_425 : i1
          %ne3A_427 = arith.cmpi ne, %add3A_205, %add3A_223 : i32
          %or3A_428 = arith.constant false
          %or3A_429 = arith.ori %or3A_428, %ne3A_427 : i1
          %or3A_430 = arith.constant false
          %or3A_431 = arith.ori %or3A_429, %or3A_430 : i1
          %or3A_432 = arith.constant false
          %or3A_433 = arith.ori %or3A_431, %or3A_432 : i1
          %or3A_434 = arith.ori %or3A_433, %eq3A_204 : i1
          %convert_element_type3A_435 = arith.extui %or3A_434 : i1 to i32
          %cond3A_436 = arith.constant 0 : i32
          %cond3A_437 = arith.cmpi ne, %convert_element_type3A_435, %cond3A_436 : i32
          scf.if %cond3A_437 {
          } else {
          }
          %and3A_438 = arith.constant false
          %and3A_439 = arith.andi %or3A_434, %and3A_438 : i1
          %ne3A_440 = arith.cmpi ne, %add3A_205, %add3A_223 : i32
          %or3A_441 = arith.constant false
          %or3A_442 = arith.ori %or3A_441, %ne3A_440 : i1
          %or3A_443 = arith.constant false
          %or3A_444 = arith.ori %or3A_442, %or3A_443 : i1
          %or3A_445 = arith.ori %or3A_444, %eq3A_204 : i1
          %convert_element_type3A_446 = arith.extui %or3A_445 : i1 to i32
          %cond3A_447 = arith.constant 0 : i32
          %cond3A_448 = arith.cmpi ne, %convert_element_type3A_446, %cond3A_447 : i32
          scf.if %cond3A_448 {
            "tpu.trace_start"() <{level = 10 : i32, message = "ep_copy_out"}> : () -> ()
            %rem3A_559 = arith.constant 2 : i32
            %rem3A_560 = arith.remui %while3A_193, %rem3A_559 : i32
            %mul3A_561 = arith.constant 160 : i32
            %mul3A_562 = arith.muli %mul3A_561, %add3A_205 : i32
            %dma_start3A_563 = arith.constant 0 : i32
            %dma_start3A_564 = arith.constant 0 : i32
            %dma_start3A_565 = tpu.memref_slice %run_scoped3A_20[%rem3A_560, %dma_start3A_563, %dma_start3A_564] : memref<2x160x128xf32, #tpu.memory_space<vmem>> -> memref<1x160x128xf32, #tpu.memory_space<vmem>>
            %dma_start3A_566 = tpu.memref_squeeze %dma_start3A_565 : memref<1x160x128xf32, #tpu.memory_space<vmem>> -> memref<160x128xf32, #tpu.memory_space<vmem>>
            %dma_start3A_567 = arith.constant 0 : i32
            %dma_start3A_568 = tpu.memref_slice %arg6[%mul3A_562, %dma_start3A_567] : memref<320000x128xf32, #tpu.memory_space<hbm>> -> memref<160x128xf32, #tpu.memory_space<hbm>>
            %dma_start3A_569 = tpu.memref_slice %run_scoped3A_21[%rem3A_560] : memref<2x!tpu.dma_semaphore, #tpu.memory_space<semaphore_mem>> -> memref<1x!tpu.dma_semaphore, #tpu.memory_space<semaphore_mem>>
            %dma_start3A_570 = tpu.memref_squeeze %dma_start3A_569 : memref<1x!tpu.dma_semaphore, #tpu.memory_space<semaphore_mem>> -> memref<!tpu.dma_semaphore, #tpu.memory_space<semaphore_mem>>
            %dma_start3A_571 = arith.constant 0 : i32
            %dma_start3A_572 = tpu.memref_slice %arg6[%mul3A_562, %dma_start3A_571] : memref<320000x128xf32, #tpu.memory_space<hbm>> -> memref<160x128xf32, #tpu.memory_space<hbm>>
            %dma_start3A_573 = arith.constant 0 : i32
            %dma_start3A_574 = arith.constant 0 : i32
            %dma_start3A_575 = tpu.memref_slice %run_scoped3A_20[%rem3A_560, %dma_start3A_573, %dma_start3A_574] : memref<2x160x128xf32, #tpu.memory_space<vmem>> -> memref<1x160x128xf32, #tpu.memory_space<vmem>>
            %dma_start3A_576 = tpu.memref_squeeze %dma_start3A_575 : memref<1x160x128xf32, #tpu.memory_space<vmem>> -> memref<160x128xf32, #tpu.memory_space<vmem>>
            tpu.enqueue_dma source(%dma_start3A_576 : memref<160x128xf32, #tpu.memory_space<vmem>>) target(%dma_start3A_572 : memref<160x128xf32, #tpu.memory_space<hbm>>) target_semaphore(%dma_start3A_570 : memref<!tpu.dma_semaphore, #tpu.memory_space<semaphore_mem>>)
            "tpu.trace_stop"() : () -> ()
          } else {
          }
          %and3A_449 = arith.constant true
          %and3A_450 = arith.andi %or3A_445, %and3A_449 : i1
          %add3A_451 = arith.constant 1 : i32
          %add3A_452 = arith.addi %while3A_193, %add3A_451 : i32
          %select_n3A_453 = arith.select %and3A_450, %add3A_452, %while3A_193 : i32
          %ne3A_454 = arith.cmpi ne, %add3A_205, %add3A_223 : i32
          %or3A_455 = arith.constant false
          %or3A_456 = arith.ori %or3A_455, %ne3A_454 : i1
          %or3A_457 = arith.constant false
          %or3A_458 = arith.ori %or3A_456, %or3A_457 : i1
          %or3A_459 = arith.ori %or3A_458, %eq3A_204 : i1
          %convert_element_type3A_460 = arith.extui %or3A_459 : i1 to i32
          %cond3A_461 = arith.constant 0 : i32
          %cond3A_462 = arith.cmpi ne, %convert_element_type3A_460, %cond3A_461 : i32
          scf.if %cond3A_462 {
            "tpu.trace_start"() <{level = 10 : i32, message = "ep_copy_out"}> : () -> ()
            %rem3A_559 = arith.constant 2 : i32
            %rem3A_560 = arith.remui %while3A_195, %rem3A_559 : i32
            %mul3A_561 = arith.constant 160 : i32
            %mul3A_562 = arith.muli %mul3A_561, %add3A_205 : i32
            %dma_start3A_563 = arith.constant 0 : i32
            %dma_start3A_564 = arith.constant 0 : i32
            %dma_start3A_565 = tpu.memref_slice %run_scoped3A_22[%rem3A_560, %dma_start3A_563, %dma_start3A_564] : memref<2x160x128xf32, #tpu.memory_space<vmem>> -> memref<1x160x128xf32, #tpu.memory_space<vmem>>
            %dma_start3A_566 = tpu.memref_squeeze %dma_start3A_565 : memref<1x160x128xf32, #tpu.memory_space<vmem>> -> memref<160x128xf32, #tpu.memory_space<vmem>>
            %dma_start3A_567 = arith.constant 0 : i32
            %dma_start3A_568 = tpu.memref_slice %arg7[%mul3A_562, %dma_start3A_567] : memref<320000x128xf32, #tpu.memory_space<hbm>> -> memref<160x128xf32, #tpu.memory_space<hbm>>
            %dma_start3A_569 = tpu.memref_slice %run_scoped3A_23[%rem3A_560] : memref<2x!tpu.dma_semaphore, #tpu.memory_space<semaphore_mem>> -> memref<1x!tpu.dma_semaphore, #tpu.memory_space<semaphore_mem>>
            %dma_start3A_570 = tpu.memref_squeeze %dma_start3A_569 : memref<1x!tpu.dma_semaphore, #tpu.memory_space<semaphore_mem>> -> memref<!tpu.dma_semaphore, #tpu.memory_space<semaphore_mem>>
            %dma_start3A_571 = arith.constant 0 : i32
            %dma_start3A_572 = tpu.memref_slice %arg7[%mul3A_562, %dma_start3A_571] : memref<320000x128xf32, #tpu.memory_space<hbm>> -> memref<160x128xf32, #tpu.memory_space<hbm>>
            %dma_start3A_573 = arith.constant 0 : i32
            %dma_start3A_574 = arith.constant 0 : i32
            %dma_start3A_575 = tpu.memref_slice %run_scoped3A_22[%rem3A_560, %dma_start3A_573, %dma_start3A_574] : memref<2x160x128xf32, #tpu.memory_space<vmem>> -> memref<1x160x128xf32, #tpu.memory_space<vmem>>
            %dma_start3A_576 = tpu.memref_squeeze %dma_start3A_575 : memref<1x160x128xf32, #tpu.memory_space<vmem>> -> memref<160x128xf32, #tpu.memory_space<vmem>>
            tpu.enqueue_dma source(%dma_start3A_576 : memref<160x128xf32, #tpu.memory_space<vmem>>) target(%dma_start3A_572 : memref<160x128xf32, #tpu.memory_space<hbm>>) target_semaphore(%dma_start3A_570 : memref<!tpu.dma_semaphore, #tpu.memory_space<semaphore_mem>>)
            "tpu.trace_stop"() : () -> ()
          } else {
          }
          %and3A_463 = arith.constant true
          %and3A_464 = arith.andi %or3A_459, %and3A_463 : i1
          %add3A_465 = arith.constant 1 : i32
          %add3A_466 = arith.addi %while3A_195, %add3A_465 : i32
          %select_n3A_467 = arith.select %and3A_464, %add3A_466, %while3A_195 : i32
          %ne3A_468 = arith.cmpi ne, %add3A_205, %add3A_215 : i32
          %or3A_469 = arith.constant false
          %or3A_470 = arith.ori %or3A_469, %ne3A_468 : i1
          %or3A_471 = arith.constant false
          %or3A_472 = arith.ori %or3A_470, %or3A_471 : i1
          %or3A_473 = arith.constant false
          %or3A_474 = arith.ori %or3A_472, %or3A_473 : i1
          %not3A_475 = arith.constant true
          %not3A_476 = arith.xori %eq3A_201, %not3A_475 : i1
          %and3A_477 = arith.andi %or3A_474, %not3A_476 : i1
          %convert_element_type3A_478 = arith.extui %and3A_477 : i1 to i32
          %cond3A_479 = arith.constant 0 : i32
          %cond3A_480 = arith.cmpi ne, %convert_element_type3A_478, %cond3A_479 : i32
          scf.if %cond3A_480 {
          } else {
          }
          %and3A_481 = arith.constant false
          %and3A_482 = arith.andi %and3A_477, %and3A_481 : i1
          %ne3A_483 = arith.cmpi ne, %add3A_205, %add3A_215 : i32
          %or3A_484 = arith.constant false
          %or3A_485 = arith.ori %or3A_484, %ne3A_483 : i1
          %or3A_486 = arith.constant false
          %or3A_487 = arith.ori %or3A_485, %or3A_486 : i1
          %or3A_488 = arith.constant false
          %or3A_489 = arith.ori %or3A_487, %or3A_488 : i1
          %not3A_490 = arith.constant true
          %not3A_491 = arith.xori %eq3A_201, %not3A_490 : i1
          %and3A_492 = arith.andi %or3A_489, %not3A_491 : i1
          %convert_element_type3A_493 = arith.extui %and3A_492 : i1 to i32
          %cond3A_494 = arith.constant 0 : i32
          %cond3A_495 = arith.cmpi ne, %convert_element_type3A_493, %cond3A_494 : i32
          scf.if %cond3A_495 {
          } else {
          }
          %and3A_496 = arith.constant false
          %and3A_497 = arith.andi %and3A_492, %and3A_496 : i1
          %ne3A_498 = arith.cmpi ne, %add3A_205, %add3A_215 : i32
          %or3A_499 = arith.constant false
          %or3A_500 = arith.ori %or3A_499, %ne3A_498 : i1
          %or3A_501 = arith.constant false
          %or3A_502 = arith.ori %or3A_500, %or3A_501 : i1
          %not3A_503 = arith.constant true
          %not3A_504 = arith.xori %eq3A_201, %not3A_503 : i1
          %and3A_505 = arith.andi %or3A_502, %not3A_504 : i1
          %convert_element_type3A_506 = arith.extui %and3A_505 : i1 to i32
          %cond3A_507 = arith.constant 0 : i32
          %cond3A_508 = arith.cmpi ne, %convert_element_type3A_506, %cond3A_507 : i32
          scf.if %cond3A_508 {
            "tpu.trace_start"() <{level = 10 : i32, message = "ep_wait_out"}> : () -> ()
            %rem3A_559 = arith.constant 2 : i32
            %rem3A_560 = arith.remui %while3A_194, %rem3A_559 : i32
            %mul3A_561 = arith.constant 160 : i32
            %mul3A_562 = arith.muli %mul3A_561, %add3A_215 : i32
            %dma_wait3A_563 = arith.constant 0 : i32
            %dma_wait3A_564 = arith.constant 0 : i32
            %dma_wait3A_565 = tpu.memref_slice %run_scoped3A_20[%rem3A_560, %dma_wait3A_563, %dma_wait3A_564] : memref<2x160x128xf32, #tpu.memory_space<vmem>> -> memref<1x160x128xf32, #tpu.memory_space<vmem>>
            %dma_wait3A_566 = tpu.memref_squeeze %dma_wait3A_565 : memref<1x160x128xf32, #tpu.memory_space<vmem>> -> memref<160x128xf32, #tpu.memory_space<vmem>>
            %dma_wait3A_567 = arith.constant 0 : i32
            %dma_wait3A_568 = tpu.memref_slice %arg6[%mul3A_562, %dma_wait3A_567] : memref<320000x128xf32, #tpu.memory_space<hbm>> -> memref<160x128xf32, #tpu.memory_space<hbm>>
            %dma_wait3A_569 = tpu.memref_slice %run_scoped3A_21[%rem3A_560] : memref<2x!tpu.dma_semaphore, #tpu.memory_space<semaphore_mem>> -> memref<1x!tpu.dma_semaphore, #tpu.memory_space<semaphore_mem>>
            %dma_wait3A_570 = tpu.memref_squeeze %dma_wait3A_569 : memref<1x!tpu.dma_semaphore, #tpu.memory_space<semaphore_mem>> -> memref<!tpu.dma_semaphore, #tpu.memory_space<semaphore_mem>>
            %dma_wait3A_571 = arith.constant 0 : i32
            %dma_wait3A_572 = tpu.memref_slice %arg6[%mul3A_562, %dma_wait3A_571] : memref<320000x128xf32, #tpu.memory_space<hbm>> -> memref<160x128xf32, #tpu.memory_space<hbm>>
            %dma_wait3A_573 = arith.constant 0 : i32
            %dma_wait3A_574 = arith.constant 0 : i32
            %dma_wait3A_575 = tpu.memref_slice %run_scoped3A_20[%rem3A_560, %dma_wait3A_573, %dma_wait3A_574] : memref<2x160x128xf32, #tpu.memory_space<vmem>> -> memref<1x160x128xf32, #tpu.memory_space<vmem>>
            %dma_wait3A_576 = tpu.memref_squeeze %dma_wait3A_575 : memref<1x160x128xf32, #tpu.memory_space<vmem>> -> memref<160x128xf32, #tpu.memory_space<vmem>>
            tpu.wait_dma2 semaphore(%dma_wait3A_570 : memref<!tpu.dma_semaphore, #tpu.memory_space<semaphore_mem>>) src(%dma_wait3A_576 : memref<160x128xf32, #tpu.memory_space<vmem>>) dst(%dma_wait3A_572 : memref<160x128xf32, #tpu.memory_space<hbm>>)
            "tpu.trace_stop"() : () -> ()
          } else {
          }
          %and3A_509 = arith.constant true
          %and3A_510 = arith.andi %and3A_505, %and3A_509 : i1
          %add3A_511 = arith.constant 1 : i32
          %add3A_512 = arith.addi %while3A_194, %add3A_511 : i32
          %select_n3A_513 = arith.select %and3A_510, %add3A_512, %while3A_194 : i32
          %ne3A_514 = arith.cmpi ne, %add3A_205, %add3A_215 : i32
          %or3A_515 = arith.constant false
          %or3A_516 = arith.ori %or3A_515, %ne3A_514 : i1
          %or3A_517 = arith.constant false
          %or3A_518 = arith.ori %or3A_516, %or3A_517 : i1
          %not3A_519 = arith.constant true
          %not3A_520 = arith.xori %eq3A_201, %not3A_519 : i1
          %and3A_521 = arith.andi %or3A_518, %not3A_520 : i1
          %convert_element_type3A_522 = arith.extui %and3A_521 : i1 to i32
          %cond3A_523 = arith.constant 0 : i32
          %cond3A_524 = arith.cmpi ne, %convert_element_type3A_522, %cond3A_523 : i32
          scf.if %cond3A_524 {
            "tpu.trace_start"() <{level = 10 : i32, message = "ep_wait_out"}> : () -> ()
            %rem3A_559 = arith.constant 2 : i32
            %rem3A_560 = arith.remui %while3A_196, %rem3A_559 : i32
            %mul3A_561 = arith.constant 160 : i32
            %mul3A_562 = arith.muli %mul3A_561, %add3A_215 : i32
            %dma_wait3A_563 = arith.constant 0 : i32
            %dma_wait3A_564 = arith.constant 0 : i32
            %dma_wait3A_565 = tpu.memref_slice %run_scoped3A_22[%rem3A_560, %dma_wait3A_563, %dma_wait3A_564] : memref<2x160x128xf32, #tpu.memory_space<vmem>> -> memref<1x160x128xf32, #tpu.memory_space<vmem>>
            %dma_wait3A_566 = tpu.memref_squeeze %dma_wait3A_565 : memref<1x160x128xf32, #tpu.memory_space<vmem>> -> memref<160x128xf32, #tpu.memory_space<vmem>>
            %dma_wait3A_567 = arith.constant 0 : i32
            %dma_wait3A_568 = tpu.memref_slice %arg7[%mul3A_562, %dma_wait3A_567] : memref<320000x128xf32, #tpu.memory_space<hbm>> -> memref<160x128xf32, #tpu.memory_space<hbm>>
            %dma_wait3A_569 = tpu.memref_slice %run_scoped3A_23[%rem3A_560] : memref<2x!tpu.dma_semaphore, #tpu.memory_space<semaphore_mem>> -> memref<1x!tpu.dma_semaphore, #tpu.memory_space<semaphore_mem>>
            %dma_wait3A_570 = tpu.memref_squeeze %dma_wait3A_569 : memref<1x!tpu.dma_semaphore, #tpu.memory_space<semaphore_mem>> -> memref<!tpu.dma_semaphore, #tpu.memory_space<semaphore_mem>>
            %dma_wait3A_571 = arith.constant 0 : i32
            %dma_wait3A_572 = tpu.memref_slice %arg7[%mul3A_562, %dma_wait3A_571] : memref<320000x128xf32, #tpu.memory_space<hbm>> -> memref<160x128xf32, #tpu.memory_space<hbm>>
            %dma_wait3A_573 = arith.constant 0 : i32
            %dma_wait3A_574 = arith.constant 0 : i32
            %dma_wait3A_575 = tpu.memref_slice %run_scoped3A_22[%rem3A_560, %dma_wait3A_573, %dma_wait3A_574] : memref<2x160x128xf32, #tpu.memory_space<vmem>> -> memref<1x160x128xf32, #tpu.memory_space<vmem>>
            %dma_wait3A_576 = tpu.memref_squeeze %dma_wait3A_575 : memref<1x160x128xf32, #tpu.memory_space<vmem>> -> memref<160x128xf32, #tpu.memory_space<vmem>>
            tpu.wait_dma2 semaphore(%dma_wait3A_570 : memref<!tpu.dma_semaphore, #tpu.memory_space<semaphore_mem>>) src(%dma_wait3A_576 : memref<160x128xf32, #tpu.memory_space<vmem>>) dst(%dma_wait3A_572 : memref<160x128xf32, #tpu.memory_space<hbm>>)
            "tpu.trace_stop"() : () -> ()
          } else {
          }
          %and3A_525 = arith.constant true
          %and3A_526 = arith.andi %and3A_521, %and3A_525 : i1
          %add3A_527 = arith.constant 1 : i32
          %add3A_528 = arith.addi %while3A_196, %add3A_527 : i32
          %select_n3A_529 = arith.select %and3A_526, %add3A_528, %while3A_196 : i32
          %ne3A_530 = arith.cmpi ne, %add3A_205, %add3A_223 : i32
          %or3A_531 = arith.constant false
          %or3A_532 = arith.ori %or3A_531, %ne3A_530 : i1
          %or3A_533 = arith.constant false
          %or3A_534 = arith.ori %or3A_532, %or3A_533 : i1
          %or3A_535 = arith.constant false
          %or3A_536 = arith.ori %or3A_534, %or3A_535 : i1
          %or3A_537 = arith.ori %or3A_536, %eq3A_204 : i1
          %add3A_538 = arith.constant 1 : i32
          %add3A_539 = arith.addi %while3A_190, %add3A_538 : i32
          %select_n3A_540 = arith.select %or3A_537, %add3A_539, %while3A_190 : i32
          %ne3A_541 = arith.cmpi ne, %add3A_205, %add3A_223 : i32
          %or3A_542 = arith.constant false
          %or3A_543 = arith.ori %or3A_542, %ne3A_541 : i1
          %or3A_544 = arith.constant false
          %or3A_545 = arith.ori %or3A_543, %or3A_544 : i1
          %or3A_546 = arith.constant false
          %or3A_547 = arith.ori %or3A_545, %or3A_546 : i1
          %or3A_548 = arith.ori %or3A_547, %eq3A_204 : i1
          %add3A_549 = arith.constant 1 : i32
          %add3A_550 = arith.addi %while3A_192, %add3A_549 : i32
          %select_n3A_551 = arith.select %or3A_548, %add3A_550, %while3A_192 : i32
          %add3A_552 = arith.constant 1 : i32
          %add3A_553 = arith.addi %while3A_197, %add3A_552 : i32
          %select_n3A_554 = arith.constant true
          %select_n3A_555 = arith.select %select_n3A_554, %add3A_553, %while3A_197 : i32
          %eq3A_556 = arith.cmpi eq, %select_n3A_555, %select_n3A : i32
          %select_n3A_557 = arith.constant 0 : i32
          %select_n3A_558 = arith.select %eq3A_556, %select_n3A_557, %select_n3A_555 : i32
          scf.yield %select_n3A_249, %select_n3A_540, %select_n3A_272, %select_n3A_551, %select_n3A_453, %select_n3A_513, %select_n3A_467, %select_n3A_529, %select_n3A_558 : i32, i32, i32, i32, i32, i32, i32, i32, i32
        }
        %while3A_129 = arith.constant 1 : i32
        %while3A_130:9 = scf.for %while3A_188 = %while3A_126 to %while3A_122 step %while3A_129 iter_args(%while3A_189 = %while3A_128#0, %while3A_190 = %while3A_128#1, %while3A_191 = %while3A_128#2, %while3A_192 = %while3A_128#3, %while3A_193 = %while3A_128#4, %while3A_194 = %while3A_128#5, %while3A_195 = %while3A_128#6, %while3A_196 = %while3A_128#7, %while3A_197 = %while3A_128#8) -> (i32, i32, i32, i32, i32, i32, i32, i32, i32)  : i32 {
          %mul3A_198 = arith.constant 1 : i32
          %mul3A_199 = arith.muli %mul3A_198, %select_n3A : i32
          %eq3A_200 = arith.constant 0 : i32
          %eq3A_201 = arith.cmpi eq, %while3A_188, %eq3A_200 : i32
          %sub3A_202 = arith.constant 1 : i32
          %sub3A_203 = arith.subi %mul3A_199, %sub3A_202 : i32
          %eq3A_204 = arith.cmpi eq, %while3A_188, %sub3A_203 : i32
          %add3A_205 = arith.addi %while3A_197, %select_n3A_14 : i32
          %sub3A_206 = arith.constant 1 : i32
          %sub3A_207 = arith.subi %while3A_197, %sub3A_206 : i32
          %select_n3A_208 = arith.constant true
          %select_n3A_209 = arith.select %select_n3A_208, %sub3A_207, %while3A_197 : i32
          %eq3A_210 = arith.constant -1 : i32
          %eq3A_211 = arith.cmpi eq, %select_n3A_209, %eq3A_210 : i32
          %sub3A_212 = arith.constant 1 : i32
          %sub3A_213 = arith.subi %select_n3A, %sub3A_212 : i32
          %select_n3A_214 = arith.select %eq3A_211, %sub3A_213, %select_n3A_209 : i32
          %add3A_215 = arith.addi %select_n3A_214, %select_n3A_14 : i32
          %add3A_216 = arith.constant 1 : i32
          %add3A_217 = arith.addi %while3A_197, %add3A_216 : i32
          %select_n3A_218 = arith.constant true
          %select_n3A_219 = arith.select %select_n3A_218, %add3A_217, %while3A_197 : i32
          %eq3A_220 = arith.cmpi eq, %select_n3A_219, %select_n3A : i32
          %select_n3A_221 = arith.constant 0 : i32
          %select_n3A_222 = arith.select %eq3A_220, %select_n3A_221, %select_n3A_219 : i32
          %add3A_223 = arith.addi %select_n3A_222, %select_n3A_14 : i32
          %add3A_224 = arith.constant 1 : i32
          %add3A_225 = arith.addi %select_n3A_222, %add3A_224 : i32
          %select_n3A_226 = arith.constant true
          %select_n3A_227 = arith.select %select_n3A_226, %add3A_225, %select_n3A_222 : i32
          %eq3A_228 = arith.cmpi eq, %select_n3A_227, %select_n3A : i32
          %select_n3A_229 = arith.constant 0 : i32
          %select_n3A_230 = arith.select %eq3A_228, %select_n3A_229, %select_n3A_227 : i32
          %add3A_231 = arith.addi %select_n3A_230, %select_n3A_14 : i32
          %ne3A = arith.cmpi ne, %add3A_205, %add3A_223 : i32
          %or3A = arith.constant false
          %or3A_232 = arith.ori %or3A, %ne3A : i1
          %or3A_233 = arith.constant false
          %or3A_234 = arith.ori %or3A_232, %or3A_233 : i1
          %or3A_235 = arith.constant false
          %or3A_236 = arith.ori %or3A_234, %or3A_235 : i1
          %sub3A_237 = arith.constant 2 : i32
          %sub3A_238 = arith.subi %mul3A_199, %sub3A_237 : i32
          %add3A_239 = arith.constant 1 : i32
          %add3A_240 = arith.addi %sub3A_238, %add3A_239 : i32
          %ge3A = arith.cmpi sge, %while3A_188, %add3A_240 : i32
          %not3A = arith.constant true
          %not3A_241 = arith.xori %ge3A, %not3A : i1
          %and3A = arith.andi %or3A_236, %not3A_241 : i1
          %convert_element_type3A_242 = arith.extui %and3A : i1 to i32
          %cond3A_243 = arith.constant 0 : i32
          %cond3A_244 = arith.cmpi ne, %convert_element_type3A_242, %cond3A_243 : i32
          scf.if %cond3A_244 {
            "tpu.trace_start"() <{level = 10 : i32, message = "ep_copy_in"}> : () -> ()
            %rem3A_559 = arith.constant 2 : i32
            %rem3A_560 = arith.remui %while3A_189, %rem3A_559 : i32
            %mul3A_561 = arith.constant 1 : i32
            %mul3A_562 = arith.muli %mul3A_561, %add3A_223 : i32
            %dma_start3A_563 = arith.constant 0 : i32
            %dma_start3A_564 = arith.constant 0 : i32
            %dma_start3A_565 = arith.constant 0 : i32
            %dma_start3A_566 = tpu.memref_slice %run_scoped3A[%rem3A_560, %dma_start3A_563, %dma_start3A_564, %dma_start3A_565] : memref<2x1x1x160xi32, #tpu.memory_space<vmem>> -> memref<1x1x1x160xi32, #tpu.memory_space<vmem>>
            %dma_start3A_567 = tpu.memref_squeeze %dma_start3A_566 : memref<1x1x1x160xi32, #tpu.memory_space<vmem>> -> memref<1x1x160xi32, #tpu.memory_space<vmem>>
            %dma_start3A_568 = arith.constant 0 : i32
            %dma_start3A_569 = arith.constant 0 : i32
            %dma_start3A_570 = tpu.memref_slice %arg4[%mul3A_562, %dma_start3A_568, %dma_start3A_569] : memref<2000x1x160xi32, #tpu.memory_space<hbm>> -> memref<1x1x160xi32, #tpu.memory_space<hbm>>
            %dma_start3A_571 = tpu.memref_slice %run_scoped3A_17[%rem3A_560] : memref<2x!tpu.dma_semaphore, #tpu.memory_space<semaphore_mem>> -> memref<1x!tpu.dma_semaphore, #tpu.memory_space<semaphore_mem>>
            %dma_start3A_572 = tpu.memref_squeeze %dma_start3A_571 : memref<1x!tpu.dma_semaphore, #tpu.memory_space<semaphore_mem>> -> memref<!tpu.dma_semaphore, #tpu.memory_space<semaphore_mem>>
            %dma_start3A_573 = arith.constant 0 : i32
            %dma_start3A_574 = arith.constant 0 : i32
            %dma_start3A_575 = arith.constant 0 : i32
            %dma_start3A_576 = tpu.memref_slice %run_scoped3A[%rem3A_560, %dma_start3A_573, %dma_start3A_574, %dma_start3A_575] : memref<2x1x1x160xi32, #tpu.memory_space<vmem>> -> memref<1x1x1x160xi32, #tpu.memory_space<vmem>>
            %dma_start3A_577 = tpu.memref_squeeze %dma_start3A_576 : memref<1x1x1x160xi32, #tpu.memory_space<vmem>> -> memref<1x1x160xi32, #tpu.memory_space<vmem>>
            %dma_start3A_578 = arith.constant 0 : i32
            %dma_start3A_579 = arith.constant 0 : i32
            %dma_start3A_580 = tpu.memref_slice %arg4[%mul3A_562, %dma_start3A_578, %dma_start3A_579] : memref<2000x1x160xi32, #tpu.memory_space<hbm>> -> memref<1x1x160xi32, #tpu.memory_space<hbm>>
            tpu.enqueue_dma source(%dma_start3A_580 : memref<1x1x160xi32, #tpu.memory_space<hbm>>) target(%dma_start3A_577 : memref<1x1x160xi32, #tpu.memory_space<vmem>>) target_semaphore(%dma_start3A_572 : memref<!tpu.dma_semaphore, #tpu.memory_space<semaphore_mem>>)
            "tpu.trace_stop"() : () -> ()
          } else {
          }
          %and3A_245 = arith.constant true
          %and3A_246 = arith.andi %and3A, %and3A_245 : i1
          %add3A_247 = arith.constant 1 : i32
          %add3A_248 = arith.addi %while3A_189, %add3A_247 : i32
          %select_n3A_249 = arith.select %and3A_246, %add3A_248, %while3A_189 : i32
          %ne3A_250 = arith.cmpi ne, %add3A_205, %add3A_223 : i32
          %or3A_251 = arith.constant false
          %or3A_252 = arith.ori %or3A_251, %ne3A_250 : i1
          %or3A_253 = arith.constant false
          %or3A_254 = arith.ori %or3A_252, %or3A_253 : i1
          %or3A_255 = arith.constant false
          %or3A_256 = arith.ori %or3A_254, %or3A_255 : i1
          %sub3A_257 = arith.constant 2 : i32
          %sub3A_258 = arith.subi %mul3A_199, %sub3A_257 : i32
          %add3A_259 = arith.constant 1 : i32
          %add3A_260 = arith.addi %sub3A_258, %add3A_259 : i32
          %ge3A_261 = arith.cmpi sge, %while3A_188, %add3A_260 : i32
          %not3A_262 = arith.constant true
          %not3A_263 = arith.xori %ge3A_261, %not3A_262 : i1
          %and3A_264 = arith.andi %or3A_256, %not3A_263 : i1
          %convert_element_type3A_265 = arith.extui %and3A_264 : i1 to i32
          %cond3A_266 = arith.constant 0 : i32
          %cond3A_267 = arith.cmpi ne, %convert_element_type3A_265, %cond3A_266 : i32
          scf.if %cond3A_267 {
            "tpu.trace_start"() <{level = 10 : i32, message = "ep_copy_in"}> : () -> ()
            %rem3A_559 = arith.constant 2 : i32
            %rem3A_560 = arith.remui %while3A_191, %rem3A_559 : i32
            %mul3A_561 = arith.constant 1 : i32
            %mul3A_562 = arith.muli %mul3A_561, %add3A_223 : i32
            %dma_start3A_563 = arith.constant 0 : i32
            %dma_start3A_564 = arith.constant 0 : i32
            %dma_start3A_565 = arith.constant 0 : i32
            %dma_start3A_566 = tpu.memref_slice %run_scoped3A_18[%rem3A_560, %dma_start3A_563, %dma_start3A_564, %dma_start3A_565] : memref<2x1x1x160xi32, #tpu.memory_space<vmem>> -> memref<1x1x1x160xi32, #tpu.memory_space<vmem>>
            %dma_start3A_567 = tpu.memref_squeeze %dma_start3A_566 : memref<1x1x1x160xi32, #tpu.memory_space<vmem>> -> memref<1x1x160xi32, #tpu.memory_space<vmem>>
            %dma_start3A_568 = arith.constant 0 : i32
            %dma_start3A_569 = arith.constant 0 : i32
            %dma_start3A_570 = tpu.memref_slice %arg5[%mul3A_562, %dma_start3A_568, %dma_start3A_569] : memref<2000x1x160xi32, #tpu.memory_space<hbm>> -> memref<1x1x160xi32, #tpu.memory_space<hbm>>
            %dma_start3A_571 = tpu.memref_slice %run_scoped3A_19[%rem3A_560] : memref<2x!tpu.dma_semaphore, #tpu.memory_space<semaphore_mem>> -> memref<1x!tpu.dma_semaphore, #tpu.memory_space<semaphore_mem>>
            %dma_start3A_572 = tpu.memref_squeeze %dma_start3A_571 : memref<1x!tpu.dma_semaphore, #tpu.memory_space<semaphore_mem>> -> memref<!tpu.dma_semaphore, #tpu.memory_space<semaphore_mem>>
            %dma_start3A_573 = arith.constant 0 : i32
            %dma_start3A_574 = arith.constant 0 : i32
            %dma_start3A_575 = arith.constant 0 : i32
            %dma_start3A_576 = tpu.memref_slice %run_scoped3A_18[%rem3A_560, %dma_start3A_573, %dma_start3A_574, %dma_start3A_575] : memref<2x1x1x160xi32, #tpu.memory_space<vmem>> -> memref<1x1x1x160xi32, #tpu.memory_space<vmem>>
            %dma_start3A_577 = tpu.memref_squeeze %dma_start3A_576 : memref<1x1x1x160xi32, #tpu.memory_space<vmem>> -> memref<1x1x160xi32, #tpu.memory_space<vmem>>
            %dma_start3A_578 = arith.constant 0 : i32
            %dma_start3A_579 = arith.constant 0 : i32
            %dma_start3A_580 = tpu.memref_slice %arg5[%mul3A_562, %dma_start3A_578, %dma_start3A_579] : memref<2000x1x160xi32, #tpu.memory_space<hbm>> -> memref<1x1x160xi32, #tpu.memory_space<hbm>>
            tpu.enqueue_dma source(%dma_start3A_580 : memref<1x1x160xi32, #tpu.memory_space<hbm>>) target(%dma_start3A_577 : memref<1x1x160xi32, #tpu.memory_space<vmem>>) target_semaphore(%dma_start3A_572 : memref<!tpu.dma_semaphore, #tpu.memory_space<semaphore_mem>>)
            "tpu.trace_stop"() : () -> ()
          } else {
          }
          %and3A_268 = arith.constant true
          %and3A_269 = arith.andi %and3A_264, %and3A_268 : i1
          %add3A_270 = arith.constant 1 : i32
          %add3A_271 = arith.addi %while3A_191, %add3A_270 : i32
          %select_n3A_272 = arith.select %and3A_269, %add3A_271, %while3A_191 : i32
          %ne3A_273 = arith.cmpi ne, %add3A_205, %add3A_223 : i32
          %or3A_274 = arith.constant false
          %or3A_275 = arith.ori %or3A_274, %ne3A_273 : i1
          %or3A_276 = arith.constant false
          %or3A_277 = arith.ori %or3A_275, %or3A_276 : i1
          %sub3A_278 = arith.constant 2 : i32
          %sub3A_279 = arith.subi %mul3A_199, %sub3A_278 : i32
          %add3A_280 = arith.constant 1 : i32
          %add3A_281 = arith.addi %sub3A_279, %add3A_280 : i32
          %ge3A_282 = arith.cmpi sge, %while3A_188, %add3A_281 : i32
          %not3A_283 = arith.constant true
          %not3A_284 = arith.xori %ge3A_282, %not3A_283 : i1
          %and3A_285 = arith.andi %or3A_277, %not3A_284 : i1
          %ne3A_286 = arith.cmpi ne, %add3A_205, %add3A_223 : i32
          %or3A_287 = arith.constant false
          %or3A_288 = arith.ori %or3A_287, %ne3A_286 : i1
          %or3A_289 = arith.constant false
          %or3A_290 = arith.ori %or3A_288, %or3A_289 : i1
          %sub3A_291 = arith.constant 2 : i32
          %sub3A_292 = arith.subi %mul3A_199, %sub3A_291 : i32
          %add3A_293 = arith.constant 1 : i32
          %add3A_294 = arith.addi %sub3A_292, %add3A_293 : i32
          %ge3A_295 = arith.cmpi sge, %while3A_188, %add3A_294 : i32
          %not3A_296 = arith.constant true
          %not3A_297 = arith.xori %ge3A_295, %not3A_296 : i1
          %and3A_298 = arith.andi %or3A_290, %not3A_297 : i1
          %ne3A_299 = arith.cmpi ne, %add3A_205, %add3A_215 : i32
          %or3A_300 = arith.constant false
          %or3A_301 = arith.ori %or3A_300, %ne3A_299 : i1
          %or3A_302 = arith.constant false
          %or3A_303 = arith.ori %or3A_301, %or3A_302 : i1
          %or3A_304 = arith.constant false
          %or3A_305 = arith.ori %or3A_303, %or3A_304 : i1
          %or3A_306 = arith.ori %or3A_305, %eq3A_201 : i1
          %convert_element_type3A_307 = arith.extui %or3A_306 : i1 to i32
          %cond3A_308 = arith.constant 0 : i32
          %cond3A_309 = arith.cmpi ne, %convert_element_type3A_307, %cond3A_308 : i32
          scf.if %cond3A_309 {
            "tpu.trace_start"() <{level = 10 : i32, message = "ep_wait_in"}> : () -> ()
            %mul3A_559 = arith.constant 1 : i32
            %mul3A_560 = arith.muli %mul3A_559, %add3A_205 : i32
            %rem3A_561 = arith.constant 2 : i32
            %rem3A_562 = arith.remui %while3A_190, %rem3A_561 : i32
            %dma_wait3A_563 = arith.constant 0 : i32
            %dma_wait3A_564 = arith.constant 0 : i32
            %dma_wait3A_565 = arith.constant 0 : i32
            %dma_wait3A_566 = tpu.memref_slice %run_scoped3A[%rem3A_562, %dma_wait3A_563, %dma_wait3A_564, %dma_wait3A_565] : memref<2x1x1x160xi32, #tpu.memory_space<vmem>> -> memref<1x1x1x160xi32, #tpu.memory_space<vmem>>
            %dma_wait3A_567 = tpu.memref_squeeze %dma_wait3A_566 : memref<1x1x1x160xi32, #tpu.memory_space<vmem>> -> memref<1x1x160xi32, #tpu.memory_space<vmem>>
            %dma_wait3A_568 = arith.constant 0 : i32
            %dma_wait3A_569 = arith.constant 0 : i32
            %dma_wait3A_570 = tpu.memref_slice %arg4[%mul3A_560, %dma_wait3A_568, %dma_wait3A_569] : memref<2000x1x160xi32, #tpu.memory_space<hbm>> -> memref<1x1x160xi32, #tpu.memory_space<hbm>>
            %dma_wait3A_571 = tpu.memref_slice %run_scoped3A_17[%rem3A_562] : memref<2x!tpu.dma_semaphore, #tpu.memory_space<semaphore_mem>> -> memref<1x!tpu.dma_semaphore, #tpu.memory_space<semaphore_mem>>
            %dma_wait3A_572 = tpu.memref_squeeze %dma_wait3A_571 : memref<1x!tpu.dma_semaphore, #tpu.memory_space<semaphore_mem>> -> memref<!tpu.dma_semaphore, #tpu.memory_space<semaphore_mem>>
            %dma_wait3A_573 = arith.constant 0 : i32
            %dma_wait3A_574 = arith.constant 0 : i32
            %dma_wait3A_575 = arith.constant 0 : i32
            %dma_wait3A_576 = tpu.memref_slice %run_scoped3A[%rem3A_562, %dma_wait3A_573, %dma_wait3A_574, %dma_wait3A_575] : memref<2x1x1x160xi32, #tpu.memory_space<vmem>> -> memref<1x1x1x160xi32, #tpu.memory_space<vmem>>
            %dma_wait3A_577 = tpu.memref_squeeze %dma_wait3A_576 : memref<1x1x1x160xi32, #tpu.memory_space<vmem>> -> memref<1x1x160xi32, #tpu.memory_space<vmem>>
            %dma_wait3A_578 = arith.constant 0 : i32
            %dma_wait3A_579 = arith.constant 0 : i32
            %dma_wait3A_580 = tpu.memref_slice %arg4[%mul3A_560, %dma_wait3A_578, %dma_wait3A_579] : memref<2000x1x160xi32, #tpu.memory_space<hbm>> -> memref<1x1x160xi32, #tpu.memory_space<hbm>>
            tpu.wait_dma2 semaphore(%dma_wait3A_572 : memref<!tpu.dma_semaphore, #tpu.memory_space<semaphore_mem>>) src(%dma_wait3A_580 : memref<1x1x160xi32, #tpu.memory_space<hbm>>) dst(%dma_wait3A_577 : memref<1x1x160xi32, #tpu.memory_space<vmem>>)
            "tpu.trace_stop"() : () -> ()
          } else {
          }
          %ne3A_310 = arith.cmpi ne, %add3A_205, %add3A_215 : i32
          %or3A_311 = arith.constant false
          %or3A_312 = arith.ori %or3A_311, %ne3A_310 : i1
          %or3A_313 = arith.constant false
          %or3A_314 = arith.ori %or3A_312, %or3A_313 : i1
          %or3A_315 = arith.constant false
          %or3A_316 = arith.ori %or3A_314, %or3A_315 : i1
          %or3A_317 = arith.ori %or3A_316, %eq3A_201 : i1
          %convert_element_type3A_318 = arith.extui %or3A_317 : i1 to i32
          %cond3A_319 = arith.constant 0 : i32
          %cond3A_320 = arith.cmpi ne, %convert_element_type3A_318, %cond3A_319 : i32
          scf.if %cond3A_320 {
            "tpu.trace_start"() <{level = 10 : i32, message = "ep_wait_in"}> : () -> ()
            %mul3A_559 = arith.constant 1 : i32
            %mul3A_560 = arith.muli %mul3A_559, %add3A_205 : i32
            %rem3A_561 = arith.constant 2 : i32
            %rem3A_562 = arith.remui %while3A_192, %rem3A_561 : i32
            %dma_wait3A_563 = arith.constant 0 : i32
            %dma_wait3A_564 = arith.constant 0 : i32
            %dma_wait3A_565 = arith.constant 0 : i32
            %dma_wait3A_566 = tpu.memref_slice %run_scoped3A_18[%rem3A_562, %dma_wait3A_563, %dma_wait3A_564, %dma_wait3A_565] : memref<2x1x1x160xi32, #tpu.memory_space<vmem>> -> memref<1x1x1x160xi32, #tpu.memory_space<vmem>>
            %dma_wait3A_567 = tpu.memref_squeeze %dma_wait3A_566 : memref<1x1x1x160xi32, #tpu.memory_space<vmem>> -> memref<1x1x160xi32, #tpu.memory_space<vmem>>
            %dma_wait3A_568 = arith.constant 0 : i32
            %dma_wait3A_569 = arith.constant 0 : i32
            %dma_wait3A_570 = tpu.memref_slice %arg5[%mul3A_560, %dma_wait3A_568, %dma_wait3A_569] : memref<2000x1x160xi32, #tpu.memory_space<hbm>> -> memref<1x1x160xi32, #tpu.memory_space<hbm>>
            %dma_wait3A_571 = tpu.memref_slice %run_scoped3A_19[%rem3A_562] : memref<2x!tpu.dma_semaphore, #tpu.memory_space<semaphore_mem>> -> memref<1x!tpu.dma_semaphore, #tpu.memory_space<semaphore_mem>>
            %dma_wait3A_572 = tpu.memref_squeeze %dma_wait3A_571 : memref<1x!tpu.dma_semaphore, #tpu.memory_space<semaphore_mem>> -> memref<!tpu.dma_semaphore, #tpu.memory_space<semaphore_mem>>
            %dma_wait3A_573 = arith.constant 0 : i32
            %dma_wait3A_574 = arith.constant 0 : i32
            %dma_wait3A_575 = arith.constant 0 : i32
            %dma_wait3A_576 = tpu.memref_slice %run_scoped3A_18[%rem3A_562, %dma_wait3A_573, %dma_wait3A_574, %dma_wait3A_575] : memref<2x1x1x160xi32, #tpu.memory_space<vmem>> -> memref<1x1x1x160xi32, #tpu.memory_space<vmem>>
            %dma_wait3A_577 = tpu.memref_squeeze %dma_wait3A_576 : memref<1x1x1x160xi32, #tpu.memory_space<vmem>> -> memref<1x1x160xi32, #tpu.memory_space<vmem>>
            %dma_wait3A_578 = arith.constant 0 : i32
            %dma_wait3A_579 = arith.constant 0 : i32
            %dma_wait3A_580 = tpu.memref_slice %arg5[%mul3A_560, %dma_wait3A_578, %dma_wait3A_579] : memref<2000x1x160xi32, #tpu.memory_space<hbm>> -> memref<1x1x160xi32, #tpu.memory_space<hbm>>
            tpu.wait_dma2 semaphore(%dma_wait3A_572 : memref<!tpu.dma_semaphore, #tpu.memory_space<semaphore_mem>>) src(%dma_wait3A_580 : memref<1x1x160xi32, #tpu.memory_space<hbm>>) dst(%dma_wait3A_577 : memref<1x1x160xi32, #tpu.memory_space<vmem>>)
            "tpu.trace_stop"() : () -> ()
          } else {
          }
          %ne3A_321 = arith.cmpi ne, %add3A_205, %add3A_215 : i32
          %or3A_322 = arith.constant false
          %or3A_323 = arith.ori %or3A_322, %ne3A_321 : i1
          %or3A_324 = arith.constant false
          %or3A_325 = arith.ori %or3A_323, %or3A_324 : i1
          %or3A_326 = arith.ori %or3A_325, %eq3A_201 : i1
          %convert_element_type3A_327 = arith.extui %or3A_326 : i1 to i32
          %cond3A_328 = arith.constant 0 : i32
          %cond3A_329 = arith.cmpi ne, %convert_element_type3A_327, %cond3A_328 : i32
          scf.if %cond3A_329 {
          } else {
          }
          %ne3A_330 = arith.cmpi ne, %add3A_205, %add3A_215 : i32
          %or3A_331 = arith.constant false
          %or3A_332 = arith.ori %or3A_331, %ne3A_330 : i1
          %or3A_333 = arith.constant false
          %or3A_334 = arith.ori %or3A_332, %or3A_333 : i1
          %or3A_335 = arith.ori %or3A_334, %eq3A_201 : i1
          %convert_element_type3A_336 = arith.extui %or3A_335 : i1 to i32
          %cond3A_337 = arith.constant 0 : i32
          %cond3A_338 = arith.cmpi ne, %convert_element_type3A_336, %cond3A_337 : i32
          scf.if %cond3A_338 {
          } else {
          }
          %rem3A_339 = arith.constant 2 : i32
          %rem3A_340 = arith.remui %while3A_190, %rem3A_339 : i32
          %rem3A_341 = arith.constant 2 : i32
          %rem3A_342 = arith.remui %while3A_192, %rem3A_341 : i32
          %rem3A_343 = arith.constant 2 : i32
          %rem3A_344 = arith.remui %while3A_193, %rem3A_343 : i32
          %rem3A_345 = arith.constant 2 : i32
          %rem3A_346 = arith.remui %while3A_195, %rem3A_345 : i32
          %dma_start3A_347 = arith.constant 0 : i32
          %dma_start3A_348 = arith.constant 0 : i32
          "tpu.trace_start"() <{level = 10 : i32, message = "ep_run_kernel"}> : () -> ()
          %dma_start3A_349 = arith.constant 0 : i32
          %dma_start3A_350 = arith.constant 0 : i32
          %dma_start3A_351 = tpu.memref_slice %run_scoped3A_20[%rem3A_344, %dma_start3A_349, %dma_start3A_350] : memref<2x160x128xf32, #tpu.memory_space<vmem>> -> memref<1x160x128xf32, #tpu.memory_space<vmem>>
          %dma_start3A_352 = tpu.memref_squeeze %dma_start3A_351 : memref<1x160x128xf32, #tpu.memory_space<vmem>> -> memref<160x128xf32, #tpu.memory_space<vmem>>
          %dma_start3A_353 = arith.constant 0 : i32
          %dma_start3A_354 = arith.constant 0 : i32
          %dma_start3A_355 = arith.constant 0 : i32
          %dma_start3A_356 = tpu.memref_slice %run_scoped3A[%rem3A_340, %dma_start3A_353, %dma_start3A_354, %dma_start3A_355] : memref<2x1x1x160xi32, #tpu.memory_space<vmem>> -> memref<1x1x1x160xi32, #tpu.memory_space<vmem>>
          %dma_start3A_357 = tpu.memref_squeeze %dma_start3A_356 : memref<1x1x1x160xi32, #tpu.memory_space<vmem>> -> memref<1x1x160xi32, #tpu.memory_space<vmem>>
          %dma_start3A_358 = arith.constant 0 : i32
          %dma_start3A_359 = tpu.memref_slice %dma_start3A_357[%dma_start3A_347, %dma_start3A_348, %dma_start3A_358] : memref<1x1x160xi32, #tpu.memory_space<vmem>> -> memref<1x1x160xi32, #tpu.memory_space<vmem>>
          %dma_start3A_360 = tpu.memref_squeeze %dma_start3A_359 : memref<1x1x160xi32, #tpu.memory_space<vmem>> -> memref<160xi32, #tpu.memory_space<vmem>>
          %dma_start3A_361 = arith.constant 0 : i32
          %dma_start3A_362 = arith.constant 0 : i32
          %dma_start3A_363 = tpu.memref_slice %arg2[%dma_start3A_361, %dma_start3A_362] : memref<10000x128xf32, #tpu.memory_space<hbm>> -> memref<10000x128xf32, #tpu.memory_space<hbm>>
          tpu.enqueue_indirect_dma source(%dma_start3A_363 : memref<10000x128xf32, #tpu.memory_space<hbm>>) target(%dma_start3A_352 : memref<160x128xf32, #tpu.memory_space<vmem>>) offsets(%dma_start3A_360 : memref<160xi32, #tpu.memory_space<vmem>>) semaphore(%arg8 : memref<!tpu.dma_semaphore, #tpu.memory_space<semaphore_mem>>)
          %dma_start3A_364 = arith.constant 0 : i32
          %dma_start3A_365 = arith.constant 0 : i32
          %dma_start3A_366 = arith.constant 0 : i32
          %dma_start3A_367 = arith.constant 0 : i32
          %dma_start3A_368 = tpu.memref_slice %run_scoped3A_22[%rem3A_346, %dma_start3A_366, %dma_start3A_367] : memref<2x160x128xf32, #tpu.memory_space<vmem>> -> memref<1x160x128xf32, #tpu.memory_space<vmem>>
          %dma_start3A_369 = tpu.memref_squeeze %dma_start3A_368 : memref<1x160x128xf32, #tpu.memory_space<vmem>> -> memref<160x128xf32, #tpu.memory_space<vmem>>
          %dma_start3A_370 = arith.constant 0 : i32
          %dma_start3A_371 = arith.constant 0 : i32
          %dma_start3A_372 = arith.constant 0 : i32
          %dma_start3A_373 = tpu.memref_slice %run_scoped3A_18[%rem3A_342, %dma_start3A_370, %dma_start3A_371, %dma_start3A_372] : memref<2x1x1x160xi32, #tpu.memory_space<vmem>> -> memref<1x1x1x160xi32, #tpu.memory_space<vmem>>
          %dma_start3A_374 = tpu.memref_squeeze %dma_start3A_373 : memref<1x1x1x160xi32, #tpu.memory_space<vmem>> -> memref<1x1x160xi32, #tpu.memory_space<vmem>>
          %dma_start3A_375 = arith.constant 0 : i32
          %dma_start3A_376 = tpu.memref_slice %dma_start3A_374[%dma_start3A_364, %dma_start3A_365, %dma_start3A_375] : memref<1x1x160xi32, #tpu.memory_space<vmem>> -> memref<1x1x160xi32, #tpu.memory_space<vmem>>
          %dma_start3A_377 = tpu.memref_squeeze %dma_start3A_376 : memref<1x1x160xi32, #tpu.memory_space<vmem>> -> memref<160xi32, #tpu.memory_space<vmem>>
          %dma_start3A_378 = arith.constant 0 : i32
          %dma_start3A_379 = arith.constant 0 : i32
          %dma_start3A_380 = tpu.memref_slice %arg3[%dma_start3A_378, %dma_start3A_379] : memref<10000x128xf32, #tpu.memory_space<hbm>> -> memref<10000x128xf32, #tpu.memory_space<hbm>>
          tpu.enqueue_indirect_dma source(%dma_start3A_380 : memref<10000x128xf32, #tpu.memory_space<hbm>>) target(%dma_start3A_369 : memref<160x128xf32, #tpu.memory_space<vmem>>) offsets(%dma_start3A_377 : memref<160xi32, #tpu.memory_space<vmem>>) semaphore(%arg9 : memref<!tpu.dma_semaphore, #tpu.memory_space<semaphore_mem>>)
          %dma_wait3A = arith.constant 0 : i32
          %dma_wait3A_381 = arith.constant 0 : i32
          %dma_wait3A_382 = arith.constant 0 : i32
          %dma_wait3A_383 = arith.constant 0 : i32
          %dma_wait3A_384 = tpu.memref_slice %run_scoped3A_20[%rem3A_344, %dma_wait3A_382, %dma_wait3A_383] : memref<2x160x128xf32, #tpu.memory_space<vmem>> -> memref<1x160x128xf32, #tpu.memory_space<vmem>>
          %dma_wait3A_385 = tpu.memref_squeeze %dma_wait3A_384 : memref<1x160x128xf32, #tpu.memory_space<vmem>> -> memref<160x128xf32, #tpu.memory_space<vmem>>
          %dma_wait3A_386 = arith.constant 0 : i32
          %dma_wait3A_387 = arith.constant 0 : i32
          %dma_wait3A_388 = arith.constant 0 : i32
          %dma_wait3A_389 = tpu.memref_slice %run_scoped3A[%rem3A_340, %dma_wait3A_386, %dma_wait3A_387, %dma_wait3A_388] : memref<2x1x1x160xi32, #tpu.memory_space<vmem>> -> memref<1x1x1x160xi32, #tpu.memory_space<vmem>>
          %dma_wait3A_390 = tpu.memref_squeeze %dma_wait3A_389 : memref<1x1x1x160xi32, #tpu.memory_space<vmem>> -> memref<1x1x160xi32, #tpu.memory_space<vmem>>
          %dma_wait3A_391 = arith.constant 0 : i32
          %dma_wait3A_392 = tpu.memref_slice %dma_wait3A_390[%dma_wait3A, %dma_wait3A_381, %dma_wait3A_391] : memref<1x1x160xi32, #tpu.memory_space<vmem>> -> memref<1x1x160xi32, #tpu.memory_space<vmem>>
          %dma_wait3A_393 = tpu.memref_squeeze %dma_wait3A_392 : memref<1x1x160xi32, #tpu.memory_space<vmem>> -> memref<160xi32, #tpu.memory_space<vmem>>
          %dma_wait3A_394 = arith.constant 0 : i32
          %dma_wait3A_395 = arith.constant 0 : i32
          %dma_wait3A_396 = tpu.memref_slice %arg2[%dma_wait3A_394, %dma_wait3A_395] : memref<10000x128xf32, #tpu.memory_space<hbm>> -> memref<10000x128xf32, #tpu.memory_space<hbm>>
          tpu.wait_indirect_dma semaphore(%arg8 : memref<!tpu.dma_semaphore, #tpu.memory_space<semaphore_mem>>) src(%dma_wait3A_396 : memref<10000x128xf32, #tpu.memory_space<hbm>>) dst(%dma_wait3A_385 : memref<160x128xf32, #tpu.memory_space<vmem>>)
          %dma_wait3A_397 = arith.constant 0 : i32
          %dma_wait3A_398 = arith.constant 0 : i32
          %dma_wait3A_399 = arith.constant 0 : i32
          %dma_wait3A_400 = arith.constant 0 : i32
          %dma_wait3A_401 = tpu.memref_slice %run_scoped3A_22[%rem3A_346, %dma_wait3A_399, %dma_wait3A_400] : memref<2x160x128xf32, #tpu.memory_space<vmem>> -> memref<1x160x128xf32, #tpu.memory_space<vmem>>
          %dma_wait3A_402 = tpu.memref_squeeze %dma_wait3A_401 : memref<1x160x128xf32, #tpu.memory_space<vmem>> -> memref<160x128xf32, #tpu.memory_space<vmem>>
          %dma_wait3A_403 = arith.constant 0 : i32
          %dma_wait3A_404 = arith.constant 0 : i32
          %dma_wait3A_405 = arith.constant 0 : i32
          %dma_wait3A_406 = tpu.memref_slice %run_scoped3A_18[%rem3A_342, %dma_wait3A_403, %dma_wait3A_404, %dma_wait3A_405] : memref<2x1x1x160xi32, #tpu.memory_space<vmem>> -> memref<1x1x1x160xi32, #tpu.memory_space<vmem>>
          %dma_wait3A_407 = tpu.memref_squeeze %dma_wait3A_406 : memref<1x1x1x160xi32, #tpu.memory_space<vmem>> -> memref<1x1x160xi32, #tpu.memory_space<vmem>>
          %dma_wait3A_408 = arith.constant 0 : i32
          %dma_wait3A_409 = tpu.memref_slice %dma_wait3A_407[%dma_wait3A_397, %dma_wait3A_398, %dma_wait3A_408] : memref<1x1x160xi32, #tpu.memory_space<vmem>> -> memref<1x1x160xi32, #tpu.memory_space<vmem>>
          %dma_wait3A_410 = tpu.memref_squeeze %dma_wait3A_409 : memref<1x1x160xi32, #tpu.memory_space<vmem>> -> memref<160xi32, #tpu.memory_space<vmem>>
          %dma_wait3A_411 = arith.constant 0 : i32
          %dma_wait3A_412 = arith.constant 0 : i32
          %dma_wait3A_413 = tpu.memref_slice %arg3[%dma_wait3A_411, %dma_wait3A_412] : memref<10000x128xf32, #tpu.memory_space<hbm>> -> memref<10000x128xf32, #tpu.memory_space<hbm>>
          tpu.wait_indirect_dma semaphore(%arg9 : memref<!tpu.dma_semaphore, #tpu.memory_space<semaphore_mem>>) src(%dma_wait3A_413 : memref<10000x128xf32, #tpu.memory_space<hbm>>) dst(%dma_wait3A_402 : memref<160x128xf32, #tpu.memory_space<vmem>>)
          "tpu.trace_stop"() : () -> ()
          %ne3A_414 = arith.cmpi ne, %add3A_205, %add3A_223 : i32
          %or3A_415 = arith.constant false
          %or3A_416 = arith.ori %or3A_415, %ne3A_414 : i1
          %or3A_417 = arith.constant false
          %or3A_418 = arith.ori %or3A_416, %or3A_417 : i1
          %or3A_419 = arith.constant false
          %or3A_420 = arith.ori %or3A_418, %or3A_419 : i1
          %or3A_421 = arith.ori %or3A_420, %eq3A_204 : i1
          %convert_element_type3A_422 = arith.extui %or3A_421 : i1 to i32
          %cond3A_423 = arith.constant 0 : i32
          %cond3A_424 = arith.cmpi ne, %convert_element_type3A_422, %cond3A_423 : i32
          scf.if %cond3A_424 {
          } else {
          }
          %and3A_425 = arith.constant false
          %and3A_426 = arith.andi %or3A_421, %and3A_425 : i1
          %ne3A_427 = arith.cmpi ne, %add3A_205, %add3A_223 : i32
          %or3A_428 = arith.constant false
          %or3A_429 = arith.ori %or3A_428, %ne3A_427 : i1
          %or3A_430 = arith.constant false
          %or3A_431 = arith.ori %or3A_429, %or3A_430 : i1
          %or3A_432 = arith.constant false
          %or3A_433 = arith.ori %or3A_431, %or3A_432 : i1
          %or3A_434 = arith.ori %or3A_433, %eq3A_204 : i1
          %convert_element_type3A_435 = arith.extui %or3A_434 : i1 to i32
          %cond3A_436 = arith.constant 0 : i32
          %cond3A_437 = arith.cmpi ne, %convert_element_type3A_435, %cond3A_436 : i32
          scf.if %cond3A_437 {
          } else {
          }
          %and3A_438 = arith.constant false
          %and3A_439 = arith.andi %or3A_434, %and3A_438 : i1
          %ne3A_440 = arith.cmpi ne, %add3A_205, %add3A_223 : i32
          %or3A_441 = arith.constant false
          %or3A_442 = arith.ori %or3A_441, %ne3A_440 : i1
          %or3A_443 = arith.constant false
          %or3A_444 = arith.ori %or3A_442, %or3A_443 : i1
          %or3A_445 = arith.ori %or3A_444, %eq3A_204 : i1
          %convert_element_type3A_446 = arith.extui %or3A_445 : i1 to i32
          %cond3A_447 = arith.constant 0 : i32
          %cond3A_448 = arith.cmpi ne, %convert_element_type3A_446, %cond3A_447 : i32
          scf.if %cond3A_448 {
            "tpu.trace_start"() <{level = 10 : i32, message = "ep_copy_out"}> : () -> ()
            %rem3A_559 = arith.constant 2 : i32
            %rem3A_560 = arith.remui %while3A_193, %rem3A_559 : i32
            %mul3A_561 = arith.constant 160 : i32
            %mul3A_562 = arith.muli %mul3A_561, %add3A_205 : i32
            %dma_start3A_563 = arith.constant 0 : i32
            %dma_start3A_564 = arith.constant 0 : i32
            %dma_start3A_565 = tpu.memref_slice %run_scoped3A_20[%rem3A_560, %dma_start3A_563, %dma_start3A_564] : memref<2x160x128xf32, #tpu.memory_space<vmem>> -> memref<1x160x128xf32, #tpu.memory_space<vmem>>
            %dma_start3A_566 = tpu.memref_squeeze %dma_start3A_565 : memref<1x160x128xf32, #tpu.memory_space<vmem>> -> memref<160x128xf32, #tpu.memory_space<vmem>>
            %dma_start3A_567 = arith.constant 0 : i32
            %dma_start3A_568 = tpu.memref_slice %arg6[%mul3A_562, %dma_start3A_567] : memref<320000x128xf32, #tpu.memory_space<hbm>> -> memref<160x128xf32, #tpu.memory_space<hbm>>
            %dma_start3A_569 = tpu.memref_slice %run_scoped3A_21[%rem3A_560] : memref<2x!tpu.dma_semaphore, #tpu.memory_space<semaphore_mem>> -> memref<1x!tpu.dma_semaphore, #tpu.memory_space<semaphore_mem>>
            %dma_start3A_570 = tpu.memref_squeeze %dma_start3A_569 : memref<1x!tpu.dma_semaphore, #tpu.memory_space<semaphore_mem>> -> memref<!tpu.dma_semaphore, #tpu.memory_space<semaphore_mem>>
            %dma_start3A_571 = arith.constant 0 : i32
            %dma_start3A_572 = tpu.memref_slice %arg6[%mul3A_562, %dma_start3A_571] : memref<320000x128xf32, #tpu.memory_space<hbm>> -> memref<160x128xf32, #tpu.memory_space<hbm>>
            %dma_start3A_573 = arith.constant 0 : i32
            %dma_start3A_574 = arith.constant 0 : i32
            %dma_start3A_575 = tpu.memref_slice %run_scoped3A_20[%rem3A_560, %dma_start3A_573, %dma_start3A_574] : memref<2x160x128xf32, #tpu.memory_space<vmem>> -> memref<1x160x128xf32, #tpu.memory_space<vmem>>
            %dma_start3A_576 = tpu.memref_squeeze %dma_start3A_575 : memref<1x160x128xf32, #tpu.memory_space<vmem>> -> memref<160x128xf32, #tpu.memory_space<vmem>>
            tpu.enqueue_dma source(%dma_start3A_576 : memref<160x128xf32, #tpu.memory_space<vmem>>) target(%dma_start3A_572 : memref<160x128xf32, #tpu.memory_space<hbm>>) target_semaphore(%dma_start3A_570 : memref<!tpu.dma_semaphore, #tpu.memory_space<semaphore_mem>>)
            "tpu.trace_stop"() : () -> ()
          } else {
          }
          %and3A_449 = arith.constant true
          %and3A_450 = arith.andi %or3A_445, %and3A_449 : i1
          %add3A_451 = arith.constant 1 : i32
          %add3A_452 = arith.addi %while3A_193, %add3A_451 : i32
          %select_n3A_453 = arith.select %and3A_450, %add3A_452, %while3A_193 : i32
          %ne3A_454 = arith.cmpi ne, %add3A_205, %add3A_223 : i32
          %or3A_455 = arith.constant false
          %or3A_456 = arith.ori %or3A_455, %ne3A_454 : i1
          %or3A_457 = arith.constant false
          %or3A_458 = arith.ori %or3A_456, %or3A_457 : i1
          %or3A_459 = arith.ori %or3A_458, %eq3A_204 : i1
          %convert_element_type3A_460 = arith.extui %or3A_459 : i1 to i32
          %cond3A_461 = arith.constant 0 : i32
          %cond3A_462 = arith.cmpi ne, %convert_element_type3A_460, %cond3A_461 : i32
          scf.if %cond3A_462 {
            "tpu.trace_start"() <{level = 10 : i32, message = "ep_copy_out"}> : () -> ()
            %rem3A_559 = arith.constant 2 : i32
            %rem3A_560 = arith.remui %while3A_195, %rem3A_559 : i32
            %mul3A_561 = arith.constant 160 : i32
            %mul3A_562 = arith.muli %mul3A_561, %add3A_205 : i32
            %dma_start3A_563 = arith.constant 0 : i32
            %dma_start3A_564 = arith.constant 0 : i32
            %dma_start3A_565 = tpu.memref_slice %run_scoped3A_22[%rem3A_560, %dma_start3A_563, %dma_start3A_564] : memref<2x160x128xf32, #tpu.memory_space<vmem>> -> memref<1x160x128xf32, #tpu.memory_space<vmem>>
            %dma_start3A_566 = tpu.memref_squeeze %dma_start3A_565 : memref<1x160x128xf32, #tpu.memory_space<vmem>> -> memref<160x128xf32, #tpu.memory_space<vmem>>
            %dma_start3A_567 = arith.constant 0 : i32
            %dma_start3A_568 = tpu.memref_slice %arg7[%mul3A_562, %dma_start3A_567] : memref<320000x128xf32, #tpu.memory_space<hbm>> -> memref<160x128xf32, #tpu.memory_space<hbm>>
            %dma_start3A_569 = tpu.memref_slice %run_scoped3A_23[%rem3A_560] : memref<2x!tpu.dma_semaphore, #tpu.memory_space<semaphore_mem>> -> memref<1x!tpu.dma_semaphore, #tpu.memory_space<semaphore_mem>>
            %dma_start3A_570 = tpu.memref_squeeze %dma_start3A_569 : memref<1x!tpu.dma_semaphore, #tpu.memory_space<semaphore_mem>> -> memref<!tpu.dma_semaphore, #tpu.memory_space<semaphore_mem>>
            %dma_start3A_571 = arith.constant 0 : i32
            %dma_start3A_572 = tpu.memref_slice %arg7[%mul3A_562, %dma_start3A_571] : memref<320000x128xf32, #tpu.memory_space<hbm>> -> memref<160x128xf32, #tpu.memory_space<hbm>>
            %dma_start3A_573 = arith.constant 0 : i32
            %dma_start3A_574 = arith.constant 0 : i32
            %dma_start3A_575 = tpu.memref_slice %run_scoped3A_22[%rem3A_560, %dma_start3A_573, %dma_start3A_574] : memref<2x160x128xf32, #tpu.memory_space<vmem>> -> memref<1x160x128xf32, #tpu.memory_space<vmem>>
            %dma_start3A_576 = tpu.memref_squeeze %dma_start3A_575 : memref<1x160x128xf32, #tpu.memory_space<vmem>> -> memref<160x128xf32, #tpu.memory_space<vmem>>
            tpu.enqueue_dma source(%dma_start3A_576 : memref<160x128xf32, #tpu.memory_space<vmem>>) target(%dma_start3A_572 : memref<160x128xf32, #tpu.memory_space<hbm>>) target_semaphore(%dma_start3A_570 : memref<!tpu.dma_semaphore, #tpu.memory_space<semaphore_mem>>)
            "tpu.trace_stop"() : () -> ()
          } else {
          }
          %and3A_463 = arith.constant true
          %and3A_464 = arith.andi %or3A_459, %and3A_463 : i1
          %add3A_465 = arith.constant 1 : i32
          %add3A_466 = arith.addi %while3A_195, %add3A_465 : i32
          %select_n3A_467 = arith.select %and3A_464, %add3A_466, %while3A_195 : i32
          %ne3A_468 = arith.cmpi ne, %add3A_205, %add3A_215 : i32
          %or3A_469 = arith.constant false
          %or3A_470 = arith.ori %or3A_469, %ne3A_468 : i1
          %or3A_471 = arith.constant false
          %or3A_472 = arith.ori %or3A_470, %or3A_471 : i1
          %or3A_473 = arith.constant false
          %or3A_474 = arith.ori %or3A_472, %or3A_473 : i1
          %not3A_475 = arith.constant true
          %not3A_476 = arith.xori %eq3A_201, %not3A_475 : i1
          %and3A_477 = arith.andi %or3A_474, %not3A_476 : i1
          %convert_element_type3A_478 = arith.extui %and3A_477 : i1 to i32
          %cond3A_479 = arith.constant 0 : i32
          %cond3A_480 = arith.cmpi ne, %convert_element_type3A_478, %cond3A_479 : i32
          scf.if %cond3A_480 {
          } else {
          }
          %and3A_481 = arith.constant false
          %and3A_482 = arith.andi %and3A_477, %and3A_481 : i1
          %ne3A_483 = arith.cmpi ne, %add3A_205, %add3A_215 : i32
          %or3A_484 = arith.constant false
          %or3A_485 = arith.ori %or3A_484, %ne3A_483 : i1
          %or3A_486 = arith.constant false
          %or3A_487 = arith.ori %or3A_485, %or3A_486 : i1
          %or3A_488 = arith.constant false
          %or3A_489 = arith.ori %or3A_487, %or3A_488 : i1
          %not3A_490 = arith.constant true
          %not3A_491 = arith.xori %eq3A_201, %not3A_490 : i1
          %and3A_492 = arith.andi %or3A_489, %not3A_491 : i1
          %convert_element_type3A_493 = arith.extui %and3A_492 : i1 to i32
          %cond3A_494 = arith.constant 0 : i32
          %cond3A_495 = arith.cmpi ne, %convert_element_type3A_493, %cond3A_494 : i32
          scf.if %cond3A_495 {
          } else {
          }
          %and3A_496 = arith.constant false
          %and3A_497 = arith.andi %and3A_492, %and3A_496 : i1
          %ne3A_498 = arith.cmpi ne, %add3A_205, %add3A_215 : i32
          %or3A_499 = arith.constant false
          %or3A_500 = arith.ori %or3A_499, %ne3A_498 : i1
          %or3A_501 = arith.constant false
          %or3A_502 = arith.ori %or3A_500, %or3A_501 : i1
          %not3A_503 = arith.constant true
          %not3A_504 = arith.xori %eq3A_201, %not3A_503 : i1
          %and3A_505 = arith.andi %or3A_502, %not3A_504 : i1
          %convert_element_type3A_506 = arith.extui %and3A_505 : i1 to i32
          %cond3A_507 = arith.constant 0 : i32
          %cond3A_508 = arith.cmpi ne, %convert_element_type3A_506, %cond3A_507 : i32
          scf.if %cond3A_508 {
            "tpu.trace_start"() <{level = 10 : i32, message = "ep_wait_out"}> : () -> ()
            %rem3A_559 = arith.constant 2 : i32
            %rem3A_560 = arith.remui %while3A_194, %rem3A_559 : i32
            %mul3A_561 = arith.constant 160 : i32
            %mul3A_562 = arith.muli %mul3A_561, %add3A_215 : i32
            %dma_wait3A_563 = arith.constant 0 : i32
            %dma_wait3A_564 = arith.constant 0 : i32
            %dma_wait3A_565 = tpu.memref_slice %run_scoped3A_20[%rem3A_560, %dma_wait3A_563, %dma_wait3A_564] : memref<2x160x128xf32, #tpu.memory_space<vmem>> -> memref<1x160x128xf32, #tpu.memory_space<vmem>>
            %dma_wait3A_566 = tpu.memref_squeeze %dma_wait3A_565 : memref<1x160x128xf32, #tpu.memory_space<vmem>> -> memref<160x128xf32, #tpu.memory_space<vmem>>
            %dma_wait3A_567 = arith.constant 0 : i32
            %dma_wait3A_568 = tpu.memref_slice %arg6[%mul3A_562, %dma_wait3A_567] : memref<320000x128xf32, #tpu.memory_space<hbm>> -> memref<160x128xf32, #tpu.memory_space<hbm>>
            %dma_wait3A_569 = tpu.memref_slice %run_scoped3A_21[%rem3A_560] : memref<2x!tpu.dma_semaphore, #tpu.memory_space<semaphore_mem>> -> memref<1x!tpu.dma_semaphore, #tpu.memory_space<semaphore_mem>>
            %dma_wait3A_570 = tpu.memref_squeeze %dma_wait3A_569 : memref<1x!tpu.dma_semaphore, #tpu.memory_space<semaphore_mem>> -> memref<!tpu.dma_semaphore, #tpu.memory_space<semaphore_mem>>
            %dma_wait3A_571 = arith.constant 0 : i32
            %dma_wait3A_572 = tpu.memref_slice %arg6[%mul3A_562, %dma_wait3A_571] : memref<320000x128xf32, #tpu.memory_space<hbm>> -> memref<160x128xf32, #tpu.memory_space<hbm>>
            %dma_wait3A_573 = arith.constant 0 : i32
            %dma_wait3A_574 = arith.constant 0 : i32
            %dma_wait3A_575 = tpu.memref_slice %run_scoped3A_20[%rem3A_560, %dma_wait3A_573, %dma_wait3A_574] : memref<2x160x128xf32, #tpu.memory_space<vmem>> -> memref<1x160x128xf32, #tpu.memory_space<vmem>>
            %dma_wait3A_576 = tpu.memref_squeeze %dma_wait3A_575 : memref<1x160x128xf32, #tpu.memory_space<vmem>> -> memref<160x128xf32, #tpu.memory_space<vmem>>
            tpu.wait_dma2 semaphore(%dma_wait3A_570 : memref<!tpu.dma_semaphore, #tpu.memory_space<semaphore_mem>>) src(%dma_wait3A_576 : memref<160x128xf32, #tpu.memory_space<vmem>>) dst(%dma_wait3A_572 : memref<160x128xf32, #tpu.memory_space<hbm>>)
            "tpu.trace_stop"() : () -> ()
          } else {
          }
          %and3A_509 = arith.constant true
          %and3A_510 = arith.andi %and3A_505, %and3A_509 : i1
          %add3A_511 = arith.constant 1 : i32
          %add3A_512 = arith.addi %while3A_194, %add3A_511 : i32
          %select_n3A_513 = arith.select %and3A_510, %add3A_512, %while3A_194 : i32
          %ne3A_514 = arith.cmpi ne, %add3A_205, %add3A_215 : i32
          %or3A_515 = arith.constant false
          %or3A_516 = arith.ori %or3A_515, %ne3A_514 : i1
          %or3A_517 = arith.constant false
          %or3A_518 = arith.ori %or3A_516, %or3A_517 : i1
          %not3A_519 = arith.constant true
          %not3A_520 = arith.xori %eq3A_201, %not3A_519 : i1
          %and3A_521 = arith.andi %or3A_518, %not3A_520 : i1
          %convert_element_type3A_522 = arith.extui %and3A_521 : i1 to i32
          %cond3A_523 = arith.constant 0 : i32
          %cond3A_524 = arith.cmpi ne, %convert_element_type3A_522, %cond3A_523 : i32
          scf.if %cond3A_524 {
            "tpu.trace_start"() <{level = 10 : i32, message = "ep_wait_out"}> : () -> ()
            %rem3A_559 = arith.constant 2 : i32
            %rem3A_560 = arith.remui %while3A_196, %rem3A_559 : i32
            %mul3A_561 = arith.constant 160 : i32
            %mul3A_562 = arith.muli %mul3A_561, %add3A_215 : i32
            %dma_wait3A_563 = arith.constant 0 : i32
            %dma_wait3A_564 = arith.constant 0 : i32
            %dma_wait3A_565 = tpu.memref_slice %run_scoped3A_22[%rem3A_560, %dma_wait3A_563, %dma_wait3A_564] : memref<2x160x128xf32, #tpu.memory_space<vmem>> -> memref<1x160x128xf32, #tpu.memory_space<vmem>>
            %dma_wait3A_566 = tpu.memref_squeeze %dma_wait3A_565 : memref<1x160x128xf32, #tpu.memory_space<vmem>> -> memref<160x128xf32, #tpu.memory_space<vmem>>
            %dma_wait3A_567 = arith.constant 0 : i32
            %dma_wait3A_568 = tpu.memref_slice %arg7[%mul3A_562, %dma_wait3A_567] : memref<320000x128xf32, #tpu.memory_space<hbm>> -> memref<160x128xf32, #tpu.memory_space<hbm>>
            %dma_wait3A_569 = tpu.memref_slice %run_scoped3A_23[%rem3A_560] : memref<2x!tpu.dma_semaphore, #tpu.memory_space<semaphore_mem>> -> memref<1x!tpu.dma_semaphore, #tpu.memory_space<semaphore_mem>>
            %dma_wait3A_570 = tpu.memref_squeeze %dma_wait3A_569 : memref<1x!tpu.dma_semaphore, #tpu.memory_space<semaphore_mem>> -> memref<!tpu.dma_semaphore, #tpu.memory_space<semaphore_mem>>
            %dma_wait3A_571 = arith.constant 0 : i32
            %dma_wait3A_572 = tpu.memref_slice %arg7[%mul3A_562, %dma_wait3A_571] : memref<320000x128xf32, #tpu.memory_space<hbm>> -> memref<160x128xf32, #tpu.memory_space<hbm>>
            %dma_wait3A_573 = arith.constant 0 : i32
            %dma_wait3A_574 = arith.constant 0 : i32
            %dma_wait3A_575 = tpu.memref_slice %run_scoped3A_22[%rem3A_560, %dma_wait3A_573, %dma_wait3A_574] : memref<2x160x128xf32, #tpu.memory_space<vmem>> -> memref<1x160x128xf32, #tpu.memory_space<vmem>>
            %dma_wait3A_576 = tpu.memref_squeeze %dma_wait3A_575 : memref<1x160x128xf32, #tpu.memory_space<vmem>> -> memref<160x128xf32, #tpu.memory_space<vmem>>
            tpu.wait_dma2 semaphore(%dma_wait3A_570 : memref<!tpu.dma_semaphore, #tpu.memory_space<semaphore_mem>>) src(%dma_wait3A_576 : memref<160x128xf32, #tpu.memory_space<vmem>>) dst(%dma_wait3A_572 : memref<160x128xf32, #tpu.memory_space<hbm>>)
            "tpu.trace_stop"() : () -> ()
          } else {
          }
          %and3A_525 = arith.constant true
          %and3A_526 = arith.andi %and3A_521, %and3A_525 : i1
          %add3A_527 = arith.constant 1 : i32
          %add3A_528 = arith.addi %while3A_196, %add3A_527 : i32
          %select_n3A_529 = arith.select %and3A_526, %add3A_528, %while3A_196 : i32
          %ne3A_530 = arith.cmpi ne, %add3A_205, %add3A_223 : i32
          %or3A_531 = arith.constant false
          %or3A_532 = arith.ori %or3A_531, %ne3A_530 : i1
          %or3A_533 = arith.constant false
          %or3A_534 = arith.ori %or3A_532, %or3A_533 : i1
          %or3A_535 = arith.constant false
          %or3A_536 = arith.ori %or3A_534, %or3A_535 : i1
          %or3A_537 = arith.ori %or3A_536, %eq3A_204 : i1
          %add3A_538 = arith.constant 1 : i32
          %add3A_539 = arith.addi %while3A_190, %add3A_538 : i32
          %select_n3A_540 = arith.select %or3A_537, %add3A_539, %while3A_190 : i32
          %ne3A_541 = arith.cmpi ne, %add3A_205, %add3A_223 : i32
          %or3A_542 = arith.constant false
          %or3A_543 = arith.ori %or3A_542, %ne3A_541 : i1
          %or3A_544 = arith.constant false
          %or3A_545 = arith.ori %or3A_543, %or3A_544 : i1
          %or3A_546 = arith.constant false
          %or3A_547 = arith.ori %or3A_545, %or3A_546 : i1
          %or3A_548 = arith.ori %or3A_547, %eq3A_204 : i1
          %add3A_549 = arith.constant 1 : i32
          %add3A_550 = arith.addi %while3A_192, %add3A_549 : i32
          %select_n3A_551 = arith.select %or3A_548, %add3A_550, %while3A_192 : i32
          %add3A_552 = arith.constant 1 : i32
          %add3A_553 = arith.addi %while3A_197, %add3A_552 : i32
          %select_n3A_554 = arith.constant true
          %select_n3A_555 = arith.select %select_n3A_554, %add3A_553, %while3A_197 : i32
          %eq3A_556 = arith.cmpi eq, %select_n3A_555, %select_n3A : i32
          %select_n3A_557 = arith.constant 0 : i32
          %select_n3A_558 = arith.select %eq3A_556, %select_n3A_557, %select_n3A_555 : i32
          scf.yield %select_n3A_249, %select_n3A_540, %select_n3A_272, %select_n3A_551, %select_n3A_453, %select_n3A_513, %select_n3A_467, %select_n3A_529, %select_n3A_558 : i32, i32, i32, i32, i32, i32, i32, i32, i32
        }
        %sub3A_131 = arith.constant 1 : i32
        %sub3A_132 = arith.subi %while3A_130#8, %sub3A_131 : i32
        %select_n3A_133 = arith.constant true
        %select_n3A_134 = arith.select %select_n3A_133, %sub3A_132, %while3A_130#8 : i32
        %eq3A_135 = arith.constant -1 : i32
        %eq3A_136 = arith.cmpi eq, %select_n3A_134, %eq3A_135 : i32
        %sub3A_137 = arith.constant 1 : i32
        %sub3A_138 = arith.subi %select_n3A, %sub3A_137 : i32
        %select_n3A_139 = arith.select %eq3A_136, %sub3A_138, %select_n3A_134 : i32
        %sub3A_140 = arith.constant 1 : i32
        %sub3A_141 = arith.subi %mul3A_16, %sub3A_140 : i32
        %mul3A_142 = arith.constant 1 : i32
        %mul3A_143 = arith.muli %mul3A_142, %select_n3A : i32
        %eq3A_144 = arith.constant 0 : i32
        %eq3A_145 = arith.cmpi eq, %sub3A_141, %eq3A_144 : i32
        %sub3A_146 = arith.constant 1 : i32
        %sub3A_147 = arith.subi %mul3A_143, %sub3A_146 : i32
        %eq3A_148 = arith.cmpi eq, %sub3A_141, %sub3A_147 : i32
        %add3A_149 = arith.addi %select_n3A_139, %select_n3A_14 : i32
        %sub3A_150 = arith.constant 1 : i32
        %sub3A_151 = arith.subi %select_n3A_139, %sub3A_150 : i32
        %select_n3A_152 = arith.constant true
        %select_n3A_153 = arith.select %select_n3A_152, %sub3A_151, %select_n3A_139 : i32
        %eq3A_154 = arith.constant -1 : i32
        %eq3A_155 = arith.cmpi eq, %select_n3A_153, %eq3A_154 : i32
        %sub3A_156 = arith.constant 1 : i32
        %sub3A_157 = arith.subi %select_n3A, %sub3A_156 : i32
        %select_n3A_158 = arith.select %eq3A_155, %sub3A_157, %select_n3A_153 : i32
        %add3A_159 = arith.addi %select_n3A_158, %select_n3A_14 : i32
        %add3A_160 = arith.constant 1 : i32
        %add3A_161 = arith.addi %select_n3A_139, %add3A_160 : i32
        %select_n3A_162 = arith.constant true
        %select_n3A_163 = arith.select %select_n3A_162, %add3A_161, %select_n3A_139 : i32
        %eq3A_164 = arith.cmpi eq, %select_n3A_163, %select_n3A : i32
        %select_n3A_165 = arith.constant 0 : i32
        %select_n3A_166 = arith.select %eq3A_164, %select_n3A_165, %select_n3A_163 : i32
        %add3A_167 = arith.addi %select_n3A_166, %select_n3A_14 : i32
        %add3A_168 = arith.constant 1 : i32
        %add3A_169 = arith.addi %select_n3A_166, %add3A_168 : i32
        %select_n3A_170 = arith.constant true
        %select_n3A_171 = arith.select %select_n3A_170, %add3A_169, %select_n3A_166 : i32
        %eq3A_172 = arith.cmpi eq, %select_n3A_171, %select_n3A : i32
        %select_n3A_173 = arith.constant 0 : i32
        %select_n3A_174 = arith.select %eq3A_172, %select_n3A_173, %select_n3A_171 : i32
        %add3A_175 = arith.addi %select_n3A_174, %select_n3A_14 : i32
        %convert_element_type3A_176 = arith.extui %eq3A_148 : i1 to i32
        %cond3A_177 = arith.constant 0 : i32
        %cond3A_178 = arith.cmpi ne, %convert_element_type3A_176, %cond3A_177 : i32
        scf.if %cond3A_178 {
        } else {
        }
        %convert_element_type3A_179 = arith.extui %eq3A_148 : i1 to i32
        %cond3A_180 = arith.constant 0 : i32
        %cond3A_181 = arith.cmpi ne, %convert_element_type3A_179, %cond3A_180 : i32
        scf.if %cond3A_181 {
        } else {
        }
        %convert_element_type3A_182 = arith.extui %eq3A_148 : i1 to i32
        %cond3A_183 = arith.constant 0 : i32
        %cond3A_184 = arith.cmpi ne, %convert_element_type3A_182, %cond3A_183 : i32
        scf.if %cond3A_184 {
          "tpu.trace_start"() <{level = 10 : i32, message = "ep_finalize"}> : () -> ()
          %rem3A_188 = arith.constant 2 : i32
          %rem3A_189 = arith.remui %while3A_130#5, %rem3A_188 : i32
          %mul3A_190 = arith.constant 160 : i32
          %mul3A_191 = arith.muli %mul3A_190, %add3A_149 : i32
          %dma_wait3A = arith.constant 0 : i32
          %dma_wait3A_192 = arith.constant 0 : i32
          %dma_wait3A_193 = tpu.memref_slice %run_scoped3A_20[%rem3A_189, %dma_wait3A, %dma_wait3A_192] : memref<2x160x128xf32, #tpu.memory_space<vmem>> -> memref<1x160x128xf32, #tpu.memory_space<vmem>>
          %dma_wait3A_194 = tpu.memref_squeeze %dma_wait3A_193 : memref<1x160x128xf32, #tpu.memory_space<vmem>> -> memref<160x128xf32, #tpu.memory_space<vmem>>
          %dma_wait3A_195 = arith.constant 0 : i32
          %dma_wait3A_196 = tpu.memref_slice %arg6[%mul3A_191, %dma_wait3A_195] : memref<320000x128xf32, #tpu.memory_space<hbm>> -> memref<160x128xf32, #tpu.memory_space<hbm>>
          %dma_wait3A_197 = tpu.memref_slice %run_scoped3A_21[%rem3A_189] : memref<2x!tpu.dma_semaphore, #tpu.memory_space<semaphore_mem>> -> memref<1x!tpu.dma_semaphore, #tpu.memory_space<semaphore_mem>>
          %dma_wait3A_198 = tpu.memref_squeeze %dma_wait3A_197 : memref<1x!tpu.dma_semaphore, #tpu.memory_space<semaphore_mem>> -> memref<!tpu.dma_semaphore, #tpu.memory_space<semaphore_mem>>
          %dma_wait3A_199 = arith.constant 0 : i32
          %dma_wait3A_200 = tpu.memref_slice %arg6[%mul3A_191, %dma_wait3A_199] : memref<320000x128xf32, #tpu.memory_space<hbm>> -> memref<160x128xf32, #tpu.memory_space<hbm>>
          %dma_wait3A_201 = arith.constant 0 : i32
          %dma_wait3A_202 = arith.constant 0 : i32
          %dma_wait3A_203 = tpu.memref_slice %run_scoped3A_20[%rem3A_189, %dma_wait3A_201, %dma_wait3A_202] : memref<2x160x128xf32, #tpu.memory_space<vmem>> -> memref<1x160x128xf32, #tpu.memory_space<vmem>>
          %dma_wait3A_204 = tpu.memref_squeeze %dma_wait3A_203 : memref<1x160x128xf32, #tpu.memory_space<vmem>> -> memref<160x128xf32, #tpu.memory_space<vmem>>
          tpu.wait_dma2 semaphore(%dma_wait3A_198 : memref<!tpu.dma_semaphore, #tpu.memory_space<semaphore_mem>>) src(%dma_wait3A_204 : memref<160x128xf32, #tpu.memory_space<vmem>>) dst(%dma_wait3A_200 : memref<160x128xf32, #tpu.memory_space<hbm>>)
          "tpu.trace_stop"() : () -> ()
        } else {
        }
        %convert_element_type3A_185 = arith.extui %eq3A_148 : i1 to i32
        %cond3A_186 = arith.constant 0 : i32
        %cond3A_187 = arith.cmpi ne, %convert_element_type3A_185, %cond3A_186 : i32
        scf.if %cond3A_187 {
          "tpu.trace_start"() <{level = 10 : i32, message = "ep_finalize"}> : () -> ()
          %rem3A_188 = arith.constant 2 : i32
          %rem3A_189 = arith.remui %while3A_130#7, %rem3A_188 : i32
          %mul3A_190 = arith.constant 160 : i32
          %mul3A_191 = arith.muli %mul3A_190, %add3A_149 : i32
          %dma_wait3A = arith.constant 0 : i32
          %dma_wait3A_192 = arith.constant 0 : i32
          %dma_wait3A_193 = tpu.memref_slice %run_scoped3A_22[%rem3A_189, %dma_wait3A, %dma_wait3A_192] : memref<2x160x128xf32, #tpu.memory_space<vmem>> -> memref<1x160x128xf32, #tpu.memory_space<vmem>>
          %dma_wait3A_194 = tpu.memref_squeeze %dma_wait3A_193 : memref<1x160x128xf32, #tpu.memory_space<vmem>> -> memref<160x128xf32, #tpu.memory_space<vmem>>
          %dma_wait3A_195 = arith.constant 0 : i32
          %dma_wait3A_196 = tpu.memref_slice %arg7[%mul3A_191, %dma_wait3A_195] : memref<320000x128xf32, #tpu.memory_space<hbm>> -> memref<160x128xf32, #tpu.memory_space<hbm>>
          %dma_wait3A_197 = tpu.memref_slice %run_scoped3A_23[%rem3A_189] : memref<2x!tpu.dma_semaphore, #tpu.memory_space<semaphore_mem>> -> memref<1x!tpu.dma_semaphore, #tpu.memory_space<semaphore_mem>>
          %dma_wait3A_198 = tpu.memref_squeeze %dma_wait3A_197 : memref<1x!tpu.dma_semaphore, #tpu.memory_space<semaphore_mem>> -> memref<!tpu.dma_semaphore, #tpu.memory_space<semaphore_mem>>
          %dma_wait3A_199 = arith.constant 0 : i32
          %dma_wait3A_200 = tpu.memref_slice %arg7[%mul3A_191, %dma_wait3A_199] : memref<320000x128xf32, #tpu.memory_space<hbm>> -> memref<160x128xf32, #tpu.memory_space<hbm>>
          %dma_wait3A_201 = arith.constant 0 : i32
          %dma_wait3A_202 = arith.constant 0 : i32
          %dma_wait3A_203 = tpu.memref_slice %run_scoped3A_22[%rem3A_189, %dma_wait3A_201, %dma_wait3A_202] : memref<2x160x128xf32, #tpu.memory_space<vmem>> -> memref<1x160x128xf32, #tpu.memory_space<vmem>>
          %dma_wait3A_204 = tpu.memref_squeeze %dma_wait3A_203 : memref<1x160x128xf32, #tpu.memory_space<vmem>> -> memref<160x128xf32, #tpu.memory_space<vmem>>
          tpu.wait_dma2 semaphore(%dma_wait3A_198 : memref<!tpu.dma_semaphore, #tpu.memory_space<semaphore_mem>>) src(%dma_wait3A_204 : memref<160x128xf32, #tpu.memory_space<vmem>>) dst(%dma_wait3A_200 : memref<160x128xf32, #tpu.memory_space<hbm>>)
          "tpu.trace_stop"() : () -> ()
        } else {
        }
      } else {
      }
      tpu.yield
    }) : () -> ()
    return
  }
}

module attributes {stable_mosaic.version = 14 : i64} {
  func.func @_proj_body(%arg0: i32, %arg1: memref<2000x128xf32, #tpu.memory_space<vmem>>, %arg2: memref<128x512xf32, #tpu.memory_space<vmem>>, %arg3: memref<2000x128xf32, #tpu.memory_space<vmem>>, %arg4: memref<2000x128xf32, #tpu.memory_space<vmem>>, %arg5: memref<2000x128xf32, #tpu.memory_space<vmem>>, %arg6: memref<2000x128xf32, #tpu.memory_space<vmem>>) attributes {dimension_semantics = [#tpu.dimension_semantics<arbitrary>], iteration_bounds = array<i64: 5>, scalar_prefetch = 0 : i64, scratch_operands = 0 : i64, tpu.core_type = #tpu.core_type<tc>, window_params = [{transform_indices = @transform_0, window_bounds = array<i64: 2000, 128>}, {pipeline_mode = #tpu.pipeline_mode<synchronous>, transform_indices = @transform_1, window_bounds = array<i64: 128, 512>}, {transform_indices = @transform_2, window_bounds = array<i64: 2000, 128>}, {transform_indices = @transform_3, window_bounds = array<i64: 2000, 128>}, {transform_indices = @transform_4, window_bounds = array<i64: 2000, 128>}, {transform_indices = @transform_5, window_bounds = array<i64: 2000, 128>}]} {
    %get3A = arith.constant 0 : index
    %get3A_0 = arith.constant 0 : index
    %get3A_1 = vector.load %arg1[%get3A, %get3A_0] : memref<2000x128xf32, #tpu.memory_space<vmem>>, vector<2000x128xf32>
    %get3A_2 = arith.constant 0 : index
    %get3A_3 = arith.constant 0 : index
    %get3A_4 = vector.load %arg2[%get3A_2, %get3A_3] : memref<128x512xf32, #tpu.memory_space<vmem>>, vector<128x512xf32>
    %dot_general3A = arith.constant dense<0.000000e+00> : vector<2000x512xf32>
    %dot_general3A_5 = tpu.matmul %get3A_1, %get3A_4, %dot_general3A {dimension_numbers = #tpu.dot_dimension_numbers<[1], [0], [0], [1], [0, 0, 1, 1], [], []>, transpose_lhs_hint = false} : vector<2000x128xf32>, vector<128x512xf32>, vector<2000x512xf32> -> vector<2000x512xf32>
    %slice3A = vector.extract_strided_slice %dot_general3A_5 {offsets = [0, 0], sizes = [2000, 128], strides = [1, 1]} : vector<2000x512xf32> to vector<2000x128xf32>
    %swap3A = arith.constant 0 : index
    %swap3A_6 = arith.constant 0 : index
    %swap3A_7 = vector.load %arg3[%swap3A, %swap3A_6] : memref<2000x128xf32, #tpu.memory_space<vmem>>, vector<2000x128xf32>
    tpu.vector_store %arg3[%swap3A, %swap3A_6], %slice3A {strides = array<i32>} : memref<2000x128xf32, #tpu.memory_space<vmem>>, vector<2000x128xf32>,
    %slice3A_8 = vector.extract_strided_slice %dot_general3A_5 {offsets = [0, 128], sizes = [2000, 128], strides = [1, 1]} : vector<2000x512xf32> to vector<2000x128xf32>
    %swap3A_9 = arith.constant 0 : index
    %swap3A_10 = arith.constant 0 : index
    %swap3A_11 = vector.load %arg4[%swap3A_9, %swap3A_10] : memref<2000x128xf32, #tpu.memory_space<vmem>>, vector<2000x128xf32>
    tpu.vector_store %arg4[%swap3A_9, %swap3A_10], %slice3A_8 {strides = array<i32>} : memref<2000x128xf32, #tpu.memory_space<vmem>>, vector<2000x128xf32>,
    %slice3A_12 = vector.extract_strided_slice %dot_general3A_5 {offsets = [0, 256], sizes = [2000, 128], strides = [1, 1]} : vector<2000x512xf32> to vector<2000x128xf32>
    %swap3A_13 = arith.constant 0 : index
    %swap3A_14 = arith.constant 0 : index
    %swap3A_15 = vector.load %arg5[%swap3A_13, %swap3A_14] : memref<2000x128xf32, #tpu.memory_space<vmem>>, vector<2000x128xf32>
    tpu.vector_store %arg5[%swap3A_13, %swap3A_14], %slice3A_12 {strides = array<i32>} : memref<2000x128xf32, #tpu.memory_space<vmem>>, vector<2000x128xf32>,
    %slice3A_16 = vector.extract_strided_slice %dot_general3A_5 {offsets = [0, 384], sizes = [2000, 128], strides = [1, 1]} : vector<2000x512xf32> to vector<2000x128xf32>
    %swap3A_17 = arith.constant 0 : index
    %swap3A_18 = arith.constant 0 : index
    %swap3A_19 = vector.load %arg6[%swap3A_17, %swap3A_18] : memref<2000x128xf32, #tpu.memory_space<vmem>>, vector<2000x128xf32>
    tpu.vector_store %arg6[%swap3A_17, %swap3A_18], %slice3A_16 {strides = array<i32>} : memref<2000x128xf32, #tpu.memory_space<vmem>>, vector<2000x128xf32>,
    return
  }
  func.func @transform_0(%arg0: i32) -> (i32, i32) {
    %c0_i32 = arith.constant 0 : i32
    %c0_i32_0 = arith.constant 0 : i32
    return %arg0, %c0_i32 : i32, i32
  }
  func.func @transform_1(%arg0: i32) -> (i32, i32) {
    %c0_i32 = arith.constant 0 : i32
    %c0_i32_0 = arith.constant 0 : i32
    %c0_i32_1 = arith.constant 0 : i32
    return %c0_i32, %c0_i32_0 : i32, i32
  }
  func.func @transform_2(%arg0: i32) -> (i32, i32) {
    %c0_i32 = arith.constant 0 : i32
    %c0_i32_0 = arith.constant 0 : i32
    return %arg0, %c0_i32 : i32, i32
  }
  func.func @transform_3(%arg0: i32) -> (i32, i32) {
    %c0_i32 = arith.constant 0 : i32
    %c0_i32_0 = arith.constant 0 : i32
    return %arg0, %c0_i32 : i32, i32
  }
  func.func @transform_4(%arg0: i32) -> (i32, i32) {
    %c0_i32 = arith.constant 0 : i32
    %c0_i32_0 = arith.constant 0 : i32
    return %arg0, %c0_i32 : i32, i32
  }
  func.func @transform_5(%arg0: i32) -> (i32, i32) {
    %c0_i32 = arith.constant 0 : i32
    %c0_i32_0 = arith.constant 0 : i32
    return %arg0, %c0_i32 : i32, i32
  }
}

module attributes {stable_mosaic.version = 14 : i64} {
  func.func @_edge_body(%arg0: i32, %arg1: memref<2000x128xf32, #tpu.memory_space<vmem>>, %arg2: memref<2000x128xf32, #tpu.memory_space<vmem>>, %arg3: memref<2000x128xf32, #tpu.memory_space<vmem>>, %arg4: memref<128x128xf32, #tpu.memory_space<vmem>>, %arg5: memref<1x128xf32, #tpu.memory_space<vmem>>, %arg6: memref<128x128xf32, #tpu.memory_space<vmem>>, %arg7: memref<1x128xf32, #tpu.memory_space<vmem>>, %arg8: memref<1x128xf32, #tpu.memory_space<vmem>>, %arg9: memref<1x128xf32, #tpu.memory_space<vmem>>, %arg10: memref<2000x128xf32, #tpu.memory_space<vmem>>, %arg11: memref<2000x128xf32, #tpu.memory_space<vmem>>) attributes {dimension_semantics = [#tpu.dimension_semantics<arbitrary>], iteration_bounds = array<i64: 160>, scalar_prefetch = 0 : i64, scratch_operands = 0 : i64, tpu.core_type = #tpu.core_type<tc>, window_params = [{transform_indices = @transform_0, window_bounds = array<i64: 2000, 128>}, {transform_indices = @transform_1, window_bounds = array<i64: 2000, 128>}, {transform_indices = @transform_2, window_bounds = array<i64: 2000, 128>}, {pipeline_mode = #tpu.pipeline_mode<synchronous>, transform_indices = @transform_3, window_bounds = array<i64: 128, 128>}, {pipeline_mode = #tpu.pipeline_mode<synchronous>, transform_indices = @transform_4, window_bounds = array<i64: 1, 128>}, {pipeline_mode = #tpu.pipeline_mode<synchronous>, transform_indices = @transform_5, window_bounds = array<i64: 128, 128>}, {pipeline_mode = #tpu.pipeline_mode<synchronous>, transform_indices = @transform_6, window_bounds = array<i64: 1, 128>}, {pipeline_mode = #tpu.pipeline_mode<synchronous>, transform_indices = @transform_7, window_bounds = array<i64: 1, 128>}, {pipeline_mode = #tpu.pipeline_mode<synchronous>, transform_indices = @transform_8, window_bounds = array<i64: 1, 128>}, {transform_indices = @transform_9, window_bounds = array<i64: 2000, 128>}, {transform_indices = @transform_10, window_bounds = array<i64: 2000, 128>}]} {
    %get3A = arith.constant 0 : index
    %get3A_0 = arith.constant 0 : index
    %get3A_1 = vector.load %arg3[%get3A, %get3A_0] : memref<2000x128xf32, #tpu.memory_space<vmem>>, vector<2000x128xf32>
    %get3A_2 = arith.constant 0 : index
    %get3A_3 = arith.constant 0 : index
    %get3A_4 = vector.load %arg1[%get3A_2, %get3A_3] : memref<2000x128xf32, #tpu.memory_space<vmem>>, vector<2000x128xf32>
    %get3A_5 = arith.constant 0 : index
    %get3A_6 = arith.constant 0 : index
    %get3A_7 = vector.load %arg2[%get3A_5, %get3A_6] : memref<2000x128xf32, #tpu.memory_space<vmem>>, vector<2000x128xf32>
    %add3A = arith.addf %get3A_4, %get3A_7 : vector<2000x128xf32>
    %get3A_8 = arith.constant 0 : index
    %get3A_9 = arith.constant 0 : index
    %get3A_10 = vector.load %arg4[%get3A_8, %get3A_9] : memref<128x128xf32, #tpu.memory_space<vmem>>, vector<128x128xf32>
    %dot_general3A = arith.constant dense<0.000000e+00> : vector<2000x128xf32>
    %dot_general3A_11 = tpu.matmul %get3A_1, %get3A_10, %dot_general3A {dimension_numbers = #tpu.dot_dimension_numbers<[1], [0], [0], [1], [0, 0, 1, 1], [], []>, transpose_lhs_hint = false} : vector<2000x128xf32>, vector<128x128xf32>, vector<2000x128xf32> -> vector<2000x128xf32>
    %add3A_12 = arith.addf %add3A, %dot_general3A_11 : vector<2000x128xf32>
    %get3A_13 = arith.constant 0 : index
    %get3A_14 = arith.constant 0 : index
    %get3A_15 = vector.load %arg5[%get3A_13, %get3A_14] : memref<1x128xf32, #tpu.memory_space<vmem>>, vector<1x128xf32>
    %add3A_16 = vector.broadcast %get3A_15 : vector<1x128xf32> to vector<2000x128xf32>
    %add3A_17 = arith.addf %add3A_12, %add3A_16 : vector<2000x128xf32>
    %max3A = arith.constant 0.000000e+00 : f32
    %max3A_18 = vector.broadcast %max3A : f32 to vector<2000x128xf32>
    %max3A_19 = arith.maximumf %add3A_17, %max3A_18 : vector<2000x128xf32>
    %get3A_20 = arith.constant 0 : index
    %get3A_21 = arith.constant 0 : index
    %get3A_22 = vector.load %arg6[%get3A_20, %get3A_21] : memref<128x128xf32, #tpu.memory_space<vmem>>, vector<128x128xf32>
    %dot_general3A_23 = arith.constant dense<0.000000e+00> : vector<2000x128xf32>
    %dot_general3A_24 = tpu.matmul %max3A_19, %get3A_22, %dot_general3A_23 {dimension_numbers = #tpu.dot_dimension_numbers<[1], [0], [0], [1], [0, 0, 1, 1], [], []>, transpose_lhs_hint = false} : vector<2000x128xf32>, vector<128x128xf32>, vector<2000x128xf32> -> vector<2000x128xf32>
    %get3A_25 = arith.constant 0 : index
    %get3A_26 = arith.constant 0 : index
    %get3A_27 = vector.load %arg7[%get3A_25, %get3A_26] : memref<1x128xf32, #tpu.memory_space<vmem>>, vector<1x128xf32>
    %add3A_28 = vector.broadcast %get3A_27 : vector<1x128xf32> to vector<2000x128xf32>
    %add3A_29 = arith.addf %dot_general3A_24, %add3A_28 : vector<2000x128xf32>
    %reduce_sum3A = arith.constant dense<0.000000e+00> : vector<2000xf32>
    %reduce_sum3A_30 = vector.multi_reduction <add>, %add3A_29, %reduce_sum3A [1] : vector<2000x128xf32> to vector<2000xf32>
    %broadcast_in_dim3A = vector.shape_cast %reduce_sum3A_30 : vector<2000xf32> to vector<2000x1xf32>
    %div3A = arith.constant 1.280000e+02 : f32
    %div3A_31 = vector.broadcast %div3A : f32 to vector<2000x1xf32>
    %div3A_32 = arith.divf %broadcast_in_dim3A, %div3A_31 : vector<2000x1xf32>
    %sub3A = vector.broadcast %div3A_32 : vector<2000x1xf32> to vector<2000x128xf32>
    %sub3A_33 = arith.subf %add3A_29, %sub3A : vector<2000x128xf32>
    %mul3A = arith.mulf %sub3A_33, %sub3A_33 : vector<2000x128xf32>
    %reduce_sum3A_34 = arith.constant dense<0.000000e+00> : vector<2000xf32>
    %reduce_sum3A_35 = vector.multi_reduction <add>, %mul3A, %reduce_sum3A_34 [1] : vector<2000x128xf32> to vector<2000xf32>
    %broadcast_in_dim3A_36 = vector.shape_cast %reduce_sum3A_35 : vector<2000xf32> to vector<2000x1xf32>
    %div3A_37 = arith.constant 1.280000e+02 : f32
    %div3A_38 = vector.broadcast %div3A_37 : f32 to vector<2000x1xf32>
    %div3A_39 = arith.divf %broadcast_in_dim3A_36, %div3A_38 : vector<2000x1xf32>
    %add3A_40 = arith.constant 1.000000e-03 : f32
    %add3A_41 = vector.broadcast %add3A_40 : f32 to vector<2000x1xf32>
    %add3A_42 = arith.addf %div3A_39, %add3A_41 : vector<2000x1xf32>
    %rsqrt3A = math.rsqrt %add3A_42 : vector<2000x1xf32>
    %mul3A_43 = vector.broadcast %rsqrt3A : vector<2000x1xf32> to vector<2000x128xf32>
    %mul3A_44 = arith.mulf %sub3A_33, %mul3A_43 : vector<2000x128xf32>
    %get3A_45 = arith.constant 0 : index
    %get3A_46 = arith.constant 0 : index
    %get3A_47 = vector.load %arg8[%get3A_45, %get3A_46] : memref<1x128xf32, #tpu.memory_space<vmem>>, vector<1x128xf32>
    %mul3A_48 = vector.broadcast %get3A_47 : vector<1x128xf32> to vector<2000x128xf32>
    %mul3A_49 = arith.mulf %mul3A_44, %mul3A_48 : vector<2000x128xf32>
    %get3A_50 = arith.constant 0 : index
    %get3A_51 = arith.constant 0 : index
    %get3A_52 = vector.load %arg9[%get3A_50, %get3A_51] : memref<1x128xf32, #tpu.memory_space<vmem>>, vector<1x128xf32>
    %add3A_53 = vector.broadcast %get3A_52 : vector<1x128xf32> to vector<2000x128xf32>
    %add3A_54 = arith.addf %mul3A_49, %add3A_53 : vector<2000x128xf32>
    %swap3A = arith.constant 0 : index
    %swap3A_55 = arith.constant 0 : index
    %swap3A_56 = vector.load %arg10[%swap3A, %swap3A_55] : memref<2000x128xf32, #tpu.memory_space<vmem>>, vector<2000x128xf32>
    tpu.vector_store %arg10[%swap3A, %swap3A_55], %add3A_54 {strides = array<i32>} : memref<2000x128xf32, #tpu.memory_space<vmem>>, vector<2000x128xf32>,
    %add3A_57 = arith.addf %add3A_54, %get3A_1 : vector<2000x128xf32>
    %swap3A_58 = arith.constant 0 : index
    %swap3A_59 = arith.constant 0 : index
    %swap3A_60 = vector.load %arg11[%swap3A_58, %swap3A_59] : memref<2000x128xf32, #tpu.memory_space<vmem>>, vector<2000x128xf32>
    tpu.vector_store %arg11[%swap3A_58, %swap3A_59], %add3A_57 {strides = array<i32>} : memref<2000x128xf32, #tpu.memory_space<vmem>>, vector<2000x128xf32>,
    return
  }
  func.func @transform_0(%arg0: i32) -> (i32, i32) {
    %add3A = arith.constant 0 : i32
    %add3A_0 = arith.addi %arg0, %add3A : i32
    %c0_i32 = arith.constant 0 : i32
    %c0_i32_1 = arith.constant 0 : i32
    return %add3A_0, %c0_i32 : i32, i32
  }
  func.func @transform_1(%arg0: i32) -> (i32, i32) {
    %add3A = arith.constant 0 : i32
    %add3A_0 = arith.addi %arg0, %add3A : i32
    %c0_i32 = arith.constant 0 : i32
    %c0_i32_1 = arith.constant 0 : i32
    return %add3A_0, %c0_i32 : i32, i32
  }
  func.func @transform_2(%arg0: i32) -> (i32, i32) {
    %add3A = arith.constant 0 : i32
    %add3A_0 = arith.addi %arg0, %add3A : i32
    %c0_i32 = arith.constant 0 : i32
    %c0_i32_1 = arith.constant 0 : i32
    return %add3A_0, %c0_i32 : i32, i32
  }
  func.func @transform_3(%arg0: i32) -> (i32, i32) {
    %c0_i32 = arith.constant 0 : i32
    %c0_i32_0 = arith.constant 0 : i32
    %c0_i32_1 = arith.constant 0 : i32
    return %c0_i32, %c0_i32_0 : i32, i32
  }
  func.func @transform_4(%arg0: i32) -> (i32, i32) {
    %c0_i32 = arith.constant 0 : i32
    %c0_i32_0 = arith.constant 0 : i32
    %c0_i32_1 = arith.constant 0 : i32
    return %c0_i32, %c0_i32_0 : i32, i32
  }
  func.func @transform_5(%arg0: i32) -> (i32, i32) {
    %c0_i32 = arith.constant 0 : i32
    %c0_i32_0 = arith.constant 0 : i32
    %c0_i32_1 = arith.constant 0 : i32
    return %c0_i32, %c0_i32_0 : i32, i32
  }
  func.func @transform_6(%arg0: i32) -> (i32, i32) {
    %c0_i32 = arith.constant 0 : i32
    %c0_i32_0 = arith.constant 0 : i32
    %c0_i32_1 = arith.constant 0 : i32
    return %c0_i32, %c0_i32_0 : i32, i32
  }
  func.func @transform_7(%arg0: i32) -> (i32, i32) {
    %c0_i32 = arith.constant 0 : i32
    %c0_i32_0 = arith.constant 0 : i32
    %c0_i32_1 = arith.constant 0 : i32
    return %c0_i32, %c0_i32_0 : i32, i32
  }
  func.func @transform_8(%arg0: i32) -> (i32, i32) {
    %c0_i32 = arith.constant 0 : i32
    %c0_i32_0 = arith.constant 0 : i32
    %c0_i32_1 = arith.constant 0 : i32
    return %c0_i32, %c0_i32_0 : i32, i32
  }
  func.func @transform_9(%arg0: i32) -> (i32, i32) {
    %c0_i32 = arith.constant 0 : i32
    %c0_i32_0 = arith.constant 0 : i32
    return %arg0, %c0_i32 : i32, i32
  }
  func.func @transform_10(%arg0: i32) -> (i32, i32) {
    %c0_i32 = arith.constant 0 : i32
    %c0_i32_0 = arith.constant 0 : i32
    return %arg0, %c0_i32 : i32, i32
  }
}

module attributes {stable_mosaic.version = 14 : i64} {
  func.func @_node_body(%arg0: i32, %arg1: memref<2000x128xf32, #tpu.memory_space<vmem>>, %arg2: memref<2x2000x128xf32, #tpu.memory_space<vmem>>, %arg3: memref<2x2000x128xf32, #tpu.memory_space<vmem>>, %arg4: memref<128x128xf32, #tpu.memory_space<vmem>>, %arg5: memref<128x128xf32, #tpu.memory_space<vmem>>, %arg6: memref<128x128xf32, #tpu.memory_space<vmem>>, %arg7: memref<1x128xf32, #tpu.memory_space<vmem>>, %arg8: memref<128x128xf32, #tpu.memory_space<vmem>>, %arg9: memref<1x128xf32, #tpu.memory_space<vmem>>, %arg10: memref<1x128xf32, #tpu.memory_space<vmem>>, %arg11: memref<1x128xf32, #tpu.memory_space<vmem>>, %arg12: memref<2000x128xf32, #tpu.memory_space<vmem>>) attributes {dimension_semantics = [#tpu.dimension_semantics<arbitrary>], iteration_bounds = array<i64: 5>, scalar_prefetch = 0 : i64, scratch_operands = 0 : i64, tpu.core_type = #tpu.core_type<tc>, window_params = [{transform_indices = @transform_0, window_bounds = array<i64: 2000, 128>}, {transform_indices = @transform_1, window_bounds = array<i64: 2, 2000, 128>}, {transform_indices = @transform_2, window_bounds = array<i64: 2, 2000, 128>}, {pipeline_mode = #tpu.pipeline_mode<synchronous>, transform_indices = @transform_3, window_bounds = array<i64: 128, 128>}, {pipeline_mode = #tpu.pipeline_mode<synchronous>, transform_indices = @transform_4, window_bounds = array<i64: 128, 128>}, {pipeline_mode = #tpu.pipeline_mode<synchronous>, transform_indices = @transform_5, window_bounds = array<i64: 128, 128>}, {pipeline_mode = #tpu.pipeline_mode<synchronous>, transform_indices = @transform_6, window_bounds = array<i64: 1, 128>}, {pipeline_mode = #tpu.pipeline_mode<synchronous>, transform_indices = @transform_7, window_bounds = array<i64: 128, 128>}, {pipeline_mode = #tpu.pipeline_mode<synchronous>, transform_indices = @transform_8, window_bounds = array<i64: 1, 128>}, {pipeline_mode = #tpu.pipeline_mode<synchronous>, transform_indices = @transform_9, window_bounds = array<i64: 1, 128>}, {pipeline_mode = #tpu.pipeline_mode<synchronous>, transform_indices = @transform_10, window_bounds = array<i64: 1, 128>}, {transform_indices = @transform_11, window_bounds = array<i64: 2000, 128>}]} {
    %get3A = arith.constant 0 : index
    %get3A_0 = arith.constant 0 : index
    %get3A_1 = vector.load %arg1[%get3A, %get3A_0] : memref<2000x128xf32, #tpu.memory_space<vmem>>, vector<2000x128xf32>
    %get3A_2 = arith.constant 0 : index
    %get3A_3 = arith.constant 0 : index
    %get3A_4 = arith.constant 0 : index
    %get3A_5 = vector.load %arg2[%get3A_2, %get3A_3, %get3A_4] : memref<2x2000x128xf32, #tpu.memory_space<vmem>>, vector<1x2000x128xf32>
    %get3A_6 = vector.shape_cast %get3A_5 : vector<1x2000x128xf32> to vector<2000x128xf32>
    %get3A_7 = arith.constant 1 : index
    %get3A_8 = arith.constant 0 : index
    %get3A_9 = arith.constant 0 : index
    %get3A_10 = vector.load %arg2[%get3A_7, %get3A_8, %get3A_9] : memref<2x2000x128xf32, #tpu.memory_space<vmem>>, vector<1x2000x128xf32>
    %get3A_11 = vector.shape_cast %get3A_10 : vector<1x2000x128xf32> to vector<2000x128xf32>
    %add3A = arith.addf %get3A_6, %get3A_11 : vector<2000x128xf32>
    %get3A_12 = arith.constant 0 : index
    %get3A_13 = arith.constant 0 : index
    %get3A_14 = arith.constant 0 : index
    %get3A_15 = vector.load %arg3[%get3A_12, %get3A_13, %get3A_14] : memref<2x2000x128xf32, #tpu.memory_space<vmem>>, vector<1x2000x128xf32>
    %get3A_16 = vector.shape_cast %get3A_15 : vector<1x2000x128xf32> to vector<2000x128xf32>
    %get3A_17 = arith.constant 1 : index
    %get3A_18 = arith.constant 0 : index
    %get3A_19 = arith.constant 0 : index
    %get3A_20 = vector.load %arg3[%get3A_17, %get3A_18, %get3A_19] : memref<2x2000x128xf32, #tpu.memory_space<vmem>>, vector<1x2000x128xf32>
    %get3A_21 = vector.shape_cast %get3A_20 : vector<1x2000x128xf32> to vector<2000x128xf32>
    %add3A_22 = arith.addf %get3A_16, %get3A_21 : vector<2000x128xf32>
    %get3A_23 = arith.constant 0 : index
    %get3A_24 = arith.constant 0 : index
    %get3A_25 = vector.load %arg4[%get3A_23, %get3A_24] : memref<128x128xf32, #tpu.memory_space<vmem>>, vector<128x128xf32>
    %dot_general3A = arith.constant dense<0.000000e+00> : vector<2000x128xf32>
    %dot_general3A_26 = tpu.matmul %get3A_1, %get3A_25, %dot_general3A {dimension_numbers = #tpu.dot_dimension_numbers<[1], [0], [0], [1], [0, 0, 1, 1], [], []>, transpose_lhs_hint = false} : vector<2000x128xf32>, vector<128x128xf32>, vector<2000x128xf32> -> vector<2000x128xf32>
    %get3A_27 = arith.constant 0 : index
    %get3A_28 = arith.constant 0 : index
    %get3A_29 = vector.load %arg5[%get3A_27, %get3A_28] : memref<128x128xf32, #tpu.memory_space<vmem>>, vector<128x128xf32>
    %dot_general3A_30 = arith.constant dense<0.000000e+00> : vector<2000x128xf32>
    %dot_general3A_31 = tpu.matmul %add3A, %get3A_29, %dot_general3A_30 {dimension_numbers = #tpu.dot_dimension_numbers<[1], [0], [0], [1], [0, 0, 1, 1], [], []>, transpose_lhs_hint = false} : vector<2000x128xf32>, vector<128x128xf32>, vector<2000x128xf32> -> vector<2000x128xf32>
    %add3A_32 = arith.addf %dot_general3A_26, %dot_general3A_31 : vector<2000x128xf32>
    %get3A_33 = arith.constant 0 : index
    %get3A_34 = arith.constant 0 : index
    %get3A_35 = vector.load %arg6[%get3A_33, %get3A_34] : memref<128x128xf32, #tpu.memory_space<vmem>>, vector<128x128xf32>
    %dot_general3A_36 = arith.constant dense<0.000000e+00> : vector<2000x128xf32>
    %dot_general3A_37 = tpu.matmul %add3A_22, %get3A_35, %dot_general3A_36 {dimension_numbers = #tpu.dot_dimension_numbers<[1], [0], [0], [1], [0, 0, 1, 1], [], []>, transpose_lhs_hint = false} : vector<2000x128xf32>, vector<128x128xf32>, vector<2000x128xf32> -> vector<2000x128xf32>
    %add3A_38 = arith.addf %add3A_32, %dot_general3A_37 : vector<2000x128xf32>
    %get3A_39 = arith.constant 0 : index
    %get3A_40 = arith.constant 0 : index
    %get3A_41 = vector.load %arg7[%get3A_39, %get3A_40] : memref<1x128xf32, #tpu.memory_space<vmem>>, vector<1x128xf32>
    %add3A_42 = vector.broadcast %get3A_41 : vector<1x128xf32> to vector<2000x128xf32>
    %add3A_43 = arith.addf %add3A_38, %add3A_42 : vector<2000x128xf32>
    %max3A = arith.constant 0.000000e+00 : f32
    %max3A_44 = vector.broadcast %max3A : f32 to vector<2000x128xf32>
    %max3A_45 = arith.maximumf %add3A_43, %max3A_44 : vector<2000x128xf32>
    %get3A_46 = arith.constant 0 : index
    %get3A_47 = arith.constant 0 : index
    %get3A_48 = vector.load %arg8[%get3A_46, %get3A_47] : memref<128x128xf32, #tpu.memory_space<vmem>>, vector<128x128xf32>
    %dot_general3A_49 = arith.constant dense<0.000000e+00> : vector<2000x128xf32>
    %dot_general3A_50 = tpu.matmul %max3A_45, %get3A_48, %dot_general3A_49 {dimension_numbers = #tpu.dot_dimension_numbers<[1], [0], [0], [1], [0, 0, 1, 1], [], []>, transpose_lhs_hint = false} : vector<2000x128xf32>, vector<128x128xf32>, vector<2000x128xf32> -> vector<2000x128xf32>
    %get3A_51 = arith.constant 0 : index
    %get3A_52 = arith.constant 0 : index
    %get3A_53 = vector.load %arg9[%get3A_51, %get3A_52] : memref<1x128xf32, #tpu.memory_space<vmem>>, vector<1x128xf32>
    %add3A_54 = vector.broadcast %get3A_53 : vector<1x128xf32> to vector<2000x128xf32>
    %add3A_55 = arith.addf %dot_general3A_50, %add3A_54 : vector<2000x128xf32>
    %reduce_sum3A = arith.constant dense<0.000000e+00> : vector<2000xf32>
    %reduce_sum3A_56 = vector.multi_reduction <add>, %add3A_55, %reduce_sum3A [1] : vector<2000x128xf32> to vector<2000xf32>
    %broadcast_in_dim3A = vector.shape_cast %reduce_sum3A_56 : vector<2000xf32> to vector<2000x1xf32>
    %div3A = arith.constant 1.280000e+02 : f32
    %div3A_57 = vector.broadcast %div3A : f32 to vector<2000x1xf32>
    %div3A_58 = arith.divf %broadcast_in_dim3A, %div3A_57 : vector<2000x1xf32>
    %sub3A = vector.broadcast %div3A_58 : vector<2000x1xf32> to vector<2000x128xf32>
    %sub3A_59 = arith.subf %add3A_55, %sub3A : vector<2000x128xf32>
    %mul3A = arith.mulf %sub3A_59, %sub3A_59 : vector<2000x128xf32>
    %reduce_sum3A_60 = arith.constant dense<0.000000e+00> : vector<2000xf32>
    %reduce_sum3A_61 = vector.multi_reduction <add>, %mul3A, %reduce_sum3A_60 [1] : vector<2000x128xf32> to vector<2000xf32>
    %broadcast_in_dim3A_62 = vector.shape_cast %reduce_sum3A_61 : vector<2000xf32> to vector<2000x1xf32>
    %div3A_63 = arith.constant 1.280000e+02 : f32
    %div3A_64 = vector.broadcast %div3A_63 : f32 to vector<2000x1xf32>
    %div3A_65 = arith.divf %broadcast_in_dim3A_62, %div3A_64 : vector<2000x1xf32>
    %add3A_66 = arith.constant 1.000000e-03 : f32
    %add3A_67 = vector.broadcast %add3A_66 : f32 to vector<2000x1xf32>
    %add3A_68 = arith.addf %div3A_65, %add3A_67 : vector<2000x1xf32>
    %rsqrt3A = math.rsqrt %add3A_68 : vector<2000x1xf32>
    %mul3A_69 = vector.broadcast %rsqrt3A : vector<2000x1xf32> to vector<2000x128xf32>
    %mul3A_70 = arith.mulf %sub3A_59, %mul3A_69 : vector<2000x128xf32>
    %get3A_71 = arith.constant 0 : index
    %get3A_72 = arith.constant 0 : index
    %get3A_73 = vector.load %arg10[%get3A_71, %get3A_72] : memref<1x128xf32, #tpu.memory_space<vmem>>, vector<1x128xf32>
    %mul3A_74 = vector.broadcast %get3A_73 : vector<1x128xf32> to vector<2000x128xf32>
    %mul3A_75 = arith.mulf %mul3A_70, %mul3A_74 : vector<2000x128xf32>
    %get3A_76 = arith.constant 0 : index
    %get3A_77 = arith.constant 0 : index
    %get3A_78 = vector.load %arg11[%get3A_76, %get3A_77] : memref<1x128xf32, #tpu.memory_space<vmem>>, vector<1x128xf32>
    %add3A_79 = vector.broadcast %get3A_78 : vector<1x128xf32> to vector<2000x128xf32>
    %add3A_80 = arith.addf %mul3A_75, %add3A_79 : vector<2000x128xf32>
    %add3A_81 = arith.addf %add3A_80, %get3A_1 : vector<2000x128xf32>
    %swap3A = arith.constant 0 : index
    %swap3A_82 = arith.constant 0 : index
    %swap3A_83 = vector.load %arg12[%swap3A, %swap3A_82] : memref<2000x128xf32, #tpu.memory_space<vmem>>, vector<2000x128xf32>
    tpu.vector_store %arg12[%swap3A, %swap3A_82], %add3A_81 {strides = array<i32>} : memref<2000x128xf32, #tpu.memory_space<vmem>>, vector<2000x128xf32>,
    return
  }
  func.func @transform_0(%arg0: i32) -> (i32, i32) {
    %c0_i32 = arith.constant 0 : i32
    %c0_i32_0 = arith.constant 0 : i32
    return %arg0, %c0_i32 : i32, i32
  }
  func.func @transform_1(%arg0: i32) -> (i32, i32, i32) {
    %c0_i32 = arith.constant 0 : i32
    %c0_i32_0 = arith.constant 0 : i32
    %c0_i32_1 = arith.constant 0 : i32
    return %c0_i32, %arg0, %c0_i32_0 : i32, i32, i32
  }
  func.func @transform_2(%arg0: i32) -> (i32, i32, i32) {
    %c0_i32 = arith.constant 0 : i32
    %c0_i32_0 = arith.constant 0 : i32
    %c0_i32_1 = arith.constant 0 : i32
    return %c0_i32, %arg0, %c0_i32_0 : i32, i32, i32
  }
  func.func @transform_3(%arg0: i32) -> (i32, i32) {
    %c0_i32 = arith.constant 0 : i32
    %c0_i32_0 = arith.constant 0 : i32
    %c0_i32_1 = arith.constant 0 : i32
    return %c0_i32, %c0_i32_0 : i32, i32
  }
  func.func @transform_4(%arg0: i32) -> (i32, i32) {
    %c0_i32 = arith.constant 0 : i32
    %c0_i32_0 = arith.constant 0 : i32
    %c0_i32_1 = arith.constant 0 : i32
    return %c0_i32, %c0_i32_0 : i32, i32
  }
  func.func @transform_5(%arg0: i32) -> (i32, i32) {
    %c0_i32 = arith.constant 0 : i32
    %c0_i32_0 = arith.constant 0 : i32
    %c0_i32_1 = arith.constant 0 : i32
    return %c0_i32, %c0_i32_0 : i32, i32
  }
  func.func @transform_6(%arg0: i32) -> (i32, i32) {
    %c0_i32 = arith.constant 0 : i32
    %c0_i32_0 = arith.constant 0 : i32
    %c0_i32_1 = arith.constant 0 : i32
    return %c0_i32, %c0_i32_0 : i32, i32
  }
  func.func @transform_7(%arg0: i32) -> (i32, i32) {
    %c0_i32 = arith.constant 0 : i32
    %c0_i32_0 = arith.constant 0 : i32
    %c0_i32_1 = arith.constant 0 : i32
    return %c0_i32, %c0_i32_0 : i32, i32
  }
  func.func @transform_8(%arg0: i32) -> (i32, i32) {
    %c0_i32 = arith.constant 0 : i32
    %c0_i32_0 = arith.constant 0 : i32
    %c0_i32_1 = arith.constant 0 : i32
    return %c0_i32, %c0_i32_0 : i32, i32
  }
  func.func @transform_9(%arg0: i32) -> (i32, i32) {
    %c0_i32 = arith.constant 0 : i32
    %c0_i32_0 = arith.constant 0 : i32
    %c0_i32_1 = arith.constant 0 : i32
    return %c0_i32, %c0_i32_0 : i32, i32
  }
  func.func @transform_10(%arg0: i32) -> (i32, i32) {
    %c0_i32 = arith.constant 0 : i32
    %c0_i32_0 = arith.constant 0 : i32
    %c0_i32_1 = arith.constant 0 : i32
    return %c0_i32, %c0_i32_0 : i32, i32
  }
  func.func @transform_11(%arg0: i32) -> (i32, i32) {
    %c0_i32 = arith.constant 0 : i32
    %c0_i32_0 = arith.constant 0 : i32
    return %arg0, %c0_i32 : i32, i32
  }
}

</mosaic_0001>

<sc_bundles>
// kernel: kernel.10.cloned.1.call-start
scs
__scs_entry_jumppad:
0x0: {  	(pc) =	sbr.rel $0x88, $3  }
0x1: {  	(tag) =	ssettag $0x0;
	lr =	simm.s32 $0x1  }
0x2: {  	[smem:$0x3F88] =	sst lr;
	_ =	strace $0xD0000000  }
0x3: {  	_ = 	snop  }
0x4: {  	_ = 	snop  }
0x5: {  	_ = 	snop  }
0x6: {  	_ = 	snop  }
0x7: {  	_ = 	snop  }
__scs_overlays_trampoline_lowered:
0x8: {  	[smem:$0x3F97] =	sst s0  }
0x9: {  	[smem:$0x3F98] =	sst s1  }
0xa: {  	[smem:$0x3F99] =	sst s2  }
0xb: {  	[smem:$0x3F9A] =	sst s3  }
0xc: {  	[smem:$0x3F9B] =	sst s4  }
0xd: {  	[smem:$0x3F9C] =	sst s5  }
0xe: {  	[smem:$0x3F9D] =	sst s6  }
0xf: {  	[smem:$0x3F9E] =	sst s7  }
0x10: {  	[smem:$0x3F9F] =	sst s8  }
0x11: {  	[smem:$0x3FA0] =	sst s9;
	s0 =	simm.s32 @!p0 $0x0  }
0x12: {  	s1 =	sld [smem:$0x3F86];
	s0 =	simm.s32 @p0 $0x1  }
0x13: {  	[smem:$0x3FA1] =	sst s0;
	s0 =	simm.s32 @!p1 $0x0  }
0x14: {  	s2 =	sld [smem:$0x3F85];
	s0 =	simm.s32 @p1 $0x1  }
0x15: {  	[smem:$0x3FA2] =	sst s0;
	s0 =	simm.s32 @!p2 $0x0  }
0x16: {  	s3 =	sld [smem:$0x3FDB];
	s0 =	simm.s32 @p2 $0x1  }
0x17: {  	s4 =	simm.s32 $0x1BF5;
	[smem:$0x3FA4] =	sst s0  }
0x18: {  	s0 =	sld [smem:$0x3F87];
	_ =	swait.ge [sflag:s4], $0x0  }
0x19: {  	s7 =	sld [smem:$0x3F88]  }
0x1a: {  	s8 =	sadd.s32 $0xFFFFE003, lr  }
0x1b: {  	s9 =	sadd.s32 $0xFFFFFEF7, lr;
	s5 =	simm.s32 $0xFFFFFFFF;
	p2 =	slt.u32 s8, $0xFFFFF086  }
0x1c: {  	p1 =	slt.u32 s9, $0xF7A;
	s5 =	simm.s32 @!p2 $0x0  }
0x1d: {  	s5 =	simm.s32 @p1 $0x1;
	p0 =	seq.s32 s7, s2  }
0x1e: {  	s7 =	smul.u32 @!p0 $0xF7A, s2;
	p2 =	seq.s32 @!p0 s5, $0x0  }
0x1f: {  	s9 =	smul.u32 $0xF7A, s1;
	s8 =	simm.s32 @!p0 $0x1BF5;
	p2 =	por !p2, p0  }
0x20: {  	[sflag:s8] =	ssyncset.s32 @!p0 $0xFFFFF086;
	s6 =	sadd.s32 @!p0 s3, s7;
	s7 =	simm.s32 @!p0 $0x108  }
0x21: {  	s3 =	sadd.s32 s3, s9;
	s6 =	sadd.s32 @!p0 $0x88, s6;
	s7 =	simm.s32 @p2 $0x1082  }
0x22: {  	[simem:s7], [sflag:s8] =	dma.local @!p0 [hbm:s6], $0xF7A  }
0x23: {  	s9 =	sor.u32 $0xD0000000, s2;
	s6 =	simm.s32 $0x108;
	_ =	swait.ge @!p0 [sflag:s8], $0x0  }
0x24: {  	s3 =	sadd.s32 $0x88, s3;
	s6 =	simm.s32 @!p1 $0x1082;
	[sflag:s4] =	ssyncset.s32 $0xFFFFF086  }
0x25: {  	[simem:s6], [sflag:s4] =	dma.local [hbm:s3], $0xF7A  }
0x26: {  	[smem:$0x3F88] =	sst s1;
	(tag) =	ssettag s2;
	_ =	strace s9  }
0x27: {  	s1 =	sld [smem:$0x3F98]  }
0x28: {  	s2 =	sld [smem:$0x3F99]  }
0x29: {  	s4 =	sld [smem:$0x3F9B]  }
0x2a: {  	p0 =	seq.s32 s5, $0x0;
	s5 =	sld [smem:$0x3F9C]  }
0x2b: {  	s6 =	sld [smem:$0x3F9D]  }
0x2c: {  	s7 =	sld [smem:$0x3F9E]  }
0x2d: {  	s3 =	simm.s32 $0x108;
	s8 =	sld [smem:$0x3F9F]  }
0x2e: {  	s3 =	simm.s32 @!p0 $0x1082;
	s9 =	sld [smem:$0x3FA0]  }
0x2f: {  	lr =	sadd.s32 s0, s3;
	s0 =	sld [smem:$0x3F97]  }
0x30: {  	s3 =	sld [smem:$0x3F9A]  }
0x31: {  	[smem:$0x3FA3] =	sst s10  }
0x32: {  	s10 =	sld [smem:$0x3FA1];
	_ =	sdelay $0x3  }
0x33: {  	p0 =	seq.s32 s10, $0x1;
	s10 =	sld [smem:$0x3FA3];
	_ =	sdelay $0x3  }
0x34: {  	[smem:$0x3FA3] =	sst s10  }
0x35: {  	s10 =	sld [smem:$0x3FA2];
	_ =	sdelay $0x3  }
0x36: {  	p1 =	seq.s32 s10, $0x1;
	s10 =	sld [smem:$0x3FA3];
	_ =	sdelay $0x3  }
0x37: {  	[smem:$0x3FA3] =	sst s10  }
0x38: {  	s10 =	sld [smem:$0x3FA4]  }
0x39: {  	_ = 	snop;
	(pc) =	sbr.ind lr, $3  }
0x3a: {  	_ = 	snop  }
0x3b: {  	_ = 	snop  }
0x3c: {  	p2 =	seq.s32 s10, $0x1;
	s10 =	sld [smem:$0x3FA3]  }
0x3d: {  	_ =	shalt  }
0x3e: {  	_ =	shalt  }
0x3f: {  	_ =	shalt  }
0x40: {  	_ =	shalt  }
0x41: {  	_ =	shalt  }
0x42: {  	_ =	shalt  }
0x43: {  	_ =	shalt  }
0x44: {  	_ =	shalt  }
0x45: {  	_ =	shalt  }
0x46: {  	_ =	shalt  }
0x47: {  	_ =	shalt  }
0x48: {  	_ =	shalt  }
0x49: {  	_ =	shalt  }
0x4a: {  	_ =	shalt  }
0x4b: {  	_ =	shalt  }
0x4c: {  	_ =	shalt  }
0x4d: {  	_ =	shalt  }
0x4e: {  	_ =	shalt  }
0x4f: {  	_ =	shalt  }
0x50: {  	_ =	shalt  }
0x51: {  	_ =	shalt  }
0x52: {  	_ =	shalt  }
0x53: {  	_ =	shalt  }
0x54: {  	_ =	shalt  }
0x55: {  	_ =	shalt  }
0x56: {  	_ =	shalt  }
0x57: {  	_ =	shalt  }
0x58: {  	_ =	shalt  }
0x59: {  	_ =	shalt  }
0x5a: {  	_ =	shalt  }
0x5b: {  	_ =	shalt  }
0x5c: {  	_ =	shalt  }
0x5d: {  	_ =	shalt  }
0x5e: {  	_ =	shalt  }
0x5f: {  	_ =	shalt  }
0x60: {  	_ =	shalt  }
0x61: {  	_ =	shalt  }
0x62: {  	_ =	shalt  }
0x63: {  	_ =	shalt  }
0x64: {  	_ =	shalt  }
0x65: {  	_ =	shalt  }
0x66: {  	_ =	shalt  }
0x67: {  	_ =	shalt  }
0x68: {  	_ =	shalt  }
0x69: {  	_ =	shalt  }
0x6a: {  	_ =	shalt  }
0x6b: {  	_ =	shalt  }
0x6c: {  	_ =	shalt  }
0x6d: {  	_ =	shalt  }
0x6e: {  	_ =	shalt  }
0x6f: {  	_ =	shalt  }
0x70: {  	_ =	shalt  }
0x71: {  	_ =	shalt  }
0x72: {  	_ =	shalt  }
0x73: {  	_ =	shalt  }
0x74: {  	_ =	shalt  }
0x75: {  	_ =	shalt  }
0x76: {  	_ =	shalt  }
0x77: {  	_ =	shalt  }
0x78: {  	_ =	shalt  }
0x79: {  	_ =	shalt  }
0x7a: {  	_ =	shalt  }
0x7b: {  	_ =	shalt  }
0x7c: {  	_ =	shalt  }
0x7d: {  	_ =	shalt  }
0x7e: {  	_ =	shalt  }
0x7f: {  	_ =	shalt  }
0x80: {  	_ =	shalt  }
0x81: {  	_ =	shalt  }
0x82: {  	_ =	shalt  }
0x83: {  	_ =	shalt  }
0x84: {  	_ =	shalt  }
0x85: {  	_ =	shalt  }
0x86: {  	_ =	shalt  }
0x87: {  	_ =	shalt  }
.Lfunc_end0:
.L_simem_size_0:
called_computation_lowered:
.L_overlay_start_0:
0x88: {  	s2 =	sld [smem:$0x3FD9]  }
0x89: {  	s3 =	sld [smem:$0x3FFE];
	_ =	sdelay $0x1  }
0x8a: {  	s1 =	srdreg.scid  }
0x8b: {  	s0 =	sand.u32 $0x1, s1  }
0x8c: {  	s15 =	sshll.u32 s0, $0xA;
	s2 =	sadd.s32 s3, s2  }
0x8d: {  	s2 =	sadd.s32 s2, s15  }
0x8e: {  	[smem:$0x3FAF] =	sst s2  }
0x8f: {  	_ = 	snop  }
0x90: {  	s2 =	sld [smem:$0x3FD0];
	_ =	sdelay $0x2  }
0x91: {  	s16 =	simm.s32 $0xB;
	s4 =	simm.s32 $0x10  }
0x92: {  	[smem:s4], [sflag:s16] =	dma.local [hbm:s2], $0x1  }
0x93: {  	_ =	swait.eq [sflag:s16], $0x1  }
0x94: {  	[sflag:s16] =	ssyncset.done $0x0  }
0x95: {  	[sflag:s16] =	ssyncadd.s32 $0xFFFFFFFF  }
0x96: {  	s17 =	sld [smem:$0x10];
	(tm) =	ssettm $0x1  }
0x97: {  	s18 =	sld [smem:$0x3FFB];
	_ =	sdelay $0x3  }
0x98: {  	_ =	strace s18  }
0x99: {  	s2 =	sld [smem:$0x3FFC];
	_ =	sdelay $0x3  }
0x9a: {  	_ =	strace s2  }
0x9b: {  	s2 =	sld [smem:$0x3FFD];
	_ =	sdelay $0x3  }
0x9c: {  	_ =	strace s2  }
0x9d: {  	_ =	strace $0x8FFFFFFF  }
0x9e: {  	s19 =	sld [smem:$0x3FDB];
	_ =	sdelay $0x1  }
0x9f: {  	s20 =	simm.s32 $_scs_section_size  }
0xa0: {  	s5 =	simm.s32 $_size__tile_overlayer_lowered;
	s6 =	simm.s32 $_tile_overlayer_lowered  }
0xa1: {  	s7 =	simm.s32 $0x1BFF;
	s21 =	sshll.u32 s6, $0x1;
	s4 =	sadd.s32 s20, s19  }
0xa2: {  	s22 =	simm.s32 $0x0;
	s5 =	sshll.u32 s5, $0x1;
	s6 =	sadd.s32 s21, s4  }
0xa3: {  	[timem:s22], [sflag:s7] =	dma.local [hbm:s6], s5  }
0xa4: {  	_ =	swait.ge [sflag:s7], s5  }
0xa5: {  	s5 =	ssub.s32 $0x0, s5;
	[sflag:s7] =	ssyncset.done $0x0  }
0xa6: {  	[sflag:s7] =	ssyncadd.s32 s5;
	_ =	sdelay $0x1  }
0xa7: {  	s23 =	simm.s32 $0x1B8B  }
0xa8: {  	_ =	swait.ge [sflag:s23], $0x1  }
0xa9: {  	[sflag:s23] =	ssyncset.done $0x0  }
0xaa: {  	[sflag:s23] =	ssyncadd.s32 $0xFFFFFFFF  }
0xab: {  	s5 =	sld [smem:$0x0]  }
0xac: {  	s6 =	sand.u32 $0xFFFFFFFE, s1  }
0xad: {  	p0 =	sne.s32 s1, s6  }
0xae: {  	s6 =	sshll.u32 @p0 s6, $0xE  }
0xaf: {  	s6 =	sadd.s32 @p0 $0x11B8D, s6;
	s7 =	sshll.u32 @p0 s5, $0x11  }
0xb0: {  	s6 =	sor.u32 @p0 s7, s6  }
0xb1: {  	[sflag:s6] =	ssyncadd.remote.s32 @p0 $0x1;
	_ =	sdelay $0x1  }
0xb2: {  	s6 =	simm.s32 @p0 $0x1B8D  }
0xb3: {  	_ =	swait.eq @p0 [sflag:s6], $0x1  }
0xb4: {  	[sflag:s6] =	ssyncadd.s32 @p0 $0xFFFFFFFF  }
0xb5: {  	s7 =	sshll.u32 @!p0 s1, $0xE  }
0xb6: {  	s7 =	sor.u32 @!p0 $0x4000, s7;
	s6 =	simm.s32 @!p0 $0x1B8D  }
0xb7: {  	s5 =	sshll.u32 @!p0 s5, $0x11;
	s7 =	sadd.s32 @!p0 $0x11B8D, s7;
	_ =	swait.eq @!p0 [sflag:s6], $0x1  }
0xb8: {  	s5 =	sor.u32 @!p0 s5, s7;
	[sflag:s6] =	ssyncadd.s32 @!p0 $0xFFFFFFFF  }
0xb9: {  	s25 =	simm.s32 $0x1B8E;
	s24 =	sld [smem:$0x3FFE];
	[sflag:s5] =	ssyncadd.remote.s32 @!p0 $0x1  }
0xba: {  	s26 =	simm.s32 $execute0_lowered;
	[smem:$0x3FD2] =	sst s25  }
0xbb: {  	s6 =	sshll.u32 s26, $0x1;
	_ =	strace $0x80000055;
	[dreg:$0x1] =	wrdreg $0xFFFFFFFF  }
0xbc: {  	s28 =	simm.s32 $_size_execute0_lowered;
	s4 =	sadd.s32 s4, s6;
	[dreg:$0x0] =	wrdreg $0x0  }
0xbd: {  	s6 =	sshll.u32 s28, $0x1;
	[dreg:$0x2] =	wrdreg s4  }
0xbe: {  	[dreg:$0x3] =	wrdreg s6  }
0xbf: {  	[dreg:$0x4] =	wrdreg $0xC0  }
0xc0: {  	_ =	task [dreg:s22], $0x5FFFF  }
0xc1: {  	[dreg:$0x1] =	wrdreg $0xFFFFFFFF  }
0xc2: {  	[dreg:$0x0] =	wrdreg $0x60  }
0xc3: {  	[dreg:$0x2] =	wrdreg s17  }
0xc4: {  	[dreg:$0x3] =	wrdreg s24  }
0xc5: {  	[dreg:$0x4] =	wrdreg $0x9  }
0xc6: {  	_ =	task.clear_ibuf [dreg:s22], $0x5FFFF;
	_ =	strace $0x90000055  }
0xc7: {  	s29 =	simm.s32 $0x9;
	_ =	strace $0x80000063  }
0xc8: {  	_ =	swait.ge [sflag:s29], $0x1  }
0xc9: {  	[sflag:s29] =	ssyncadd.s32 $0xFFFFFFFF  }
0xca: {  	_ =	strace $0x90000063  }
0xcb: {  	_ =	sfence  }
0xcc: {  	s30 =	sld [smem:$0x0];
	_ =	sdelay $0x2  }
0xcd: {  	s31 =	sshll.u32 s1, $0xD;
	s1 =	sshrl.u32 s1, $0x2  }
0xce: {  	s4 =	sand.u32 $0x4000, s31;
	s1 =	sadd.s32 s1, s30  }
0xcf: {  	s0 =	sor.u32 s4, s0;
	s1 =	sshll.u32 s1, $0x11  }
0xd0: {  	s0 =	sor.u32 s1, s0  }
0xd1: {  	s0 =	sadd.s32 $0x8F2B, s0  }
0xd2: {  	[sflag:s0] =	ssyncadd.remote.s32 $0x1  }
0xd3: {  	_ =	sfence.sel $0xFFFF  }
0xd4: {  	[dreg:$0x0] =	wrdreg $0xFFFFFFFF;
	(pc) =	sbr.abs _section_cstart, $3  }
0xd5: {  	[dreg:$0x1] =	wrdreg $0xFFFFFFFF  }
0xd6: {  	_ =	task.clear_ibuf [dreg:s22], $0x2FFFF;
	_ =	strace $0x9FFFFFFF  }
0xd7: {  	(tm) =	ssettm $0x7FFFFFFF  }
tec
execute0_lowered:
.L_overlay_start_1:
0x0: {  	(tag) =	ssettag $0x1  }
0x1: {  	s1 =	rddreg [dreg:$0x0];
	s2 =	srdreg.scid  }
0x2: {  	s0 =	rddreg [dreg:$0x1];
	s2 =	sand.u32 $0x1, s2  }
0x3: {  	s3 =	simm.s32 $0x0;
	s5 =	stileid.u32;
	s4 =	sshll.u32 s2, $0x4  }
0x4: {  	s16 =	simm.s32 $0xA0;
	s17 =	simm.s32 $0x1;
	s6 =	sor.u32 s5, s4  }
0x5: {  	s18 =	simm.s32 $0x2;
	s8 =	sadd.s32 $0x574C00, s0;
	s7 =	smul.u32 $0x3E, s6  }
0x6: {  	p0 =	seq.s32 s2, $0x0;
	s10 =	ssub.s32 $0x2, s2;
	s9 =	smul.u32 $0x3F, s6  }
0x7: {  	s4 =	sadd.s32 $0x4C600, s0;
	s5 =	sadd.s32 $0x565200, s0;
	s7 =	sadd.s32 $0x10, s7  }
0x8: {  	s31 =	sshrl.u32 s10, $0x1;
	s6 =	sadd.s32 $0x555800, s0;
	s7 =	smov.u32 @p0 s9  }
0x9: {  	s9 =	sadd.s32 $0xA56C00, s0;
	s0 =	ssub.s32 s10, s31;
	s11 =	sshll.u32 s7, $0x5  }
0xa: {  	[smem:$0x7FF] =	sst s3;
	s0 =	smax.u32 s0, $0x1;
	s11 =	sand.u32 $0x1FFFFFE0, s11  }
0xb: {  	_ =	strace $0x80000056;
	[dreg:$0x5] =	wrdreg s0;
	s12 =	sadd.s32 s5, s11  }
0xc: {  	s19 =	simm.s32 $0x0;
	s11 =	sadd.s32 s6, s11;
	[dreg:$0x3] =	wrdreg s12  }
0xd: {  	s13 =	ssub.s32 $0x3E, s2;
	s10 =	sxor.u32 $0x3F, s2;
	[dreg:$0x4] =	wrdreg s11  }
.LBB2_1:
0xe: {  	_ =	strace $0x80000057;
	s2 =	simm.s32 $0x200;
	s31 =	simm.s32 $0x0  }
0xf: {  	s20 =	simm.s32 $0x0;
	s21 =	simm.s32 $0x0;
	s28 =	simm.s32 $0x0  }
0x10: {  	s22 =	simm.s32 $0x0;
	s23 =	simm.s32 $0x0;
	s0 =	rddreg [dreg:$0x3]  }
0x11: {  	[tilespmem:s3], [sflag:$0x3] =	stream.linear.gather [hbm4b:s0+s3], $0x100, $0x200038;
	[tilespmem:$0x14400] =	vst v63  }
0x12: {  	s24 =	simm.s32 $0x1;
	s25 =	simm.s32 $0x0;
	s29 =	rddreg [dreg:$0x4]  }
0x13: {  	[tilespmem:s2], [sflag:$0x5] =	stream.linear.gather [hbm4b:s29+s3], $0x100, $0x200038;
	[tilespmem:$0x14400] =	vst v63  }
0x14: {  	s30 =	simm.s32 $0x1;
	s26 =	simm.s32 $0x0;
	_ =	strace $0x90000057  }
.LBB2_2:
0x15: {  	s29 =	sadd.s32 $0x1, s31  }
0x16: {  	p0 =	seq.s32 s29, s10  }
0x17: {  	s29 =	simm.s32 @p0 $0x0;
	p0 =	sge.u32 s26, s13  }
0x18: {  	p1 =	seq.s32 @!p0 s31, s29  }
0x19: {  	p2 =	por p1, p0  }
0x1a: {  	s0 =	sadd.s32 @!p2 s7, s29  }
0x1b: {  	s2 =	sand.u32 @!p2 $0x1, s30;
	s0 =	sshll.u32 @!p2 s0, $0x5  }
0x1c: {  	_ =	strace @!p2 $0x80000058;
	s15 =	simm.s32 @!p2 $0x0;
	s0 =	sand.u32 @!p2 $0x1FFFFFE0, s0  }
0x1d: {  	s11 =	sshll.u32 @!p2 s2, $0x8;
	s2 =	sadd.s32 @!p2 $0x3, s2;
	s12 =	sadd.s32 @!p2 s5, s0  }
0x1e: {  	[tilespmem:s11], [sflag:s2] =	stream.linear.gather @!p2 [hbm4b:s12+s15], $0x100, $0x200038;
	[tilespmem:$0x14400] =	vst v63  }
0x1f: {  	s2 =	sand.u32 @!p2 $0x1, s24  }
0x20: {  	s0 =	sadd.s32 @!p2 s6, s0;
	_ =	strace @!p2 $0x90000058;
	s11 =	sshll.u32 @!p2 s2, $0x8  }
0x21: {  	s2 =	sadd.s32 @!p2 $0x5, s2;
	_ =	strace @!p2 $0x80000059;
	s11 =	sor.u32 @!p2 $0x200, s11  }
0x22: {  	[tilespmem:s11], [sflag:s2] =	stream.linear.gather @!p2 [hbm4b:s0+s15], $0x100, $0x200038;
	[tilespmem:$0x14400] =	vst v63  }
0x23: {  	s2 =	sand.u32 $0x1, s25;
	_ =	strace @!p2 $0x90000059  }
0x24: {  	s0 =	sadd.s32 $0x3, s2;
	_ =	strace $0x8000005A  }
0x25: {  	_ =	swait.ge [sflag:s0], $0x100  }
0x26: {  	[sflag:s0] =	ssyncset.done $0x0  }
0x27: {  	[sflag:s0] =	ssyncadd.s32 $0xFFFFFF00  }
0x28: {  	s11 =	sand.u32 $0x1, s23;
	_ =	strace $0x9000005A  }
0x29: {  	s0 =	sadd.s32 $0x5, s11;
	_ =	strace $0x8000005B  }
0x2a: {  	s15 =	sand.u32 $0x1, s22;
	_ =	swait.ge [sflag:s0], $0x100  }
0x2b: {  	s14 =	sshll.u32 s25, $0x8;
	s12 =	smul.u32 $0x14000, s15;
	[sflag:s0] =	ssyncset.done $0x0  }
0x2c: {  	s14 =	sand.u32 $0x100, s14;
	[sflag:s0] =	ssyncadd.s32 $0xFFFFFF00  }
0x2d: {  	s2 =	sand.u32 $0x1, s21;
	s0 =	sshrl.u32 s12, $0x2;
	_ =	strace $0x9000005B  }
0x2e: {  	s12 =	smul.u32 $0x14000, s2;
	s11 =	sor.u32 $0x400, s0;
	_ =	strace $0x8000005C  }
0x2f: {  	[tilespmem:s11], [sflag:$0x1] =	stream.indirect.gather [hbm4b:s1+s16], $0x80, s14, s16, $0x2000b8;
	[tilespmem:$0x14400] =	vst v63  }
0x30: {  	s14 =	sshll.u32 s23, $0x8  }
0x31: {  	s0 =	sshrl.u32 s12, $0x2;
	s14 =	sand.u32 $0x100, s14  }
0x32: {  	s12 =	sadd.s32 $0xA400, s0;
	s14 =	sor.u32 $0x200, s14  }
0x33: {  	[tilespmem:s12], [sflag:$0x2] =	stream.indirect.gather [hbm4b:s4+s16], $0x80, s14, s16, $0x2000b8;
	[tilespmem:$0x14400] =	vst v63  }
0x34: {  	p3 =	seq.s32 s13, s26;
	_ =	swait.ge [sflag:s17], $0x5000  }
0x35: {  	p4 =	seq.s32 @!p3 s31, s29;
	[sflag:s17] =	ssyncset.done $0x0  }
0x36: {  	p3 =	por p3, !p4;
	s0 =	simm.s32 $0x0;
	[sflag:s17] =	ssyncadd.s32 $0xFFFFB000  }
0x37: {  	s0 =	sadd.s32 @p3 s7, s31;
	_ =	swait.ge [sflag:s18], $0x5000  }
0x38: {  	s0 =	smul.u32 @p3 $0x5000, s0;
	[sflag:s18] =	ssyncset.done $0x0  }
0x39: {  	[sflag:s18] =	ssyncadd.s32 $0xFFFFB000  }
0x3a: {  	s0 =	sshrl.u32 @p3 s0, $0x3;
	_ =	strace $0x9000005C  }
0x3b: {  	s14 =	sadd.s32 @p3 $0x7, s15;
	s15 =	sadd.s32 @p3 s8, s0;
	_ =	strace @p3 $0x8000005D  }
0x3c: {  	[hbm4b:s15+s3] =	stream.linear.scatter @p3 [tilespmem:s11], [sflag:s14], $0x5000, $0x200038;
	[tilespmem:$0x14400] =	vst v63  }
0x3d: {  	p1 =	por !p1, p0;
	s22 =	sadd.s32 @p3 $0x1, s22;
	_ =	strace @p3 $0x9000005D  }
0x3e: {  	s2 =	sadd.s32 @p3 $0x9, s2;
	s0 =	sadd.s32 @p3 s9, s0;
	_ =	strace @p3 $0x8000005E  }
0x3f: {  	[hbm4b:s0+s3] =	stream.linear.scatter @p3 [tilespmem:s12], [sflag:s2], $0x5000, $0x200038;
	[tilespmem:$0x14400] =	vst v63  }
0x40: {  	s0 =	simm.s32 @p3 $0x1;
	_ =	strace @p3 $0x9000005E;
	p3 =	seq.s32 s26, $0x0  }
0x41: {  	s11 =	sadd.s32 @!p2 $0x1, s30;
	s14 =	smov.u32 s30;
	s2 =	sand.u32 @!p3 $0x1, s28  }
0x42: {  	s14 =	smov.u32 @p1 s11;
	_ =	strace @!p3 $0x8000005F;
	s2 =	sadd.s32 @!p3 $0x7, s2  }
0x43: {  	s31 =	smov.u32 s29;
	s14 =	smov.u32 @p0 s30;
	_ =	swait.ge @!p3 [sflag:s2], $0x5000  }
0x44: {  	s30 =	smov.u32 s14;
	s21 =	sadd.s32 s21, s0;
	[sflag:s2] =	ssyncset.done @!p3 $0x0  }
0x45: {  	s26 =	sadd.s32 $0x1, s26;
	[sflag:s2] =	ssyncadd.s32 @!p3 $0xFFFFB000;
	s2 =	simm.s32 $0x0  }
0x46: {  	s25 =	sadd.s32 s25, s0;
	s12 =	sand.u32 @!p3 $0x1, s20;
	s2 =	simm.s32 @p1 $0x1  }
0x47: {  	_ =	strace @!p3 $0x9000005F;
	s2 =	simm.s32 @p0 $0x0;
	p0 =	sne.s32 s10, s26  }
.Ltmp0:
0x48: {  	s12 =	sadd.s32 @!p3 $0x9, s12;
	_ =	strace @!p3 $0x80000060;
	(pc) =	sbr.rel @p0 .LBB2_2-.Ltmp0, $4  }
0x49: {  	s23 =	sadd.s32 s23, s0;
	s11 =	simm.s32 @!p3 $0x1;
	_ =	swait.ge @!p3 [sflag:s12], $0x5000  }
0x4a: {  	s24 =	sadd.s32 s24, s2;
	s2 =	sadd.s32 @!p3 $0x1, s28;
	[sflag:s12] =	ssyncset.done @!p3 $0x0  }
0x4b: {  	s11 =	simm.s32 @p3 $0x0;
	s2 =	smov.u32 @p3 s28;
	[sflag:s12] =	ssyncadd.s32 @!p3 $0xFFFFB000  }
0x4c: {  	s20 =	sadd.s32 s20, s11;
	s28 =	smov.u32 s2;
	_ =	strace @!p3 $0x90000060  }
0x4d: {  	s0 =	sand.u32 $0x1, s2  }
0x4e: {  	_ =	strace $0x80000061;
	s0 =	sadd.s32 $0x7, s0  }
0x4f: {  	_ =	swait.ge [sflag:s0], $0x5000  }
0x50: {  	[sflag:s0] =	ssyncset.done $0x0  }
0x51: {  	[sflag:s0] =	ssyncadd.s32 $0xFFFFB000  }
0x52: {  	s30 =	sand.u32 $0x1, s20;
	_ =	strace $0x90000061  }
0x53: {  	s0 =	sadd.s32 $0x9, s30;
	_ =	strace $0x80000062  }
0x54: {  	_ =	swait.ge [sflag:s0], $0x5000  }
0x55: {  	s19 =	sadd.s32 $0x1, s19;
	s31 =	rddreg [dreg:$0x5]  }
0x56: {  	p0 =	sne.s32 s19, s31  }
.Ltmp1:
0x57: {  	_ = 	snop;
	(pc) =	sbr.rel @p0 .LBB2_1-.Ltmp1, $4  }
0x58: {  	_ = 	snop  }
0x59: {  	[sflag:s0] =	ssyncset.done $0x0  }
0x5a: {  	[sflag:s0] =	ssyncadd.s32 $0xFFFFB000  }
0x5b: {  	_ =	strace $0x90000062  }
0x5c: {  	_ =	sfence.sel $0x180000  }
0x5d: {  	[bflag:$0x0] =	sbarrier.arrive $0xFFFF  }
0x5e: {  	_ =	strace $0x90000056  }
0x5f: {  	s0 =	stileid.u32;
	[bflag:$0x2] =	sbarrier.arrive $0xFFFF  }
0x60: {  	p0 =	sne.s32 s0, $0x0;
	s0 =	rddreg [dreg:$0x2]  }
0x61: {  	s0 =	sadd.s32 @!p0 $0x100000, s0  }
0x62: {  	[sflag:s0] =	ssyncadd.tile.s32 @!p0 $0x1;
	_ =	shalt  }
.Lfunc_end2:
_tile_overlayer_lowered:
.L_overlay_start_2:
0x63: {  	(tag) =	ssettag $0x2  }
0x64: {  	s0 =	rddreg [dreg:$0x0];
	s2 =	stileid.u32  }
0x65: {  	s1 =	rddreg [dreg:$0x1];
	p0 =	sne.s32 s2, $0x0  }
0x66: {  	s3 =	rddreg [dreg:$0x2];
	[bflag:$0x3] =	sbarrier.arrive $0xFFFF;
	s2 =	simm.s32 @!p0 $0x1C03  }
0x67: {  	[timem:s3], [sflag:s2] =	dma.local @!p0 [hbm:s0], s1  }
0x68: {  	s0 =	simm.s32 @!p0 $0x3  }
0x69: {  	_ =	swait.ge @!p0 [sflag:s0], s1  }
0x6a: {  	s1 =	ssub.s32 @!p0 $0x0, s1;
	[sflag:s0] =	ssyncset.done @!p0 $0x0  }
0x6b: {  	[sflag:s0] =	ssyncadd.s32 @!p0 s1  }
0x6c: {  	[bflag:$0x3] =	sbarrier.arrive $0xFFFF  }
0x6d: {  	_ =	shalt  }

// kernel: kernel.13.cloned.1.call-start
scs
__scs_entry_jumppad:
0x0: {  	(pc) =	sbr.rel $0x88, $3  }
0x1: {  	(tag) =	ssettag $0x0;
	lr =	simm.s32 $0x1  }
0x2: {  	[smem:$0x3F88] =	sst lr;
	_ =	strace $0xD0000000  }
0x3: {  	_ = 	snop  }
0x4: {  	_ = 	snop  }
0x5: {  	_ = 	snop  }
0x6: {  	_ = 	snop  }
0x7: {  	_ = 	snop  }
__scs_overlays_trampoline_lowered:
0x8: {  	[smem:$0x3F97] =	sst s0  }
0x9: {  	[smem:$0x3F98] =	sst s1  }
0xa: {  	[smem:$0x3F99] =	sst s2  }
0xb: {  	[smem:$0x3F9A] =	sst s3  }
0xc: {  	[smem:$0x3F9B] =	sst s4  }
0xd: {  	[smem:$0x3F9C] =	sst s5  }
0xe: {  	[smem:$0x3F9D] =	sst s6  }
0xf: {  	[smem:$0x3F9E] =	sst s7  }
0x10: {  	[smem:$0x3F9F] =	sst s8  }
0x11: {  	[smem:$0x3FA0] =	sst s9;
	s0 =	simm.s32 @!p0 $0x0  }
0x12: {  	s1 =	sld [smem:$0x3F86];
	s0 =	simm.s32 @p0 $0x1  }
0x13: {  	[smem:$0x3FA1] =	sst s0;
	s0 =	simm.s32 @!p1 $0x0  }
0x14: {  	s2 =	sld [smem:$0x3F85];
	s0 =	simm.s32 @p1 $0x1  }
0x15: {  	[smem:$0x3FA2] =	sst s0;
	s0 =	simm.s32 @!p2 $0x0  }
0x16: {  	s3 =	sld [smem:$0x3FDB];
	s0 =	simm.s32 @p2 $0x1  }
0x17: {  	s4 =	simm.s32 $0x1BF5;
	[smem:$0x3FA4] =	sst s0  }
0x18: {  	s0 =	sld [smem:$0x3F87];
	_ =	swait.ge [sflag:s4], $0x0  }
0x19: {  	s7 =	sld [smem:$0x3F88]  }
0x1a: {  	s8 =	sadd.s32 $0xFFFFE003, lr  }
0x1b: {  	s9 =	sadd.s32 $0xFFFFFEF7, lr;
	s5 =	simm.s32 $0xFFFFFFFF;
	p2 =	slt.u32 s8, $0xFFFFF086  }
0x1c: {  	p1 =	slt.u32 s9, $0xF7A;
	s5 =	simm.s32 @!p2 $0x0  }
0x1d: {  	s5 =	simm.s32 @p1 $0x1;
	p0 =	seq.s32 s7, s2  }
0x1e: {  	s7 =	smul.u32 @!p0 $0xF7A, s2;
	p2 =	seq.s32 @!p0 s5, $0x0  }
0x1f: {  	s9 =	smul.u32 $0xF7A, s1;
	s8 =	simm.s32 @!p0 $0x1BF5;
	p2 =	por !p2, p0  }
0x20: {  	[sflag:s8] =	ssyncset.s32 @!p0 $0xFFFFF086;
	s6 =	sadd.s32 @!p0 s3, s7;
	s7 =	simm.s32 @!p0 $0x108  }
0x21: {  	s3 =	sadd.s32 s3, s9;
	s6 =	sadd.s32 @!p0 $0x88, s6;
	s7 =	simm.s32 @p2 $0x1082  }
0x22: {  	[simem:s7], [sflag:s8] =	dma.local @!p0 [hbm:s6], $0xF7A  }
0x23: {  	s9 =	sor.u32 $0xD0000000, s2;
	s6 =	simm.s32 $0x108;
	_ =	swait.ge @!p0 [sflag:s8], $0x0  }
0x24: {  	s3 =	sadd.s32 $0x88, s3;
	s6 =	simm.s32 @!p1 $0x1082;
	[sflag:s4] =	ssyncset.s32 $0xFFFFF086  }
0x25: {  	[simem:s6], [sflag:s4] =	dma.local [hbm:s3], $0xF7A  }
0x26: {  	[smem:$0x3F88] =	sst s1;
	(tag) =	ssettag s2;
	_ =	strace s9  }
0x27: {  	s1 =	sld [smem:$0x3F98]  }
0x28: {  	s2 =	sld [smem:$0x3F99]  }
0x29: {  	s4 =	sld [smem:$0x3F9B]  }
0x2a: {  	p0 =	seq.s32 s5, $0x0;
	s5 =	sld [smem:$0x3F9C]  }
0x2b: {  	s6 =	sld [smem:$0x3F9D]  }
0x2c: {  	s7 =	sld [smem:$0x3F9E]  }
0x2d: {  	s3 =	simm.s32 $0x108;
	s8 =	sld [smem:$0x3F9F]  }
0x2e: {  	s3 =	simm.s32 @!p0 $0x1082;
	s9 =	sld [smem:$0x3FA0]  }
0x2f: {  	lr =	sadd.s32 s0, s3;
	s0 =	sld [smem:$0x3F97]  }
0x30: {  	s3 =	sld [smem:$0x3F9A]  }
0x31: {  	[smem:$0x3FA3] =	sst s10  }
0x32: {  	s10 =	sld [smem:$0x3FA1];
	_ =	sdelay $0x3  }
0x33: {  	p0 =	seq.s32 s10, $0x1;
	s10 =	sld [smem:$0x3FA3];
	_ =	sdelay $0x3  }
0x34: {  	[smem:$0x3FA3] =	sst s10  }
0x35: {  	s10 =	sld [smem:$0x3FA2];
	_ =	sdelay $0x3  }
0x36: {  	p1 =	seq.s32 s10, $0x1;
	s10 =	sld [smem:$0x3FA3];
	_ =	sdelay $0x3  }
0x37: {  	[smem:$0x3FA3] =	sst s10  }
0x38: {  	s10 =	sld [smem:$0x3FA4]  }
0x39: {  	_ = 	snop;
	(pc) =	sbr.ind lr, $3  }
0x3a: {  	_ = 	snop  }
0x3b: {  	_ = 	snop  }
0x3c: {  	p2 =	seq.s32 s10, $0x1;
	s10 =	sld [smem:$0x3FA3]  }
0x3d: {  	_ =	shalt  }
0x3e: {  	_ =	shalt  }
0x3f: {  	_ =	shalt  }
0x40: {  	_ =	shalt  }
0x41: {  	_ =	shalt  }
0x42: {  	_ =	shalt  }
0x43: {  	_ =	shalt  }
0x44: {  	_ =	shalt  }
0x45: {  	_ =	shalt  }
0x46: {  	_ =	shalt  }
0x47: {  	_ =	shalt  }
0x48: {  	_ =	shalt  }
0x49: {  	_ =	shalt  }
0x4a: {  	_ =	shalt  }
0x4b: {  	_ =	shalt  }
0x4c: {  	_ =	shalt  }
0x4d: {  	_ =	shalt  }
0x4e: {  	_ =	shalt  }
0x4f: {  	_ =	shalt  }
0x50: {  	_ =	shalt  }
0x51: {  	_ =	shalt  }
0x52: {  	_ =	shalt  }
0x53: {  	_ =	shalt  }
0x54: {  	_ =	shalt  }
0x55: {  	_ =	shalt  }
0x56: {  	_ =	shalt  }
0x57: {  	_ =	shalt  }
0x58: {  	_ =	shalt  }
0x59: {  	_ =	shalt  }
0x5a: {  	_ =	shalt  }
0x5b: {  	_ =	shalt  }
0x5c: {  	_ =	shalt  }
0x5d: {  	_ =	shalt  }
0x5e: {  	_ =	shalt  }
0x5f: {  	_ =	shalt  }
0x60: {  	_ =	shalt  }
0x61: {  	_ =	shalt  }
0x62: {  	_ =	shalt  }
0x63: {  	_ =	shalt  }
0x64: {  	_ =	shalt  }
0x65: {  	_ =	shalt  }
0x66: {  	_ =	shalt  }
0x67: {  	_ =	shalt  }
0x68: {  	_ =	shalt  }
0x69: {  	_ =	shalt  }
0x6a: {  	_ =	shalt  }
0x6b: {  	_ =	shalt  }
0x6c: {  	_ =	shalt  }
0x6d: {  	_ =	shalt  }
0x6e: {  	_ =	shalt  }
0x6f: {  	_ =	shalt  }
0x70: {  	_ =	shalt  }
0x71: {  	_ =	shalt  }
0x72: {  	_ =	shalt  }
0x73: {  	_ =	shalt  }
0x74: {  	_ =	shalt  }
0x75: {  	_ =	shalt  }
0x76: {  	_ =	shalt  }
0x77: {  	_ =	shalt  }
0x78: {  	_ =	shalt  }
0x79: {  	_ =	shalt  }
0x7a: {  	_ =	shalt  }
0x7b: {  	_ =	shalt  }
0x7c: {  	_ =	shalt  }
0x7d: {  	_ =	shalt  }
0x7e: {  	_ =	shalt  }
0x7f: {  	_ =	shalt  }
0x80: {  	_ =	shalt  }
0x81: {  	_ =	shalt  }
0x82: {  	_ =	shalt  }
0x83: {  	_ =	shalt  }
0x84: {  	_ =	shalt  }
0x85: {  	_ =	shalt  }
0x86: {  	_ =	shalt  }
0x87: {  	_ =	shalt  }
.Lfunc_end0:
.L_simem_size_0:
called_computation.1_lowered:
.L_overlay_start_0:
0x88: {  	s2 =	sld [smem:$0x3FD9]  }
0x89: {  	s3 =	sld [smem:$0x3FFE];
	_ =	sdelay $0x1  }
0x8a: {  	s1 =	srdreg.scid  }
0x8b: {  	s0 =	sand.u32 $0x1, s1  }
0x8c: {  	s14 =	sshll.u32 s0, $0xA;
	s2 =	sadd.s32 s3, s2  }
0x8d: {  	s2 =	sadd.s32 s2, s14  }
0x8e: {  	[smem:$0x3FAF] =	sst s2  }
0x8f: {  	_ = 	snop  }
0x90: {  	s2 =	sld [smem:$0x3FD0];
	_ =	sdelay $0x2  }
0x91: {  	s15 =	simm.s32 $0xB;
	s4 =	simm.s32 $0x10  }
0x92: {  	[smem:s4], [sflag:s15] =	dma.local [hbm:s2], $0x1  }
0x93: {  	_ =	swait.eq [sflag:s15], $0x1  }
0x94: {  	[sflag:s15] =	ssyncset.done $0x0  }
0x95: {  	s16 =	sld [smem:$0x11];
	[sflag:s15] =	ssyncadd.s32 $0xFFFFFFFF  }
0x96: {  	s17 =	sld [smem:$0x12];
	(tm) =	ssettm $0x1  }
0x97: {  	s18 =	sld [smem:$0x3FFB];
	_ =	sdelay $0x3  }
0x98: {  	_ =	strace s18  }
0x99: {  	s4 =	sld [smem:$0x3FFC];
	_ =	sdelay $0x3  }
0x9a: {  	_ =	strace s4  }
0x9b: {  	s4 =	sld [smem:$0x3FFD];
	_ =	sdelay $0x3  }
0x9c: {  	_ =	strace s4  }
0x9d: {  	_ =	strace $0x8FFFFFFF  }
0x9e: {  	s19 =	sld [smem:$0x3FDB];
	_ =	sdelay $0x1  }
0x9f: {  	s5 =	simm.s32 $_scs_section_size  }
0xa0: {  	s6 =	simm.s32 $_size__tile_overlayer_lowered;
	s7 =	simm.s32 $_tile_overlayer_lowered  }
0xa1: {  	s22 =	simm.s32 $0x1BFF;
	s21 =	sshll.u32 s7, $0x1;
	s4 =	sadd.s32 s5, s19  }
0xa2: {  	s8 =	simm.s32 $0x0;
	s20 =	sshll.u32 s6, $0x1;
	s6 =	sadd.s32 s21, s4  }
0xa3: {  	[timem:s8], [sflag:s22] =	dma.local [hbm:s6], s20  }
0xa4: {  	_ =	swait.ge [sflag:s22], s20  }
0xa5: {  	s5 =	ssub.s32 $0x0, s20;
	[sflag:s22] =	ssyncset.done $0x0  }
0xa6: {  	[sflag:s22] =	ssyncadd.s32 s5;
	_ =	sdelay $0x1  }
0xa7: {  	s23 =	simm.s32 $0x1B8B  }
0xa8: {  	_ =	swait.ge [sflag:s23], $0x1  }
0xa9: {  	[sflag:s23] =	ssyncset.done $0x0  }
0xaa: {  	s25 =	simm.s32 $0x1B8E;
	s24 =	sld [smem:$0x3FFE];
	[sflag:s23] =	ssyncadd.s32 $0xFFFFFFFF  }
0xab: {  	s26 =	simm.s32 $execute0_lowered;
	[smem:$0x3FD2] =	sst s25  }
0xac: {  	s6 =	sshll.u32 s26, $0x1;
	_ =	strace $0x80000046;
	[dreg:$0x1] =	wrdreg $0xFFFFFFFF  }
0xad: {  	s28 =	simm.s32 $_size_execute0_lowered;
	s4 =	sadd.s32 s4, s6;
	[dreg:$0x0] =	wrdreg $0x0  }
0xae: {  	s6 =	sshll.u32 s28, $0x1;
	[dreg:$0x2] =	wrdreg s4  }
0xaf: {  	[dreg:$0x3] =	wrdreg s6  }
0xb0: {  	[dreg:$0x4] =	wrdreg $0xC0  }
0xb1: {  	_ =	task [dreg:s8], $0x5FFFF  }
0xb2: {  	[dreg:$0x1] =	wrdreg $0xFFFFFFFF  }
0xb3: {  	[dreg:$0x0] =	wrdreg $0x60  }
0xb4: {  	[dreg:$0x2] =	wrdreg s17  }
0xb5: {  	[dreg:$0x3] =	wrdreg s24  }
0xb6: {  	[dreg:$0x4] =	wrdreg s16  }
0xb7: {  	[dreg:$0x5] =	wrdreg $0xA  }
0xb8: {  	_ =	task.clear_ibuf [dreg:s8], $0x6FFFF;
	_ =	strace $0x90000046  }
0xb9: {  	s29 =	simm.s32 $0xA;
	_ =	strace $0x80000054  }
0xba: {  	_ =	swait.ge [sflag:s29], $0x1  }
0xbb: {  	[sflag:s29] =	ssyncadd.s32 $0xFFFFFFFF  }
0xbc: {  	_ =	strace $0x90000054  }
0xbd: {  	_ =	sfence  }
0xbe: {  	s30 =	sld [smem:$0x0];
	_ =	sdelay $0x2  }
0xbf: {  	s31 =	sshll.u32 s1, $0xD;
	s1 =	sshrl.u32 s1, $0x2  }
0xc0: {  	s3 =	sand.u32 $0x4000, s31;
	s1 =	sadd.s32 s1, s30  }
0xc1: {  	s0 =	sor.u32 s3, s0;
	s1 =	sshll.u32 s1, $0x11  }
0xc2: {  	s0 =	sor.u32 s1, s0  }
0xc3: {  	s0 =	sadd.s32 $0x8F2B, s0  }
0xc4: {  	[sflag:s0] =	ssyncadd.remote.s32 $0x1  }
0xc5: {  	_ =	sfence.sel $0xFFFF  }
0xc6: {  	[dreg:$0x0] =	wrdreg $0xFFFFFFFF;
	(pc) =	sbr.abs _section_cstart, $3  }
0xc7: {  	[dreg:$0x1] =	wrdreg $0xFFFFFFFF  }
0xc8: {  	_ =	task.clear_ibuf [dreg:s8], $0x2FFFF;
	_ =	strace $0x9FFFFFFF  }
0xc9: {  	(tm) =	ssettm $0x7FFFFFFF  }
tec
execute0_lowered:
.L_overlay_start_1:
0x0: {  	(tag) =	ssettag $0x1  }
0x1: {  	s0 =	rddreg [dreg:$0x0];
	s1 =	srdreg.scid  }
0x2: {  	s2 =	rddreg [dreg:$0x1];
	s1 =	sand.u32 $0x1, s1  }
0x3: {  	s3 =	rddreg [dreg:$0x2];
	s6 =	stileid.u32;
	s5 =	sshll.u32 s1, $0x4  }
0x4: {  	s4 =	simm.s32 $0x0;
	s16 =	simm.s32 $0xA0;
	s6 =	sor.u32 s6, s5  }
0x5: {  	s17 =	simm.s32 $0x1;
	s18 =	simm.s32 $0x2;
	s7 =	smul.u32 $0x3E, s6  }
0x6: {  	s8 =	sadd.s32 $0x5800, s2;
	p0 =	seq.s32 s1, $0x0;
	s9 =	smul.u32 $0x3F, s6  }
0x7: {  	s10 =	ssub.s32 $0x2, s1;
	s5 =	sadd.s32 $0x25400, s2;
	s7 =	sadd.s32 $0x10, s7  }
0x8: {  	s30 =	sshrl.u32 s10, $0x1;
	s6 =	sadd.s32 $0x15200, s2;
	s7 =	smov.u32 @p0 s9  }
0x9: {  	s9 =	sadd.s32 $0x73800, s2;
	s2 =	ssub.s32 s10, s30;
	s11 =	sshll.u32 s7, $0x5  }
0xa: {  	[smem:$0x7FF] =	sst s4;
	s31 =	smax.u32 s2, $0x1;
	s11 =	sand.u32 $0x1FFFFFE0, s11  }
0xb: {  	_ =	strace $0x80000047;
	[dreg:$0x6] =	wrdreg s31;
	s12 =	sadd.s32 s6, s11  }
0xc: {  	s19 =	simm.s32 $0x0;
	s11 =	sadd.s32 s8, s11;
	[dreg:$0x4] =	wrdreg s12  }
0xd: {  	s13 =	ssub.s32 $0x3E, s1;
	s10 =	sxor.u32 $0x3F, s1;
	[dreg:$0x5] =	wrdreg s11  }
.LBB2_1:
0xe: {  	_ =	strace $0x80000048;
	s2 =	simm.s32 $0x200;
	s31 =	simm.s32 $0x0  }
0xf: {  	s20 =	simm.s32 $0x0;
	s21 =	simm.s32 $0x0;
	s28 =	simm.s32 $0x0  }
0x10: {  	s22 =	simm.s32 $0x0;
	s23 =	simm.s32 $0x0;
	s1 =	rddreg [dreg:$0x4]  }
0x11: {  	[tilespmem:s4], [sflag:$0x3] =	stream.linear.gather [hbm4b:s1+s4], $0x100, $0x200038;
	[tilespmem:$0x14400] =	vst v63  }
0x12: {  	s24 =	simm.s32 $0x1;
	s25 =	simm.s32 $0x0;
	s29 =	rddreg [dreg:$0x5]  }
0x13: {  	[tilespmem:s2], [sflag:$0x5] =	stream.linear.gather [hbm4b:s29+s4], $0x100, $0x200038;
	[tilespmem:$0x14400] =	vst v63  }
0x14: {  	s30 =	simm.s32 $0x1;
	s26 =	simm.s32 $0x0;
	_ =	strace $0x90000048  }
.LBB2_2:
0x15: {  	s29 =	sadd.s32 $0x1, s31  }
0x16: {  	p0 =	seq.s32 s29, s10  }
0x17: {  	s29 =	simm.s32 @p0 $0x0;
	p0 =	sge.u32 s26, s13  }
0x18: {  	p1 =	seq.s32 @!p0 s31, s29  }
0x19: {  	p2 =	por p1, p0  }
0x1a: {  	s1 =	sadd.s32 @!p2 s7, s29  }
0x1b: {  	s2 =	sand.u32 @!p2 $0x1, s30;
	s1 =	sshll.u32 @!p2 s1, $0x5  }
0x1c: {  	_ =	strace @!p2 $0x80000049;
	s15 =	simm.s32 @!p2 $0x0;
	s1 =	sand.u32 @!p2 $0x1FFFFFE0, s1  }
0x1d: {  	s11 =	sshll.u32 @!p2 s2, $0x8;
	s2 =	sadd.s32 @!p2 $0x3, s2;
	s12 =	sadd.s32 @!p2 s6, s1  }
0x1e: {  	[tilespmem:s11], [sflag:s2] =	stream.linear.gather @!p2 [hbm4b:s12+s15], $0x100, $0x200038;
	[tilespmem:$0x14400] =	vst v63  }
0x1f: {  	s2 =	sand.u32 @!p2 $0x1, s24  }
0x20: {  	s1 =	sadd.s32 @!p2 s8, s1;
	_ =	strace @!p2 $0x90000049;
	s11 =	sshll.u32 @!p2 s2, $0x8  }
0x21: {  	s2 =	sadd.s32 @!p2 $0x5, s2;
	_ =	strace @!p2 $0x8000004A;
	s11 =	sor.u32 @!p2 $0x200, s11  }
0x22: {  	[tilespmem:s11], [sflag:s2] =	stream.linear.gather @!p2 [hbm4b:s1+s15], $0x100, $0x200038;
	[tilespmem:$0x14400] =	vst v63  }
0x23: {  	s2 =	sand.u32 $0x1, s25;
	_ =	strace @!p2 $0x9000004A  }
0x24: {  	s1 =	sadd.s32 $0x3, s2;
	_ =	strace $0x8000004B  }
0x25: {  	_ =	swait.ge [sflag:s1], $0x100  }
0x26: {  	[sflag:s1] =	ssyncset.done $0x0  }
0x27: {  	[sflag:s1] =	ssyncadd.s32 $0xFFFFFF00  }
0x28: {  	s11 =	sand.u32 $0x1, s23;
	_ =	strace $0x9000004B  }
0x29: {  	s1 =	sadd.s32 $0x5, s11;
	_ =	strace $0x8000004C  }
0x2a: {  	s15 =	sand.u32 $0x1, s22;
	_ =	swait.ge [sflag:s1], $0x100  }
0x2b: {  	s14 =	sshll.u32 s25, $0x8;
	s12 =	smul.u32 $0x14000, s15;
	[sflag:s1] =	ssyncset.done $0x0  }
0x2c: {  	s14 =	sand.u32 $0x100, s14;
	[sflag:s1] =	ssyncadd.s32 $0xFFFFFF00  }
0x2d: {  	s2 =	sand.u32 $0x1, s21;
	s1 =	sshrl.u32 s12, $0x2;
	_ =	strace $0x9000004C  }
0x2e: {  	s12 =	smul.u32 $0x14000, s2;
	s11 =	sor.u32 $0x400, s1;
	_ =	strace $0x8000004D  }
0x2f: {  	[tilespmem:s11], [sflag:$0x1] =	stream.indirect.gather [hbm4b:s0+s16], $0x80, s14, s16, $0x2000b8;
	[tilespmem:$0x14400] =	vst v63  }
0x30: {  	s14 =	sshll.u32 s23, $0x8  }
0x31: {  	s1 =	sshrl.u32 s12, $0x2;
	s14 =	sand.u32 $0x100, s14  }
0x32: {  	s12 =	sadd.s32 $0xA400, s1;
	s14 =	sor.u32 $0x200, s14  }
0x33: {  	[tilespmem:s12], [sflag:$0x2] =	stream.indirect.gather [hbm4b:s5+s16], $0x80, s14, s16, $0x2000b8;
	[tilespmem:$0x14400] =	vst v63  }
0x34: {  	p3 =	seq.s32 s13, s26;
	_ =	swait.ge [sflag:s17], $0x5000  }
0x35: {  	p4 =	seq.s32 @!p3 s31, s29;
	[sflag:s17] =	ssyncset.done $0x0  }
0x36: {  	p3 =	por p3, !p4;
	s1 =	simm.s32 $0x0;
	[sflag:s17] =	ssyncadd.s32 $0xFFFFB000  }
0x37: {  	s1 =	sadd.s32 @p3 s7, s31;
	_ =	swait.ge [sflag:s18], $0x5000  }
0x38: {  	s1 =	smul.u32 @p3 $0x5000, s1;
	[sflag:s18] =	ssyncset.done $0x0  }
0x39: {  	[sflag:s18] =	ssyncadd.s32 $0xFFFFB000  }
0x3a: {  	s1 =	sshrl.u32 @p3 s1, $0x3;
	_ =	strace $0x9000004D  }
0x3b: {  	s14 =	sadd.s32 @p3 $0x7, s15;
	s15 =	sadd.s32 @p3 s3, s1;
	_ =	strace @p3 $0x8000004E  }
0x3c: {  	[hbm4b:s15+s4] =	stream.linear.scatter @p3 [tilespmem:s11], [sflag:s14], $0x5000, $0x200038;
	[tilespmem:$0x14400] =	vst v63  }
0x3d: {  	p1 =	por !p1, p0;
	s22 =	sadd.s32 @p3 $0x1, s22;
	_ =	strace @p3 $0x9000004E  }
0x3e: {  	s2 =	sadd.s32 @p3 $0x9, s2;
	s1 =	sadd.s32 @p3 s9, s1;
	_ =	strace @p3 $0x8000004F  }
0x3f: {  	[hbm4b:s1+s4] =	stream.linear.scatter @p3 [tilespmem:s12], [sflag:s2], $0x5000, $0x200038;
	[tilespmem:$0x14400] =	vst v63  }
0x40: {  	s1 =	simm.s32 @p3 $0x1;
	_ =	strace @p3 $0x9000004F;
	p3 =	seq.s32 s26, $0x0  }
0x41: {  	s11 =	sadd.s32 @!p2 $0x1, s30;
	s14 =	smov.u32 s30;
	s2 =	sand.u32 @!p3 $0x1, s28  }
0x42: {  	s14 =	smov.u32 @p1 s11;
	_ =	strace @!p3 $0x80000050;
	s2 =	sadd.s32 @!p3 $0x7, s2  }
0x43: {  	s31 =	smov.u32 s29;
	s14 =	smov.u32 @p0 s30;
	_ =	swait.ge @!p3 [sflag:s2], $0x5000  }
0x44: {  	s30 =	smov.u32 s14;
	s21 =	sadd.s32 s21, s1;
	[sflag:s2] =	ssyncset.done @!p3 $0x0  }
0x45: {  	s26 =	sadd.s32 $0x1, s26;
	[sflag:s2] =	ssyncadd.s32 @!p3 $0xFFFFB000;
	s2 =	simm.s32 $0x0  }
0x46: {  	s25 =	sadd.s32 s25, s1;
	s12 =	sand.u32 @!p3 $0x1, s20;
	s2 =	simm.s32 @p1 $0x1  }
0x47: {  	_ =	strace @!p3 $0x90000050;
	s2 =	simm.s32 @p0 $0x0;
	p0 =	sne.s32 s10, s26  }
.Ltmp0:
0x48: {  	s12 =	sadd.s32 @!p3 $0x9, s12;
	_ =	strace @!p3 $0x80000051;
	(pc) =	sbr.rel @p0 .LBB2_2-.Ltmp0, $4  }
0x49: {  	s23 =	sadd.s32 s23, s1;
	s11 =	simm.s32 @!p3 $0x1;
	_ =	swait.ge @!p3 [sflag:s12], $0x5000  }
0x4a: {  	s24 =	sadd.s32 s24, s2;
	s2 =	sadd.s32 @!p3 $0x1, s28;
	[sflag:s12] =	ssyncset.done @!p3 $0x0  }
0x4b: {  	s11 =	simm.s32 @p3 $0x0;
	s2 =	smov.u32 @p3 s28;
	[sflag:s12] =	ssyncadd.s32 @!p3 $0xFFFFB000  }
0x4c: {  	s20 =	sadd.s32 s20, s11;
	s28 =	smov.u32 s2;
	_ =	strace @!p3 $0x90000051  }
0x4d: {  	s1 =	sand.u32 $0x1, s2  }
0x4e: {  	_ =	strace $0x80000052;
	s1 =	sadd.s32 $0x7, s1  }
0x4f: {  	_ =	swait.ge [sflag:s1], $0x5000  }
0x50: {  	[sflag:s1] =	ssyncset.done $0x0  }
0x51: {  	[sflag:s1] =	ssyncadd.s32 $0xFFFFB000  }
0x52: {  	s30 =	sand.u32 $0x1, s20;
	_ =	strace $0x90000052  }
0x53: {  	s1 =	sadd.s32 $0x9, s30;
	_ =	strace $0x80000053  }
0x54: {  	_ =	swait.ge [sflag:s1], $0x5000  }
0x55: {  	s19 =	sadd.s32 $0x1, s19;
	s31 =	rddreg [dreg:$0x6]  }
0x56: {  	p0 =	sne.s32 s19, s31  }
.Ltmp1:
0x57: {  	_ = 	snop;
	(pc) =	sbr.rel @p0 .LBB2_1-.Ltmp1, $4  }
0x58: {  	_ = 	snop  }
0x59: {  	[sflag:s1] =	ssyncset.done $0x0  }
0x5a: {  	[sflag:s1] =	ssyncadd.s32 $0xFFFFB000  }
0x5b: {  	_ =	strace $0x90000053  }
0x5c: {  	_ =	sfence.sel $0x180000  }
0x5d: {  	[bflag:$0x0] =	sbarrier.arrive $0xFFFF  }
0x5e: {  	_ =	strace $0x90000047  }
0x5f: {  	s0 =	stileid.u32;
	[bflag:$0x2] =	sbarrier.arrive $0xFFFF  }
0x60: {  	p0 =	sne.s32 s0, $0x0;
	s0 =	rddreg [dreg:$0x3]  }
0x61: {  	s0 =	sadd.s32 @!p0 $0x100000, s0  }
0x62: {  	[sflag:s0] =	ssyncadd.tile.s32 @!p0 $0x1;
	_ =	shalt  }
.Lfunc_end2:
_tile_overlayer_lowered:
.L_overlay_start_2:
0x63: {  	(tag) =	ssettag $0x2  }
0x64: {  	s0 =	rddreg [dreg:$0x0];
	s2 =	stileid.u32  }
0x65: {  	s1 =	rddreg [dreg:$0x1];
	p0 =	sne.s32 s2, $0x0  }
0x66: {  	s3 =	rddreg [dreg:$0x2];
	[bflag:$0x3] =	sbarrier.arrive $0xFFFF;
	s2 =	simm.s32 @!p0 $0x1C03  }
0x67: {  	[timem:s3], [sflag:s2] =	dma.local @!p0 [hbm:s0], s1  }
0x68: {  	s0 =	simm.s32 @!p0 $0x3  }
0x69: {  	_ =	swait.ge @!p0 [sflag:s0], s1  }
0x6a: {  	s1 =	ssub.s32 @!p0 $0x0, s1;
	[sflag:s0] =	ssyncset.done @!p0 $0x0  }
0x6b: {  	[sflag:s0] =	ssyncadd.s32 @!p0 s1  }
0x6c: {  	[bflag:$0x3] =	sbarrier.arrive $0xFFFF  }
0x6d: {  	_ =	shalt  }

// kernel: kernel.16.cloned.1.call-start
scs
__scs_entry_jumppad:
0x0: {  	(pc) =	sbr.rel $0x88, $3  }
0x1: {  	(tag) =	ssettag $0x0;
	lr =	simm.s32 $0x1  }
0x2: {  	[smem:$0x3F88] =	sst lr;
	_ =	strace $0xD0000000  }
0x3: {  	_ = 	snop  }
0x4: {  	_ = 	snop  }
0x5: {  	_ = 	snop  }
0x6: {  	_ = 	snop  }
0x7: {  	_ = 	snop  }
__scs_overlays_trampoline_lowered:
0x8: {  	[smem:$0x3F97] =	sst s0  }
0x9: {  	[smem:$0x3F98] =	sst s1  }
0xa: {  	[smem:$0x3F99] =	sst s2  }
0xb: {  	[smem:$0x3F9A] =	sst s3  }
0xc: {  	[smem:$0x3F9B] =	sst s4  }
0xd: {  	[smem:$0x3F9C] =	sst s5  }
0xe: {  	[smem:$0x3F9D] =	sst s6  }
0xf: {  	[smem:$0x3F9E] =	sst s7  }
0x10: {  	[smem:$0x3F9F] =	sst s8  }
0x11: {  	[smem:$0x3FA0] =	sst s9;
	s0 =	simm.s32 @!p0 $0x0  }
0x12: {  	s1 =	sld [smem:$0x3F86];
	s0 =	simm.s32 @p0 $0x1  }
0x13: {  	[smem:$0x3FA1] =	sst s0;
	s0 =	simm.s32 @!p1 $0x0  }
0x14: {  	s2 =	sld [smem:$0x3F85];
	s0 =	simm.s32 @p1 $0x1  }
0x15: {  	[smem:$0x3FA2] =	sst s0;
	s0 =	simm.s32 @!p2 $0x0  }
0x16: {  	s3 =	sld [smem:$0x3FDB];
	s0 =	simm.s32 @p2 $0x1  }
0x17: {  	s4 =	simm.s32 $0x1BF5;
	[smem:$0x3FA4] =	sst s0  }
0x18: {  	s0 =	sld [smem:$0x3F87];
	_ =	swait.ge [sflag:s4], $0x0  }
0x19: {  	s7 =	sld [smem:$0x3F88]  }
0x1a: {  	s8 =	sadd.s32 $0xFFFFE003, lr  }
0x1b: {  	s9 =	sadd.s32 $0xFFFFFEF7, lr;
	s5 =	simm.s32 $0xFFFFFFFF;
	p2 =	slt.u32 s8, $0xFFFFF086  }
0x1c: {  	p1 =	slt.u32 s9, $0xF7A;
	s5 =	simm.s32 @!p2 $0x0  }
0x1d: {  	s5 =	simm.s32 @p1 $0x1;
	p0 =	seq.s32 s7, s2  }
0x1e: {  	s7 =	smul.u32 @!p0 $0xF7A, s2;
	p2 =	seq.s32 @!p0 s5, $0x0  }
0x1f: {  	s9 =	smul.u32 $0xF7A, s1;
	s8 =	simm.s32 @!p0 $0x1BF5;
	p2 =	por !p2, p0  }
0x20: {  	[sflag:s8] =	ssyncset.s32 @!p0 $0xFFFFF086;
	s6 =	sadd.s32 @!p0 s3, s7;
	s7 =	simm.s32 @!p0 $0x108  }
0x21: {  	s3 =	sadd.s32 s3, s9;
	s6 =	sadd.s32 @!p0 $0x88, s6;
	s7 =	simm.s32 @p2 $0x1082  }
0x22: {  	[simem:s7], [sflag:s8] =	dma.local @!p0 [hbm:s6], $0xF7A  }
0x23: {  	s9 =	sor.u32 $0xD0000000, s2;
	s6 =	simm.s32 $0x108;
	_ =	swait.ge @!p0 [sflag:s8], $0x0  }
0x24: {  	s3 =	sadd.s32 $0x88, s3;
	s6 =	simm.s32 @!p1 $0x1082;
	[sflag:s4] =	ssyncset.s32 $0xFFFFF086  }
0x25: {  	[simem:s6], [sflag:s4] =	dma.local [hbm:s3], $0xF7A  }
0x26: {  	[smem:$0x3F88] =	sst s1;
	(tag) =	ssettag s2;
	_ =	strace s9  }
0x27: {  	s1 =	sld [smem:$0x3F98]  }
0x28: {  	s2 =	sld [smem:$0x3F99]  }
0x29: {  	s4 =	sld [smem:$0x3F9B]  }
0x2a: {  	p0 =	seq.s32 s5, $0x0;
	s5 =	sld [smem:$0x3F9C]  }
0x2b: {  	s6 =	sld [smem:$0x3F9D]  }
0x2c: {  	s7 =	sld [smem:$0x3F9E]  }
0x2d: {  	s3 =	simm.s32 $0x108;
	s8 =	sld [smem:$0x3F9F]  }
0x2e: {  	s3 =	simm.s32 @!p0 $0x1082;
	s9 =	sld [smem:$0x3FA0]  }
0x2f: {  	lr =	sadd.s32 s0, s3;
	s0 =	sld [smem:$0x3F97]  }
0x30: {  	s3 =	sld [smem:$0x3F9A]  }
0x31: {  	[smem:$0x3FA3] =	sst s10  }
0x32: {  	s10 =	sld [smem:$0x3FA1];
	_ =	sdelay $0x3  }
0x33: {  	p0 =	seq.s32 s10, $0x1;
	s10 =	sld [smem:$0x3FA3];
	_ =	sdelay $0x3  }
0x34: {  	[smem:$0x3FA3] =	sst s10  }
0x35: {  	s10 =	sld [smem:$0x3FA2];
	_ =	sdelay $0x3  }
0x36: {  	p1 =	seq.s32 s10, $0x1;
	s10 =	sld [smem:$0x3FA3];
	_ =	sdelay $0x3  }
0x37: {  	[smem:$0x3FA3] =	sst s10  }
0x38: {  	s10 =	sld [smem:$0x3FA4]  }
0x39: {  	_ = 	snop;
	(pc) =	sbr.ind lr, $3  }
0x3a: {  	_ = 	snop  }
0x3b: {  	_ = 	snop  }
0x3c: {  	p2 =	seq.s32 s10, $0x1;
	s10 =	sld [smem:$0x3FA3]  }
0x3d: {  	_ =	shalt  }
0x3e: {  	_ =	shalt  }
0x3f: {  	_ =	shalt  }
0x40: {  	_ =	shalt  }
0x41: {  	_ =	shalt  }
0x42: {  	_ =	shalt  }
0x43: {  	_ =	shalt  }
0x44: {  	_ =	shalt  }
0x45: {  	_ =	shalt  }
0x46: {  	_ =	shalt  }
0x47: {  	_ =	shalt  }
0x48: {  	_ =	shalt  }
0x49: {  	_ =	shalt  }
0x4a: {  	_ =	shalt  }
0x4b: {  	_ =	shalt  }
0x4c: {  	_ =	shalt  }
0x4d: {  	_ =	shalt  }
0x4e: {  	_ =	shalt  }
0x4f: {  	_ =	shalt  }
0x50: {  	_ =	shalt  }
0x51: {  	_ =	shalt  }
0x52: {  	_ =	shalt  }
0x53: {  	_ =	shalt  }
0x54: {  	_ =	shalt  }
0x55: {  	_ =	shalt  }
0x56: {  	_ =	shalt  }
0x57: {  	_ =	shalt  }
0x58: {  	_ =	shalt  }
0x59: {  	_ =	shalt  }
0x5a: {  	_ =	shalt  }
0x5b: {  	_ =	shalt  }
0x5c: {  	_ =	shalt  }
0x5d: {  	_ =	shalt  }
0x5e: {  	_ =	shalt  }
0x5f: {  	_ =	shalt  }
0x60: {  	_ =	shalt  }
0x61: {  	_ =	shalt  }
0x62: {  	_ =	shalt  }
0x63: {  	_ =	shalt  }
0x64: {  	_ =	shalt  }
0x65: {  	_ =	shalt  }
0x66: {  	_ =	shalt  }
0x67: {  	_ =	shalt  }
0x68: {  	_ =	shalt  }
0x69: {  	_ =	shalt  }
0x6a: {  	_ =	shalt  }
0x6b: {  	_ =	shalt  }
0x6c: {  	_ =	shalt  }
0x6d: {  	_ =	shalt  }
0x6e: {  	_ =	shalt  }
0x6f: {  	_ =	shalt  }
0x70: {  	_ =	shalt  }
0x71: {  	_ =	shalt  }
0x72: {  	_ =	shalt  }
0x73: {  	_ =	shalt  }
0x74: {  	_ =	shalt  }
0x75: {  	_ =	shalt  }
0x76: {  	_ =	shalt  }
0x77: {  	_ =	shalt  }
0x78: {  	_ =	shalt  }
0x79: {  	_ =	shalt  }
0x7a: {  	_ =	shalt  }
0x7b: {  	_ =	shalt  }
0x7c: {  	_ =	shalt  }
0x7d: {  	_ =	shalt  }
0x7e: {  	_ =	shalt  }
0x7f: {  	_ =	shalt  }
0x80: {  	_ =	shalt  }
0x81: {  	_ =	shalt  }
0x82: {  	_ =	shalt  }
0x83: {  	_ =	shalt  }
0x84: {  	_ =	shalt  }
0x85: {  	_ =	shalt  }
0x86: {  	_ =	shalt  }
0x87: {  	_ =	shalt  }
.Lfunc_end0:
.L_simem_size_0:
called_computation.2_lowered:
.L_overlay_start_0:
0x88: {  	s2 =	sld [smem:$0x3FD9]  }
0x89: {  	s3 =	sld [smem:$0x3FFE];
	_ =	sdelay $0x1  }
0x8a: {  	s1 =	srdreg.scid  }
0x8b: {  	s0 =	sand.u32 $0x1, s1  }
0x8c: {  	s17 =	sshll.u32 s0, $0xA;
	s2 =	sadd.s32 s3, s2  }
0x8d: {  	s2 =	sadd.s32 s2, s17  }
0x8e: {  	[smem:$0x3FAF] =	sst s2  }
0x8f: {  	_ = 	snop  }
0x90: {  	(tm) =	ssettm $0x1  }
0x91: {  	s18 =	sld [smem:$0x3FFB];
	_ =	sdelay $0x3  }
0x92: {  	_ =	strace s18  }
0x93: {  	s2 =	sld [smem:$0x3FFC];
	_ =	sdelay $0x3  }
0x94: {  	_ =	strace s2  }
0x95: {  	s2 =	sld [smem:$0x3FFD];
	_ =	sdelay $0x3  }
0x96: {  	_ =	strace s2  }
0x97: {  	_ =	strace $0x8FFFFFFF  }
0x98: {  	s19 =	sld [smem:$0x3FDB];
	_ =	sdelay $0x1  }
0x99: {  	s20 =	simm.s32 $_scs_section_size  }
0x9a: {  	s4 =	simm.s32 $_size__tile_overlayer_lowered;
	s5 =	simm.s32 $_tile_overlayer_lowered  }
0x9b: {  	s6 =	simm.s32 $0x1BFF;
	s21 =	sshll.u32 s5, $0x1;
	s3 =	sadd.s32 s20, s19  }
0x9c: {  	s22 =	simm.s32 $0x0;
	s4 =	sshll.u32 s4, $0x1;
	s5 =	sadd.s32 s21, s3  }
0x9d: {  	[timem:s22], [sflag:s6] =	dma.local [hbm:s5], s4  }
0x9e: {  	_ =	swait.ge [sflag:s6], s4  }
0x9f: {  	s4 =	ssub.s32 $0x0, s4;
	[sflag:s6] =	ssyncset.done $0x0  }
0xa0: {  	[sflag:s6] =	ssyncadd.s32 s4;
	_ =	sdelay $0x1  }
0xa1: {  	s23 =	simm.s32 $0x1B8B  }
0xa2: {  	_ =	swait.ge [sflag:s23], $0x1  }
0xa3: {  	[sflag:s23] =	ssyncset.done $0x0  }
0xa4: {  	[sflag:s23] =	ssyncadd.s32 $0xFFFFFFFF  }
0xa5: {  	s4 =	sld [smem:$0x0]  }
0xa6: {  	s5 =	sand.u32 $0xFFFFFFFE, s1  }
0xa7: {  	p0 =	sne.s32 s1, s5  }
0xa8: {  	s5 =	sshll.u32 @p0 s5, $0xE  }
0xa9: {  	s5 =	sadd.s32 @p0 $0x11B8D, s5;
	s6 =	sshll.u32 @p0 s4, $0x11  }
0xaa: {  	s5 =	sor.u32 @p0 s6, s5  }
0xab: {  	[sflag:s5] =	ssyncadd.remote.s32 @p0 $0x1;
	_ =	sdelay $0x1  }
0xac: {  	s5 =	simm.s32 @p0 $0x1B8D  }
0xad: {  	_ =	swait.eq @p0 [sflag:s5], $0x1  }
0xae: {  	[sflag:s5] =	ssyncadd.s32 @p0 $0xFFFFFFFF  }
0xaf: {  	s6 =	sshll.u32 @!p0 s1, $0xE  }
0xb0: {  	s6 =	sor.u32 @!p0 $0x4000, s6;
	s5 =	simm.s32 @!p0 $0x1B8D  }
0xb1: {  	s4 =	sshll.u32 @!p0 s4, $0x11;
	s6 =	sadd.s32 @!p0 $0x11B8D, s6;
	_ =	swait.eq @!p0 [sflag:s5], $0x1  }
0xb2: {  	s4 =	sor.u32 @!p0 s4, s6;
	[sflag:s5] =	ssyncadd.s32 @!p0 $0xFFFFFFFF  }
0xb3: {  	s25 =	simm.s32 $0x1B8E;
	s24 =	sld [smem:$0x3FFE];
	[sflag:s4] =	ssyncadd.remote.s32 @!p0 $0x1  }
0xb4: {  	s26 =	simm.s32 $execute0_lowered;
	[smem:$0x3FD2] =	sst s25  }
0xb5: {  	s5 =	sshll.u32 s26, $0x1;
	_ =	strace $0x8000006D;
	[dreg:$0x1] =	wrdreg $0xFFFFFFFF  }
0xb6: {  	s28 =	simm.s32 $_size_execute0_lowered;
	s3 =	sadd.s32 s3, s5;
	[dreg:$0x0] =	wrdreg $0x0  }
0xb7: {  	s5 =	sshll.u32 s28, $0x1;
	[dreg:$0x2] =	wrdreg s3  }
0xb8: {  	[dreg:$0x3] =	wrdreg s5  }
0xb9: {  	[dreg:$0x4] =	wrdreg $0xC0  }
0xba: {  	_ =	task [dreg:s22], $0x5FFFF  }
0xbb: {  	[dreg:$0x1] =	wrdreg $0xFFFFFFFF  }
0xbc: {  	[dreg:$0x0] =	wrdreg $0x60  }
0xbd: {  	[dreg:$0x2] =	wrdreg s24  }
0xbe: {  	[dreg:$0x3] =	wrdreg $0x0  }
0xbf: {  	[dreg:$0x4] =	wrdreg $0x9  }
0xc0: {  	_ =	task.clear_ibuf [dreg:s22], $0x5FFFF;
	_ =	strace $0x9000006D  }
0xc1: {  	s29 =	simm.s32 $0x9;
	_ =	strace $0x80000075  }
0xc2: {  	_ =	swait.ge [sflag:s29], $0x1  }
0xc3: {  	[sflag:s29] =	ssyncadd.s32 $0xFFFFFFFF  }
0xc4: {  	_ =	strace $0x90000075  }
0xc5: {  	_ =	sfence  }
0xc6: {  	s30 =	sld [smem:$0x0];
	_ =	sdelay $0x2  }
0xc7: {  	s31 =	sshll.u32 s1, $0xD;
	s1 =	sshrl.u32 s1, $0x2  }
0xc8: {  	s4 =	sand.u32 $0x4000, s31;
	s1 =	sadd.s32 s1, s30  }
0xc9: {  	s0 =	sor.u32 s4, s0;
	s1 =	sshll.u32 s1, $0x11  }
0xca: {  	s0 =	sor.u32 s1, s0  }
0xcb: {  	s0 =	sadd.s32 $0x8F2B, s0  }
0xcc: {  	[sflag:s0] =	ssyncadd.remote.s32 $0x1  }
0xcd: {  	_ =	sfence.sel $0xFFFF  }
0xce: {  	[dreg:$0x0] =	wrdreg $0xFFFFFFFF;
	(pc) =	sbr.abs _section_cstart, $3  }
0xcf: {  	[dreg:$0x1] =	wrdreg $0xFFFFFFFF  }
0xd0: {  	_ =	task.clear_ibuf [dreg:s22], $0x2FFFF;
	_ =	strace $0x9FFFFFFF  }
0xd1: {  	(tm) =	ssettm $0x7FFFFFFF  }
tec
execute0_lowered:
.L_overlay_start_1:
0x0: {  	(tag) =	ssettag $0x1  }
0x1: {  	s0 =	rddreg [dreg:$0x0]  }
0x2: {  	s1 =	rddreg [dreg:$0x1]  }
0x3: {  	s2 =	srdreg.scid;
	s22 =	simm.s32 $0x0;
	s8 =	stileid.u32  }
0x4: {  	s30 =	simm.s32 $0x18A80;
	s31 =	simm.s32 $0xA0;
	s16 =	simm.s32 $0x5  }
0x5: {  	s6 =	sand.u32 $0x1, s2;
	[smem:$0x7FF] =	sst s22;
	s23 =	sadd.s32 $0x25400, s0  }
0x6: {  	p1 =	sne.s32 s8, $0x0;
	s3 =	sshll.u32 s6, $0x4;
	_ =	strace $0x8000006E  }
0x7: {  	s9 =	smul.u32 $0x27100, s6;
	p0 =	seq.s32 s6, $0x0;
	[dreg:$0x5] =	wrdreg s23  }
0x8: {  	s24 =	ssub.s32 $0x2, s6;
	s14 =	sshrl.u32 @!p1 s1, $0x3;
	[dreg:$0x3] =	wrdreg s30  }
0x9: {  	[dreg:$0x4] =	wrdreg s31;
	s4 =	sor.u32 s8, s3;
	s10 =	sshrl.u32 s24, $0x1  }
0xa: {  	s3 =	sadd.s32 $0x141AC00, s0;
	s5 =	smul.u32 $0x3E, s4;
	s12 =	ssub.s32 s24, s10  }
0xb: {  	[dreg:$0xa] =	wrdreg s14;
	s7 =	smul.u32 $0x3F, s4;
	s29 =	smax.u32 s12, $0x1  }
0xc: {  	s4 =	sadd.s32 $0x10, s5;
	s5 =	sadd.s32 $0x555800, s0;
	s0 =	sadd.s32 s9, s0  }
0xd: {  	[dreg:$0x9] =	wrdreg s29;
	s4 =	smov.u32 @p0 s7;
	s0 =	sadd.s32 $0xC1A00, s0  }
0xe: {  	s25 =	sshll.u32 s4, $0x5;
	[dreg:$0x8] =	wrdreg s0;
	s0 =	simm.s32 @!p1 $0x0  }
0xf: {  	s11 =	smul.u32 $0xA00, s4;
	s9 =	sand.u32 $0x1FFFFFE0, s25;
	s0 =	simm.s32 @p1 $0x1  }
0x10: {  	s20 =	simm.s32 $0x1;
	s26 =	sadd.s32 s5, s9;
	[smem:$0x7FD] =	sst s0  }
0x11: {  	s18 =	simm.s32 $0x0;
	s28 =	sadd.s32 s3, s11;
	[dreg:$0x6] =	wrdreg s26  }
0x12: {  	s10 =	ssub.s32 $0x3E, s6;
	s7 =	sxor.u32 $0x3F, s6;
	[dreg:$0x7] =	wrdreg s28  }
.LBB2_1:
0x13: {  	s13 =	simm.s32 @!p1 $0x1C01;
	s0 =	rddreg [dreg:$0x5];
	s19 =	simm.s32 @!p1 $0x1  }
0x14: {  	s25 =	simm.s32 $0x0;
	s6 =	simm.s32 $0x13880;
	s28 =	simm.s32 $0x13A80  }
0x15: {  	p0 =	seq.s32 s7, $0x1;
	s31 =	simm.s32 $0x0;
	p3 =	sle.u32 s10, $0x0  }
0x16: {  	[spmem:s14], [sflag:s13] =	dma.local @!p1 [hbm:s0], $0x27100  }
0x17: {  	p5 =	sne.s32 s7, $0x1;
	s0 =	simm.s32 $0x1;
	_ =	swait.ge @!p1 [sflag:s19], $0x27100  }
0x18: {  	s21 =	sand.u32 $0x1, s25;
	s0 =	simm.s32 @p0 $0x0;
	[sflag:s19] =	ssyncset.done @!p1 $0x0  }
0x19: {  	s29 =	sand.u32 $0x1, s25;
	p4 =	seq.s32 @!p3 s0, $0x0;
	[sflag:s19] =	ssyncadd.s32 @!p1 $0xFFFD8F00  }
0x1a: {  	p0 =	seq.s32 s10, $0x0;
	p2 =	por p4, p3;
	[bflag:$0x0] =	sbarrier.arrive $0xFFFF  }
0x1b: {  	p1 =	sne.s32 s0, $0x0;
	p4 =	por !p4, p3;
	_ =	strace $0x8000006F  }
.Ltmp0:
0x1c: {  	s11 =	sadd.s32 @!p2 s4, s0;
	s2 =	rddreg [dreg:$0x6];
	(pc) =	sbr.rel @!p5 .LBB2_2-.Ltmp0, $4  }
0x1d: {  	[tilespmem:s6], [sflag:$0x1] =	stream.linear.gather [hbm4b:s2+s25], $0x100, $0x200038;
	[tilespmem:$0x1DA80] =	vst v63  }
0x1e: {  	s9 =	sand.u32 @!p2 $0x1, s20;
	s26 =	rddreg [dreg:$0x7];
	s6 =	sand.u32 $0x100, s31  }
0x1f: {  	[tilespmem:s28], [sflag:$0x3] =	stream.linear.gather [hbm4b:s26+s25], $0x5000, $0x200038;
	[tilespmem:$0x1DA80] =	vst v63  }
0x20: {  	s30 =	sand.u32 @!p2 $0x1, s20;
	s22 =	sor.u32 $0x13880, s6;
	_ =	strace $0x9000006F  }
0x21: {  	s6 =	sshll.u32 @!p2 s9, $0x8;
	s8 =	sshll.u32 @!p2 s11, $0x5  }
0x22: {  	s11 =	smul.u32 @!p2 $0x5000, s11;
	s9 =	sadd.s32 @!p2 $0x1, s9;
	_ =	strace @!p2 $0x80000070  }
0x23: {  	s17 =	simm.s32 @!p2 $0x0;
	s23 =	smul.u32 @!p2 $0x14000, s30;
	s8 =	sand.u32 @!p2 $0x1FFFFFE0, s8  }
0x24: {  	s6 =	sor.u32 @!p2 $0x13880, s6;
	s14 =	sadd.s32 @!p2 s5, s8;
	s11 =	sshrl.u32 @!p2 s11, $0x3  }
0x25: {  	[tilespmem:s6], [sflag:s9] =	stream.linear.gather @!p2 [hbm4b:s14+s17], $0x100, $0x200038;
	[tilespmem:$0x1DA80] =	vst v63  }
0x26: {  	s6 =	sadd.s32 @!p2 s3, s11;
	s9 =	sshrl.u32 @!p2 s23, $0x2;
	_ =	strace @!p2 $0x90000070  }
0x27: {  	s11 =	sadd.s32 @!p2 $0x3, s30;
	s9 =	sadd.s32 @!p2 $0x13A80, s9;
	_ =	strace @!p2 $0x80000071  }
0x28: {  	[tilespmem:s9], [sflag:s11] =	stream.linear.gather @!p2 [hbm4b:s6+s17], $0x5000, $0x200038;
	[tilespmem:$0x1DA80] =	vst v63  }
0x29: {  	s12 =	simm.s32 @!p2 $0x2;
	_ =	strace @!p2 $0x90000071  }
0x2a: {  	p0 =	por p0, p1;
	s14 =	sadd.s32 $0x1, s21;
	_ =	strace $0x80000072  }
0x2b: {  	s8 =	simm.s32 $0x1;
	s9 =	simm.s32 $0x1;
	_ =	swait.ge [sflag:s14], $0x100  }
0x2c: {  	s9 =	simm.s32 @!p0 $0x0;
	p0 =	sne.s32 s7, $0x2;
	[sflag:s14] =	ssyncset.done $0x0  }
0x2d: {  	s8 =	smov.u32 @p4 s12;
	s2 =	simm.s32 @!p0 $0x0;
	[sflag:s14] =	ssyncadd.s32 $0xFFFFFF00  }
0x2e: {  	s8 =	smov.u32 @p3 s20;
	s2 =	simm.s32 @p0 $0x1;
	_ =	strace $0x90000072  }
0x2f: {  	s20 =	sadd.s32 $0x3, s29;
	_ =	strace $0x80000073;
	[smem:$0x7FB] =	sst s2  }
0x30: {  	_ =	swait.ge [sflag:s20], $0x5000  }
0x31: {  	s15 =	simm.s32 $0x0;
	[sflag:s20] =	ssyncset.done $0x0  }
0x32: {  	s25 =	simm.s32 $0x2;
	s28 =	sadd.s32 $0x1, s0;
	[sflag:s20] =	ssyncadd.s32 $0xFFFFB000  }
0x33: {  	p5 =	sle.u32 s10, $0x1;
	p6 =	seq.s32 s29, $0x1;
	_ =	strace $0x90000073  }
0x34: {  	p1 =	por $0x1, $0x1;
	s15 =	simm.s32 @p4 $0x1;
	_ =	strace $0x80000074  }
0x35: {  	s15 =	simm.s32 @p3 $0x0;
	p0 =	seq.s32 s28, s7;
	s31 =	sld [smem:$0x7FB]  }
0x36: {  	s24 =	sadd.s32 $0x1, s15;
	p3 =	seq.s32 s10, $0x1;
	s28 =	simm.s32 @p0 $0x0  }
0x37: {  	p0 =	seq.s32 @!p5 s0, s28;
	p4 =	sne.s32 s0, s28;
	s0 =	simm.s32 @!p1 $0x0  }
0x38: {  	s23 =	sadd.s32 $0x0, s9;
	s0 =	simm.s32 @p1 $0x1;
	p1 =	seq.s32 s31, $0x1  }
.Ltmp1:
0x39: {  	s21 =	sand.u32 $0x1, s23;
	s17 =	sshll.u32 s23, $0x8;
	(pc) =	sbr.rel @!p1 .LBB2_4-.Ltmp1, $4  }
0x3a: {  	s29 =	smov.u32 s23;
	s6 =	sand.u32 $0x100, s17;
	s14 =	sand.u32 $0x1, s23  }
0x3b: {  	s26 =	sor.u32 $0x13880, s6;
	p2 =	por p0, p5;
	[smem:$0x7FC] =	sst s0  }
0x3c: {  	p0 =	por !p0, p5;
	s11 =	sadd.s32 @!p2 s4, s28;
	s12 =	rddreg [dreg:$0x3]  }
0x3d: {  	s9 =	sand.u32 @!p2 $0x1, s8;
	s30 =	sand.u32 @!p2 $0x1, s24;
	s17 =	rddreg [dreg:$0x4]  }
.LBB2_5:
0x3e: {  	s31 =	sshll.u32 @!p2 s9, $0x8;
	s20 =	sshll.u32 @!p2 s11, $0x5;
	s12 =	simm.s32 @!p6 $0x13A80  }
0x3f: {  	s6 =	smov.u32 s14;
	s15 =	smov.u32 s25;
	s0 =	smov.u32 s28  }
0x40: {  	s2 =	sadd.s32 @!p2 $0x1, s8;
	s9 =	sadd.s32 @!p2 $0x1, s9;
	s11 =	smul.u32 @!p2 $0x5000, s11  }
0x41: {  	s25 =	sadd.s32 $0x1, s25;
	s28 =	sadd.s32 $0x1, s28;
	s14 =	sor.u32 @!p2 $0x13880, s31  }
0x42: {  	[spmem:s1] =	stream.indirect.scatter.add.f32 [tilespmem:s12], [sflag:$0x5], $0x80, s22, s17, $0x2000b8;
	[tilespmem:$0x1DA80] =	vst v63  }
0x43: {  	s20 =	sand.u32 @!p2 $0x1FFFFFE0, s20;
	s17 =	simm.s32 $0x0;
	s31 =	smov.u32 s8  }
0x44: {  	p1 =	sne.s32 s7, s25;
	s22 =	smov.u32 s26;
	_ =	swait.ge [sflag:s16], $0x5000  }
0x45: {  	p6 =	seq.s32 s6, $0x1;
	s12 =	sadd.s32 @!p2 s5, s20;
	[sflag:s16] =	ssyncset.done $0x0  }
0x46: {  	s17 =	simm.s32 @p0 $0x1;
	s11 =	sshrl.u32 @!p2 s11, $0x3;
	[sflag:s16] =	ssyncadd.s32 $0xFFFFB000  }
0x47: {  	s31 =	smov.u32 @p0 s2;
	s20 =	smul.u32 @!p2 $0x14000, s30;
	_ =	strace $0x90000074  }
0x48: {  	s2 =	sadd.s32 @!p2 s3, s11;
	s11 =	simm.s32 @!p2 $0x0;
	_ =	strace @!p2 $0x80000070  }
0x49: {  	[tilespmem:s14], [sflag:s9] =	stream.linear.gather @!p2 [hbm4b:s12+s11], $0x100, $0x200038;
	[tilespmem:$0x1DA80] =	vst v63  }
0x4a: {  	s31 =	smov.u32 @p5 s8;
	s9 =	sshrl.u32 @!p2 s20, $0x2;
	_ =	strace @!p2 $0x90000070  }
0x4b: {  	s8 =	sadd.s32 @!p2 $0x13A80, s9;
	s9 =	sadd.s32 @!p2 $0x3, s30;
	_ =	strace @!p2 $0x80000071  }
0x4c: {  	[tilespmem:s8], [sflag:s9] =	stream.linear.gather @!p2 [hbm4b:s2+s11], $0x5000, $0x200038;
	[tilespmem:$0x1DA80] =	vst v63  }
0x4d: {  	p0 =	por p3, p4;
	p3 =	seq.s32 s10, s15;
	_ =	strace @!p2 $0x90000071  }
0x4e: {  	s17 =	simm.s32 @p5 $0x0;
	s11 =	sadd.s32 $0x1, s21;
	_ =	strace $0x80000072  }
0x4f: {  	p5 =	sge.u32 s15, s10;
	s24 =	sadd.s32 s24, s17;
	_ =	swait.ge [sflag:s11], $0x100  }
0x50: {  	s20 =	sadd.s32 $0x3, s6;
	s8 =	simm.s32 $0x1;
	[sflag:s11] =	ssyncset.done $0x0  }
0x51: {  	s8 =	simm.s32 @!p0 $0x0;
	p0 =	seq.s32 s28, s7;
	[sflag:s11] =	ssyncadd.s32 $0xFFFFFF00  }
0x52: {  	s23 =	sadd.s32 s8, s23;
	s29 =	sadd.s32 s8, s29;
	_ =	strace $0x90000072  }
0x53: {  	s28 =	simm.s32 @p0 $0x0;
	s8 =	smov.u32 s31;
	_ =	strace $0x80000073  }
0x54: {  	s21 =	sand.u32 $0x1, s23;
	s14 =	sand.u32 $0x1, s29;
	_ =	swait.ge [sflag:s20], $0x5000  }
0x55: {  	s12 =	sshll.u32 s23, $0x8;
	p0 =	seq.s32 @!p5 s0, s28;
	[sflag:s20] =	ssyncset.done $0x0  }
.Ltmp2:
0x56: {  	p4 =	sne.s32 s0, s28;
	[sflag:s20] =	ssyncadd.s32 $0xFFFFB000;
	(pc) =	sbr.rel @p1 .LBB2_5-.Ltmp2, $4  }
0x57: {  	s17 =	sand.u32 $0x100, s12;
	p2 =	por p0, p5;
	_ =	strace $0x90000073  }
0x58: {  	p0 =	por !p0, p5;
	s2 =	sor.u32 $0x13880, s17;
	_ =	strace $0x80000074  }
0x59: {  	s11 =	sadd.s32 @!p2 s4, s28;
	s9 =	sand.u32 @!p2 $0x1, s31;
	s12 =	rddreg [dreg:$0x3]  }
0x5a: {  	s30 =	sand.u32 @!p2 $0x1, s24;
	s26 =	smov.u32 s2;
	s17 =	rddreg [dreg:$0x4]  }
0x5b: {  	s0 =	smov.u32 s22;
	s29 =	smov.u32 s14  }
0x5c: {  	s22 =	smov.u32 s26;
	s20 =	simm.s32 $0x1;
	s14 =	rddreg [dreg:$0xa]  }
.LBB2_7:
0x5d: {  	s2 =	sld [smem:$0x7FC];
	_ =	sdelay $0x2  }
0x5e: {  	p1 =	seq.s32 s2, $0x1  }
0x5f: {  	p0 =	por !p6, !p1  }
0x60: {  	s6 =	smul.u32 @!p2 $0x5000, s11;
	s12 =	simm.s32 @p0 $0x13A80  }
0x61: {  	[spmem:s1] =	stream.indirect.scatter.add.f32 @p1 [tilespmem:s12], [sflag:$0x5], $0x80, s0, s17, $0x2000b8;
	[tilespmem:$0x1DA80] =	vst v63  }
0x62: {  	s8 =	sadd.s32 @!p2 $0x1, s9;
	_ =	swait.ge @p1 [sflag:s16], $0x5000  }
0x63: {  	s6 =	sshrl.u32 @!p2 s6, $0x3;
	s2 =	sshll.u32 @!p2 s11, $0x5;
	[sflag:s16] =	ssyncset.done @p1 $0x0  }
0x64: {  	s11 =	smul.u32 @!p2 $0x14000, s30;
	s2 =	sand.u32 @!p2 $0x1FFFFFE0, s2;
	[sflag:s16] =	ssyncadd.s32 @p1 $0xFFFFB000  }
0x65: {  	s2 =	sadd.s32 @!p2 s5, s2;
	s0 =	sshll.u32 @!p2 s9, $0x8;
	_ =	strace @p1 $0x90000074  }
0x66: {  	s9 =	simm.s32 @!p2 $0x0;
	s0 =	sor.u32 @!p2 $0x13880, s0;
	_ =	strace @!p2 $0x80000070  }
0x67: {  	[tilespmem:s0], [sflag:s8] =	stream.linear.gather @!p2 [hbm4b:s2+s9], $0x100, $0x200038;
	[tilespmem:$0x1DA80] =	vst v63  }
0x68: {  	s0 =	sadd.s32 @!p2 s3, s6;
	s2 =	sshrl.u32 @!p2 s11, $0x2;
	_ =	strace @!p2 $0x90000070  }
0x69: {  	s6 =	sadd.s32 @!p2 $0x3, s30;
	s2 =	sadd.s32 @!p2 $0x13A80, s2;
	_ =	strace @!p2 $0x80000071  }
0x6a: {  	[tilespmem:s2], [sflag:s6] =	stream.linear.gather @!p2 [hbm4b:s0+s9], $0x5000, $0x200038;
	[tilespmem:$0x1DA80] =	vst v63  }
0x6b: {  	_ =	strace @!p2 $0x90000071  }
0x6c: {  	s25 =	sadd.s32 $0x1, s21;
	_ =	strace $0x80000072  }
0x6d: {  	_ =	swait.ge [sflag:s25], $0x100  }
0x6e: {  	[sflag:s25] =	ssyncset.done $0x0  }
0x6f: {  	[sflag:s25] =	ssyncadd.s32 $0xFFFFFF00  }
0x70: {  	_ =	strace $0x90000072  }
0x71: {  	s26 =	sadd.s32 $0x3, s29;
	_ =	strace $0x80000073  }
0x72: {  	_ =	swait.ge [sflag:s26], $0x5000  }
0x73: {  	[sflag:s26] =	ssyncset.done $0x0  }
0x74: {  	[sflag:s26] =	ssyncadd.s32 $0xFFFFB000  }
0x75: {  	_ =	strace $0x90000073  }
0x76: {  	_ =	strace $0x80000074  }
0x77: {  	p0 =	seq.s32 s29, $0x1;
	s0 =	rddreg [dreg:$0x3]  }
0x78: {  	s28 =	rddreg [dreg:$0x4];
	s0 =	simm.s32 @!p0 $0x13A80  }
0x79: {  	[spmem:s1] =	stream.indirect.scatter.add.f32 [tilespmem:s0], [sflag:$0x5], $0x80, s22, s28, $0x2000b8;
	[tilespmem:$0x1DA80] =	vst v63  }
0x7a: {  	_ =	swait.ge [sflag:s16], $0x5000  }
0x7b: {  	[sflag:s16] =	ssyncset.done $0x0  }
0x7c: {  	[sflag:s16] =	ssyncadd.s32 $0xFFFFB000  }
0x7d: {  	_ =	strace $0x90000074  }
0x7e: {  	[bflag:$0x0] =	sbarrier.arrive $0xFFFF  }
0x7f: {  	s30 =	sld [smem:$0x7FD];
	_ =	sdelay $0x2  }
0x80: {  	s0 =	rddreg [dreg:$0x8];
	p1 =	seq.s32 s30, $0x1  }
0x81: {  	[hbm:s0], [sflag:s13] =	dma.local @!p1 [spmem:s14], $0x27100  }
0x82: {  	_ =	swait.ge @!p1 [sflag:s19], $0x27100  }
0x83: {  	s18 =	sadd.s32 $0x1, s18;
	s31 =	rddreg [dreg:$0x9]  }
0x84: {  	p0 =	sne.s32 s18, s31  }
.Ltmp3:
0x85: {  	_ = 	snop;
	(pc) =	sbr.rel @p0 .LBB2_1-.Ltmp3, $4  }
.Ltmp4:
0x86: {  	_ = 	snop;
	(pc) =	sbr.rel @!p0 .LBB2_8-.Ltmp4, $4  }
0x87: {  	_ = 	snop  }
0x88: {  	[sflag:s19] =	ssyncset.done @!p1 $0x0  }
0x89: {  	[sflag:s19] =	ssyncadd.s32 @!p1 $0xFFFD8F00  }
0x8a: {  	_ = 	snop  }
.LBB2_2:
.Ltmp5:
0x8b: {  	(pc) =	sbr.rel .LBB2_7-.Ltmp5, $4  }
0x8c: {  	p0 =	por $0x0, $0x0  }
0x8d: {  	s0 =	simm.s32 @!p0 $0x0  }
0x8e: {  	s0 =	simm.s32 @p0 $0x1  }
0x8f: {  	[smem:$0x7FC] =	sst s0  }
.LBB2_4:
.Ltmp6:
0x90: {  	(pc) =	sbr.rel .LBB2_7-.Ltmp6, $3  }
0x91: {  	_ =	sdelay $0x1  }
0x92: {  	s0 =	smov.u32 s22;
	s29 =	smov.u32 s14  }
0x93: {  	s22 =	smov.u32 s26;
	s20 =	simm.s32 $0x1;
	s14 =	rddreg [dreg:$0xa]  }
.LBB2_8:
0x94: {  	_ =	sfence.sel $0x180000  }
0x95: {  	[bflag:$0x0] =	sbarrier.arrive $0xFFFF  }
0x96: {  	_ =	strace $0x9000006E  }
0x97: {  	[bflag:$0x2] =	sbarrier.arrive $0xFFFF  }
0x98: {  	s0 =	rddreg [dreg:$0x2]  }
0x99: {  	s0 =	sadd.s32 @!p1 $0x100000, s0  }
0x9a: {  	[sflag:s0] =	ssyncadd.tile.s32 @!p1 $0x1;
	_ =	shalt  }
.Lfunc_end2:
_tile_overlayer_lowered:
.L_overlay_start_2:
0x9b: {  	(tag) =	ssettag $0x2  }
0x9c: {  	s0 =	rddreg [dreg:$0x0];
	s2 =	stileid.u32  }
0x9d: {  	s1 =	rddreg [dreg:$0x1];
	p0 =	sne.s32 s2, $0x0  }
0x9e: {  	s3 =	rddreg [dreg:$0x2];
	[bflag:$0x3] =	sbarrier.arrive $0xFFFF;
	s2 =	simm.s32 @!p0 $0x1C01  }
0x9f: {  	[timem:s3], [sflag:s2] =	dma.local @!p0 [hbm:s0], s1  }
0xa0: {  	s0 =	simm.s32 @!p0 $0x1  }
0xa1: {  	_ =	swait.ge @!p0 [sflag:s0], s1  }
0xa2: {  	s1 =	ssub.s32 @!p0 $0x0, s1;
	[sflag:s0] =	ssyncset.done @!p0 $0x0  }
0xa3: {  	[sflag:s0] =	ssyncadd.s32 @!p0 s1  }
0xa4: {  	[bflag:$0x3] =	sbarrier.arrive $0xFFFF  }
0xa5: {  	_ =	shalt  }

// kernel: kernel.19.cloned.1.call-start
scs
__scs_entry_jumppad:
0x0: {  	(pc) =	sbr.rel $0x88, $3  }
0x1: {  	(tag) =	ssettag $0x0;
	lr =	simm.s32 $0x1  }
0x2: {  	[smem:$0x3F88] =	sst lr;
	_ =	strace $0xD0000000  }
0x3: {  	_ = 	snop  }
0x4: {  	_ = 	snop  }
0x5: {  	_ = 	snop  }
0x6: {  	_ = 	snop  }
0x7: {  	_ = 	snop  }
__scs_overlays_trampoline_lowered:
0x8: {  	[smem:$0x3F97] =	sst s0  }
0x9: {  	[smem:$0x3F98] =	sst s1  }
0xa: {  	[smem:$0x3F99] =	sst s2  }
0xb: {  	[smem:$0x3F9A] =	sst s3  }
0xc: {  	[smem:$0x3F9B] =	sst s4  }
0xd: {  	[smem:$0x3F9C] =	sst s5  }
0xe: {  	[smem:$0x3F9D] =	sst s6  }
0xf: {  	[smem:$0x3F9E] =	sst s7  }
0x10: {  	[smem:$0x3F9F] =	sst s8  }
0x11: {  	[smem:$0x3FA0] =	sst s9;
	s0 =	simm.s32 @!p0 $0x0  }
0x12: {  	s1 =	sld [smem:$0x3F86];
	s0 =	simm.s32 @p0 $0x1  }
0x13: {  	[smem:$0x3FA1] =	sst s0;
	s0 =	simm.s32 @!p1 $0x0  }
0x14: {  	s2 =	sld [smem:$0x3F85];
	s0 =	simm.s32 @p1 $0x1  }
0x15: {  	[smem:$0x3FA2] =	sst s0;
	s0 =	simm.s32 @!p2 $0x0  }
0x16: {  	s3 =	sld [smem:$0x3FDB];
	s0 =	simm.s32 @p2 $0x1  }
0x17: {  	s4 =	simm.s32 $0x1BF5;
	[smem:$0x3FA4] =	sst s0  }
0x18: {  	s0 =	sld [smem:$0x3F87];
	_ =	swait.ge [sflag:s4], $0x0  }
0x19: {  	s7 =	sld [smem:$0x3F88]  }
0x1a: {  	s8 =	sadd.s32 $0xFFFFE003, lr  }
0x1b: {  	s9 =	sadd.s32 $0xFFFFFEF7, lr;
	s5 =	simm.s32 $0xFFFFFFFF;
	p2 =	slt.u32 s8, $0xFFFFF086  }
0x1c: {  	p1 =	slt.u32 s9, $0xF7A;
	s5 =	simm.s32 @!p2 $0x0  }
0x1d: {  	s5 =	simm.s32 @p1 $0x1;
	p0 =	seq.s32 s7, s2  }
0x1e: {  	s7 =	smul.u32 @!p0 $0xF7A, s2;
	p2 =	seq.s32 @!p0 s5, $0x0  }
0x1f: {  	s9 =	smul.u32 $0xF7A, s1;
	s8 =	simm.s32 @!p0 $0x1BF5;
	p2 =	por !p2, p0  }
0x20: {  	[sflag:s8] =	ssyncset.s32 @!p0 $0xFFFFF086;
	s6 =	sadd.s32 @!p0 s3, s7;
	s7 =	simm.s32 @!p0 $0x108  }
0x21: {  	s3 =	sadd.s32 s3, s9;
	s6 =	sadd.s32 @!p0 $0x88, s6;
	s7 =	simm.s32 @p2 $0x1082  }
0x22: {  	[simem:s7], [sflag:s8] =	dma.local @!p0 [hbm:s6], $0xF7A  }
0x23: {  	s9 =	sor.u32 $0xD0000000, s2;
	s6 =	simm.s32 $0x108;
	_ =	swait.ge @!p0 [sflag:s8], $0x0  }
0x24: {  	s3 =	sadd.s32 $0x88, s3;
	s6 =	simm.s32 @!p1 $0x1082;
	[sflag:s4] =	ssyncset.s32 $0xFFFFF086  }
0x25: {  	[simem:s6], [sflag:s4] =	dma.local [hbm:s3], $0xF7A  }
0x26: {  	[smem:$0x3F88] =	sst s1;
	(tag) =	ssettag s2;
	_ =	strace s9  }
0x27: {  	s1 =	sld [smem:$0x3F98]  }
0x28: {  	s2 =	sld [smem:$0x3F99]  }
0x29: {  	s4 =	sld [smem:$0x3F9B]  }
0x2a: {  	p0 =	seq.s32 s5, $0x0;
	s5 =	sld [smem:$0x3F9C]  }
0x2b: {  	s6 =	sld [smem:$0x3F9D]  }
0x2c: {  	s7 =	sld [smem:$0x3F9E]  }
0x2d: {  	s3 =	simm.s32 $0x108;
	s8 =	sld [smem:$0x3F9F]  }
0x2e: {  	s3 =	simm.s32 @!p0 $0x1082;
	s9 =	sld [smem:$0x3FA0]  }
0x2f: {  	lr =	sadd.s32 s0, s3;
	s0 =	sld [smem:$0x3F97]  }
0x30: {  	s3 =	sld [smem:$0x3F9A]  }
0x31: {  	[smem:$0x3FA3] =	sst s10  }
0x32: {  	s10 =	sld [smem:$0x3FA1];
	_ =	sdelay $0x3  }
0x33: {  	p0 =	seq.s32 s10, $0x1;
	s10 =	sld [smem:$0x3FA3];
	_ =	sdelay $0x3  }
0x34: {  	[smem:$0x3FA3] =	sst s10  }
0x35: {  	s10 =	sld [smem:$0x3FA2];
	_ =	sdelay $0x3  }
0x36: {  	p1 =	seq.s32 s10, $0x1;
	s10 =	sld [smem:$0x3FA3];
	_ =	sdelay $0x3  }
0x37: {  	[smem:$0x3FA3] =	sst s10  }
0x38: {  	s10 =	sld [smem:$0x3FA4]  }
0x39: {  	_ = 	snop;
	(pc) =	sbr.ind lr, $3  }
0x3a: {  	_ = 	snop  }
0x3b: {  	_ = 	snop  }
0x3c: {  	p2 =	seq.s32 s10, $0x1;
	s10 =	sld [smem:$0x3FA3]  }
0x3d: {  	_ =	shalt  }
0x3e: {  	_ =	shalt  }
0x3f: {  	_ =	shalt  }
0x40: {  	_ =	shalt  }
0x41: {  	_ =	shalt  }
0x42: {  	_ =	shalt  }
0x43: {  	_ =	shalt  }
0x44: {  	_ =	shalt  }
0x45: {  	_ =	shalt  }
0x46: {  	_ =	shalt  }
0x47: {  	_ =	shalt  }
0x48: {  	_ =	shalt  }
0x49: {  	_ =	shalt  }
0x4a: {  	_ =	shalt  }
0x4b: {  	_ =	shalt  }
0x4c: {  	_ =	shalt  }
0x4d: {  	_ =	shalt  }
0x4e: {  	_ =	shalt  }
0x4f: {  	_ =	shalt  }
0x50: {  	_ =	shalt  }
0x51: {  	_ =	shalt  }
0x52: {  	_ =	shalt  }
0x53: {  	_ =	shalt  }
0x54: {  	_ =	shalt  }
0x55: {  	_ =	shalt  }
0x56: {  	_ =	shalt  }
0x57: {  	_ =	shalt  }
0x58: {  	_ =	shalt  }
0x59: {  	_ =	shalt  }
0x5a: {  	_ =	shalt  }
0x5b: {  	_ =	shalt  }
0x5c: {  	_ =	shalt  }
0x5d: {  	_ =	shalt  }
0x5e: {  	_ =	shalt  }
0x5f: {  	_ =	shalt  }
0x60: {  	_ =	shalt  }
0x61: {  	_ =	shalt  }
0x62: {  	_ =	shalt  }
0x63: {  	_ =	shalt  }
0x64: {  	_ =	shalt  }
0x65: {  	_ =	shalt  }
0x66: {  	_ =	shalt  }
0x67: {  	_ =	shalt  }
0x68: {  	_ =	shalt  }
0x69: {  	_ =	shalt  }
0x6a: {  	_ =	shalt  }
0x6b: {  	_ =	shalt  }
0x6c: {  	_ =	shalt  }
0x6d: {  	_ =	shalt  }
0x6e: {  	_ =	shalt  }
0x6f: {  	_ =	shalt  }
0x70: {  	_ =	shalt  }
0x71: {  	_ =	shalt  }
0x72: {  	_ =	shalt  }
0x73: {  	_ =	shalt  }
0x74: {  	_ =	shalt  }
0x75: {  	_ =	shalt  }
0x76: {  	_ =	shalt  }
0x77: {  	_ =	shalt  }
0x78: {  	_ =	shalt  }
0x79: {  	_ =	shalt  }
0x7a: {  	_ =	shalt  }
0x7b: {  	_ =	shalt  }
0x7c: {  	_ =	shalt  }
0x7d: {  	_ =	shalt  }
0x7e: {  	_ =	shalt  }
0x7f: {  	_ =	shalt  }
0x80: {  	_ =	shalt  }
0x81: {  	_ =	shalt  }
0x82: {  	_ =	shalt  }
0x83: {  	_ =	shalt  }
0x84: {  	_ =	shalt  }
0x85: {  	_ =	shalt  }
0x86: {  	_ =	shalt  }
0x87: {  	_ =	shalt  }
.Lfunc_end0:
.L_simem_size_0:
called_computation.3_lowered:
.L_overlay_start_0:
0x88: {  	s2 =	sld [smem:$0x3FD9]  }
0x89: {  	s3 =	sld [smem:$0x3FFE];
	_ =	sdelay $0x1  }
0x8a: {  	s1 =	srdreg.scid  }
0x8b: {  	s0 =	sand.u32 $0x1, s1  }
0x8c: {  	s17 =	sshll.u32 s0, $0xA;
	s2 =	sadd.s32 s3, s2  }
0x8d: {  	s2 =	sadd.s32 s2, s17  }
0x8e: {  	[smem:$0x3FAF] =	sst s2  }
0x8f: {  	_ = 	snop  }
0x90: {  	(tm) =	ssettm $0x1  }
0x91: {  	s18 =	sld [smem:$0x3FFB];
	_ =	sdelay $0x3  }
0x92: {  	_ =	strace s18  }
0x93: {  	s2 =	sld [smem:$0x3FFC];
	_ =	sdelay $0x3  }
0x94: {  	_ =	strace s2  }
0x95: {  	s2 =	sld [smem:$0x3FFD];
	_ =	sdelay $0x3  }
0x96: {  	_ =	strace s2  }
0x97: {  	_ =	strace $0x8FFFFFFF  }
0x98: {  	s19 =	sld [smem:$0x3FDB];
	_ =	sdelay $0x1  }
0x99: {  	s20 =	simm.s32 $_scs_section_size  }
0x9a: {  	s4 =	simm.s32 $_size__tile_overlayer_lowered;
	s5 =	simm.s32 $_tile_overlayer_lowered  }
0x9b: {  	s6 =	simm.s32 $0x1BFF;
	s21 =	sshll.u32 s5, $0x1;
	s3 =	sadd.s32 s20, s19  }
0x9c: {  	s22 =	simm.s32 $0x0;
	s4 =	sshll.u32 s4, $0x1;
	s5 =	sadd.s32 s21, s3  }
0x9d: {  	[timem:s22], [sflag:s6] =	dma.local [hbm:s5], s4  }
0x9e: {  	_ =	swait.ge [sflag:s6], s4  }
0x9f: {  	s4 =	ssub.s32 $0x0, s4;
	[sflag:s6] =	ssyncset.done $0x0  }
0xa0: {  	[sflag:s6] =	ssyncadd.s32 s4;
	_ =	sdelay $0x1  }
0xa1: {  	s23 =	simm.s32 $0x1B8B  }
0xa2: {  	_ =	swait.ge [sflag:s23], $0x1  }
0xa3: {  	[sflag:s23] =	ssyncset.done $0x0  }
0xa4: {  	[sflag:s23] =	ssyncadd.s32 $0xFFFFFFFF  }
0xa5: {  	s4 =	sld [smem:$0x0]  }
0xa6: {  	s5 =	sand.u32 $0xFFFFFFFE, s1  }
0xa7: {  	p0 =	sne.s32 s1, s5  }
0xa8: {  	s5 =	sshll.u32 @p0 s5, $0xE  }
0xa9: {  	s5 =	sadd.s32 @p0 $0x11B8D, s5;
	s6 =	sshll.u32 @p0 s4, $0x11  }
0xaa: {  	s5 =	sor.u32 @p0 s6, s5  }
0xab: {  	[sflag:s5] =	ssyncadd.remote.s32 @p0 $0x1;
	_ =	sdelay $0x1  }
0xac: {  	s5 =	simm.s32 @p0 $0x1B8D  }
0xad: {  	_ =	swait.eq @p0 [sflag:s5], $0x1  }
0xae: {  	[sflag:s5] =	ssyncadd.s32 @p0 $0xFFFFFFFF  }
0xaf: {  	s6 =	sshll.u32 @!p0 s1, $0xE  }
0xb0: {  	s6 =	sor.u32 @!p0 $0x4000, s6;
	s5 =	simm.s32 @!p0 $0x1B8D  }
0xb1: {  	s4 =	sshll.u32 @!p0 s4, $0x11;
	s6 =	sadd.s32 @!p0 $0x11B8D, s6;
	_ =	swait.eq @!p0 [sflag:s5], $0x1  }
0xb2: {  	s4 =	sor.u32 @!p0 s4, s6;
	[sflag:s5] =	ssyncadd.s32 @!p0 $0xFFFFFFFF  }
0xb3: {  	s25 =	simm.s32 $0x1B8E;
	s24 =	sld [smem:$0x3FFE];
	[sflag:s4] =	ssyncadd.remote.s32 @!p0 $0x1  }
0xb4: {  	s26 =	simm.s32 $execute0_lowered;
	[smem:$0x3FD2] =	sst s25  }
0xb5: {  	s5 =	sshll.u32 s26, $0x1;
	_ =	strace $0x80000064;
	[dreg:$0x1] =	wrdreg $0xFFFFFFFF  }
0xb6: {  	s28 =	simm.s32 $_size_execute0_lowered;
	s3 =	sadd.s32 s3, s5;
	[dreg:$0x0] =	wrdreg $0x0  }
0xb7: {  	s5 =	sshll.u32 s28, $0x1;
	[dreg:$0x2] =	wrdreg s3  }
0xb8: {  	[dreg:$0x3] =	wrdreg s5  }
0xb9: {  	[dreg:$0x4] =	wrdreg $0xC0  }
0xba: {  	_ =	task [dreg:s22], $0x5FFFF  }
0xbb: {  	[dreg:$0x1] =	wrdreg $0xFFFFFFFF  }
0xbc: {  	[dreg:$0x0] =	wrdreg $0x60  }
0xbd: {  	[dreg:$0x2] =	wrdreg s24  }
0xbe: {  	[dreg:$0x3] =	wrdreg $0x0  }
0xbf: {  	[dreg:$0x4] =	wrdreg $0xA  }
0xc0: {  	_ =	task.clear_ibuf [dreg:s22], $0x5FFFF;
	_ =	strace $0x90000064  }
0xc1: {  	s29 =	simm.s32 $0xA;
	_ =	strace $0x8000006C  }
0xc2: {  	_ =	swait.ge [sflag:s29], $0x1  }
0xc3: {  	[sflag:s29] =	ssyncadd.s32 $0xFFFFFFFF  }
0xc4: {  	_ =	strace $0x9000006C  }
0xc5: {  	_ =	sfence  }
0xc6: {  	s30 =	sld [smem:$0x0];
	_ =	sdelay $0x2  }
0xc7: {  	s31 =	sshll.u32 s1, $0xD;
	s1 =	sshrl.u32 s1, $0x2  }
0xc8: {  	s4 =	sand.u32 $0x4000, s31;
	s1 =	sadd.s32 s1, s30  }
0xc9: {  	s0 =	sor.u32 s4, s0;
	s1 =	sshll.u32 s1, $0x11  }
0xca: {  	s0 =	sor.u32 s1, s0  }
0xcb: {  	s0 =	sadd.s32 $0x8F2B, s0  }
0xcc: {  	[sflag:s0] =	ssyncadd.remote.s32 $0x1  }
0xcd: {  	_ =	sfence.sel $0xFFFF  }
0xce: {  	[dreg:$0x0] =	wrdreg $0xFFFFFFFF;
	(pc) =	sbr.abs _section_cstart, $3  }
0xcf: {  	[dreg:$0x1] =	wrdreg $0xFFFFFFFF  }
0xd0: {  	_ =	task.clear_ibuf [dreg:s22], $0x2FFFF;
	_ =	strace $0x9FFFFFFF  }
0xd1: {  	(tm) =	ssettm $0x7FFFFFFF  }
tec
execute0_lowered:
.L_overlay_start_1:
0x0: {  	(tag) =	ssettag $0x1  }
0x1: {  	s0 =	rddreg [dreg:$0x0]  }
0x2: {  	s1 =	rddreg [dreg:$0x1]  }
0x3: {  	s2 =	srdreg.scid;
	s22 =	simm.s32 $0x0;
	s8 =	stileid.u32  }
0x4: {  	s30 =	simm.s32 $0x18A80;
	s31 =	simm.s32 $0xA0;
	s16 =	simm.s32 $0x5  }
0x5: {  	s6 =	sand.u32 $0x1, s2;
	[smem:$0x7FF] =	sst s22;
	s23 =	sadd.s32 $0x25400, s0  }
0x6: {  	p1 =	sne.s32 s8, $0x0;
	s3 =	sshll.u32 s6, $0x4;
	_ =	strace $0x80000065  }
0x7: {  	s9 =	smul.u32 $0x27100, s6;
	p0 =	seq.s32 s6, $0x0;
	[dreg:$0x5] =	wrdreg s23  }
0x8: {  	s24 =	ssub.s32 $0x2, s6;
	s14 =	sshrl.u32 @!p1 s1, $0x3;
	[dreg:$0x3] =	wrdreg s30  }
0x9: {  	[dreg:$0x4] =	wrdreg s31;
	s4 =	sor.u32 s8, s3;
	s10 =	sshrl.u32 s24, $0x1  }
0xa: {  	s3 =	sadd.s32 $0xF38C00, s0;
	s5 =	smul.u32 $0x3E, s4;
	s12 =	ssub.s32 s24, s10  }
0xb: {  	[dreg:$0xa] =	wrdreg s14;
	s7 =	smul.u32 $0x3F, s4;
	s29 =	smax.u32 s12, $0x1  }
0xc: {  	s4 =	sadd.s32 $0x10, s5;
	s5 =	sadd.s32 $0x5800, s0;
	s0 =	sadd.s32 s9, s0  }
0xd: {  	[dreg:$0x9] =	wrdreg s29;
	s4 =	smov.u32 @p0 s7;
	s0 =	sadd.s32 $0x73800, s0  }
0xe: {  	s25 =	sshll.u32 s4, $0x5;
	[dreg:$0x8] =	wrdreg s0;
	s0 =	simm.s32 @!p1 $0x0  }
0xf: {  	s11 =	smul.u32 $0xA00, s4;
	s9 =	sand.u32 $0x1FFFFFE0, s25;
	s0 =	simm.s32 @p1 $0x1  }
0x10: {  	s20 =	simm.s32 $0x1;
	s26 =	sadd.s32 s5, s9;
	[smem:$0x7FD] =	sst s0  }
0x11: {  	s18 =	simm.s32 $0x0;
	s28 =	sadd.s32 s3, s11;
	[dreg:$0x6] =	wrdreg s26  }
0x12: {  	s10 =	ssub.s32 $0x3E, s6;
	s7 =	sxor.u32 $0x3F, s6;
	[dreg:$0x7] =	wrdreg s28  }
.LBB2_1:
0x13: {  	s13 =	simm.s32 @!p1 $0x1C01;
	s0 =	rddreg [dreg:$0x5];
	s19 =	simm.s32 @!p1 $0x1  }
0x14: {  	s25 =	simm.s32 $0x0;
	s6 =	simm.s32 $0x13880;
	s28 =	simm.s32 $0x13A80  }
0x15: {  	p0 =	seq.s32 s7, $0x1;
	s31 =	simm.s32 $0x0;
	p3 =	sle.u32 s10, $0x0  }
0x16: {  	[spmem:s14], [sflag:s13] =	dma.local @!p1 [hbm:s0], $0x27100  }
0x17: {  	p5 =	sne.s32 s7, $0x1;
	s0 =	simm.s32 $0x1;
	_ =	swait.ge @!p1 [sflag:s19], $0x27100  }
0x18: {  	s21 =	sand.u32 $0x1, s25;
	s0 =	simm.s32 @p0 $0x0;
	[sflag:s19] =	ssyncset.done @!p1 $0x0  }
0x19: {  	s29 =	sand.u32 $0x1, s25;
	p4 =	seq.s32 @!p3 s0, $0x0;
	[sflag:s19] =	ssyncadd.s32 @!p1 $0xFFFD8F00  }
0x1a: {  	p0 =	seq.s32 s10, $0x0;
	p2 =	por p4, p3;
	[bflag:$0x0] =	sbarrier.arrive $0xFFFF  }
0x1b: {  	p1 =	sne.s32 s0, $0x0;
	p4 =	por !p4, p3;
	_ =	strace $0x80000066  }
.Ltmp0:
0x1c: {  	s11 =	sadd.s32 @!p2 s4, s0;
	s2 =	rddreg [dreg:$0x6];
	(pc) =	sbr.rel @!p5 .LBB2_2-.Ltmp0, $4  }
0x1d: {  	[tilespmem:s6], [sflag:$0x1] =	stream.linear.gather [hbm4b:s2+s25], $0x100, $0x200038;
	[tilespmem:$0x1DA80] =	vst v63  }
0x1e: {  	s9 =	sand.u32 @!p2 $0x1, s20;
	s26 =	rddreg [dreg:$0x7];
	s6 =	sand.u32 $0x100, s31  }
0x1f: {  	[tilespmem:s28], [sflag:$0x3] =	stream.linear.gather [hbm4b:s26+s25], $0x5000, $0x200038;
	[tilespmem:$0x1DA80] =	vst v63  }
0x20: {  	s30 =	sand.u32 @!p2 $0x1, s20;
	s22 =	sor.u32 $0x13880, s6;
	_ =	strace $0x90000066  }
0x21: {  	s6 =	sshll.u32 @!p2 s9, $0x8;
	s8 =	sshll.u32 @!p2 s11, $0x5  }
0x22: {  	s11 =	smul.u32 @!p2 $0x5000, s11;
	s9 =	sadd.s32 @!p2 $0x1, s9;
	_ =	strace @!p2 $0x80000067  }
0x23: {  	s17 =	simm.s32 @!p2 $0x0;
	s23 =	smul.u32 @!p2 $0x14000, s30;
	s8 =	sand.u32 @!p2 $0x1FFFFFE0, s8  }
0x24: {  	s6 =	sor.u32 @!p2 $0x13880, s6;
	s14 =	sadd.s32 @!p2 s5, s8;
	s11 =	sshrl.u32 @!p2 s11, $0x3  }
0x25: {  	[tilespmem:s6], [sflag:s9] =	stream.linear.gather @!p2 [hbm4b:s14+s17], $0x100, $0x200038;
	[tilespmem:$0x1DA80] =	vst v63  }
0x26: {  	s6 =	sadd.s32 @!p2 s3, s11;
	s9 =	sshrl.u32 @!p2 s23, $0x2;
	_ =	strace @!p2 $0x90000067  }
0x27: {  	s11 =	sadd.s32 @!p2 $0x3, s30;
	s9 =	sadd.s32 @!p2 $0x13A80, s9;
	_ =	strace @!p2 $0x80000068  }
0x28: {  	[tilespmem:s9], [sflag:s11] =	stream.linear.gather @!p2 [hbm4b:s6+s17], $0x5000, $0x200038;
	[tilespmem:$0x1DA80] =	vst v63  }
0x29: {  	s12 =	simm.s32 @!p2 $0x2;
	_ =	strace @!p2 $0x90000068  }
0x2a: {  	p0 =	por p0, p1;
	s14 =	sadd.s32 $0x1, s21;
	_ =	strace $0x80000069  }
0x2b: {  	s8 =	simm.s32 $0x1;
	s9 =	simm.s32 $0x1;
	_ =	swait.ge [sflag:s14], $0x100  }
0x2c: {  	s9 =	simm.s32 @!p0 $0x0;
	p0 =	sne.s32 s7, $0x2;
	[sflag:s14] =	ssyncset.done $0x0  }
0x2d: {  	s8 =	smov.u32 @p4 s12;
	s2 =	simm.s32 @!p0 $0x0;
	[sflag:s14] =	ssyncadd.s32 $0xFFFFFF00  }
0x2e: {  	s8 =	smov.u32 @p3 s20;
	s2 =	simm.s32 @p0 $0x1;
	_ =	strace $0x90000069  }
0x2f: {  	s20 =	sadd.s32 $0x3, s29;
	_ =	strace $0x8000006A;
	[smem:$0x7FB] =	sst s2  }
0x30: {  	_ =	swait.ge [sflag:s20], $0x5000  }
0x31: {  	s15 =	simm.s32 $0x0;
	[sflag:s20] =	ssyncset.done $0x0  }
0x32: {  	s25 =	simm.s32 $0x2;
	s28 =	sadd.s32 $0x1, s0;
	[sflag:s20] =	ssyncadd.s32 $0xFFFFB000  }
0x33: {  	p5 =	sle.u32 s10, $0x1;
	p6 =	seq.s32 s29, $0x1;
	_ =	strace $0x9000006A  }
0x34: {  	p1 =	por $0x1, $0x1;
	s15 =	simm.s32 @p4 $0x1;
	_ =	strace $0x8000006B  }
0x35: {  	s15 =	simm.s32 @p3 $0x0;
	p0 =	seq.s32 s28, s7;
	s31 =	sld [smem:$0x7FB]  }
0x36: {  	s24 =	sadd.s32 $0x1, s15;
	p3 =	seq.s32 s10, $0x1;
	s28 =	simm.s32 @p0 $0x0  }
0x37: {  	p0 =	seq.s32 @!p5 s0, s28;
	p4 =	sne.s32 s0, s28;
	s0 =	simm.s32 @!p1 $0x0  }
0x38: {  	s23 =	sadd.s32 $0x0, s9;
	s0 =	simm.s32 @p1 $0x1;
	p1 =	seq.s32 s31, $0x1  }
.Ltmp1:
0x39: {  	s21 =	sand.u32 $0x1, s23;
	s17 =	sshll.u32 s23, $0x8;
	(pc) =	sbr.rel @!p1 .LBB2_4-.Ltmp1, $4  }
0x3a: {  	s29 =	smov.u32 s23;
	s6 =	sand.u32 $0x100, s17;
	s14 =	sand.u32 $0x1, s23  }
0x3b: {  	s26 =	sor.u32 $0x13880, s6;
	p2 =	por p0, p5;
	[smem:$0x7FC] =	sst s0  }
0x3c: {  	p0 =	por !p0, p5;
	s11 =	sadd.s32 @!p2 s4, s28;
	s12 =	rddreg [dreg:$0x3]  }
0x3d: {  	s9 =	sand.u32 @!p2 $0x1, s8;
	s30 =	sand.u32 @!p2 $0x1, s24;
	s17 =	rddreg [dreg:$0x4]  }
.LBB2_5:
0x3e: {  	s31 =	sshll.u32 @!p2 s9, $0x8;
	s20 =	sshll.u32 @!p2 s11, $0x5;
	s12 =	simm.s32 @!p6 $0x13A80  }
0x3f: {  	s6 =	smov.u32 s14;
	s15 =	smov.u32 s25;
	s0 =	smov.u32 s28  }
0x40: {  	s2 =	sadd.s32 @!p2 $0x1, s8;
	s9 =	sadd.s32 @!p2 $0x1, s9;
	s11 =	smul.u32 @!p2 $0x5000, s11  }
0x41: {  	s25 =	sadd.s32 $0x1, s25;
	s28 =	sadd.s32 $0x1, s28;
	s14 =	sor.u32 @!p2 $0x13880, s31  }
0x42: {  	[spmem:s1] =	stream.indirect.scatter.add.f32 [tilespmem:s12], [sflag:$0x5], $0x80, s22, s17, $0x2000b8;
	[tilespmem:$0x1DA80] =	vst v63  }
0x43: {  	s20 =	sand.u32 @!p2 $0x1FFFFFE0, s20;
	s17 =	simm.s32 $0x0;
	s31 =	smov.u32 s8  }
0x44: {  	p1 =	sne.s32 s7, s25;
	s22 =	smov.u32 s26;
	_ =	swait.ge [sflag:s16], $0x5000  }
0x45: {  	p6 =	seq.s32 s6, $0x1;
	s12 =	sadd.s32 @!p2 s5, s20;
	[sflag:s16] =	ssyncset.done $0x0  }
0x46: {  	s17 =	simm.s32 @p0 $0x1;
	s11 =	sshrl.u32 @!p2 s11, $0x3;
	[sflag:s16] =	ssyncadd.s32 $0xFFFFB000  }
0x47: {  	s31 =	smov.u32 @p0 s2;
	s20 =	smul.u32 @!p2 $0x14000, s30;
	_ =	strace $0x9000006B  }
0x48: {  	s2 =	sadd.s32 @!p2 s3, s11;
	s11 =	simm.s32 @!p2 $0x0;
	_ =	strace @!p2 $0x80000067  }
0x49: {  	[tilespmem:s14], [sflag:s9] =	stream.linear.gather @!p2 [hbm4b:s12+s11], $0x100, $0x200038;
	[tilespmem:$0x1DA80] =	vst v63  }
0x4a: {  	s31 =	smov.u32 @p5 s8;
	s9 =	sshrl.u32 @!p2 s20, $0x2;
	_ =	strace @!p2 $0x90000067  }
0x4b: {  	s8 =	sadd.s32 @!p2 $0x13A80, s9;
	s9 =	sadd.s32 @!p2 $0x3, s30;
	_ =	strace @!p2 $0x80000068  }
0x4c: {  	[tilespmem:s8], [sflag:s9] =	stream.linear.gather @!p2 [hbm4b:s2+s11], $0x5000, $0x200038;
	[tilespmem:$0x1DA80] =	vst v63  }
0x4d: {  	p0 =	por p3, p4;
	p3 =	seq.s32 s10, s15;
	_ =	strace @!p2 $0x90000068  }
0x4e: {  	s17 =	simm.s32 @p5 $0x0;
	s11 =	sadd.s32 $0x1, s21;
	_ =	strace $0x80000069  }
0x4f: {  	p5 =	sge.u32 s15, s10;
	s24 =	sadd.s32 s24, s17;
	_ =	swait.ge [sflag:s11], $0x100  }
0x50: {  	s20 =	sadd.s32 $0x3, s6;
	s8 =	simm.s32 $0x1;
	[sflag:s11] =	ssyncset.done $0x0  }
0x51: {  	s8 =	simm.s32 @!p0 $0x0;
	p0 =	seq.s32 s28, s7;
	[sflag:s11] =	ssyncadd.s32 $0xFFFFFF00  }
0x52: {  	s23 =	sadd.s32 s8, s23;
	s29 =	sadd.s32 s8, s29;
	_ =	strace $0x90000069  }
0x53: {  	s28 =	simm.s32 @p0 $0x0;
	s8 =	smov.u32 s31;
	_ =	strace $0x8000006A  }
0x54: {  	s21 =	sand.u32 $0x1, s23;
	s14 =	sand.u32 $0x1, s29;
	_ =	swait.ge [sflag:s20], $0x5000  }
0x55: {  	s12 =	sshll.u32 s23, $0x8;
	p0 =	seq.s32 @!p5 s0, s28;
	[sflag:s20] =	ssyncset.done $0x0  }
.Ltmp2:
0x56: {  	p4 =	sne.s32 s0, s28;
	[sflag:s20] =	ssyncadd.s32 $0xFFFFB000;
	(pc) =	sbr.rel @p1 .LBB2_5-.Ltmp2, $4  }
0x57: {  	s17 =	sand.u32 $0x100, s12;
	p2 =	por p0, p5;
	_ =	strace $0x9000006A  }
0x58: {  	p0 =	por !p0, p5;
	s2 =	sor.u32 $0x13880, s17;
	_ =	strace $0x8000006B  }
0x59: {  	s11 =	sadd.s32 @!p2 s4, s28;
	s9 =	sand.u32 @!p2 $0x1, s31;
	s12 =	rddreg [dreg:$0x3]  }
0x5a: {  	s30 =	sand.u32 @!p2 $0x1, s24;
	s26 =	smov.u32 s2;
	s17 =	rddreg [dreg:$0x4]  }
0x5b: {  	s0 =	smov.u32 s22;
	s29 =	smov.u32 s14  }
0x5c: {  	s22 =	smov.u32 s26;
	s20 =	simm.s32 $0x1;
	s14 =	rddreg [dreg:$0xa]  }
.LBB2_7:
0x5d: {  	s2 =	sld [smem:$0x7FC];
	_ =	sdelay $0x2  }
0x5e: {  	p1 =	seq.s32 s2, $0x1  }
0x5f: {  	p0 =	por !p6, !p1  }
0x60: {  	s6 =	smul.u32 @!p2 $0x5000, s11;
	s12 =	simm.s32 @p0 $0x13A80  }
0x61: {  	[spmem:s1] =	stream.indirect.scatter.add.f32 @p1 [tilespmem:s12], [sflag:$0x5], $0x80, s0, s17, $0x2000b8;
	[tilespmem:$0x1DA80] =	vst v63  }
0x62: {  	s8 =	sadd.s32 @!p2 $0x1, s9;
	_ =	swait.ge @p1 [sflag:s16], $0x5000  }
0x63: {  	s6 =	sshrl.u32 @!p2 s6, $0x3;
	s2 =	sshll.u32 @!p2 s11, $0x5;
	[sflag:s16] =	ssyncset.done @p1 $0x0  }
0x64: {  	s11 =	smul.u32 @!p2 $0x14000, s30;
	s2 =	sand.u32 @!p2 $0x1FFFFFE0, s2;
	[sflag:s16] =	ssyncadd.s32 @p1 $0xFFFFB000  }
0x65: {  	s2 =	sadd.s32 @!p2 s5, s2;
	s0 =	sshll.u32 @!p2 s9, $0x8;
	_ =	strace @p1 $0x9000006B  }
0x66: {  	s9 =	simm.s32 @!p2 $0x0;
	s0 =	sor.u32 @!p2 $0x13880, s0;
	_ =	strace @!p2 $0x80000067  }
0x67: {  	[tilespmem:s0], [sflag:s8] =	stream.linear.gather @!p2 [hbm4b:s2+s9], $0x100, $0x200038;
	[tilespmem:$0x1DA80] =	vst v63  }
0x68: {  	s0 =	sadd.s32 @!p2 s3, s6;
	s2 =	sshrl.u32 @!p2 s11, $0x2;
	_ =	strace @!p2 $0x90000067  }
0x69: {  	s6 =	sadd.s32 @!p2 $0x3, s30;
	s2 =	sadd.s32 @!p2 $0x13A80, s2;
	_ =	strace @!p2 $0x80000068  }
0x6a: {  	[tilespmem:s2], [sflag:s6] =	stream.linear.gather @!p2 [hbm4b:s0+s9], $0x5000, $0x200038;
	[tilespmem:$0x1DA80] =	vst v63  }
0x6b: {  	_ =	strace @!p2 $0x90000068  }
0x6c: {  	s25 =	sadd.s32 $0x1, s21;
	_ =	strace $0x80000069  }
0x6d: {  	_ =	swait.ge [sflag:s25], $0x100  }
0x6e: {  	[sflag:s25] =	ssyncset.done $0x0  }
0x6f: {  	[sflag:s25] =	ssyncadd.s32 $0xFFFFFF00  }
0x70: {  	_ =	strace $0x90000069  }
0x71: {  	s26 =	sadd.s32 $0x3, s29;
	_ =	strace $0x8000006A  }
0x72: {  	_ =	swait.ge [sflag:s26], $0x5000  }
0x73: {  	[sflag:s26] =	ssyncset.done $0x0  }
0x74: {  	[sflag:s26] =	ssyncadd.s32 $0xFFFFB000  }
0x75: {  	_ =	strace $0x9000006A  }
0x76: {  	_ =	strace $0x8000006B  }
0x77: {  	p0 =	seq.s32 s29, $0x1;
	s0 =	rddreg [dreg:$0x3]  }
0x78: {  	s28 =	rddreg [dreg:$0x4];
	s0 =	simm.s32 @!p0 $0x13A80  }
0x79: {  	[spmem:s1] =	stream.indirect.scatter.add.f32 [tilespmem:s0], [sflag:$0x5], $0x80, s22, s28, $0x2000b8;
	[tilespmem:$0x1DA80] =	vst v63  }
0x7a: {  	_ =	swait.ge [sflag:s16], $0x5000  }
0x7b: {  	[sflag:s16] =	ssyncset.done $0x0  }
0x7c: {  	[sflag:s16] =	ssyncadd.s32 $0xFFFFB000  }
0x7d: {  	_ =	strace $0x9000006B  }
0x7e: {  	[bflag:$0x0] =	sbarrier.arrive $0xFFFF  }
0x7f: {  	s30 =	sld [smem:$0x7FD];
	_ =	sdelay $0x2  }
0x80: {  	s0 =	rddreg [dreg:$0x8];
	p1 =	seq.s32 s30, $0x1  }
0x81: {  	[hbm:s0], [sflag:s13] =	dma.local @!p1 [spmem:s14], $0x27100  }
0x82: {  	_ =	swait.ge @!p1 [sflag:s19], $0x27100  }
0x83: {  	s18 =	sadd.s32 $0x1, s18;
	s31 =	rddreg [dreg:$0x9]  }
0x84: {  	p0 =	sne.s32 s18, s31  }
.Ltmp3:
0x85: {  	_ = 	snop;
	(pc) =	sbr.rel @p0 .LBB2_1-.Ltmp3, $4  }
.Ltmp4:
0x86: {  	_ = 	snop;
	(pc) =	sbr.rel @!p0 .LBB2_8-.Ltmp4, $4  }
0x87: {  	_ = 	snop  }
0x88: {  	[sflag:s19] =	ssyncset.done @!p1 $0x0  }
0x89: {  	[sflag:s19] =	ssyncadd.s32 @!p1 $0xFFFD8F00  }
0x8a: {  	_ = 	snop  }
.LBB2_2:
.Ltmp5:
0x8b: {  	(pc) =	sbr.rel .LBB2_7-.Ltmp5, $4  }
0x8c: {  	p0 =	por $0x0, $0x0  }
0x8d: {  	s0 =	simm.s32 @!p0 $0x0  }
0x8e: {  	s0 =	simm.s32 @p0 $0x1  }
0x8f: {  	[smem:$0x7FC] =	sst s0  }
.LBB2_4:
.Ltmp6:
0x90: {  	(pc) =	sbr.rel .LBB2_7-.Ltmp6, $3  }
0x91: {  	_ =	sdelay $0x1  }
0x92: {  	s0 =	smov.u32 s22;
	s29 =	smov.u32 s14  }
0x93: {  	s22 =	smov.u32 s26;
	s20 =	simm.s32 $0x1;
	s14 =	rddreg [dreg:$0xa]  }
.LBB2_8:
0x94: {  	_ =	sfence.sel $0x180000  }
0x95: {  	[bflag:$0x0] =	sbarrier.arrive $0xFFFF  }
0x96: {  	_ =	strace $0x90000065  }
0x97: {  	[bflag:$0x2] =	sbarrier.arrive $0xFFFF  }
0x98: {  	s0 =	rddreg [dreg:$0x2]  }
0x99: {  	s0 =	sadd.s32 @!p1 $0x100000, s0  }
0x9a: {  	[sflag:s0] =	ssyncadd.tile.s32 @!p1 $0x1;
	_ =	shalt  }
.Lfunc_end2:
_tile_overlayer_lowered:
.L_overlay_start_2:
0x9b: {  	(tag) =	ssettag $0x2  }
0x9c: {  	s0 =	rddreg [dreg:$0x0];
	s2 =	stileid.u32  }
0x9d: {  	s1 =	rddreg [dreg:$0x1];
	p0 =	sne.s32 s2, $0x0  }
0x9e: {  	s3 =	rddreg [dreg:$0x2];
	[bflag:$0x3] =	sbarrier.arrive $0xFFFF;
	s2 =	simm.s32 @!p0 $0x1C01  }
0x9f: {  	[timem:s3], [sflag:s2] =	dma.local @!p0 [hbm:s0], s1  }
0xa0: {  	s0 =	simm.s32 @!p0 $0x1  }
0xa1: {  	_ =	swait.ge @!p0 [sflag:s0], s1  }
0xa2: {  	s1 =	ssub.s32 @!p0 $0x0, s1;
	[sflag:s0] =	ssyncset.done @!p0 $0x0  }
0xa3: {  	[sflag:s0] =	ssyncadd.s32 @!p0 s1  }
0xa4: {  	[bflag:$0x3] =	sbarrier.arrive $0xFFFF  }
0xa5: {  	_ =	shalt  }

</sc_bundles>
